<compile_context>
chip_gen: v7x
topology: tpu7x:2x2x1
jax: 0.10.2.dev20260603
libtpu: 0.0.44.dev20260713+nightly
codegen_flags: <defaults>
</compile_context>

<pallas_src>
import functools
import jax
import jax.numpy as jnp
from jax import lax
from jax.experimental import pallas as pl
from jax.experimental.pallas import tpu as pltpu, tpu_sc as plsc

_B, _S, _E = 4, 2048, 1024
_NW = 32
_SEQ_PER_W = _S // _NW
_CH_ROWS = 4
_NCHUNK = _SEQ_PER_W // _CH_ROWS
_NBUF = 3
_VEC = 16
_CHE = _CH_ROWS * _E


def _make_sc_kernel():
    mesh = plsc.VectorSubcoreMesh(core_axis_name="c", subcore_axis_name="s")

    @functools.partial(
        pl.kernel,
        mesh=mesh,
        out_type=jax.ShapeDtypeStruct((_B, _S, _E), jnp.float32),
        scratch_types=[pltpu.VMEM((_B, _CH_ROWS, _E), jnp.float32)] * _NBUF
        + [pltpu.VMEM((_SEQ_PER_W, _E), jnp.float32)]
        + [pltpu.SemaphoreType.DMA] * (2 * _NBUF + 1),
    )
    def k(x_hbm, pos_hbm, out_hbm, *rest):
        xbufs = rest[:_NBUF]
        pbuf = rest[_NBUF]
        sems = rest[_NBUF + 1:]
        lsems, ssems, psem = sems[:_NBUF], sems[_NBUF:2 * _NBUF], sems[-1]
        wid = lax.axis_index("s") * 2 + lax.axis_index("c")
        r0 = wid * _SEQ_PER_W

        pos_load = pltpu.async_copy(
            pos_hbm.at[pl.ds(r0, _SEQ_PER_W), :], pbuf, psem
        )

        def load(ci):
            slot = ci % _NBUF
            r = r0 + ci * _CH_ROWS
            return pltpu.async_copy(
                x_hbm.at[:, pl.ds(r, _CH_ROWS), :], xbufs[slot], lsems[slot]
            )

        loads, stores = {}, {}
        loads[0] = load(0)
        pos_load.wait()

        for ci in range(_NCHUNK):
            slot = ci % _NBUF
            if ci >= 2:
                stores[ci - 2].wait()
            if ci + 1 < _NCHUNK:
                loads[ci + 1] = load(ci + 1)
            loads[ci].wait()
            xb = xbufs[slot]
            prow0 = ci * _CH_ROWS

            @plsc.parallel_loop(0, _CHE, step=_VEC, unroll=4)
            def _(i):
                rr = lax.shift_right_logical(i, 10)
                c = pl.multiple_of(lax.bitwise_and(i, _E - 1), _VEC)
                sl = pl.ds(c, _VEC)
                pv = pbuf[prow0 + rr, sl]
                for b in range(_B):
                    xb[b, rr, sl] = xb[b, rr, sl] + pv

            r = r0 + ci * _CH_ROWS
            stores[ci] = pltpu.async_copy(
                xb, out_hbm.at[:, pl.ds(r, _CH_ROWS), :], ssems[slot]
            )
        for ci in (_NCHUNK - 2, _NCHUNK - 1):
            stores[ci].wait()

    return k


_sc_kernel = _make_sc_kernel()


def kernel(x, pos_table):
    return _sc_kernel(x, pos_table)

# --- scband reference (transcript-rebuilt; emitter-appended) ---
"""Pipeline reference for scband-positional-embedding-8684423872562 (READ-ONLY COPY).

The authoritative reference and input builder live on the scoring server;
editing this copy changes nothing except your own understanding.
"""

import jax, jax.numpy as jnp
import numpy as np

SEQ_LEN = 2048
EMBED_DIM = 1024
BATCH = 4

def setup_inputs(seed: int = 0) -> dict:
    key = jax.random.key(seed)
    k1, k2 = jax.random.split(key)
    x = jax.random.normal(k1, (BATCH, SEQ_LEN, EMBED_DIM), dtype=jnp.float32)
    # learned position embedding table, keras Embedding default init ~ uniform(-0.05, 0.05)
    pos_table = jax.random.uniform(k2, (SEQ_LEN, EMBED_DIM), dtype=jnp.float32, minval=-0.05, maxval=0.05)
    return {"x": x, "pos_table": pos_table}

def reference(x, pos_table):
    positions = jnp.arange(0, SEQ_LEN, 1)
    pos_emb = jnp.take(pos_table, positions, axis=0)  # embedding lookup -> [SEQ_LEN, EMBED_DIM]
    return x + pos_emb  # broadcast over batch

if __name__ == "__main__":
    import jax
    _d = setup_inputs()
    print(jax.jit(kernel)(*tuple(_d.values())))

</pallas_src>

<mosaic_0001>
#map = affine_map<(d0, d1) -> (0, 0, 0)>
#map1 = affine_map<(d0, d1) -> (0, 0)>
module attributes {stable_mosaic.version = 14 : i64} {
  func.func @k(%arg0: i32, %arg1: i32, %arg2: memref<4x2048x1024xf32, #tpu.memory_space<hbm>>, %arg3: memref<2048x1024xf32, #tpu.memory_space<hbm>>, %arg4: memref<4x2048x1024xf32, #tpu.memory_space<hbm>>, %arg5: memref<4x4x1024xf32, #tpu.memory_space<vmem>>, %arg6: memref<4x4x1024xf32, #tpu.memory_space<vmem>>, %arg7: memref<4x4x1024xf32, #tpu.memory_space<vmem>>, %arg8: memref<64x1024xf32, #tpu.memory_space<vmem>>, %arg9: memref<!tpu.dma_semaphore, #tpu.memory_space<semaphore_mem>>, %arg10: memref<!tpu.dma_semaphore, #tpu.memory_space<semaphore_mem>>, %arg11: memref<!tpu.dma_semaphore, #tpu.memory_space<semaphore_mem>>, %arg12: memref<!tpu.dma_semaphore, #tpu.memory_space<semaphore_mem>>, %arg13: memref<!tpu.dma_semaphore, #tpu.memory_space<semaphore_mem>>, %arg14: memref<!tpu.dma_semaphore, #tpu.memory_space<semaphore_mem>>, %arg15: memref<!tpu.dma_semaphore, #tpu.memory_space<semaphore_mem>>) attributes {dimension_semantics = [#tpu.dimension_semantics<core_parallel>, #tpu.dimension_semantics<subcore_parallel>], iteration_bounds = array<i64: 2, 16>, scalar_prefetch = 0 : i64, scratch_operands = 11 : i64, tpu.core_type = #tpu.core_type<sc_vector_subcore>, window_params = [{transform_indices = #map}, {transform_indices = #map1}, {transform_indices = #map}]} {
    %mul3A = arith.constant 2 : i32
    %mul3A_0 = arith.muli %arg1, %mul3A : i32
    %add3A = arith.addi %mul3A_0, %arg0 : i32
    %mul3A_1 = arith.constant 64 : i32
    %mul3A_2 = arith.muli %add3A, %mul3A_1 : i32
    %dma_start3A = arith.constant 0 : i32
    %dma_start3A_3 = tpu.memref_slice %arg3[%mul3A_2, %dma_start3A] : memref<2048x1024xf32, #tpu.memory_space<hbm>> -> memref<64x1024xf32, #tpu.memory_space<hbm>>
    %dma_start3A_4 = arith.constant 0 : i32
    %dma_start3A_5 = tpu.memref_slice %arg3[%mul3A_2, %dma_start3A_4] : memref<2048x1024xf32, #tpu.memory_space<hbm>> -> memref<64x1024xf32, #tpu.memory_space<hbm>>
    tpu.enqueue_dma source(%dma_start3A_5 : memref<64x1024xf32, #tpu.memory_space<hbm>>) target(%arg8 : memref<64x1024xf32, #tpu.memory_space<vmem>>) target_semaphore(%arg15 : memref<!tpu.dma_semaphore, #tpu.memory_space<semaphore_mem>>)
    %add3A_6 = arith.constant 0 : i32
    %add3A_7 = arith.addi %mul3A_2, %add3A_6 : i32
    %dma_start3A_8 = arith.constant 0 : i32
    %dma_start3A_9 = arith.constant 0 : i32
    %dma_start3A_10 = tpu.memref_slice %arg2[%dma_start3A_8, %add3A_7, %dma_start3A_9] : memref<4x2048x1024xf32, #tpu.memory_space<hbm>> -> memref<4x4x1024xf32, #tpu.memory_space<hbm>>
    %dma_start3A_11 = arith.constant 0 : i32
    %dma_start3A_12 = arith.constant 0 : i32
    %dma_start3A_13 = tpu.memref_slice %arg2[%dma_start3A_11, %add3A_7, %dma_start3A_12] : memref<4x2048x1024xf32, #tpu.memory_space<hbm>> -> memref<4x4x1024xf32, #tpu.memory_space<hbm>>
    tpu.enqueue_dma source(%dma_start3A_13 : memref<4x4x1024xf32, #tpu.memory_space<hbm>>) target(%arg5 : memref<4x4x1024xf32, #tpu.memory_space<vmem>>) target_semaphore(%arg9 : memref<!tpu.dma_semaphore, #tpu.memory_space<semaphore_mem>>)
    %dma_wait3A = arith.constant 0 : i32
    %dma_wait3A_14 = tpu.memref_slice %arg3[%mul3A_2, %dma_wait3A] : memref<2048x1024xf32, #tpu.memory_space<hbm>> -> memref<64x1024xf32, #tpu.memory_space<hbm>>
    %dma_wait3A_15 = arith.constant 0 : i32
    %dma_wait3A_16 = tpu.memref_slice %arg3[%mul3A_2, %dma_wait3A_15] : memref<2048x1024xf32, #tpu.memory_space<hbm>> -> memref<64x1024xf32, #tpu.memory_space<hbm>>
    tpu.wait_dma2 semaphore(%arg15 : memref<!tpu.dma_semaphore, #tpu.memory_space<semaphore_mem>>) src(%dma_wait3A_16 : memref<64x1024xf32, #tpu.memory_space<hbm>>) dst(%arg8 : memref<64x1024xf32, #tpu.memory_space<vmem>>)
    %add3A_17 = arith.constant 4 : i32
    %add3A_18 = arith.addi %mul3A_2, %add3A_17 : i32
    %dma_start3A_19 = arith.constant 0 : i32
    %dma_start3A_20 = arith.constant 0 : i32
    %dma_start3A_21 = tpu.memref_slice %arg2[%dma_start3A_19, %add3A_18, %dma_start3A_20] : memref<4x2048x1024xf32, #tpu.memory_space<hbm>> -> memref<4x4x1024xf32, #tpu.memory_space<hbm>>
    %dma_start3A_22 = arith.constant 0 : i32
    %dma_start3A_23 = arith.constant 0 : i32
    %dma_start3A_24 = tpu.memref_slice %arg2[%dma_start3A_22, %add3A_18, %dma_start3A_23] : memref<4x2048x1024xf32, #tpu.memory_space<hbm>> -> memref<4x4x1024xf32, #tpu.memory_space<hbm>>
    tpu.enqueue_dma source(%dma_start3A_24 : memref<4x4x1024xf32, #tpu.memory_space<hbm>>) target(%arg6 : memref<4x4x1024xf32, #tpu.memory_space<vmem>>) target_semaphore(%arg10 : memref<!tpu.dma_semaphore, #tpu.memory_space<semaphore_mem>>)
    %dma_wait3A_25 = arith.constant 0 : i32
    %dma_wait3A_26 = arith.constant 0 : i32
    %dma_wait3A_27 = tpu.memref_slice %arg2[%dma_wait3A_25, %add3A_7, %dma_wait3A_26] : memref<4x2048x1024xf32, #tpu.memory_space<hbm>> -> memref<4x4x1024xf32, #tpu.memory_space<hbm>>
    %dma_wait3A_28 = arith.constant 0 : i32
    %dma_wait3A_29 = arith.constant 0 : i32
    %dma_wait3A_30 = tpu.memref_slice %arg2[%dma_wait3A_28, %add3A_7, %dma_wait3A_29] : memref<4x2048x1024xf32, #tpu.memory_space<hbm>> -> memref<4x4x1024xf32, #tpu.memory_space<hbm>>
    tpu.wait_dma2 semaphore(%arg9 : memref<!tpu.dma_semaphore, #tpu.memory_space<semaphore_mem>>) src(%dma_wait3A_30 : memref<4x4x1024xf32, #tpu.memory_space<hbm>>) dst(%arg5 : memref<4x4x1024xf32, #tpu.memory_space<vmem>>)
    %parallel_loop3A = arith.constant 0 : i32
    %parallel_loop3A_31 = arith.constant 4096 : i32
    %parallel_loop3A_32 = arith.constant 16 : i32
    scf.for %parallel_loop3A_504 = %parallel_loop3A to %parallel_loop3A_31 step %parallel_loop3A_32  : i32 {
      %parallel_loop3A_505 = arith.constant 10 : i32
      %parallel_loop3A_506 = arith.shrui %parallel_loop3A_504, %parallel_loop3A_505 : i32
      %parallel_loop3A_507 = arith.constant 1023 : i32
      %parallel_loop3A_508 = arith.andi %parallel_loop3A_504, %parallel_loop3A_507 : i32
      %parallel_loop3A_509 = tpu.assume_multiple %parallel_loop3A_508, 16 : i32
      %parallel_loop3A_510 = arith.constant 0 : i32
      %parallel_loop3A_511 = arith.addi %parallel_loop3A_510, %parallel_loop3A_506 : i32
      %parallel_loop3A_512 = arith.index_cast %parallel_loop3A_511 : i32 to index
      %parallel_loop3A_513 = arith.index_cast %parallel_loop3A_509 : i32 to index
      %parallel_loop3A_514 = tpu.vector_load %arg8[%parallel_loop3A_512, %parallel_loop3A_513] {strides = array<i32>} : memref<64x1024xf32, #tpu.memory_space<vmem>>, vector<1x16xf32>,
      %parallel_loop3A_515 = vector.shape_cast %parallel_loop3A_514 : vector<1x16xf32> to vector<16xf32>
      %parallel_loop3A_516 = arith.constant 0 : i32
      %parallel_loop3A_517 = arith.index_cast %parallel_loop3A_516 : i32 to index
      %parallel_loop3A_518 = arith.index_cast %parallel_loop3A_506 : i32 to index
      %parallel_loop3A_519 = arith.index_cast %parallel_loop3A_509 : i32 to index
      %parallel_loop3A_520 = tpu.vector_load %arg5[%parallel_loop3A_517, %parallel_loop3A_518, %parallel_loop3A_519] {strides = array<i32>} : memref<4x4x1024xf32, #tpu.memory_space<vmem>>, vector<1x1x16xf32>,
      %parallel_loop3A_521 = vector.shape_cast %parallel_loop3A_520 : vector<1x1x16xf32> to vector<16xf32>
      %parallel_loop3A_522 = arith.addf %parallel_loop3A_521, %parallel_loop3A_515 : vector<16xf32>
      %parallel_loop3A_523 = arith.constant 0 : i32
      %parallel_loop3A_524 = arith.index_cast %parallel_loop3A_523 : i32 to index
      %parallel_loop3A_525 = arith.index_cast %parallel_loop3A_506 : i32 to index
      %parallel_loop3A_526 = arith.index_cast %parallel_loop3A_509 : i32 to index
      %parallel_loop3A_527 = tpu.vector_load %arg5[%parallel_loop3A_524, %parallel_loop3A_525, %parallel_loop3A_526] {strides = array<i32>} : memref<4x4x1024xf32, #tpu.memory_space<vmem>>, vector<1x1x16xf32>,
      %parallel_loop3A_528 = vector.shape_cast %parallel_loop3A_527 : vector<1x1x16xf32> to vector<16xf32>
      %parallel_loop3A_529 = vector.shape_cast %parallel_loop3A_522 : vector<16xf32> to vector<1x1x16xf32>
      tpu.vector_store %arg5[%parallel_loop3A_524, %parallel_loop3A_525, %parallel_loop3A_526], %parallel_loop3A_529 {strides = array<i32>} : memref<4x4x1024xf32, #tpu.memory_space<vmem>>, vector<1x1x16xf32>,
      %parallel_loop3A_530 = arith.constant 1 : i32
      %parallel_loop3A_531 = arith.index_cast %parallel_loop3A_530 : i32 to index
      %parallel_loop3A_532 = arith.index_cast %parallel_loop3A_506 : i32 to index
      %parallel_loop3A_533 = arith.index_cast %parallel_loop3A_509 : i32 to index
      %parallel_loop3A_534 = tpu.vector_load %arg5[%parallel_loop3A_531, %parallel_loop3A_532, %parallel_loop3A_533] {strides = array<i32>} : memref<4x4x1024xf32, #tpu.memory_space<vmem>>, vector<1x1x16xf32>,
      %parallel_loop3A_535 = vector.shape_cast %parallel_loop3A_534 : vector<1x1x16xf32> to vector<16xf32>
      %parallel_loop3A_536 = arith.addf %parallel_loop3A_535, %parallel_loop3A_515 : vector<16xf32>
      %parallel_loop3A_537 = arith.constant 1 : i32
      %parallel_loop3A_538 = arith.index_cast %parallel_loop3A_537 : i32 to index
      %parallel_loop3A_539 = arith.index_cast %parallel_loop3A_506 : i32 to index
      %parallel_loop3A_540 = arith.index_cast %parallel_loop3A_509 : i32 to index
      %parallel_loop3A_541 = tpu.vector_load %arg5[%parallel_loop3A_538, %parallel_loop3A_539, %parallel_loop3A_540] {strides = array<i32>} : memref<4x4x1024xf32, #tpu.memory_space<vmem>>, vector<1x1x16xf32>,
      %parallel_loop3A_542 = vector.shape_cast %parallel_loop3A_541 : vector<1x1x16xf32> to vector<16xf32>
      %parallel_loop3A_543 = vector.shape_cast %parallel_loop3A_536 : vector<16xf32> to vector<1x1x16xf32>
      tpu.vector_store %arg5[%parallel_loop3A_538, %parallel_loop3A_539, %parallel_loop3A_540], %parallel_loop3A_543 {strides = array<i32>} : memref<4x4x1024xf32, #tpu.memory_space<vmem>>, vector<1x1x16xf32>,
      %parallel_loop3A_544 = arith.constant 2 : i32
      %parallel_loop3A_545 = arith.index_cast %parallel_loop3A_544 : i32 to index
      %parallel_loop3A_546 = arith.index_cast %parallel_loop3A_506 : i32 to index
      %parallel_loop3A_547 = arith.index_cast %parallel_loop3A_509 : i32 to index
      %parallel_loop3A_548 = tpu.vector_load %arg5[%parallel_loop3A_545, %parallel_loop3A_546, %parallel_loop3A_547] {strides = array<i32>} : memref<4x4x1024xf32, #tpu.memory_space<vmem>>, vector<1x1x16xf32>,
      %parallel_loop3A_549 = vector.shape_cast %parallel_loop3A_548 : vector<1x1x16xf32> to vector<16xf32>
      %parallel_loop3A_550 = arith.addf %parallel_loop3A_549, %parallel_loop3A_515 : vector<16xf32>
      %parallel_loop3A_551 = arith.constant 2 : i32
      %parallel_loop3A_552 = arith.index_cast %parallel_loop3A_551 : i32 to index
      %parallel_loop3A_553 = arith.index_cast %parallel_loop3A_506 : i32 to index
      %parallel_loop3A_554 = arith.index_cast %parallel_loop3A_509 : i32 to index
      %parallel_loop3A_555 = tpu.vector_load %arg5[%parallel_loop3A_552, %parallel_loop3A_553, %parallel_loop3A_554] {strides = array<i32>} : memref<4x4x1024xf32, #tpu.memory_space<vmem>>, vector<1x1x16xf32>,
      %parallel_loop3A_556 = vector.shape_cast %parallel_loop3A_555 : vector<1x1x16xf32> to vector<16xf32>
      %parallel_loop3A_557 = vector.shape_cast %parallel_loop3A_550 : vector<16xf32> to vector<1x1x16xf32>
      tpu.vector_store %arg5[%parallel_loop3A_552, %parallel_loop3A_553, %parallel_loop3A_554], %parallel_loop3A_557 {strides = array<i32>} : memref<4x4x1024xf32, #tpu.memory_space<vmem>>, vector<1x1x16xf32>,
      %parallel_loop3A_558 = arith.constant 3 : i32
      %parallel_loop3A_559 = arith.index_cast %parallel_loop3A_558 : i32 to index
      %parallel_loop3A_560 = arith.index_cast %parallel_loop3A_506 : i32 to index
      %parallel_loop3A_561 = arith.index_cast %parallel_loop3A_509 : i32 to index
      %parallel_loop3A_562 = tpu.vector_load %arg5[%parallel_loop3A_559, %parallel_loop3A_560, %parallel_loop3A_561] {strides = array<i32>} : memref<4x4x1024xf32, #tpu.memory_space<vmem>>, vector<1x1x16xf32>,
      %parallel_loop3A_563 = vector.shape_cast %parallel_loop3A_562 : vector<1x1x16xf32> to vector<16xf32>
      %parallel_loop3A_564 = arith.addf %parallel_loop3A_563, %parallel_loop3A_515 : vector<16xf32>
      %parallel_loop3A_565 = arith.constant 3 : i32
      %parallel_loop3A_566 = arith.index_cast %parallel_loop3A_565 : i32 to index
      %parallel_loop3A_567 = arith.index_cast %parallel_loop3A_506 : i32 to index
      %parallel_loop3A_568 = arith.index_cast %parallel_loop3A_509 : i32 to index
      %parallel_loop3A_569 = tpu.vector_load %arg5[%parallel_loop3A_566, %parallel_loop3A_567, %parallel_loop3A_568] {strides = array<i32>} : memref<4x4x1024xf32, #tpu.memory_space<vmem>>, vector<1x1x16xf32>,
      %parallel_loop3A_570 = vector.shape_cast %parallel_loop3A_569 : vector<1x1x16xf32> to vector<16xf32>
      %parallel_loop3A_571 = vector.shape_cast %parallel_loop3A_564 : vector<16xf32> to vector<1x1x16xf32>
      tpu.vector_store %arg5[%parallel_loop3A_566, %parallel_loop3A_567, %parallel_loop3A_568], %parallel_loop3A_571 {strides = array<i32>} : memref<4x4x1024xf32, #tpu.memory_space<vmem>>, vector<1x1x16xf32>,
    } {sc.loop_unroll_factor = 4 : i64, sc.parallel_access}
    %add3A_33 = arith.constant 0 : i32
    %add3A_34 = arith.addi %mul3A_2, %add3A_33 : i32
    %dma_start3A_35 = arith.constant 0 : i32
    %dma_start3A_36 = arith.constant 0 : i32
    %dma_start3A_37 = tpu.memref_slice %arg4[%dma_start3A_35, %add3A_34, %dma_start3A_36] : memref<4x2048x1024xf32, #tpu.memory_space<hbm>> -> memref<4x4x1024xf32, #tpu.memory_space<hbm>>
    %dma_start3A_38 = arith.constant 0 : i32
    %dma_start3A_39 = arith.constant 0 : i32
    %dma_start3A_40 = tpu.memref_slice %arg4[%dma_start3A_38, %add3A_34, %dma_start3A_39] : memref<4x2048x1024xf32, #tpu.memory_space<hbm>> -> memref<4x4x1024xf32, #tpu.memory_space<hbm>>
    tpu.enqueue_dma source(%arg5 : memref<4x4x1024xf32, #tpu.memory_space<vmem>>) target(%dma_start3A_40 : memref<4x4x1024xf32, #tpu.memory_space<hbm>>) target_semaphore(%arg12 : memref<!tpu.dma_semaphore, #tpu.memory_space<semaphore_mem>>)
    %add3A_41 = arith.constant 8 : i32
    %add3A_42 = arith.addi %mul3A_2, %add3A_41 : i32
    %dma_start3A_43 = arith.constant 0 : i32
    %dma_start3A_44 = arith.constant 0 : i32
    %dma_start3A_45 = tpu.memref_slice %arg2[%dma_start3A_43, %add3A_42, %dma_start3A_44] : memref<4x2048x1024xf32, #tpu.memory_space<hbm>> -> memref<4x4x1024xf32, #tpu.memory_space<hbm>>
    %dma_start3A_46 = arith.constant 0 : i32
    %dma_start3A_47 = arith.constant 0 : i32
    %dma_start3A_48 = tpu.memref_slice %arg2[%dma_start3A_46, %add3A_42, %dma_start3A_47] : memref<4x2048x1024xf32, #tpu.memory_space<hbm>> -> memref<4x4x1024xf32, #tpu.memory_space<hbm>>
    tpu.enqueue_dma source(%dma_start3A_48 : memref<4x4x1024xf32, #tpu.memory_space<hbm>>) target(%arg7 : memref<4x4x1024xf32, #tpu.memory_space<vmem>>) target_semaphore(%arg11 : memref<!tpu.dma_semaphore, #tpu.memory_space<semaphore_mem>>)
    %dma_wait3A_49 = arith.constant 0 : i32
    %dma_wait3A_50 = arith.constant 0 : i32
    %dma_wait3A_51 = tpu.memref_slice %arg2[%dma_wait3A_49, %add3A_18, %dma_wait3A_50] : memref<4x2048x1024xf32, #tpu.memory_space<hbm>> -> memref<4x4x1024xf32, #tpu.memory_space<hbm>>
    %dma_wait3A_52 = arith.constant 0 : i32
    %dma_wait3A_53 = arith.constant 0 : i32
    %dma_wait3A_54 = tpu.memref_slice %arg2[%dma_wait3A_52, %add3A_18, %dma_wait3A_53] : memref<4x2048x1024xf32, #tpu.memory_space<hbm>> -> memref<4x4x1024xf32, #tpu.memory_space<hbm>>
    tpu.wait_dma2 semaphore(%arg10 : memref<!tpu.dma_semaphore, #tpu.memory_space<semaphore_mem>>) src(%dma_wait3A_54 : memref<4x4x1024xf32, #tpu.memory_space<hbm>>) dst(%arg6 : memref<4x4x1024xf32, #tpu.memory_space<vmem>>)
    %parallel_loop3A_55 = arith.constant 0 : i32
    %parallel_loop3A_56 = arith.constant 4096 : i32
    %parallel_loop3A_57 = arith.constant 16 : i32
    scf.for %parallel_loop3A_504 = %parallel_loop3A_55 to %parallel_loop3A_56 step %parallel_loop3A_57  : i32 {
      %parallel_loop3A_505 = arith.constant 10 : i32
      %parallel_loop3A_506 = arith.shrui %parallel_loop3A_504, %parallel_loop3A_505 : i32
      %parallel_loop3A_507 = arith.constant 1023 : i32
      %parallel_loop3A_508 = arith.andi %parallel_loop3A_504, %parallel_loop3A_507 : i32
      %parallel_loop3A_509 = tpu.assume_multiple %parallel_loop3A_508, 16 : i32
      %parallel_loop3A_510 = arith.constant 4 : i32
      %parallel_loop3A_511 = arith.addi %parallel_loop3A_510, %parallel_loop3A_506 : i32
      %parallel_loop3A_512 = arith.index_cast %parallel_loop3A_511 : i32 to index
      %parallel_loop3A_513 = arith.index_cast %parallel_loop3A_509 : i32 to index
      %parallel_loop3A_514 = tpu.vector_load %arg8[%parallel_loop3A_512, %parallel_loop3A_513] {strides = array<i32>} : memref<64x1024xf32, #tpu.memory_space<vmem>>, vector<1x16xf32>,
      %parallel_loop3A_515 = vector.shape_cast %parallel_loop3A_514 : vector<1x16xf32> to vector<16xf32>
      %parallel_loop3A_516 = arith.constant 0 : i32
      %parallel_loop3A_517 = arith.index_cast %parallel_loop3A_516 : i32 to index
      %parallel_loop3A_518 = arith.index_cast %parallel_loop3A_506 : i32 to index
      %parallel_loop3A_519 = arith.index_cast %parallel_loop3A_509 : i32 to index
      %parallel_loop3A_520 = tpu.vector_load %arg6[%parallel_loop3A_517, %parallel_loop3A_518, %parallel_loop3A_519] {strides = array<i32>} : memref<4x4x1024xf32, #tpu.memory_space<vmem>>, vector<1x1x16xf32>,
      %parallel_loop3A_521 = vector.shape_cast %parallel_loop3A_520 : vector<1x1x16xf32> to vector<16xf32>
      %parallel_loop3A_522 = arith.addf %parallel_loop3A_521, %parallel_loop3A_515 : vector<16xf32>
      %parallel_loop3A_523 = arith.constant 0 : i32
      %parallel_loop3A_524 = arith.index_cast %parallel_loop3A_523 : i32 to index
      %parallel_loop3A_525 = arith.index_cast %parallel_loop3A_506 : i32 to index
      %parallel_loop3A_526 = arith.index_cast %parallel_loop3A_509 : i32 to index
      %parallel_loop3A_527 = tpu.vector_load %arg6[%parallel_loop3A_524, %parallel_loop3A_525, %parallel_loop3A_526] {strides = array<i32>} : memref<4x4x1024xf32, #tpu.memory_space<vmem>>, vector<1x1x16xf32>,
      %parallel_loop3A_528 = vector.shape_cast %parallel_loop3A_527 : vector<1x1x16xf32> to vector<16xf32>
      %parallel_loop3A_529 = vector.shape_cast %parallel_loop3A_522 : vector<16xf32> to vector<1x1x16xf32>
      tpu.vector_store %arg6[%parallel_loop3A_524, %parallel_loop3A_525, %parallel_loop3A_526], %parallel_loop3A_529 {strides = array<i32>} : memref<4x4x1024xf32, #tpu.memory_space<vmem>>, vector<1x1x16xf32>,
      %parallel_loop3A_530 = arith.constant 1 : i32
      %parallel_loop3A_531 = arith.index_cast %parallel_loop3A_530 : i32 to index
      %parallel_loop3A_532 = arith.index_cast %parallel_loop3A_506 : i32 to index
      %parallel_loop3A_533 = arith.index_cast %parallel_loop3A_509 : i32 to index
      %parallel_loop3A_534 = tpu.vector_load %arg6[%parallel_loop3A_531, %parallel_loop3A_532, %parallel_loop3A_533] {strides = array<i32>} : memref<4x4x1024xf32, #tpu.memory_space<vmem>>, vector<1x1x16xf32>,
      %parallel_loop3A_535 = vector.shape_cast %parallel_loop3A_534 : vector<1x1x16xf32> to vector<16xf32>
      %parallel_loop3A_536 = arith.addf %parallel_loop3A_535, %parallel_loop3A_515 : vector<16xf32>
      %parallel_loop3A_537 = arith.constant 1 : i32
      %parallel_loop3A_538 = arith.index_cast %parallel_loop3A_537 : i32 to index
      %parallel_loop3A_539 = arith.index_cast %parallel_loop3A_506 : i32 to index
      %parallel_loop3A_540 = arith.index_cast %parallel_loop3A_509 : i32 to index
      %parallel_loop3A_541 = tpu.vector_load %arg6[%parallel_loop3A_538, %parallel_loop3A_539, %parallel_loop3A_540] {strides = array<i32>} : memref<4x4x1024xf32, #tpu.memory_space<vmem>>, vector<1x1x16xf32>,
      %parallel_loop3A_542 = vector.shape_cast %parallel_loop3A_541 : vector<1x1x16xf32> to vector<16xf32>
      %parallel_loop3A_543 = vector.shape_cast %parallel_loop3A_536 : vector<16xf32> to vector<1x1x16xf32>
      tpu.vector_store %arg6[%parallel_loop3A_538, %parallel_loop3A_539, %parallel_loop3A_540], %parallel_loop3A_543 {strides = array<i32>} : memref<4x4x1024xf32, #tpu.memory_space<vmem>>, vector<1x1x16xf32>,
      %parallel_loop3A_544 = arith.constant 2 : i32
      %parallel_loop3A_545 = arith.index_cast %parallel_loop3A_544 : i32 to index
      %parallel_loop3A_546 = arith.index_cast %parallel_loop3A_506 : i32 to index
      %parallel_loop3A_547 = arith.index_cast %parallel_loop3A_509 : i32 to index
      %parallel_loop3A_548 = tpu.vector_load %arg6[%parallel_loop3A_545, %parallel_loop3A_546, %parallel_loop3A_547] {strides = array<i32>} : memref<4x4x1024xf32, #tpu.memory_space<vmem>>, vector<1x1x16xf32>,
      %parallel_loop3A_549 = vector.shape_cast %parallel_loop3A_548 : vector<1x1x16xf32> to vector<16xf32>
      %parallel_loop3A_550 = arith.addf %parallel_loop3A_549, %parallel_loop3A_515 : vector<16xf32>
      %parallel_loop3A_551 = arith.constant 2 : i32
      %parallel_loop3A_552 = arith.index_cast %parallel_loop3A_551 : i32 to index
      %parallel_loop3A_553 = arith.index_cast %parallel_loop3A_506 : i32 to index
      %parallel_loop3A_554 = arith.index_cast %parallel_loop3A_509 : i32 to index
      %parallel_loop3A_555 = tpu.vector_load %arg6[%parallel_loop3A_552, %parallel_loop3A_553, %parallel_loop3A_554] {strides = array<i32>} : memref<4x4x1024xf32, #tpu.memory_space<vmem>>, vector<1x1x16xf32>,
      %parallel_loop3A_556 = vector.shape_cast %parallel_loop3A_555 : vector<1x1x16xf32> to vector<16xf32>
      %parallel_loop3A_557 = vector.shape_cast %parallel_loop3A_550 : vector<16xf32> to vector<1x1x16xf32>
      tpu.vector_store %arg6[%parallel_loop3A_552, %parallel_loop3A_553, %parallel_loop3A_554], %parallel_loop3A_557 {strides = array<i32>} : memref<4x4x1024xf32, #tpu.memory_space<vmem>>, vector<1x1x16xf32>,
      %parallel_loop3A_558 = arith.constant 3 : i32
      %parallel_loop3A_559 = arith.index_cast %parallel_loop3A_558 : i32 to index
      %parallel_loop3A_560 = arith.index_cast %parallel_loop3A_506 : i32 to index
      %parallel_loop3A_561 = arith.index_cast %parallel_loop3A_509 : i32 to index
      %parallel_loop3A_562 = tpu.vector_load %arg6[%parallel_loop3A_559, %parallel_loop3A_560, %parallel_loop3A_561] {strides = array<i32>} : memref<4x4x1024xf32, #tpu.memory_space<vmem>>, vector<1x1x16xf32>,
      %parallel_loop3A_563 = vector.shape_cast %parallel_loop3A_562 : vector<1x1x16xf32> to vector<16xf32>
      %parallel_loop3A_564 = arith.addf %parallel_loop3A_563, %parallel_loop3A_515 : vector<16xf32>
      %parallel_loop3A_565 = arith.constant 3 : i32
      %parallel_loop3A_566 = arith.index_cast %parallel_loop3A_565 : i32 to index
      %parallel_loop3A_567 = arith.index_cast %parallel_loop3A_506 : i32 to index
      %parallel_loop3A_568 = arith.index_cast %parallel_loop3A_509 : i32 to index
      %parallel_loop3A_569 = tpu.vector_load %arg6[%parallel_loop3A_566, %parallel_loop3A_567, %parallel_loop3A_568] {strides = array<i32>} : memref<4x4x1024xf32, #tpu.memory_space<vmem>>, vector<1x1x16xf32>,
      %parallel_loop3A_570 = vector.shape_cast %parallel_loop3A_569 : vector<1x1x16xf32> to vector<16xf32>
      %parallel_loop3A_571 = vector.shape_cast %parallel_loop3A_564 : vector<16xf32> to vector<1x1x16xf32>
      tpu.vector_store %arg6[%parallel_loop3A_566, %parallel_loop3A_567, %parallel_loop3A_568], %parallel_loop3A_571 {strides = array<i32>} : memref<4x4x1024xf32, #tpu.memory_space<vmem>>, vector<1x1x16xf32>,
    } {sc.loop_unroll_factor = 4 : i64, sc.parallel_access}
    %add3A_58 = arith.constant 4 : i32
    %add3A_59 = arith.addi %mul3A_2, %add3A_58 : i32
    %dma_start3A_60 = arith.constant 0 : i32
    %dma_start3A_61 = arith.constant 0 : i32
    %dma_start3A_62 = tpu.memref_slice %arg4[%dma_start3A_60, %add3A_59, %dma_start3A_61] : memref<4x2048x1024xf32, #tpu.memory_space<hbm>> -> memref<4x4x1024xf32, #tpu.memory_space<hbm>>
    %dma_start3A_63 = arith.constant 0 : i32
    %dma_start3A_64 = arith.constant 0 : i32
    %dma_start3A_65 = tpu.memref_slice %arg4[%dma_start3A_63, %add3A_59, %dma_start3A_64] : memref<4x2048x1024xf32, #tpu.memory_space<hbm>> -> memref<4x4x1024xf32, #tpu.memory_space<hbm>>
    tpu.enqueue_dma source(%arg6 : memref<4x4x1024xf32, #tpu.memory_space<vmem>>) target(%dma_start3A_65 : memref<4x4x1024xf32, #tpu.memory_space<hbm>>) target_semaphore(%arg13 : memref<!tpu.dma_semaphore, #tpu.memory_space<semaphore_mem>>)
    %dma_wait3A_66 = arith.constant 0 : i32
    %dma_wait3A_67 = arith.constant 0 : i32
    %dma_wait3A_68 = tpu.memref_slice %arg4[%dma_wait3A_66, %add3A_34, %dma_wait3A_67] : memref<4x2048x1024xf32, #tpu.memory_space<hbm>> -> memref<4x4x1024xf32, #tpu.memory_space<hbm>>
    %dma_wait3A_69 = arith.constant 0 : i32
    %dma_wait3A_70 = arith.constant 0 : i32
    %dma_wait3A_71 = tpu.memref_slice %arg4[%dma_wait3A_69, %add3A_34, %dma_wait3A_70] : memref<4x2048x1024xf32, #tpu.memory_space<hbm>> -> memref<4x4x1024xf32, #tpu.memory_space<hbm>>
    tpu.wait_dma2 semaphore(%arg12 : memref<!tpu.dma_semaphore, #tpu.memory_space<semaphore_mem>>) src(%arg5 : memref<4x4x1024xf32, #tpu.memory_space<vmem>>) dst(%dma_wait3A_71 : memref<4x4x1024xf32, #tpu.memory_space<hbm>>)
    %add3A_72 = arith.constant 12 : i32
    %add3A_73 = arith.addi %mul3A_2, %add3A_72 : i32
    %dma_start3A_74 = arith.constant 0 : i32
    %dma_start3A_75 = arith.constant 0 : i32
    %dma_start3A_76 = tpu.memref_slice %arg2[%dma_start3A_74, %add3A_73, %dma_start3A_75] : memref<4x2048x1024xf32, #tpu.memory_space<hbm>> -> memref<4x4x1024xf32, #tpu.memory_space<hbm>>
    %dma_start3A_77 = arith.constant 0 : i32
    %dma_start3A_78 = arith.constant 0 : i32
    %dma_start3A_79 = tpu.memref_slice %arg2[%dma_start3A_77, %add3A_73, %dma_start3A_78] : memref<4x2048x1024xf32, #tpu.memory_space<hbm>> -> memref<4x4x1024xf32, #tpu.memory_space<hbm>>
    tpu.enqueue_dma source(%dma_start3A_79 : memref<4x4x1024xf32, #tpu.memory_space<hbm>>) target(%arg5 : memref<4x4x1024xf32, #tpu.memory_space<vmem>>) target_semaphore(%arg9 : memref<!tpu.dma_semaphore, #tpu.memory_space<semaphore_mem>>)
    %dma_wait3A_80 = arith.constant 0 : i32
    %dma_wait3A_81 = arith.constant 0 : i32
    %dma_wait3A_82 = tpu.memref_slice %arg2[%dma_wait3A_80, %add3A_42, %dma_wait3A_81] : memref<4x2048x1024xf32, #tpu.memory_space<hbm>> -> memref<4x4x1024xf32, #tpu.memory_space<hbm>>
    %dma_wait3A_83 = arith.constant 0 : i32
    %dma_wait3A_84 = arith.constant 0 : i32
    %dma_wait3A_85 = tpu.memref_slice %arg2[%dma_wait3A_83, %add3A_42, %dma_wait3A_84] : memref<4x2048x1024xf32, #tpu.memory_space<hbm>> -> memref<4x4x1024xf32, #tpu.memory_space<hbm>>
    tpu.wait_dma2 semaphore(%arg11 : memref<!tpu.dma_semaphore, #tpu.memory_space<semaphore_mem>>) src(%dma_wait3A_85 : memref<4x4x1024xf32, #tpu.memory_space<hbm>>) dst(%arg7 : memref<4x4x1024xf32, #tpu.memory_space<vmem>>)
    %parallel_loop3A_86 = arith.constant 0 : i32
    %parallel_loop3A_87 = arith.constant 4096 : i32
    %parallel_loop3A_88 = arith.constant 16 : i32
    scf.for %parallel_loop3A_504 = %parallel_loop3A_86 to %parallel_loop3A_87 step %parallel_loop3A_88  : i32 {
      %parallel_loop3A_505 = arith.constant 10 : i32
      %parallel_loop3A_506 = arith.shrui %parallel_loop3A_504, %parallel_loop3A_505 : i32
      %parallel_loop3A_507 = arith.constant 1023 : i32
      %parallel_loop3A_508 = arith.andi %parallel_loop3A_504, %parallel_loop3A_507 : i32
      %parallel_loop3A_509 = tpu.assume_multiple %parallel_loop3A_508, 16 : i32
      %parallel_loop3A_510 = arith.constant 8 : i32
      %parallel_loop3A_511 = arith.addi %parallel_loop3A_510, %parallel_loop3A_506 : i32
      %parallel_loop3A_512 = arith.index_cast %parallel_loop3A_511 : i32 to index
      %parallel_loop3A_513 = arith.index_cast %parallel_loop3A_509 : i32 to index
      %parallel_loop3A_514 = tpu.vector_load %arg8[%parallel_loop3A_512, %parallel_loop3A_513] {strides = array<i32>} : memref<64x1024xf32, #tpu.memory_space<vmem>>, vector<1x16xf32>,
      %parallel_loop3A_515 = vector.shape_cast %parallel_loop3A_514 : vector<1x16xf32> to vector<16xf32>
      %parallel_loop3A_516 = arith.constant 0 : i32
      %parallel_loop3A_517 = arith.index_cast %parallel_loop3A_516 : i32 to index
      %parallel_loop3A_518 = arith.index_cast %parallel_loop3A_506 : i32 to index
      %parallel_loop3A_519 = arith.index_cast %parallel_loop3A_509 : i32 to index
      %parallel_loop3A_520 = tpu.vector_load %arg7[%parallel_loop3A_517, %parallel_loop3A_518, %parallel_loop3A_519] {strides = array<i32>} : memref<4x4x1024xf32, #tpu.memory_space<vmem>>, vector<1x1x16xf32>,
      %parallel_loop3A_521 = vector.shape_cast %parallel_loop3A_520 : vector<1x1x16xf32> to vector<16xf32>
      %parallel_loop3A_522 = arith.addf %parallel_loop3A_521, %parallel_loop3A_515 : vector<16xf32>
      %parallel_loop3A_523 = arith.constant 0 : i32
      %parallel_loop3A_524 = arith.index_cast %parallel_loop3A_523 : i32 to index
      %parallel_loop3A_525 = arith.index_cast %parallel_loop3A_506 : i32 to index
      %parallel_loop3A_526 = arith.index_cast %parallel_loop3A_509 : i32 to index
      %parallel_loop3A_527 = tpu.vector_load %arg7[%parallel_loop3A_524, %parallel_loop3A_525, %parallel_loop3A_526] {strides = array<i32>} : memref<4x4x1024xf32, #tpu.memory_space<vmem>>, vector<1x1x16xf32>,
      %parallel_loop3A_528 = vector.shape_cast %parallel_loop3A_527 : vector<1x1x16xf32> to vector<16xf32>
      %parallel_loop3A_529 = vector.shape_cast %parallel_loop3A_522 : vector<16xf32> to vector<1x1x16xf32>
      tpu.vector_store %arg7[%parallel_loop3A_524, %parallel_loop3A_525, %parallel_loop3A_526], %parallel_loop3A_529 {strides = array<i32>} : memref<4x4x1024xf32, #tpu.memory_space<vmem>>, vector<1x1x16xf32>,
      %parallel_loop3A_530 = arith.constant 1 : i32
      %parallel_loop3A_531 = arith.index_cast %parallel_loop3A_530 : i32 to index
      %parallel_loop3A_532 = arith.index_cast %parallel_loop3A_506 : i32 to index
      %parallel_loop3A_533 = arith.index_cast %parallel_loop3A_509 : i32 to index
      %parallel_loop3A_534 = tpu.vector_load %arg7[%parallel_loop3A_531, %parallel_loop3A_532, %parallel_loop3A_533] {strides = array<i32>} : memref<4x4x1024xf32, #tpu.memory_space<vmem>>, vector<1x1x16xf32>,
      %parallel_loop3A_535 = vector.shape_cast %parallel_loop3A_534 : vector<1x1x16xf32> to vector<16xf32>
      %parallel_loop3A_536 = arith.addf %parallel_loop3A_535, %parallel_loop3A_515 : vector<16xf32>
      %parallel_loop3A_537 = arith.constant 1 : i32
      %parallel_loop3A_538 = arith.index_cast %parallel_loop3A_537 : i32 to index
      %parallel_loop3A_539 = arith.index_cast %parallel_loop3A_506 : i32 to index
      %parallel_loop3A_540 = arith.index_cast %parallel_loop3A_509 : i32 to index
      %parallel_loop3A_541 = tpu.vector_load %arg7[%parallel_loop3A_538, %parallel_loop3A_539, %parallel_loop3A_540] {strides = array<i32>} : memref<4x4x1024xf32, #tpu.memory_space<vmem>>, vector<1x1x16xf32>,
      %parallel_loop3A_542 = vector.shape_cast %parallel_loop3A_541 : vector<1x1x16xf32> to vector<16xf32>
      %parallel_loop3A_543 = vector.shape_cast %parallel_loop3A_536 : vector<16xf32> to vector<1x1x16xf32>
      tpu.vector_store %arg7[%parallel_loop3A_538, %parallel_loop3A_539, %parallel_loop3A_540], %parallel_loop3A_543 {strides = array<i32>} : memref<4x4x1024xf32, #tpu.memory_space<vmem>>, vector<1x1x16xf32>,
      %parallel_loop3A_544 = arith.constant 2 : i32
      %parallel_loop3A_545 = arith.index_cast %parallel_loop3A_544 : i32 to index
      %parallel_loop3A_546 = arith.index_cast %parallel_loop3A_506 : i32 to index
      %parallel_loop3A_547 = arith.index_cast %parallel_loop3A_509 : i32 to index
      %parallel_loop3A_548 = tpu.vector_load %arg7[%parallel_loop3A_545, %parallel_loop3A_546, %parallel_loop3A_547] {strides = array<i32>} : memref<4x4x1024xf32, #tpu.memory_space<vmem>>, vector<1x1x16xf32>,
      %parallel_loop3A_549 = vector.shape_cast %parallel_loop3A_548 : vector<1x1x16xf32> to vector<16xf32>
      %parallel_loop3A_550 = arith.addf %parallel_loop3A_549, %parallel_loop3A_515 : vector<16xf32>
      %parallel_loop3A_551 = arith.constant 2 : i32
      %parallel_loop3A_552 = arith.index_cast %parallel_loop3A_551 : i32 to index
      %parallel_loop3A_553 = arith.index_cast %parallel_loop3A_506 : i32 to index
      %parallel_loop3A_554 = arith.index_cast %parallel_loop3A_509 : i32 to index
      %parallel_loop3A_555 = tpu.vector_load %arg7[%parallel_loop3A_552, %parallel_loop3A_553, %parallel_loop3A_554] {strides = array<i32>} : memref<4x4x1024xf32, #tpu.memory_space<vmem>>, vector<1x1x16xf32>,
      %parallel_loop3A_556 = vector.shape_cast %parallel_loop3A_555 : vector<1x1x16xf32> to vector<16xf32>
      %parallel_loop3A_557 = vector.shape_cast %parallel_loop3A_550 : vector<16xf32> to vector<1x1x16xf32>
      tpu.vector_store %arg7[%parallel_loop3A_552, %parallel_loop3A_553, %parallel_loop3A_554], %parallel_loop3A_557 {strides = array<i32>} : memref<4x4x1024xf32, #tpu.memory_space<vmem>>, vector<1x1x16xf32>,
      %parallel_loop3A_558 = arith.constant 3 : i32
      %parallel_loop3A_559 = arith.index_cast %parallel_loop3A_558 : i32 to index
      %parallel_loop3A_560 = arith.index_cast %parallel_loop3A_506 : i32 to index
      %parallel_loop3A_561 = arith.index_cast %parallel_loop3A_509 : i32 to index
      %parallel_loop3A_562 = tpu.vector_load %arg7[%parallel_loop3A_559, %parallel_loop3A_560, %parallel_loop3A_561] {strides = array<i32>} : memref<4x4x1024xf32, #tpu.memory_space<vmem>>, vector<1x1x16xf32>,
      %parallel_loop3A_563 = vector.shape_cast %parallel_loop3A_562 : vector<1x1x16xf32> to vector<16xf32>
      %parallel_loop3A_564 = arith.addf %parallel_loop3A_563, %parallel_loop3A_515 : vector<16xf32>
      %parallel_loop3A_565 = arith.constant 3 : i32
      %parallel_loop3A_566 = arith.index_cast %parallel_loop3A_565 : i32 to index
      %parallel_loop3A_567 = arith.index_cast %parallel_loop3A_506 : i32 to index
      %parallel_loop3A_568 = arith.index_cast %parallel_loop3A_509 : i32 to index
      %parallel_loop3A_569 = tpu.vector_load %arg7[%parallel_loop3A_566, %parallel_loop3A_567, %parallel_loop3A_568] {strides = array<i32>} : memref<4x4x1024xf32, #tpu.memory_space<vmem>>, vector<1x1x16xf32>,
      %parallel_loop3A_570 = vector.shape_cast %parallel_loop3A_569 : vector<1x1x16xf32> to vector<16xf32>
      %parallel_loop3A_571 = vector.shape_cast %parallel_loop3A_564 : vector<16xf32> to vector<1x1x16xf32>
      tpu.vector_store %arg7[%parallel_loop3A_566, %parallel_loop3A_567, %parallel_loop3A_568], %parallel_loop3A_571 {strides = array<i32>} : memref<4x4x1024xf32, #tpu.memory_space<vmem>>, vector<1x1x16xf32>,
    } {sc.loop_unroll_factor = 4 : i64, sc.parallel_access}
    %add3A_89 = arith.constant 8 : i32
    %add3A_90 = arith.addi %mul3A_2, %add3A_89 : i32
    %dma_start3A_91 = arith.constant 0 : i32
    %dma_start3A_92 = arith.constant 0 : i32
    %dma_start3A_93 = tpu.memref_slice %arg4[%dma_start3A_91, %add3A_90, %dma_start3A_92] : memref<4x2048x1024xf32, #tpu.memory_space<hbm>> -> memref<4x4x1024xf32, #tpu.memory_space<hbm>>
    %dma_start3A_94 = arith.constant 0 : i32
    %dma_start3A_95 = arith.constant 0 : i32
    %dma_start3A_96 = tpu.memref_slice %arg4[%dma_start3A_94, %add3A_90, %dma_start3A_95] : memref<4x2048x1024xf32, #tpu.memory_space<hbm>> -> memref<4x4x1024xf32, #tpu.memory_space<hbm>>
    tpu.enqueue_dma source(%arg7 : memref<4x4x1024xf32, #tpu.memory_space<vmem>>) target(%dma_start3A_96 : memref<4x4x1024xf32, #tpu.memory_space<hbm>>) target_semaphore(%arg14 : memref<!tpu.dma_semaphore, #tpu.memory_space<semaphore_mem>>)
    %dma_wait3A_97 = arith.constant 0 : i32
    %dma_wait3A_98 = arith.constant 0 : i32
    %dma_wait3A_99 = tpu.memref_slice %arg4[%dma_wait3A_97, %add3A_59, %dma_wait3A_98] : memref<4x2048x1024xf32, #tpu.memory_space<hbm>> -> memref<4x4x1024xf32, #tpu.memory_space<hbm>>
    %dma_wait3A_100 = arith.constant 0 : i32
    %dma_wait3A_101 = arith.constant 0 : i32
    %dma_wait3A_102 = tpu.memref_slice %arg4[%dma_wait3A_100, %add3A_59, %dma_wait3A_101] : memref<4x2048x1024xf32, #tpu.memory_space<hbm>> -> memref<4x4x1024xf32, #tpu.memory_space<hbm>>
    tpu.wait_dma2 semaphore(%arg13 : memref<!tpu.dma_semaphore, #tpu.memory_space<semaphore_mem>>) src(%arg6 : memref<4x4x1024xf32, #tpu.memory_space<vmem>>) dst(%dma_wait3A_102 : memref<4x4x1024xf32, #tpu.memory_space<hbm>>)
    %add3A_103 = arith.constant 16 : i32
    %add3A_104 = arith.addi %mul3A_2, %add3A_103 : i32
    %dma_start3A_105 = arith.constant 0 : i32
    %dma_start3A_106 = arith.constant 0 : i32
    %dma_start3A_107 = tpu.memref_slice %arg2[%dma_start3A_105, %add3A_104, %dma_start3A_106] : memref<4x2048x1024xf32, #tpu.memory_space<hbm>> -> memref<4x4x1024xf32, #tpu.memory_space<hbm>>
    %dma_start3A_108 = arith.constant 0 : i32
    %dma_start3A_109 = arith.constant 0 : i32
    %dma_start3A_110 = tpu.memref_slice %arg2[%dma_start3A_108, %add3A_104, %dma_start3A_109] : memref<4x2048x1024xf32, #tpu.memory_space<hbm>> -> memref<4x4x1024xf32, #tpu.memory_space<hbm>>
    tpu.enqueue_dma source(%dma_start3A_110 : memref<4x4x1024xf32, #tpu.memory_space<hbm>>) target(%arg6 : memref<4x4x1024xf32, #tpu.memory_space<vmem>>) target_semaphore(%arg10 : memref<!tpu.dma_semaphore, #tpu.memory_space<semaphore_mem>>)
    %dma_wait3A_111 = arith.constant 0 : i32
    %dma_wait3A_112 = arith.constant 0 : i32
    %dma_wait3A_113 = tpu.memref_slice %arg2[%dma_wait3A_111, %add3A_73, %dma_wait3A_112] : memref<4x2048x1024xf32, #tpu.memory_space<hbm>> -> memref<4x4x1024xf32, #tpu.memory_space<hbm>>
    %dma_wait3A_114 = arith.constant 0 : i32
    %dma_wait3A_115 = arith.constant 0 : i32
    %dma_wait3A_116 = tpu.memref_slice %arg2[%dma_wait3A_114, %add3A_73, %dma_wait3A_115] : memref<4x2048x1024xf32, #tpu.memory_space<hbm>> -> memref<4x4x1024xf32, #tpu.memory_space<hbm>>
    tpu.wait_dma2 semaphore(%arg9 : memref<!tpu.dma_semaphore, #tpu.memory_space<semaphore_mem>>) src(%dma_wait3A_116 : memref<4x4x1024xf32, #tpu.memory_space<hbm>>) dst(%arg5 : memref<4x4x1024xf32, #tpu.memory_space<vmem>>)
    %parallel_loop3A_117 = arith.constant 0 : i32
    %parallel_loop3A_118 = arith.constant 4096 : i32
    %parallel_loop3A_119 = arith.constant 16 : i32
    scf.for %parallel_loop3A_504 = %parallel_loop3A_117 to %parallel_loop3A_118 step %parallel_loop3A_119  : i32 {
      %parallel_loop3A_505 = arith.constant 10 : i32
      %parallel_loop3A_506 = arith.shrui %parallel_loop3A_504, %parallel_loop3A_505 : i32
      %parallel_loop3A_507 = arith.constant 1023 : i32
      %parallel_loop3A_508 = arith.andi %parallel_loop3A_504, %parallel_loop3A_507 : i32
      %parallel_loop3A_509 = tpu.assume_multiple %parallel_loop3A_508, 16 : i32
      %parallel_loop3A_510 = arith.constant 12 : i32
      %parallel_loop3A_511 = arith.addi %parallel_loop3A_510, %parallel_loop3A_506 : i32
      %parallel_loop3A_512 = arith.index_cast %parallel_loop3A_511 : i32 to index
      %parallel_loop3A_513 = arith.index_cast %parallel_loop3A_509 : i32 to index
      %parallel_loop3A_514 = tpu.vector_load %arg8[%parallel_loop3A_512, %parallel_loop3A_513] {strides = array<i32>} : memref<64x1024xf32, #tpu.memory_space<vmem>>, vector<1x16xf32>,
      %parallel_loop3A_515 = vector.shape_cast %parallel_loop3A_514 : vector<1x16xf32> to vector<16xf32>
      %parallel_loop3A_516 = arith.constant 0 : i32
      %parallel_loop3A_517 = arith.index_cast %parallel_loop3A_516 : i32 to index
      %parallel_loop3A_518 = arith.index_cast %parallel_loop3A_506 : i32 to index
      %parallel_loop3A_519 = arith.index_cast %parallel_loop3A_509 : i32 to index
      %parallel_loop3A_520 = tpu.vector_load %arg5[%parallel_loop3A_517, %parallel_loop3A_518, %parallel_loop3A_519] {strides = array<i32>} : memref<4x4x1024xf32, #tpu.memory_space<vmem>>, vector<1x1x16xf32>,
      %parallel_loop3A_521 = vector.shape_cast %parallel_loop3A_520 : vector<1x1x16xf32> to vector<16xf32>
      %parallel_loop3A_522 = arith.addf %parallel_loop3A_521, %parallel_loop3A_515 : vector<16xf32>
      %parallel_loop3A_523 = arith.constant 0 : i32
      %parallel_loop3A_524 = arith.index_cast %parallel_loop3A_523 : i32 to index
      %parallel_loop3A_525 = arith.index_cast %parallel_loop3A_506 : i32 to index
      %parallel_loop3A_526 = arith.index_cast %parallel_loop3A_509 : i32 to index
      %parallel_loop3A_527 = tpu.vector_load %arg5[%parallel_loop3A_524, %parallel_loop3A_525, %parallel_loop3A_526] {strides = array<i32>} : memref<4x4x1024xf32, #tpu.memory_space<vmem>>, vector<1x1x16xf32>,
      %parallel_loop3A_528 = vector.shape_cast %parallel_loop3A_527 : vector<1x1x16xf32> to vector<16xf32>
      %parallel_loop3A_529 = vector.shape_cast %parallel_loop3A_522 : vector<16xf32> to vector<1x1x16xf32>
      tpu.vector_store %arg5[%parallel_loop3A_524, %parallel_loop3A_525, %parallel_loop3A_526], %parallel_loop3A_529 {strides = array<i32>} : memref<4x4x1024xf32, #tpu.memory_space<vmem>>, vector<1x1x16xf32>,
      %parallel_loop3A_530 = arith.constant 1 : i32
      %parallel_loop3A_531 = arith.index_cast %parallel_loop3A_530 : i32 to index
      %parallel_loop3A_532 = arith.index_cast %parallel_loop3A_506 : i32 to index
      %parallel_loop3A_533 = arith.index_cast %parallel_loop3A_509 : i32 to index
      %parallel_loop3A_534 = tpu.vector_load %arg5[%parallel_loop3A_531, %parallel_loop3A_532, %parallel_loop3A_533] {strides = array<i32>} : memref<4x4x1024xf32, #tpu.memory_space<vmem>>, vector<1x1x16xf32>,
      %parallel_loop3A_535 = vector.shape_cast %parallel_loop3A_534 : vector<1x1x16xf32> to vector<16xf32>
      %parallel_loop3A_536 = arith.addf %parallel_loop3A_535, %parallel_loop3A_515 : vector<16xf32>
      %parallel_loop3A_537 = arith.constant 1 : i32
      %parallel_loop3A_538 = arith.index_cast %parallel_loop3A_537 : i32 to index
      %parallel_loop3A_539 = arith.index_cast %parallel_loop3A_506 : i32 to index
      %parallel_loop3A_540 = arith.index_cast %parallel_loop3A_509 : i32 to index
      %parallel_loop3A_541 = tpu.vector_load %arg5[%parallel_loop3A_538, %parallel_loop3A_539, %parallel_loop3A_540] {strides = array<i32>} : memref<4x4x1024xf32, #tpu.memory_space<vmem>>, vector<1x1x16xf32>,
      %parallel_loop3A_542 = vector.shape_cast %parallel_loop3A_541 : vector<1x1x16xf32> to vector<16xf32>
      %parallel_loop3A_543 = vector.shape_cast %parallel_loop3A_536 : vector<16xf32> to vector<1x1x16xf32>
      tpu.vector_store %arg5[%parallel_loop3A_538, %parallel_loop3A_539, %parallel_loop3A_540], %parallel_loop3A_543 {strides = array<i32>} : memref<4x4x1024xf32, #tpu.memory_space<vmem>>, vector<1x1x16xf32>,
      %parallel_loop3A_544 = arith.constant 2 : i32
      %parallel_loop3A_545 = arith.index_cast %parallel_loop3A_544 : i32 to index
      %parallel_loop3A_546 = arith.index_cast %parallel_loop3A_506 : i32 to index
      %parallel_loop3A_547 = arith.index_cast %parallel_loop3A_509 : i32 to index
      %parallel_loop3A_548 = tpu.vector_load %arg5[%parallel_loop3A_545, %parallel_loop3A_546, %parallel_loop3A_547] {strides = array<i32>} : memref<4x4x1024xf32, #tpu.memory_space<vmem>>, vector<1x1x16xf32>,
      %parallel_loop3A_549 = vector.shape_cast %parallel_loop3A_548 : vector<1x1x16xf32> to vector<16xf32>
      %parallel_loop3A_550 = arith.addf %parallel_loop3A_549, %parallel_loop3A_515 : vector<16xf32>
      %parallel_loop3A_551 = arith.constant 2 : i32
      %parallel_loop3A_552 = arith.index_cast %parallel_loop3A_551 : i32 to index
      %parallel_loop3A_553 = arith.index_cast %parallel_loop3A_506 : i32 to index
      %parallel_loop3A_554 = arith.index_cast %parallel_loop3A_509 : i32 to index
      %parallel_loop3A_555 = tpu.vector_load %arg5[%parallel_loop3A_552, %parallel_loop3A_553, %parallel_loop3A_554] {strides = array<i32>} : memref<4x4x1024xf32, #tpu.memory_space<vmem>>, vector<1x1x16xf32>,
      %parallel_loop3A_556 = vector.shape_cast %parallel_loop3A_555 : vector<1x1x16xf32> to vector<16xf32>
      %parallel_loop3A_557 = vector.shape_cast %parallel_loop3A_550 : vector<16xf32> to vector<1x1x16xf32>
      tpu.vector_store %arg5[%parallel_loop3A_552, %parallel_loop3A_553, %parallel_loop3A_554], %parallel_loop3A_557 {strides = array<i32>} : memref<4x4x1024xf32, #tpu.memory_space<vmem>>, vector<1x1x16xf32>,
      %parallel_loop3A_558 = arith.constant 3 : i32
      %parallel_loop3A_559 = arith.index_cast %parallel_loop3A_558 : i32 to index
      %parallel_loop3A_560 = arith.index_cast %parallel_loop3A_506 : i32 to index
      %parallel_loop3A_561 = arith.index_cast %parallel_loop3A_509 : i32 to index
      %parallel_loop3A_562 = tpu.vector_load %arg5[%parallel_loop3A_559, %parallel_loop3A_560, %parallel_loop3A_561] {strides = array<i32>} : memref<4x4x1024xf32, #tpu.memory_space<vmem>>, vector<1x1x16xf32>,
      %parallel_loop3A_563 = vector.shape_cast %parallel_loop3A_562 : vector<1x1x16xf32> to vector<16xf32>
      %parallel_loop3A_564 = arith.addf %parallel_loop3A_563, %parallel_loop3A_515 : vector<16xf32>
      %parallel_loop3A_565 = arith.constant 3 : i32
      %parallel_loop3A_566 = arith.index_cast %parallel_loop3A_565 : i32 to index
      %parallel_loop3A_567 = arith.index_cast %parallel_loop3A_506 : i32 to index
      %parallel_loop3A_568 = arith.index_cast %parallel_loop3A_509 : i32 to index
      %parallel_loop3A_569 = tpu.vector_load %arg5[%parallel_loop3A_566, %parallel_loop3A_567, %parallel_loop3A_568] {strides = array<i32>} : memref<4x4x1024xf32, #tpu.memory_space<vmem>>, vector<1x1x16xf32>,
      %parallel_loop3A_570 = vector.shape_cast %parallel_loop3A_569 : vector<1x1x16xf32> to vector<16xf32>
      %parallel_loop3A_571 = vector.shape_cast %parallel_loop3A_564 : vector<16xf32> to vector<1x1x16xf32>
      tpu.vector_store %arg5[%parallel_loop3A_566, %parallel_loop3A_567, %parallel_loop3A_568], %parallel_loop3A_571 {strides = array<i32>} : memref<4x4x1024xf32, #tpu.memory_space<vmem>>, vector<1x1x16xf32>,
    } {sc.loop_unroll_factor = 4 : i64, sc.parallel_access}
    %add3A_120 = arith.constant 12 : i32
    %add3A_121 = arith.addi %mul3A_2, %add3A_120 : i32
    %dma_start3A_122 = arith.constant 0 : i32
    %dma_start3A_123 = arith.constant 0 : i32
    %dma_start3A_124 = tpu.memref_slice %arg4[%dma_start3A_122, %add3A_121, %dma_start3A_123] : memref<4x2048x1024xf32, #tpu.memory_space<hbm>> -> memref<4x4x1024xf32, #tpu.memory_space<hbm>>
    %dma_start3A_125 = arith.constant 0 : i32
    %dma_start3A_126 = arith.constant 0 : i32
    %dma_start3A_127 = tpu.memref_slice %arg4[%dma_start3A_125, %add3A_121, %dma_start3A_126] : memref<4x2048x1024xf32, #tpu.memory_space<hbm>> -> memref<4x4x1024xf32, #tpu.memory_space<hbm>>
    tpu.enqueue_dma source(%arg5 : memref<4x4x1024xf32, #tpu.memory_space<vmem>>) target(%dma_start3A_127 : memref<4x4x1024xf32, #tpu.memory_space<hbm>>) target_semaphore(%arg12 : memref<!tpu.dma_semaphore, #tpu.memory_space<semaphore_mem>>)
    %dma_wait3A_128 = arith.constant 0 : i32
    %dma_wait3A_129 = arith.constant 0 : i32
    %dma_wait3A_130 = tpu.memref_slice %arg4[%dma_wait3A_128, %add3A_90, %dma_wait3A_129] : memref<4x2048x1024xf32, #tpu.memory_space<hbm>> -> memref<4x4x1024xf32, #tpu.memory_space<hbm>>
    %dma_wait3A_131 = arith.constant 0 : i32
    %dma_wait3A_132 = arith.constant 0 : i32
    %dma_wait3A_133 = tpu.memref_slice %arg4[%dma_wait3A_131, %add3A_90, %dma_wait3A_132] : memref<4x2048x1024xf32, #tpu.memory_space<hbm>> -> memref<4x4x1024xf32, #tpu.memory_space<hbm>>
    tpu.wait_dma2 semaphore(%arg14 : memref<!tpu.dma_semaphore, #tpu.memory_space<semaphore_mem>>) src(%arg7 : memref<4x4x1024xf32, #tpu.memory_space<vmem>>) dst(%dma_wait3A_133 : memref<4x4x1024xf32, #tpu.memory_space<hbm>>)
    %add3A_134 = arith.constant 20 : i32
    %add3A_135 = arith.addi %mul3A_2, %add3A_134 : i32
    %dma_start3A_136 = arith.constant 0 : i32
    %dma_start3A_137 = arith.constant 0 : i32
    %dma_start3A_138 = tpu.memref_slice %arg2[%dma_start3A_136, %add3A_135, %dma_start3A_137] : memref<4x2048x1024xf32, #tpu.memory_space<hbm>> -> memref<4x4x1024xf32, #tpu.memory_space<hbm>>
    %dma_start3A_139 = arith.constant 0 : i32
    %dma_start3A_140 = arith.constant 0 : i32
    %dma_start3A_141 = tpu.memref_slice %arg2[%dma_start3A_139, %add3A_135, %dma_start3A_140] : memref<4x2048x1024xf32, #tpu.memory_space<hbm>> -> memref<4x4x1024xf32, #tpu.memory_space<hbm>>
    tpu.enqueue_dma source(%dma_start3A_141 : memref<4x4x1024xf32, #tpu.memory_space<hbm>>) target(%arg7 : memref<4x4x1024xf32, #tpu.memory_space<vmem>>) target_semaphore(%arg11 : memref<!tpu.dma_semaphore, #tpu.memory_space<semaphore_mem>>)
    %dma_wait3A_142 = arith.constant 0 : i32
    %dma_wait3A_143 = arith.constant 0 : i32
    %dma_wait3A_144 = tpu.memref_slice %arg2[%dma_wait3A_142, %add3A_104, %dma_wait3A_143] : memref<4x2048x1024xf32, #tpu.memory_space<hbm>> -> memref<4x4x1024xf32, #tpu.memory_space<hbm>>
    %dma_wait3A_145 = arith.constant 0 : i32
    %dma_wait3A_146 = arith.constant 0 : i32
    %dma_wait3A_147 = tpu.memref_slice %arg2[%dma_wait3A_145, %add3A_104, %dma_wait3A_146] : memref<4x2048x1024xf32, #tpu.memory_space<hbm>> -> memref<4x4x1024xf32, #tpu.memory_space<hbm>>
    tpu.wait_dma2 semaphore(%arg10 : memref<!tpu.dma_semaphore, #tpu.memory_space<semaphore_mem>>) src(%dma_wait3A_147 : memref<4x4x1024xf32, #tpu.memory_space<hbm>>) dst(%arg6 : memref<4x4x1024xf32, #tpu.memory_space<vmem>>)
    %parallel_loop3A_148 = arith.constant 0 : i32
    %parallel_loop3A_149 = arith.constant 4096 : i32
    %parallel_loop3A_150 = arith.constant 16 : i32
    scf.for %parallel_loop3A_504 = %parallel_loop3A_148 to %parallel_loop3A_149 step %parallel_loop3A_150  : i32 {
      %parallel_loop3A_505 = arith.constant 10 : i32
      %parallel_loop3A_506 = arith.shrui %parallel_loop3A_504, %parallel_loop3A_505 : i32
      %parallel_loop3A_507 = arith.constant 1023 : i32
      %parallel_loop3A_508 = arith.andi %parallel_loop3A_504, %parallel_loop3A_507 : i32
      %parallel_loop3A_509 = tpu.assume_multiple %parallel_loop3A_508, 16 : i32
      %parallel_loop3A_510 = arith.constant 16 : i32
      %parallel_loop3A_511 = arith.addi %parallel_loop3A_510, %parallel_loop3A_506 : i32
      %parallel_loop3A_512 = arith.index_cast %parallel_loop3A_511 : i32 to index
      %parallel_loop3A_513 = arith.index_cast %parallel_loop3A_509 : i32 to index
      %parallel_loop3A_514 = tpu.vector_load %arg8[%parallel_loop3A_512, %parallel_loop3A_513] {strides = array<i32>} : memref<64x1024xf32, #tpu.memory_space<vmem>>, vector<1x16xf32>,
      %parallel_loop3A_515 = vector.shape_cast %parallel_loop3A_514 : vector<1x16xf32> to vector<16xf32>
      %parallel_loop3A_516 = arith.constant 0 : i32
      %parallel_loop3A_517 = arith.index_cast %parallel_loop3A_516 : i32 to index
      %parallel_loop3A_518 = arith.index_cast %parallel_loop3A_506 : i32 to index
      %parallel_loop3A_519 = arith.index_cast %parallel_loop3A_509 : i32 to index
      %parallel_loop3A_520 = tpu.vector_load %arg6[%parallel_loop3A_517, %parallel_loop3A_518, %parallel_loop3A_519] {strides = array<i32>} : memref<4x4x1024xf32, #tpu.memory_space<vmem>>, vector<1x1x16xf32>,
      %parallel_loop3A_521 = vector.shape_cast %parallel_loop3A_520 : vector<1x1x16xf32> to vector<16xf32>
      %parallel_loop3A_522 = arith.addf %parallel_loop3A_521, %parallel_loop3A_515 : vector<16xf32>
      %parallel_loop3A_523 = arith.constant 0 : i32
      %parallel_loop3A_524 = arith.index_cast %parallel_loop3A_523 : i32 to index
      %parallel_loop3A_525 = arith.index_cast %parallel_loop3A_506 : i32 to index
      %parallel_loop3A_526 = arith.index_cast %parallel_loop3A_509 : i32 to index
      %parallel_loop3A_527 = tpu.vector_load %arg6[%parallel_loop3A_524, %parallel_loop3A_525, %parallel_loop3A_526] {strides = array<i32>} : memref<4x4x1024xf32, #tpu.memory_space<vmem>>, vector<1x1x16xf32>,
      %parallel_loop3A_528 = vector.shape_cast %parallel_loop3A_527 : vector<1x1x16xf32> to vector<16xf32>
      %parallel_loop3A_529 = vector.shape_cast %parallel_loop3A_522 : vector<16xf32> to vector<1x1x16xf32>
      tpu.vector_store %arg6[%parallel_loop3A_524, %parallel_loop3A_525, %parallel_loop3A_526], %parallel_loop3A_529 {strides = array<i32>} : memref<4x4x1024xf32, #tpu.memory_space<vmem>>, vector<1x1x16xf32>,
      %parallel_loop3A_530 = arith.constant 1 : i32
      %parallel_loop3A_531 = arith.index_cast %parallel_loop3A_530 : i32 to index
      %parallel_loop3A_532 = arith.index_cast %parallel_loop3A_506 : i32 to index
      %parallel_loop3A_533 = arith.index_cast %parallel_loop3A_509 : i32 to index
      %parallel_loop3A_534 = tpu.vector_load %arg6[%parallel_loop3A_531, %parallel_loop3A_532, %parallel_loop3A_533] {strides = array<i32>} : memref<4x4x1024xf32, #tpu.memory_space<vmem>>, vector<1x1x16xf32>,
      %parallel_loop3A_535 = vector.shape_cast %parallel_loop3A_534 : vector<1x1x16xf32> to vector<16xf32>
      %parallel_loop3A_536 = arith.addf %parallel_loop3A_535, %parallel_loop3A_515 : vector<16xf32>
      %parallel_loop3A_537 = arith.constant 1 : i32
      %parallel_loop3A_538 = arith.index_cast %parallel_loop3A_537 : i32 to index
      %parallel_loop3A_539 = arith.index_cast %parallel_loop3A_506 : i32 to index
      %parallel_loop3A_540 = arith.index_cast %parallel_loop3A_509 : i32 to index
      %parallel_loop3A_541 = tpu.vector_load %arg6[%parallel_loop3A_538, %parallel_loop3A_539, %parallel_loop3A_540] {strides = array<i32>} : memref<4x4x1024xf32, #tpu.memory_space<vmem>>, vector<1x1x16xf32>,
      %parallel_loop3A_542 = vector.shape_cast %parallel_loop3A_541 : vector<1x1x16xf32> to vector<16xf32>
      %parallel_loop3A_543 = vector.shape_cast %parallel_loop3A_536 : vector<16xf32> to vector<1x1x16xf32>
      tpu.vector_store %arg6[%parallel_loop3A_538, %parallel_loop3A_539, %parallel_loop3A_540], %parallel_loop3A_543 {strides = array<i32>} : memref<4x4x1024xf32, #tpu.memory_space<vmem>>, vector<1x1x16xf32>,
      %parallel_loop3A_544 = arith.constant 2 : i32
      %parallel_loop3A_545 = arith.index_cast %parallel_loop3A_544 : i32 to index
      %parallel_loop3A_546 = arith.index_cast %parallel_loop3A_506 : i32 to index
      %parallel_loop3A_547 = arith.index_cast %parallel_loop3A_509 : i32 to index
      %parallel_loop3A_548 = tpu.vector_load %arg6[%parallel_loop3A_545, %parallel_loop3A_546, %parallel_loop3A_547] {strides = array<i32>} : memref<4x4x1024xf32, #tpu.memory_space<vmem>>, vector<1x1x16xf32>,
      %parallel_loop3A_549 = vector.shape_cast %parallel_loop3A_548 : vector<1x1x16xf32> to vector<16xf32>
      %parallel_loop3A_550 = arith.addf %parallel_loop3A_549, %parallel_loop3A_515 : vector<16xf32>
      %parallel_loop3A_551 = arith.constant 2 : i32
      %parallel_loop3A_552 = arith.index_cast %parallel_loop3A_551 : i32 to index
      %parallel_loop3A_553 = arith.index_cast %parallel_loop3A_506 : i32 to index
      %parallel_loop3A_554 = arith.index_cast %parallel_loop3A_509 : i32 to index
      %parallel_loop3A_555 = tpu.vector_load %arg6[%parallel_loop3A_552, %parallel_loop3A_553, %parallel_loop3A_554] {strides = array<i32>} : memref<4x4x1024xf32, #tpu.memory_space<vmem>>, vector<1x1x16xf32>,
      %parallel_loop3A_556 = vector.shape_cast %parallel_loop3A_555 : vector<1x1x16xf32> to vector<16xf32>
      %parallel_loop3A_557 = vector.shape_cast %parallel_loop3A_550 : vector<16xf32> to vector<1x1x16xf32>
      tpu.vector_store %arg6[%parallel_loop3A_552, %parallel_loop3A_553, %parallel_loop3A_554], %parallel_loop3A_557 {strides = array<i32>} : memref<4x4x1024xf32, #tpu.memory_space<vmem>>, vector<1x1x16xf32>,
      %parallel_loop3A_558 = arith.constant 3 : i32
      %parallel_loop3A_559 = arith.index_cast %parallel_loop3A_558 : i32 to index
      %parallel_loop3A_560 = arith.index_cast %parallel_loop3A_506 : i32 to index
      %parallel_loop3A_561 = arith.index_cast %parallel_loop3A_509 : i32 to index
      %parallel_loop3A_562 = tpu.vector_load %arg6[%parallel_loop3A_559, %parallel_loop3A_560, %parallel_loop3A_561] {strides = array<i32>} : memref<4x4x1024xf32, #tpu.memory_space<vmem>>, vector<1x1x16xf32>,
      %parallel_loop3A_563 = vector.shape_cast %parallel_loop3A_562 : vector<1x1x16xf32> to vector<16xf32>
      %parallel_loop3A_564 = arith.addf %parallel_loop3A_563, %parallel_loop3A_515 : vector<16xf32>
      %parallel_loop3A_565 = arith.constant 3 : i32
      %parallel_loop3A_566 = arith.index_cast %parallel_loop3A_565 : i32 to index
      %parallel_loop3A_567 = arith.index_cast %parallel_loop3A_506 : i32 to index
      %parallel_loop3A_568 = arith.index_cast %parallel_loop3A_509 : i32 to index
      %parallel_loop3A_569 = tpu.vector_load %arg6[%parallel_loop3A_566, %parallel_loop3A_567, %parallel_loop3A_568] {strides = array<i32>} : memref<4x4x1024xf32, #tpu.memory_space<vmem>>, vector<1x1x16xf32>,
      %parallel_loop3A_570 = vector.shape_cast %parallel_loop3A_569 : vector<1x1x16xf32> to vector<16xf32>
      %parallel_loop3A_571 = vector.shape_cast %parallel_loop3A_564 : vector<16xf32> to vector<1x1x16xf32>
      tpu.vector_store %arg6[%parallel_loop3A_566, %parallel_loop3A_567, %parallel_loop3A_568], %parallel_loop3A_571 {strides = array<i32>} : memref<4x4x1024xf32, #tpu.memory_space<vmem>>, vector<1x1x16xf32>,
    } {sc.loop_unroll_factor = 4 : i64, sc.parallel_access}
    %add3A_151 = arith.constant 16 : i32
    %add3A_152 = arith.addi %mul3A_2, %add3A_151 : i32
    %dma_start3A_153 = arith.constant 0 : i32
    %dma_start3A_154 = arith.constant 0 : i32
    %dma_start3A_155 = tpu.memref_slice %arg4[%dma_start3A_153, %add3A_152, %dma_start3A_154] : memref<4x2048x1024xf32, #tpu.memory_space<hbm>> -> memref<4x4x1024xf32, #tpu.memory_space<hbm>>
    %dma_start3A_156 = arith.constant 0 : i32
    %dma_start3A_157 = arith.constant 0 : i32
    %dma_start3A_158 = tpu.memref_slice %arg4[%dma_start3A_156, %add3A_152, %dma_start3A_157] : memref<4x2048x1024xf32, #tpu.memory_space<hbm>> -> memref<4x4x1024xf32, #tpu.memory_space<hbm>>
    tpu.enqueue_dma source(%arg6 : memref<4x4x1024xf32, #tpu.memory_space<vmem>>) target(%dma_start3A_158 : memref<4x4x1024xf32, #tpu.memory_space<hbm>>) target_semaphore(%arg13 : memref<!tpu.dma_semaphore, #tpu.memory_space<semaphore_mem>>)
    %dma_wait3A_159 = arith.constant 0 : i32
    %dma_wait3A_160 = arith.constant 0 : i32
    %dma_wait3A_161 = tpu.memref_slice %arg4[%dma_wait3A_159, %add3A_121, %dma_wait3A_160] : memref<4x2048x1024xf32, #tpu.memory_space<hbm>> -> memref<4x4x1024xf32, #tpu.memory_space<hbm>>
    %dma_wait3A_162 = arith.constant 0 : i32
    %dma_wait3A_163 = arith.constant 0 : i32
    %dma_wait3A_164 = tpu.memref_slice %arg4[%dma_wait3A_162, %add3A_121, %dma_wait3A_163] : memref<4x2048x1024xf32, #tpu.memory_space<hbm>> -> memref<4x4x1024xf32, #tpu.memory_space<hbm>>
    tpu.wait_dma2 semaphore(%arg12 : memref<!tpu.dma_semaphore, #tpu.memory_space<semaphore_mem>>) src(%arg5 : memref<4x4x1024xf32, #tpu.memory_space<vmem>>) dst(%dma_wait3A_164 : memref<4x4x1024xf32, #tpu.memory_space<hbm>>)
    %add3A_165 = arith.constant 24 : i32
    %add3A_166 = arith.addi %mul3A_2, %add3A_165 : i32
    %dma_start3A_167 = arith.constant 0 : i32
    %dma_start3A_168 = arith.constant 0 : i32
    %dma_start3A_169 = tpu.memref_slice %arg2[%dma_start3A_167, %add3A_166, %dma_start3A_168] : memref<4x2048x1024xf32, #tpu.memory_space<hbm>> -> memref<4x4x1024xf32, #tpu.memory_space<hbm>>
    %dma_start3A_170 = arith.constant 0 : i32
    %dma_start3A_171 = arith.constant 0 : i32
    %dma_start3A_172 = tpu.memref_slice %arg2[%dma_start3A_170, %add3A_166, %dma_start3A_171] : memref<4x2048x1024xf32, #tpu.memory_space<hbm>> -> memref<4x4x1024xf32, #tpu.memory_space<hbm>>
    tpu.enqueue_dma source(%dma_start3A_172 : memref<4x4x1024xf32, #tpu.memory_space<hbm>>) target(%arg5 : memref<4x4x1024xf32, #tpu.memory_space<vmem>>) target_semaphore(%arg9 : memref<!tpu.dma_semaphore, #tpu.memory_space<semaphore_mem>>)
    %dma_wait3A_173 = arith.constant 0 : i32
    %dma_wait3A_174 = arith.constant 0 : i32
    %dma_wait3A_175 = tpu.memref_slice %arg2[%dma_wait3A_173, %add3A_135, %dma_wait3A_174] : memref<4x2048x1024xf32, #tpu.memory_space<hbm>> -> memref<4x4x1024xf32, #tpu.memory_space<hbm>>
    %dma_wait3A_176 = arith.constant 0 : i32
    %dma_wait3A_177 = arith.constant 0 : i32
    %dma_wait3A_178 = tpu.memref_slice %arg2[%dma_wait3A_176, %add3A_135, %dma_wait3A_177] : memref<4x2048x1024xf32, #tpu.memory_space<hbm>> -> memref<4x4x1024xf32, #tpu.memory_space<hbm>>
    tpu.wait_dma2 semaphore(%arg11 : memref<!tpu.dma_semaphore, #tpu.memory_space<semaphore_mem>>) src(%dma_wait3A_178 : memref<4x4x1024xf32, #tpu.memory_space<hbm>>) dst(%arg7 : memref<4x4x1024xf32, #tpu.memory_space<vmem>>)
    %parallel_loop3A_179 = arith.constant 0 : i32
    %parallel_loop3A_180 = arith.constant 4096 : i32
    %parallel_loop3A_181 = arith.constant 16 : i32
    scf.for %parallel_loop3A_504 = %parallel_loop3A_179 to %parallel_loop3A_180 step %parallel_loop3A_181  : i32 {
      %parallel_loop3A_505 = arith.constant 10 : i32
      %parallel_loop3A_506 = arith.shrui %parallel_loop3A_504, %parallel_loop3A_505 : i32
      %parallel_loop3A_507 = arith.constant 1023 : i32
      %parallel_loop3A_508 = arith.andi %parallel_loop3A_504, %parallel_loop3A_507 : i32
      %parallel_loop3A_509 = tpu.assume_multiple %parallel_loop3A_508, 16 : i32
      %parallel_loop3A_510 = arith.constant 20 : i32
      %parallel_loop3A_511 = arith.addi %parallel_loop3A_510, %parallel_loop3A_506 : i32
      %parallel_loop3A_512 = arith.index_cast %parallel_loop3A_511 : i32 to index
      %parallel_loop3A_513 = arith.index_cast %parallel_loop3A_509 : i32 to index
      %parallel_loop3A_514 = tpu.vector_load %arg8[%parallel_loop3A_512, %parallel_loop3A_513] {strides = array<i32>} : memref<64x1024xf32, #tpu.memory_space<vmem>>, vector<1x16xf32>,
      %parallel_loop3A_515 = vector.shape_cast %parallel_loop3A_514 : vector<1x16xf32> to vector<16xf32>
      %parallel_loop3A_516 = arith.constant 0 : i32
      %parallel_loop3A_517 = arith.index_cast %parallel_loop3A_516 : i32 to index
      %parallel_loop3A_518 = arith.index_cast %parallel_loop3A_506 : i32 to index
      %parallel_loop3A_519 = arith.index_cast %parallel_loop3A_509 : i32 to index
      %parallel_loop3A_520 = tpu.vector_load %arg7[%parallel_loop3A_517, %parallel_loop3A_518, %parallel_loop3A_519] {strides = array<i32>} : memref<4x4x1024xf32, #tpu.memory_space<vmem>>, vector<1x1x16xf32>,
      %parallel_loop3A_521 = vector.shape_cast %parallel_loop3A_520 : vector<1x1x16xf32> to vector<16xf32>
      %parallel_loop3A_522 = arith.addf %parallel_loop3A_521, %parallel_loop3A_515 : vector<16xf32>
      %parallel_loop3A_523 = arith.constant 0 : i32
      %parallel_loop3A_524 = arith.index_cast %parallel_loop3A_523 : i32 to index
      %parallel_loop3A_525 = arith.index_cast %parallel_loop3A_506 : i32 to index
      %parallel_loop3A_526 = arith.index_cast %parallel_loop3A_509 : i32 to index
      %parallel_loop3A_527 = tpu.vector_load %arg7[%parallel_loop3A_524, %parallel_loop3A_525, %parallel_loop3A_526] {strides = array<i32>} : memref<4x4x1024xf32, #tpu.memory_space<vmem>>, vector<1x1x16xf32>,
      %parallel_loop3A_528 = vector.shape_cast %parallel_loop3A_527 : vector<1x1x16xf32> to vector<16xf32>
      %parallel_loop3A_529 = vector.shape_cast %parallel_loop3A_522 : vector<16xf32> to vector<1x1x16xf32>
      tpu.vector_store %arg7[%parallel_loop3A_524, %parallel_loop3A_525, %parallel_loop3A_526], %parallel_loop3A_529 {strides = array<i32>} : memref<4x4x1024xf32, #tpu.memory_space<vmem>>, vector<1x1x16xf32>,
      %parallel_loop3A_530 = arith.constant 1 : i32
      %parallel_loop3A_531 = arith.index_cast %parallel_loop3A_530 : i32 to index
      %parallel_loop3A_532 = arith.index_cast %parallel_loop3A_506 : i32 to index
      %parallel_loop3A_533 = arith.index_cast %parallel_loop3A_509 : i32 to index
      %parallel_loop3A_534 = tpu.vector_load %arg7[%parallel_loop3A_531, %parallel_loop3A_532, %parallel_loop3A_533] {strides = array<i32>} : memref<4x4x1024xf32, #tpu.memory_space<vmem>>, vector<1x1x16xf32>,
      %parallel_loop3A_535 = vector.shape_cast %parallel_loop3A_534 : vector<1x1x16xf32> to vector<16xf32>
      %parallel_loop3A_536 = arith.addf %parallel_loop3A_535, %parallel_loop3A_515 : vector<16xf32>
      %parallel_loop3A_537 = arith.constant 1 : i32
      %parallel_loop3A_538 = arith.index_cast %parallel_loop3A_537 : i32 to index
      %parallel_loop3A_539 = arith.index_cast %parallel_loop3A_506 : i32 to index
      %parallel_loop3A_540 = arith.index_cast %parallel_loop3A_509 : i32 to index
      %parallel_loop3A_541 = tpu.vector_load %arg7[%parallel_loop3A_538, %parallel_loop3A_539, %parallel_loop3A_540] {strides = array<i32>} : memref<4x4x1024xf32, #tpu.memory_space<vmem>>, vector<1x1x16xf32>,
      %parallel_loop3A_542 = vector.shape_cast %parallel_loop3A_541 : vector<1x1x16xf32> to vector<16xf32>
      %parallel_loop3A_543 = vector.shape_cast %parallel_loop3A_536 : vector<16xf32> to vector<1x1x16xf32>
      tpu.vector_store %arg7[%parallel_loop3A_538, %parallel_loop3A_539, %parallel_loop3A_540], %parallel_loop3A_543 {strides = array<i32>} : memref<4x4x1024xf32, #tpu.memory_space<vmem>>, vector<1x1x16xf32>,
      %parallel_loop3A_544 = arith.constant 2 : i32
      %parallel_loop3A_545 = arith.index_cast %parallel_loop3A_544 : i32 to index
      %parallel_loop3A_546 = arith.index_cast %parallel_loop3A_506 : i32 to index
      %parallel_loop3A_547 = arith.index_cast %parallel_loop3A_509 : i32 to index
      %parallel_loop3A_548 = tpu.vector_load %arg7[%parallel_loop3A_545, %parallel_loop3A_546, %parallel_loop3A_547] {strides = array<i32>} : memref<4x4x1024xf32, #tpu.memory_space<vmem>>, vector<1x1x16xf32>,
      %parallel_loop3A_549 = vector.shape_cast %parallel_loop3A_548 : vector<1x1x16xf32> to vector<16xf32>
      %parallel_loop3A_550 = arith.addf %parallel_loop3A_549, %parallel_loop3A_515 : vector<16xf32>
      %parallel_loop3A_551 = arith.constant 2 : i32
      %parallel_loop3A_552 = arith.index_cast %parallel_loop3A_551 : i32 to index
      %parallel_loop3A_553 = arith.index_cast %parallel_loop3A_506 : i32 to index
      %parallel_loop3A_554 = arith.index_cast %parallel_loop3A_509 : i32 to index
      %parallel_loop3A_555 = tpu.vector_load %arg7[%parallel_loop3A_552, %parallel_loop3A_553, %parallel_loop3A_554] {strides = array<i32>} : memref<4x4x1024xf32, #tpu.memory_space<vmem>>, vector<1x1x16xf32>,
      %parallel_loop3A_556 = vector.shape_cast %parallel_loop3A_555 : vector<1x1x16xf32> to vector<16xf32>
      %parallel_loop3A_557 = vector.shape_cast %parallel_loop3A_550 : vector<16xf32> to vector<1x1x16xf32>
      tpu.vector_store %arg7[%parallel_loop3A_552, %parallel_loop3A_553, %parallel_loop3A_554], %parallel_loop3A_557 {strides = array<i32>} : memref<4x4x1024xf32, #tpu.memory_space<vmem>>, vector<1x1x16xf32>,
      %parallel_loop3A_558 = arith.constant 3 : i32
      %parallel_loop3A_559 = arith.index_cast %parallel_loop3A_558 : i32 to index
      %parallel_loop3A_560 = arith.index_cast %parallel_loop3A_506 : i32 to index
      %parallel_loop3A_561 = arith.index_cast %parallel_loop3A_509 : i32 to index
      %parallel_loop3A_562 = tpu.vector_load %arg7[%parallel_loop3A_559, %parallel_loop3A_560, %parallel_loop3A_561] {strides = array<i32>} : memref<4x4x1024xf32, #tpu.memory_space<vmem>>, vector<1x1x16xf32>,
      %parallel_loop3A_563 = vector.shape_cast %parallel_loop3A_562 : vector<1x1x16xf32> to vector<16xf32>
      %parallel_loop3A_564 = arith.addf %parallel_loop3A_563, %parallel_loop3A_515 : vector<16xf32>
      %parallel_loop3A_565 = arith.constant 3 : i32
      %parallel_loop3A_566 = arith.index_cast %parallel_loop3A_565 : i32 to index
      %parallel_loop3A_567 = arith.index_cast %parallel_loop3A_506 : i32 to index
      %parallel_loop3A_568 = arith.index_cast %parallel_loop3A_509 : i32 to index
      %parallel_loop3A_569 = tpu.vector_load %arg7[%parallel_loop3A_566, %parallel_loop3A_567, %parallel_loop3A_568] {strides = array<i32>} : memref<4x4x1024xf32, #tpu.memory_space<vmem>>, vector<1x1x16xf32>,
      %parallel_loop3A_570 = vector.shape_cast %parallel_loop3A_569 : vector<1x1x16xf32> to vector<16xf32>
      %parallel_loop3A_571 = vector.shape_cast %parallel_loop3A_564 : vector<16xf32> to vector<1x1x16xf32>
      tpu.vector_store %arg7[%parallel_loop3A_566, %parallel_loop3A_567, %parallel_loop3A_568], %parallel_loop3A_571 {strides = array<i32>} : memref<4x4x1024xf32, #tpu.memory_space<vmem>>, vector<1x1x16xf32>,
    } {sc.loop_unroll_factor = 4 : i64, sc.parallel_access}
    %add3A_182 = arith.constant 20 : i32
    %add3A_183 = arith.addi %mul3A_2, %add3A_182 : i32
    %dma_start3A_184 = arith.constant 0 : i32
    %dma_start3A_185 = arith.constant 0 : i32
    %dma_start3A_186 = tpu.memref_slice %arg4[%dma_start3A_184, %add3A_183, %dma_start3A_185] : memref<4x2048x1024xf32, #tpu.memory_space<hbm>> -> memref<4x4x1024xf32, #tpu.memory_space<hbm>>
    %dma_start3A_187 = arith.constant 0 : i32
    %dma_start3A_188 = arith.constant 0 : i32
    %dma_start3A_189 = tpu.memref_slice %arg4[%dma_start3A_187, %add3A_183, %dma_start3A_188] : memref<4x2048x1024xf32, #tpu.memory_space<hbm>> -> memref<4x4x1024xf32, #tpu.memory_space<hbm>>
    tpu.enqueue_dma source(%arg7 : memref<4x4x1024xf32, #tpu.memory_space<vmem>>) target(%dma_start3A_189 : memref<4x4x1024xf32, #tpu.memory_space<hbm>>) target_semaphore(%arg14 : memref<!tpu.dma_semaphore, #tpu.memory_space<semaphore_mem>>)
    %dma_wait3A_190 = arith.constant 0 : i32
    %dma_wait3A_191 = arith.constant 0 : i32
    %dma_wait3A_192 = tpu.memref_slice %arg4[%dma_wait3A_190, %add3A_152, %dma_wait3A_191] : memref<4x2048x1024xf32, #tpu.memory_space<hbm>> -> memref<4x4x1024xf32, #tpu.memory_space<hbm>>
    %dma_wait3A_193 = arith.constant 0 : i32
    %dma_wait3A_194 = arith.constant 0 : i32
    %dma_wait3A_195 = tpu.memref_slice %arg4[%dma_wait3A_193, %add3A_152, %dma_wait3A_194] : memref<4x2048x1024xf32, #tpu.memory_space<hbm>> -> memref<4x4x1024xf32, #tpu.memory_space<hbm>>
    tpu.wait_dma2 semaphore(%arg13 : memref<!tpu.dma_semaphore, #tpu.memory_space<semaphore_mem>>) src(%arg6 : memref<4x4x1024xf32, #tpu.memory_space<vmem>>) dst(%dma_wait3A_195 : memref<4x4x1024xf32, #tpu.memory_space<hbm>>)
    %add3A_196 = arith.constant 28 : i32
    %add3A_197 = arith.addi %mul3A_2, %add3A_196 : i32
    %dma_start3A_198 = arith.constant 0 : i32
    %dma_start3A_199 = arith.constant 0 : i32
    %dma_start3A_200 = tpu.memref_slice %arg2[%dma_start3A_198, %add3A_197, %dma_start3A_199] : memref<4x2048x1024xf32, #tpu.memory_space<hbm>> -> memref<4x4x1024xf32, #tpu.memory_space<hbm>>
    %dma_start3A_201 = arith.constant 0 : i32
    %dma_start3A_202 = arith.constant 0 : i32
    %dma_start3A_203 = tpu.memref_slice %arg2[%dma_start3A_201, %add3A_197, %dma_start3A_202] : memref<4x2048x1024xf32, #tpu.memory_space<hbm>> -> memref<4x4x1024xf32, #tpu.memory_space<hbm>>
    tpu.enqueue_dma source(%dma_start3A_203 : memref<4x4x1024xf32, #tpu.memory_space<hbm>>) target(%arg6 : memref<4x4x1024xf32, #tpu.memory_space<vmem>>) target_semaphore(%arg10 : memref<!tpu.dma_semaphore, #tpu.memory_space<semaphore_mem>>)
    %dma_wait3A_204 = arith.constant 0 : i32
    %dma_wait3A_205 = arith.constant 0 : i32
    %dma_wait3A_206 = tpu.memref_slice %arg2[%dma_wait3A_204, %add3A_166, %dma_wait3A_205] : memref<4x2048x1024xf32, #tpu.memory_space<hbm>> -> memref<4x4x1024xf32, #tpu.memory_space<hbm>>
    %dma_wait3A_207 = arith.constant 0 : i32
    %dma_wait3A_208 = arith.constant 0 : i32
    %dma_wait3A_209 = tpu.memref_slice %arg2[%dma_wait3A_207, %add3A_166, %dma_wait3A_208] : memref<4x2048x1024xf32, #tpu.memory_space<hbm>> -> memref<4x4x1024xf32, #tpu.memory_space<hbm>>
    tpu.wait_dma2 semaphore(%arg9 : memref<!tpu.dma_semaphore, #tpu.memory_space<semaphore_mem>>) src(%dma_wait3A_209 : memref<4x4x1024xf32, #tpu.memory_space<hbm>>) dst(%arg5 : memref<4x4x1024xf32, #tpu.memory_space<vmem>>)
    %parallel_loop3A_210 = arith.constant 0 : i32
    %parallel_loop3A_211 = arith.constant 4096 : i32
    %parallel_loop3A_212 = arith.constant 16 : i32
    scf.for %parallel_loop3A_504 = %parallel_loop3A_210 to %parallel_loop3A_211 step %parallel_loop3A_212  : i32 {
      %parallel_loop3A_505 = arith.constant 10 : i32
      %parallel_loop3A_506 = arith.shrui %parallel_loop3A_504, %parallel_loop3A_505 : i32
      %parallel_loop3A_507 = arith.constant 1023 : i32
      %parallel_loop3A_508 = arith.andi %parallel_loop3A_504, %parallel_loop3A_507 : i32
      %parallel_loop3A_509 = tpu.assume_multiple %parallel_loop3A_508, 16 : i32
      %parallel_loop3A_510 = arith.constant 24 : i32
      %parallel_loop3A_511 = arith.addi %parallel_loop3A_510, %parallel_loop3A_506 : i32
      %parallel_loop3A_512 = arith.index_cast %parallel_loop3A_511 : i32 to index
      %parallel_loop3A_513 = arith.index_cast %parallel_loop3A_509 : i32 to index
      %parallel_loop3A_514 = tpu.vector_load %arg8[%parallel_loop3A_512, %parallel_loop3A_513] {strides = array<i32>} : memref<64x1024xf32, #tpu.memory_space<vmem>>, vector<1x16xf32>,
      %parallel_loop3A_515 = vector.shape_cast %parallel_loop3A_514 : vector<1x16xf32> to vector<16xf32>
      %parallel_loop3A_516 = arith.constant 0 : i32
      %parallel_loop3A_517 = arith.index_cast %parallel_loop3A_516 : i32 to index
      %parallel_loop3A_518 = arith.index_cast %parallel_loop3A_506 : i32 to index
      %parallel_loop3A_519 = arith.index_cast %parallel_loop3A_509 : i32 to index
      %parallel_loop3A_520 = tpu.vector_load %arg5[%parallel_loop3A_517, %parallel_loop3A_518, %parallel_loop3A_519] {strides = array<i32>} : memref<4x4x1024xf32, #tpu.memory_space<vmem>>, vector<1x1x16xf32>,
      %parallel_loop3A_521 = vector.shape_cast %parallel_loop3A_520 : vector<1x1x16xf32> to vector<16xf32>
      %parallel_loop3A_522 = arith.addf %parallel_loop3A_521, %parallel_loop3A_515 : vector<16xf32>
      %parallel_loop3A_523 = arith.constant 0 : i32
      %parallel_loop3A_524 = arith.index_cast %parallel_loop3A_523 : i32 to index
      %parallel_loop3A_525 = arith.index_cast %parallel_loop3A_506 : i32 to index
      %parallel_loop3A_526 = arith.index_cast %parallel_loop3A_509 : i32 to index
      %parallel_loop3A_527 = tpu.vector_load %arg5[%parallel_loop3A_524, %parallel_loop3A_525, %parallel_loop3A_526] {strides = array<i32>} : memref<4x4x1024xf32, #tpu.memory_space<vmem>>, vector<1x1x16xf32>,
      %parallel_loop3A_528 = vector.shape_cast %parallel_loop3A_527 : vector<1x1x16xf32> to vector<16xf32>
      %parallel_loop3A_529 = vector.shape_cast %parallel_loop3A_522 : vector<16xf32> to vector<1x1x16xf32>
      tpu.vector_store %arg5[%parallel_loop3A_524, %parallel_loop3A_525, %parallel_loop3A_526], %parallel_loop3A_529 {strides = array<i32>} : memref<4x4x1024xf32, #tpu.memory_space<vmem>>, vector<1x1x16xf32>,
      %parallel_loop3A_530 = arith.constant 1 : i32
      %parallel_loop3A_531 = arith.index_cast %parallel_loop3A_530 : i32 to index
      %parallel_loop3A_532 = arith.index_cast %parallel_loop3A_506 : i32 to index
      %parallel_loop3A_533 = arith.index_cast %parallel_loop3A_509 : i32 to index
      %parallel_loop3A_534 = tpu.vector_load %arg5[%parallel_loop3A_531, %parallel_loop3A_532, %parallel_loop3A_533] {strides = array<i32>} : memref<4x4x1024xf32, #tpu.memory_space<vmem>>, vector<1x1x16xf32>,
      %parallel_loop3A_535 = vector.shape_cast %parallel_loop3A_534 : vector<1x1x16xf32> to vector<16xf32>
      %parallel_loop3A_536 = arith.addf %parallel_loop3A_535, %parallel_loop3A_515 : vector<16xf32>
      %parallel_loop3A_537 = arith.constant 1 : i32
      %parallel_loop3A_538 = arith.index_cast %parallel_loop3A_537 : i32 to index
      %parallel_loop3A_539 = arith.index_cast %parallel_loop3A_506 : i32 to index
      %parallel_loop3A_540 = arith.index_cast %parallel_loop3A_509 : i32 to index
      %parallel_loop3A_541 = tpu.vector_load %arg5[%parallel_loop3A_538, %parallel_loop3A_539, %parallel_loop3A_540] {strides = array<i32>} : memref<4x4x1024xf32, #tpu.memory_space<vmem>>, vector<1x1x16xf32>,
      %parallel_loop3A_542 = vector.shape_cast %parallel_loop3A_541 : vector<1x1x16xf32> to vector<16xf32>
      %parallel_loop3A_543 = vector.shape_cast %parallel_loop3A_536 : vector<16xf32> to vector<1x1x16xf32>
      tpu.vector_store %arg5[%parallel_loop3A_538, %parallel_loop3A_539, %parallel_loop3A_540], %parallel_loop3A_543 {strides = array<i32>} : memref<4x4x1024xf32, #tpu.memory_space<vmem>>, vector<1x1x16xf32>,
      %parallel_loop3A_544 = arith.constant 2 : i32
      %parallel_loop3A_545 = arith.index_cast %parallel_loop3A_544 : i32 to index
      %parallel_loop3A_546 = arith.index_cast %parallel_loop3A_506 : i32 to index
      %parallel_loop3A_547 = arith.index_cast %parallel_loop3A_509 : i32 to index
      %parallel_loop3A_548 = tpu.vector_load %arg5[%parallel_loop3A_545, %parallel_loop3A_546, %parallel_loop3A_547] {strides = array<i32>} : memref<4x4x1024xf32, #tpu.memory_space<vmem>>, vector<1x1x16xf32>,
      %parallel_loop3A_549 = vector.shape_cast %parallel_loop3A_548 : vector<1x1x16xf32> to vector<16xf32>
      %parallel_loop3A_550 = arith.addf %parallel_loop3A_549, %parallel_loop3A_515 : vector<16xf32>
      %parallel_loop3A_551 = arith.constant 2 : i32
      %parallel_loop3A_552 = arith.index_cast %parallel_loop3A_551 : i32 to index
      %parallel_loop3A_553 = arith.index_cast %parallel_loop3A_506 : i32 to index
      %parallel_loop3A_554 = arith.index_cast %parallel_loop3A_509 : i32 to index
      %parallel_loop3A_555 = tpu.vector_load %arg5[%parallel_loop3A_552, %parallel_loop3A_553, %parallel_loop3A_554] {strides = array<i32>} : memref<4x4x1024xf32, #tpu.memory_space<vmem>>, vector<1x1x16xf32>,
      %parallel_loop3A_556 = vector.shape_cast %parallel_loop3A_555 : vector<1x1x16xf32> to vector<16xf32>
      %parallel_loop3A_557 = vector.shape_cast %parallel_loop3A_550 : vector<16xf32> to vector<1x1x16xf32>
      tpu.vector_store %arg5[%parallel_loop3A_552, %parallel_loop3A_553, %parallel_loop3A_554], %parallel_loop3A_557 {strides = array<i32>} : memref<4x4x1024xf32, #tpu.memory_space<vmem>>, vector<1x1x16xf32>,
      %parallel_loop3A_558 = arith.constant 3 : i32
      %parallel_loop3A_559 = arith.index_cast %parallel_loop3A_558 : i32 to index
      %parallel_loop3A_560 = arith.index_cast %parallel_loop3A_506 : i32 to index
      %parallel_loop3A_561 = arith.index_cast %parallel_loop3A_509 : i32 to index
      %parallel_loop3A_562 = tpu.vector_load %arg5[%parallel_loop3A_559, %parallel_loop3A_560, %parallel_loop3A_561] {strides = array<i32>} : memref<4x4x1024xf32, #tpu.memory_space<vmem>>, vector<1x1x16xf32>,
      %parallel_loop3A_563 = vector.shape_cast %parallel_loop3A_562 : vector<1x1x16xf32> to vector<16xf32>
      %parallel_loop3A_564 = arith.addf %parallel_loop3A_563, %parallel_loop3A_515 : vector<16xf32>
      %parallel_loop3A_565 = arith.constant 3 : i32
      %parallel_loop3A_566 = arith.index_cast %parallel_loop3A_565 : i32 to index
      %parallel_loop3A_567 = arith.index_cast %parallel_loop3A_506 : i32 to index
      %parallel_loop3A_568 = arith.index_cast %parallel_loop3A_509 : i32 to index
      %parallel_loop3A_569 = tpu.vector_load %arg5[%parallel_loop3A_566, %parallel_loop3A_567, %parallel_loop3A_568] {strides = array<i32>} : memref<4x4x1024xf32, #tpu.memory_space<vmem>>, vector<1x1x16xf32>,
      %parallel_loop3A_570 = vector.shape_cast %parallel_loop3A_569 : vector<1x1x16xf32> to vector<16xf32>
      %parallel_loop3A_571 = vector.shape_cast %parallel_loop3A_564 : vector<16xf32> to vector<1x1x16xf32>
      tpu.vector_store %arg5[%parallel_loop3A_566, %parallel_loop3A_567, %parallel_loop3A_568], %parallel_loop3A_571 {strides = array<i32>} : memref<4x4x1024xf32, #tpu.memory_space<vmem>>, vector<1x1x16xf32>,
    } {sc.loop_unroll_factor = 4 : i64, sc.parallel_access}
    %add3A_213 = arith.constant 24 : i32
    %add3A_214 = arith.addi %mul3A_2, %add3A_213 : i32
    %dma_start3A_215 = arith.constant 0 : i32
    %dma_start3A_216 = arith.constant 0 : i32
    %dma_start3A_217 = tpu.memref_slice %arg4[%dma_start3A_215, %add3A_214, %dma_start3A_216] : memref<4x2048x1024xf32, #tpu.memory_space<hbm>> -> memref<4x4x1024xf32, #tpu.memory_space<hbm>>
    %dma_start3A_218 = arith.constant 0 : i32
    %dma_start3A_219 = arith.constant 0 : i32
    %dma_start3A_220 = tpu.memref_slice %arg4[%dma_start3A_218, %add3A_214, %dma_start3A_219] : memref<4x2048x1024xf32, #tpu.memory_space<hbm>> -> memref<4x4x1024xf32, #tpu.memory_space<hbm>>
    tpu.enqueue_dma source(%arg5 : memref<4x4x1024xf32, #tpu.memory_space<vmem>>) target(%dma_start3A_220 : memref<4x4x1024xf32, #tpu.memory_space<hbm>>) target_semaphore(%arg12 : memref<!tpu.dma_semaphore, #tpu.memory_space<semaphore_mem>>)
    %dma_wait3A_221 = arith.constant 0 : i32
    %dma_wait3A_222 = arith.constant 0 : i32
    %dma_wait3A_223 = tpu.memref_slice %arg4[%dma_wait3A_221, %add3A_183, %dma_wait3A_222] : memref<4x2048x1024xf32, #tpu.memory_space<hbm>> -> memref<4x4x1024xf32, #tpu.memory_space<hbm>>
    %dma_wait3A_224 = arith.constant 0 : i32
    %dma_wait3A_225 = arith.constant 0 : i32
    %dma_wait3A_226 = tpu.memref_slice %arg4[%dma_wait3A_224, %add3A_183, %dma_wait3A_225] : memref<4x2048x1024xf32, #tpu.memory_space<hbm>> -> memref<4x4x1024xf32, #tpu.memory_space<hbm>>
    tpu.wait_dma2 semaphore(%arg14 : memref<!tpu.dma_semaphore, #tpu.memory_space<semaphore_mem>>) src(%arg7 : memref<4x4x1024xf32, #tpu.memory_space<vmem>>) dst(%dma_wait3A_226 : memref<4x4x1024xf32, #tpu.memory_space<hbm>>)
    %add3A_227 = arith.constant 32 : i32
    %add3A_228 = arith.addi %mul3A_2, %add3A_227 : i32
    %dma_start3A_229 = arith.constant 0 : i32
    %dma_start3A_230 = arith.constant 0 : i32
    %dma_start3A_231 = tpu.memref_slice %arg2[%dma_start3A_229, %add3A_228, %dma_start3A_230] : memref<4x2048x1024xf32, #tpu.memory_space<hbm>> -> memref<4x4x1024xf32, #tpu.memory_space<hbm>>
    %dma_start3A_232 = arith.constant 0 : i32
    %dma_start3A_233 = arith.constant 0 : i32
    %dma_start3A_234 = tpu.memref_slice %arg2[%dma_start3A_232, %add3A_228, %dma_start3A_233] : memref<4x2048x1024xf32, #tpu.memory_space<hbm>> -> memref<4x4x1024xf32, #tpu.memory_space<hbm>>
    tpu.enqueue_dma source(%dma_start3A_234 : memref<4x4x1024xf32, #tpu.memory_space<hbm>>) target(%arg7 : memref<4x4x1024xf32, #tpu.memory_space<vmem>>) target_semaphore(%arg11 : memref<!tpu.dma_semaphore, #tpu.memory_space<semaphore_mem>>)
    %dma_wait3A_235 = arith.constant 0 : i32
    %dma_wait3A_236 = arith.constant 0 : i32
    %dma_wait3A_237 = tpu.memref_slice %arg2[%dma_wait3A_235, %add3A_197, %dma_wait3A_236] : memref<4x2048x1024xf32, #tpu.memory_space<hbm>> -> memref<4x4x1024xf32, #tpu.memory_space<hbm>>
    %dma_wait3A_238 = arith.constant 0 : i32
    %dma_wait3A_239 = arith.constant 0 : i32
    %dma_wait3A_240 = tpu.memref_slice %arg2[%dma_wait3A_238, %add3A_197, %dma_wait3A_239] : memref<4x2048x1024xf32, #tpu.memory_space<hbm>> -> memref<4x4x1024xf32, #tpu.memory_space<hbm>>
    tpu.wait_dma2 semaphore(%arg10 : memref<!tpu.dma_semaphore, #tpu.memory_space<semaphore_mem>>) src(%dma_wait3A_240 : memref<4x4x1024xf32, #tpu.memory_space<hbm>>) dst(%arg6 : memref<4x4x1024xf32, #tpu.memory_space<vmem>>)
    %parallel_loop3A_241 = arith.constant 0 : i32
    %parallel_loop3A_242 = arith.constant 4096 : i32
    %parallel_loop3A_243 = arith.constant 16 : i32
    scf.for %parallel_loop3A_504 = %parallel_loop3A_241 to %parallel_loop3A_242 step %parallel_loop3A_243  : i32 {
      %parallel_loop3A_505 = arith.constant 10 : i32
      %parallel_loop3A_506 = arith.shrui %parallel_loop3A_504, %parallel_loop3A_505 : i32
      %parallel_loop3A_507 = arith.constant 1023 : i32
      %parallel_loop3A_508 = arith.andi %parallel_loop3A_504, %parallel_loop3A_507 : i32
      %parallel_loop3A_509 = tpu.assume_multiple %parallel_loop3A_508, 16 : i32
      %parallel_loop3A_510 = arith.constant 28 : i32
      %parallel_loop3A_511 = arith.addi %parallel_loop3A_510, %parallel_loop3A_506 : i32
      %parallel_loop3A_512 = arith.index_cast %parallel_loop3A_511 : i32 to index
      %parallel_loop3A_513 = arith.index_cast %parallel_loop3A_509 : i32 to index
      %parallel_loop3A_514 = tpu.vector_load %arg8[%parallel_loop3A_512, %parallel_loop3A_513] {strides = array<i32>} : memref<64x1024xf32, #tpu.memory_space<vmem>>, vector<1x16xf32>,
      %parallel_loop3A_515 = vector.shape_cast %parallel_loop3A_514 : vector<1x16xf32> to vector<16xf32>
      %parallel_loop3A_516 = arith.constant 0 : i32
      %parallel_loop3A_517 = arith.index_cast %parallel_loop3A_516 : i32 to index
      %parallel_loop3A_518 = arith.index_cast %parallel_loop3A_506 : i32 to index
      %parallel_loop3A_519 = arith.index_cast %parallel_loop3A_509 : i32 to index
      %parallel_loop3A_520 = tpu.vector_load %arg6[%parallel_loop3A_517, %parallel_loop3A_518, %parallel_loop3A_519] {strides = array<i32>} : memref<4x4x1024xf32, #tpu.memory_space<vmem>>, vector<1x1x16xf32>,
      %parallel_loop3A_521 = vector.shape_cast %parallel_loop3A_520 : vector<1x1x16xf32> to vector<16xf32>
      %parallel_loop3A_522 = arith.addf %parallel_loop3A_521, %parallel_loop3A_515 : vector<16xf32>
      %parallel_loop3A_523 = arith.constant 0 : i32
      %parallel_loop3A_524 = arith.index_cast %parallel_loop3A_523 : i32 to index
      %parallel_loop3A_525 = arith.index_cast %parallel_loop3A_506 : i32 to index
      %parallel_loop3A_526 = arith.index_cast %parallel_loop3A_509 : i32 to index
      %parallel_loop3A_527 = tpu.vector_load %arg6[%parallel_loop3A_524, %parallel_loop3A_525, %parallel_loop3A_526] {strides = array<i32>} : memref<4x4x1024xf32, #tpu.memory_space<vmem>>, vector<1x1x16xf32>,
      %parallel_loop3A_528 = vector.shape_cast %parallel_loop3A_527 : vector<1x1x16xf32> to vector<16xf32>
      %parallel_loop3A_529 = vector.shape_cast %parallel_loop3A_522 : vector<16xf32> to vector<1x1x16xf32>
      tpu.vector_store %arg6[%parallel_loop3A_524, %parallel_loop3A_525, %parallel_loop3A_526], %parallel_loop3A_529 {strides = array<i32>} : memref<4x4x1024xf32, #tpu.memory_space<vmem>>, vector<1x1x16xf32>,
      %parallel_loop3A_530 = arith.constant 1 : i32
      %parallel_loop3A_531 = arith.index_cast %parallel_loop3A_530 : i32 to index
      %parallel_loop3A_532 = arith.index_cast %parallel_loop3A_506 : i32 to index
      %parallel_loop3A_533 = arith.index_cast %parallel_loop3A_509 : i32 to index
      %parallel_loop3A_534 = tpu.vector_load %arg6[%parallel_loop3A_531, %parallel_loop3A_532, %parallel_loop3A_533] {strides = array<i32>} : memref<4x4x1024xf32, #tpu.memory_space<vmem>>, vector<1x1x16xf32>,
      %parallel_loop3A_535 = vector.shape_cast %parallel_loop3A_534 : vector<1x1x16xf32> to vector<16xf32>
      %parallel_loop3A_536 = arith.addf %parallel_loop3A_535, %parallel_loop3A_515 : vector<16xf32>
      %parallel_loop3A_537 = arith.constant 1 : i32
      %parallel_loop3A_538 = arith.index_cast %parallel_loop3A_537 : i32 to index
      %parallel_loop3A_539 = arith.index_cast %parallel_loop3A_506 : i32 to index
      %parallel_loop3A_540 = arith.index_cast %parallel_loop3A_509 : i32 to index
      %parallel_loop3A_541 = tpu.vector_load %arg6[%parallel_loop3A_538, %parallel_loop3A_539, %parallel_loop3A_540] {strides = array<i32>} : memref<4x4x1024xf32, #tpu.memory_space<vmem>>, vector<1x1x16xf32>,
      %parallel_loop3A_542 = vector.shape_cast %parallel_loop3A_541 : vector<1x1x16xf32> to vector<16xf32>
      %parallel_loop3A_543 = vector.shape_cast %parallel_loop3A_536 : vector<16xf32> to vector<1x1x16xf32>
      tpu.vector_store %arg6[%parallel_loop3A_538, %parallel_loop3A_539, %parallel_loop3A_540], %parallel_loop3A_543 {strides = array<i32>} : memref<4x4x1024xf32, #tpu.memory_space<vmem>>, vector<1x1x16xf32>,
      %parallel_loop3A_544 = arith.constant 2 : i32
      %parallel_loop3A_545 = arith.index_cast %parallel_loop3A_544 : i32 to index
      %parallel_loop3A_546 = arith.index_cast %parallel_loop3A_506 : i32 to index
      %parallel_loop3A_547 = arith.index_cast %parallel_loop3A_509 : i32 to index
      %parallel_loop3A_548 = tpu.vector_load %arg6[%parallel_loop3A_545, %parallel_loop3A_546, %parallel_loop3A_547] {strides = array<i32>} : memref<4x4x1024xf32, #tpu.memory_space<vmem>>, vector<1x1x16xf32>,
      %parallel_loop3A_549 = vector.shape_cast %parallel_loop3A_548 : vector<1x1x16xf32> to vector<16xf32>
      %parallel_loop3A_550 = arith.addf %parallel_loop3A_549, %parallel_loop3A_515 : vector<16xf32>
      %parallel_loop3A_551 = arith.constant 2 : i32
      %parallel_loop3A_552 = arith.index_cast %parallel_loop3A_551 : i32 to index
      %parallel_loop3A_553 = arith.index_cast %parallel_loop3A_506 : i32 to index
      %parallel_loop3A_554 = arith.index_cast %parallel_loop3A_509 : i32 to index
      %parallel_loop3A_555 = tpu.vector_load %arg6[%parallel_loop3A_552, %parallel_loop3A_553, %parallel_loop3A_554] {strides = array<i32>} : memref<4x4x1024xf32, #tpu.memory_space<vmem>>, vector<1x1x16xf32>,
      %parallel_loop3A_556 = vector.shape_cast %parallel_loop3A_555 : vector<1x1x16xf32> to vector<16xf32>
      %parallel_loop3A_557 = vector.shape_cast %parallel_loop3A_550 : vector<16xf32> to vector<1x1x16xf32>
      tpu.vector_store %arg6[%parallel_loop3A_552, %parallel_loop3A_553, %parallel_loop3A_554], %parallel_loop3A_557 {strides = array<i32>} : memref<4x4x1024xf32, #tpu.memory_space<vmem>>, vector<1x1x16xf32>,
      %parallel_loop3A_558 = arith.constant 3 : i32
      %parallel_loop3A_559 = arith.index_cast %parallel_loop3A_558 : i32 to index
      %parallel_loop3A_560 = arith.index_cast %parallel_loop3A_506 : i32 to index
      %parallel_loop3A_561 = arith.index_cast %parallel_loop3A_509 : i32 to index
      %parallel_loop3A_562 = tpu.vector_load %arg6[%parallel_loop3A_559, %parallel_loop3A_560, %parallel_loop3A_561] {strides = array<i32>} : memref<4x4x1024xf32, #tpu.memory_space<vmem>>, vector<1x1x16xf32>,
      %parallel_loop3A_563 = vector.shape_cast %parallel_loop3A_562 : vector<1x1x16xf32> to vector<16xf32>
      %parallel_loop3A_564 = arith.addf %parallel_loop3A_563, %parallel_loop3A_515 : vector<16xf32>
      %parallel_loop3A_565 = arith.constant 3 : i32
      %parallel_loop3A_566 = arith.index_cast %parallel_loop3A_565 : i32 to index
      %parallel_loop3A_567 = arith.index_cast %parallel_loop3A_506 : i32 to index
      %parallel_loop3A_568 = arith.index_cast %parallel_loop3A_509 : i32 to index
      %parallel_loop3A_569 = tpu.vector_load %arg6[%parallel_loop3A_566, %parallel_loop3A_567, %parallel_loop3A_568] {strides = array<i32>} : memref<4x4x1024xf32, #tpu.memory_space<vmem>>, vector<1x1x16xf32>,
      %parallel_loop3A_570 = vector.shape_cast %parallel_loop3A_569 : vector<1x1x16xf32> to vector<16xf32>
      %parallel_loop3A_571 = vector.shape_cast %parallel_loop3A_564 : vector<16xf32> to vector<1x1x16xf32>
      tpu.vector_store %arg6[%parallel_loop3A_566, %parallel_loop3A_567, %parallel_loop3A_568], %parallel_loop3A_571 {strides = array<i32>} : memref<4x4x1024xf32, #tpu.memory_space<vmem>>, vector<1x1x16xf32>,
    } {sc.loop_unroll_factor = 4 : i64, sc.parallel_access}
    %add3A_244 = arith.constant 28 : i32
    %add3A_245 = arith.addi %mul3A_2, %add3A_244 : i32
    %dma_start3A_246 = arith.constant 0 : i32
    %dma_start3A_247 = arith.constant 0 : i32
    %dma_start3A_248 = tpu.memref_slice %arg4[%dma_start3A_246, %add3A_245, %dma_start3A_247] : memref<4x2048x1024xf32, #tpu.memory_space<hbm>> -> memref<4x4x1024xf32, #tpu.memory_space<hbm>>
    %dma_start3A_249 = arith.constant 0 : i32
    %dma_start3A_250 = arith.constant 0 : i32
    %dma_start3A_251 = tpu.memref_slice %arg4[%dma_start3A_249, %add3A_245, %dma_start3A_250] : memref<4x2048x1024xf32, #tpu.memory_space<hbm>> -> memref<4x4x1024xf32, #tpu.memory_space<hbm>>
    tpu.enqueue_dma source(%arg6 : memref<4x4x1024xf32, #tpu.memory_space<vmem>>) target(%dma_start3A_251 : memref<4x4x1024xf32, #tpu.memory_space<hbm>>) target_semaphore(%arg13 : memref<!tpu.dma_semaphore, #tpu.memory_space<semaphore_mem>>)
    %dma_wait3A_252 = arith.constant 0 : i32
    %dma_wait3A_253 = arith.constant 0 : i32
    %dma_wait3A_254 = tpu.memref_slice %arg4[%dma_wait3A_252, %add3A_214, %dma_wait3A_253] : memref<4x2048x1024xf32, #tpu.memory_space<hbm>> -> memref<4x4x1024xf32, #tpu.memory_space<hbm>>
    %dma_wait3A_255 = arith.constant 0 : i32
    %dma_wait3A_256 = arith.constant 0 : i32
    %dma_wait3A_257 = tpu.memref_slice %arg4[%dma_wait3A_255, %add3A_214, %dma_wait3A_256] : memref<4x2048x1024xf32, #tpu.memory_space<hbm>> -> memref<4x4x1024xf32, #tpu.memory_space<hbm>>
    tpu.wait_dma2 semaphore(%arg12 : memref<!tpu.dma_semaphore, #tpu.memory_space<semaphore_mem>>) src(%arg5 : memref<4x4x1024xf32, #tpu.memory_space<vmem>>) dst(%dma_wait3A_257 : memref<4x4x1024xf32, #tpu.memory_space<hbm>>)
    %add3A_258 = arith.constant 36 : i32
    %add3A_259 = arith.addi %mul3A_2, %add3A_258 : i32
    %dma_start3A_260 = arith.constant 0 : i32
    %dma_start3A_261 = arith.constant 0 : i32
    %dma_start3A_262 = tpu.memref_slice %arg2[%dma_start3A_260, %add3A_259, %dma_start3A_261] : memref<4x2048x1024xf32, #tpu.memory_space<hbm>> -> memref<4x4x1024xf32, #tpu.memory_space<hbm>>
    %dma_start3A_263 = arith.constant 0 : i32
    %dma_start3A_264 = arith.constant 0 : i32
    %dma_start3A_265 = tpu.memref_slice %arg2[%dma_start3A_263, %add3A_259, %dma_start3A_264] : memref<4x2048x1024xf32, #tpu.memory_space<hbm>> -> memref<4x4x1024xf32, #tpu.memory_space<hbm>>
    tpu.enqueue_dma source(%dma_start3A_265 : memref<4x4x1024xf32, #tpu.memory_space<hbm>>) target(%arg5 : memref<4x4x1024xf32, #tpu.memory_space<vmem>>) target_semaphore(%arg9 : memref<!tpu.dma_semaphore, #tpu.memory_space<semaphore_mem>>)
    %dma_wait3A_266 = arith.constant 0 : i32
    %dma_wait3A_267 = arith.constant 0 : i32
    %dma_wait3A_268 = tpu.memref_slice %arg2[%dma_wait3A_266, %add3A_228, %dma_wait3A_267] : memref<4x2048x1024xf32, #tpu.memory_space<hbm>> -> memref<4x4x1024xf32, #tpu.memory_space<hbm>>
    %dma_wait3A_269 = arith.constant 0 : i32
    %dma_wait3A_270 = arith.constant 0 : i32
    %dma_wait3A_271 = tpu.memref_slice %arg2[%dma_wait3A_269, %add3A_228, %dma_wait3A_270] : memref<4x2048x1024xf32, #tpu.memory_space<hbm>> -> memref<4x4x1024xf32, #tpu.memory_space<hbm>>
    tpu.wait_dma2 semaphore(%arg11 : memref<!tpu.dma_semaphore, #tpu.memory_space<semaphore_mem>>) src(%dma_wait3A_271 : memref<4x4x1024xf32, #tpu.memory_space<hbm>>) dst(%arg7 : memref<4x4x1024xf32, #tpu.memory_space<vmem>>)
    %parallel_loop3A_272 = arith.constant 0 : i32
    %parallel_loop3A_273 = arith.constant 4096 : i32
    %parallel_loop3A_274 = arith.constant 16 : i32
    scf.for %parallel_loop3A_504 = %parallel_loop3A_272 to %parallel_loop3A_273 step %parallel_loop3A_274  : i32 {
      %parallel_loop3A_505 = arith.constant 10 : i32
      %parallel_loop3A_506 = arith.shrui %parallel_loop3A_504, %parallel_loop3A_505 : i32
      %parallel_loop3A_507 = arith.constant 1023 : i32
      %parallel_loop3A_508 = arith.andi %parallel_loop3A_504, %parallel_loop3A_507 : i32
      %parallel_loop3A_509 = tpu.assume_multiple %parallel_loop3A_508, 16 : i32
      %parallel_loop3A_510 = arith.constant 32 : i32
      %parallel_loop3A_511 = arith.addi %parallel_loop3A_510, %parallel_loop3A_506 : i32
      %parallel_loop3A_512 = arith.index_cast %parallel_loop3A_511 : i32 to index
      %parallel_loop3A_513 = arith.index_cast %parallel_loop3A_509 : i32 to index
      %parallel_loop3A_514 = tpu.vector_load %arg8[%parallel_loop3A_512, %parallel_loop3A_513] {strides = array<i32>} : memref<64x1024xf32, #tpu.memory_space<vmem>>, vector<1x16xf32>,
      %parallel_loop3A_515 = vector.shape_cast %parallel_loop3A_514 : vector<1x16xf32> to vector<16xf32>
      %parallel_loop3A_516 = arith.constant 0 : i32
      %parallel_loop3A_517 = arith.index_cast %parallel_loop3A_516 : i32 to index
      %parallel_loop3A_518 = arith.index_cast %parallel_loop3A_506 : i32 to index
      %parallel_loop3A_519 = arith.index_cast %parallel_loop3A_509 : i32 to index
      %parallel_loop3A_520 = tpu.vector_load %arg7[%parallel_loop3A_517, %parallel_loop3A_518, %parallel_loop3A_519] {strides = array<i32>} : memref<4x4x1024xf32, #tpu.memory_space<vmem>>, vector<1x1x16xf32>,
      %parallel_loop3A_521 = vector.shape_cast %parallel_loop3A_520 : vector<1x1x16xf32> to vector<16xf32>
      %parallel_loop3A_522 = arith.addf %parallel_loop3A_521, %parallel_loop3A_515 : vector<16xf32>
      %parallel_loop3A_523 = arith.constant 0 : i32
      %parallel_loop3A_524 = arith.index_cast %parallel_loop3A_523 : i32 to index
      %parallel_loop3A_525 = arith.index_cast %parallel_loop3A_506 : i32 to index
      %parallel_loop3A_526 = arith.index_cast %parallel_loop3A_509 : i32 to index
      %parallel_loop3A_527 = tpu.vector_load %arg7[%parallel_loop3A_524, %parallel_loop3A_525, %parallel_loop3A_526] {strides = array<i32>} : memref<4x4x1024xf32, #tpu.memory_space<vmem>>, vector<1x1x16xf32>,
      %parallel_loop3A_528 = vector.shape_cast %parallel_loop3A_527 : vector<1x1x16xf32> to vector<16xf32>
      %parallel_loop3A_529 = vector.shape_cast %parallel_loop3A_522 : vector<16xf32> to vector<1x1x16xf32>
      tpu.vector_store %arg7[%parallel_loop3A_524, %parallel_loop3A_525, %parallel_loop3A_526], %parallel_loop3A_529 {strides = array<i32>} : memref<4x4x1024xf32, #tpu.memory_space<vmem>>, vector<1x1x16xf32>,
      %parallel_loop3A_530 = arith.constant 1 : i32
      %parallel_loop3A_531 = arith.index_cast %parallel_loop3A_530 : i32 to index
      %parallel_loop3A_532 = arith.index_cast %parallel_loop3A_506 : i32 to index
      %parallel_loop3A_533 = arith.index_cast %parallel_loop3A_509 : i32 to index
      %parallel_loop3A_534 = tpu.vector_load %arg7[%parallel_loop3A_531, %parallel_loop3A_532, %parallel_loop3A_533] {strides = array<i32>} : memref<4x4x1024xf32, #tpu.memory_space<vmem>>, vector<1x1x16xf32>,
      %parallel_loop3A_535 = vector.shape_cast %parallel_loop3A_534 : vector<1x1x16xf32> to vector<16xf32>
      %parallel_loop3A_536 = arith.addf %parallel_loop3A_535, %parallel_loop3A_515 : vector<16xf32>
      %parallel_loop3A_537 = arith.constant 1 : i32
      %parallel_loop3A_538 = arith.index_cast %parallel_loop3A_537 : i32 to index
      %parallel_loop3A_539 = arith.index_cast %parallel_loop3A_506 : i32 to index
      %parallel_loop3A_540 = arith.index_cast %parallel_loop3A_509 : i32 to index
      %parallel_loop3A_541 = tpu.vector_load %arg7[%parallel_loop3A_538, %parallel_loop3A_539, %parallel_loop3A_540] {strides = array<i32>} : memref<4x4x1024xf32, #tpu.memory_space<vmem>>, vector<1x1x16xf32>,
      %parallel_loop3A_542 = vector.shape_cast %parallel_loop3A_541 : vector<1x1x16xf32> to vector<16xf32>
      %parallel_loop3A_543 = vector.shape_cast %parallel_loop3A_536 : vector<16xf32> to vector<1x1x16xf32>
      tpu.vector_store %arg7[%parallel_loop3A_538, %parallel_loop3A_539, %parallel_loop3A_540], %parallel_loop3A_543 {strides = array<i32>} : memref<4x4x1024xf32, #tpu.memory_space<vmem>>, vector<1x1x16xf32>,
      %parallel_loop3A_544 = arith.constant 2 : i32
      %parallel_loop3A_545 = arith.index_cast %parallel_loop3A_544 : i32 to index
      %parallel_loop3A_546 = arith.index_cast %parallel_loop3A_506 : i32 to index
      %parallel_loop3A_547 = arith.index_cast %parallel_loop3A_509 : i32 to index
      %parallel_loop3A_548 = tpu.vector_load %arg7[%parallel_loop3A_545, %parallel_loop3A_546, %parallel_loop3A_547] {strides = array<i32>} : memref<4x4x1024xf32, #tpu.memory_space<vmem>>, vector<1x1x16xf32>,
      %parallel_loop3A_549 = vector.shape_cast %parallel_loop3A_548 : vector<1x1x16xf32> to vector<16xf32>
      %parallel_loop3A_550 = arith.addf %parallel_loop3A_549, %parallel_loop3A_515 : vector<16xf32>
      %parallel_loop3A_551 = arith.constant 2 : i32
      %parallel_loop3A_552 = arith.index_cast %parallel_loop3A_551 : i32 to index
      %parallel_loop3A_553 = arith.index_cast %parallel_loop3A_506 : i32 to index
      %parallel_loop3A_554 = arith.index_cast %parallel_loop3A_509 : i32 to index
      %parallel_loop3A_555 = tpu.vector_load %arg7[%parallel_loop3A_552, %parallel_loop3A_553, %parallel_loop3A_554] {strides = array<i32>} : memref<4x4x1024xf32, #tpu.memory_space<vmem>>, vector<1x1x16xf32>,
      %parallel_loop3A_556 = vector.shape_cast %parallel_loop3A_555 : vector<1x1x16xf32> to vector<16xf32>
      %parallel_loop3A_557 = vector.shape_cast %parallel_loop3A_550 : vector<16xf32> to vector<1x1x16xf32>
      tpu.vector_store %arg7[%parallel_loop3A_552, %parallel_loop3A_553, %parallel_loop3A_554], %parallel_loop3A_557 {strides = array<i32>} : memref<4x4x1024xf32, #tpu.memory_space<vmem>>, vector<1x1x16xf32>,
      %parallel_loop3A_558 = arith.constant 3 : i32
      %parallel_loop3A_559 = arith.index_cast %parallel_loop3A_558 : i32 to index
      %parallel_loop3A_560 = arith.index_cast %parallel_loop3A_506 : i32 to index
      %parallel_loop3A_561 = arith.index_cast %parallel_loop3A_509 : i32 to index
      %parallel_loop3A_562 = tpu.vector_load %arg7[%parallel_loop3A_559, %parallel_loop3A_560, %parallel_loop3A_561] {strides = array<i32>} : memref<4x4x1024xf32, #tpu.memory_space<vmem>>, vector<1x1x16xf32>,
      %parallel_loop3A_563 = vector.shape_cast %parallel_loop3A_562 : vector<1x1x16xf32> to vector<16xf32>
      %parallel_loop3A_564 = arith.addf %parallel_loop3A_563, %parallel_loop3A_515 : vector<16xf32>
      %parallel_loop3A_565 = arith.constant 3 : i32
      %parallel_loop3A_566 = arith.index_cast %parallel_loop3A_565 : i32 to index
      %parallel_loop3A_567 = arith.index_cast %parallel_loop3A_506 : i32 to index
      %parallel_loop3A_568 = arith.index_cast %parallel_loop3A_509 : i32 to index
      %parallel_loop3A_569 = tpu.vector_load %arg7[%parallel_loop3A_566, %parallel_loop3A_567, %parallel_loop3A_568] {strides = array<i32>} : memref<4x4x1024xf32, #tpu.memory_space<vmem>>, vector<1x1x16xf32>,
      %parallel_loop3A_570 = vector.shape_cast %parallel_loop3A_569 : vector<1x1x16xf32> to vector<16xf32>
      %parallel_loop3A_571 = vector.shape_cast %parallel_loop3A_564 : vector<16xf32> to vector<1x1x16xf32>
      tpu.vector_store %arg7[%parallel_loop3A_566, %parallel_loop3A_567, %parallel_loop3A_568], %parallel_loop3A_571 {strides = array<i32>} : memref<4x4x1024xf32, #tpu.memory_space<vmem>>, vector<1x1x16xf32>,
    } {sc.loop_unroll_factor = 4 : i64, sc.parallel_access}
    %add3A_275 = arith.constant 32 : i32
    %add3A_276 = arith.addi %mul3A_2, %add3A_275 : i32
    %dma_start3A_277 = arith.constant 0 : i32
    %dma_start3A_278 = arith.constant 0 : i32
    %dma_start3A_279 = tpu.memref_slice %arg4[%dma_start3A_277, %add3A_276, %dma_start3A_278] : memref<4x2048x1024xf32, #tpu.memory_space<hbm>> -> memref<4x4x1024xf32, #tpu.memory_space<hbm>>
    %dma_start3A_280 = arith.constant 0 : i32
    %dma_start3A_281 = arith.constant 0 : i32
    %dma_start3A_282 = tpu.memref_slice %arg4[%dma_start3A_280, %add3A_276, %dma_start3A_281] : memref<4x2048x1024xf32, #tpu.memory_space<hbm>> -> memref<4x4x1024xf32, #tpu.memory_space<hbm>>
    tpu.enqueue_dma source(%arg7 : memref<4x4x1024xf32, #tpu.memory_space<vmem>>) target(%dma_start3A_282 : memref<4x4x1024xf32, #tpu.memory_space<hbm>>) target_semaphore(%arg14 : memref<!tpu.dma_semaphore, #tpu.memory_space<semaphore_mem>>)
    %dma_wait3A_283 = arith.constant 0 : i32
    %dma_wait3A_284 = arith.constant 0 : i32
    %dma_wait3A_285 = tpu.memref_slice %arg4[%dma_wait3A_283, %add3A_245, %dma_wait3A_284] : memref<4x2048x1024xf32, #tpu.memory_space<hbm>> -> memref<4x4x1024xf32, #tpu.memory_space<hbm>>
    %dma_wait3A_286 = arith.constant 0 : i32
    %dma_wait3A_287 = arith.constant 0 : i32
    %dma_wait3A_288 = tpu.memref_slice %arg4[%dma_wait3A_286, %add3A_245, %dma_wait3A_287] : memref<4x2048x1024xf32, #tpu.memory_space<hbm>> -> memref<4x4x1024xf32, #tpu.memory_space<hbm>>
    tpu.wait_dma2 semaphore(%arg13 : memref<!tpu.dma_semaphore, #tpu.memory_space<semaphore_mem>>) src(%arg6 : memref<4x4x1024xf32, #tpu.memory_space<vmem>>) dst(%dma_wait3A_288 : memref<4x4x1024xf32, #tpu.memory_space<hbm>>)
    %add3A_289 = arith.constant 40 : i32
    %add3A_290 = arith.addi %mul3A_2, %add3A_289 : i32
    %dma_start3A_291 = arith.constant 0 : i32
    %dma_start3A_292 = arith.constant 0 : i32
    %dma_start3A_293 = tpu.memref_slice %arg2[%dma_start3A_291, %add3A_290, %dma_start3A_292] : memref<4x2048x1024xf32, #tpu.memory_space<hbm>> -> memref<4x4x1024xf32, #tpu.memory_space<hbm>>
    %dma_start3A_294 = arith.constant 0 : i32
    %dma_start3A_295 = arith.constant 0 : i32
    %dma_start3A_296 = tpu.memref_slice %arg2[%dma_start3A_294, %add3A_290, %dma_start3A_295] : memref<4x2048x1024xf32, #tpu.memory_space<hbm>> -> memref<4x4x1024xf32, #tpu.memory_space<hbm>>
    tpu.enqueue_dma source(%dma_start3A_296 : memref<4x4x1024xf32, #tpu.memory_space<hbm>>) target(%arg6 : memref<4x4x1024xf32, #tpu.memory_space<vmem>>) target_semaphore(%arg10 : memref<!tpu.dma_semaphore, #tpu.memory_space<semaphore_mem>>)
    %dma_wait3A_297 = arith.constant 0 : i32
    %dma_wait3A_298 = arith.constant 0 : i32
    %dma_wait3A_299 = tpu.memref_slice %arg2[%dma_wait3A_297, %add3A_259, %dma_wait3A_298] : memref<4x2048x1024xf32, #tpu.memory_space<hbm>> -> memref<4x4x1024xf32, #tpu.memory_space<hbm>>
    %dma_wait3A_300 = arith.constant 0 : i32
    %dma_wait3A_301 = arith.constant 0 : i32
    %dma_wait3A_302 = tpu.memref_slice %arg2[%dma_wait3A_300, %add3A_259, %dma_wait3A_301] : memref<4x2048x1024xf32, #tpu.memory_space<hbm>> -> memref<4x4x1024xf32, #tpu.memory_space<hbm>>
    tpu.wait_dma2 semaphore(%arg9 : memref<!tpu.dma_semaphore, #tpu.memory_space<semaphore_mem>>) src(%dma_wait3A_302 : memref<4x4x1024xf32, #tpu.memory_space<hbm>>) dst(%arg5 : memref<4x4x1024xf32, #tpu.memory_space<vmem>>)
    %parallel_loop3A_303 = arith.constant 0 : i32
    %parallel_loop3A_304 = arith.constant 4096 : i32
    %parallel_loop3A_305 = arith.constant 16 : i32
    scf.for %parallel_loop3A_504 = %parallel_loop3A_303 to %parallel_loop3A_304 step %parallel_loop3A_305  : i32 {
      %parallel_loop3A_505 = arith.constant 10 : i32
      %parallel_loop3A_506 = arith.shrui %parallel_loop3A_504, %parallel_loop3A_505 : i32
      %parallel_loop3A_507 = arith.constant 1023 : i32
      %parallel_loop3A_508 = arith.andi %parallel_loop3A_504, %parallel_loop3A_507 : i32
      %parallel_loop3A_509 = tpu.assume_multiple %parallel_loop3A_508, 16 : i32
      %parallel_loop3A_510 = arith.constant 36 : i32
      %parallel_loop3A_511 = arith.addi %parallel_loop3A_510, %parallel_loop3A_506 : i32
      %parallel_loop3A_512 = arith.index_cast %parallel_loop3A_511 : i32 to index
      %parallel_loop3A_513 = arith.index_cast %parallel_loop3A_509 : i32 to index
      %parallel_loop3A_514 = tpu.vector_load %arg8[%parallel_loop3A_512, %parallel_loop3A_513] {strides = array<i32>} : memref<64x1024xf32, #tpu.memory_space<vmem>>, vector<1x16xf32>,
      %parallel_loop3A_515 = vector.shape_cast %parallel_loop3A_514 : vector<1x16xf32> to vector<16xf32>
      %parallel_loop3A_516 = arith.constant 0 : i32
      %parallel_loop3A_517 = arith.index_cast %parallel_loop3A_516 : i32 to index
      %parallel_loop3A_518 = arith.index_cast %parallel_loop3A_506 : i32 to index
      %parallel_loop3A_519 = arith.index_cast %parallel_loop3A_509 : i32 to index
      %parallel_loop3A_520 = tpu.vector_load %arg5[%parallel_loop3A_517, %parallel_loop3A_518, %parallel_loop3A_519] {strides = array<i32>} : memref<4x4x1024xf32, #tpu.memory_space<vmem>>, vector<1x1x16xf32>,
      %parallel_loop3A_521 = vector.shape_cast %parallel_loop3A_520 : vector<1x1x16xf32> to vector<16xf32>
      %parallel_loop3A_522 = arith.addf %parallel_loop3A_521, %parallel_loop3A_515 : vector<16xf32>
      %parallel_loop3A_523 = arith.constant 0 : i32
      %parallel_loop3A_524 = arith.index_cast %parallel_loop3A_523 : i32 to index
      %parallel_loop3A_525 = arith.index_cast %parallel_loop3A_506 : i32 to index
      %parallel_loop3A_526 = arith.index_cast %parallel_loop3A_509 : i32 to index
      %parallel_loop3A_527 = tpu.vector_load %arg5[%parallel_loop3A_524, %parallel_loop3A_525, %parallel_loop3A_526] {strides = array<i32>} : memref<4x4x1024xf32, #tpu.memory_space<vmem>>, vector<1x1x16xf32>,
      %parallel_loop3A_528 = vector.shape_cast %parallel_loop3A_527 : vector<1x1x16xf32> to vector<16xf32>
      %parallel_loop3A_529 = vector.shape_cast %parallel_loop3A_522 : vector<16xf32> to vector<1x1x16xf32>
      tpu.vector_store %arg5[%parallel_loop3A_524, %parallel_loop3A_525, %parallel_loop3A_526], %parallel_loop3A_529 {strides = array<i32>} : memref<4x4x1024xf32, #tpu.memory_space<vmem>>, vector<1x1x16xf32>,
      %parallel_loop3A_530 = arith.constant 1 : i32
      %parallel_loop3A_531 = arith.index_cast %parallel_loop3A_530 : i32 to index
      %parallel_loop3A_532 = arith.index_cast %parallel_loop3A_506 : i32 to index
      %parallel_loop3A_533 = arith.index_cast %parallel_loop3A_509 : i32 to index
      %parallel_loop3A_534 = tpu.vector_load %arg5[%parallel_loop3A_531, %parallel_loop3A_532, %parallel_loop3A_533] {strides = array<i32>} : memref<4x4x1024xf32, #tpu.memory_space<vmem>>, vector<1x1x16xf32>,
      %parallel_loop3A_535 = vector.shape_cast %parallel_loop3A_534 : vector<1x1x16xf32> to vector<16xf32>
      %parallel_loop3A_536 = arith.addf %parallel_loop3A_535, %parallel_loop3A_515 : vector<16xf32>
      %parallel_loop3A_537 = arith.constant 1 : i32
      %parallel_loop3A_538 = arith.index_cast %parallel_loop3A_537 : i32 to index
      %parallel_loop3A_539 = arith.index_cast %parallel_loop3A_506 : i32 to index
      %parallel_loop3A_540 = arith.index_cast %parallel_loop3A_509 : i32 to index
      %parallel_loop3A_541 = tpu.vector_load %arg5[%parallel_loop3A_538, %parallel_loop3A_539, %parallel_loop3A_540] {strides = array<i32>} : memref<4x4x1024xf32, #tpu.memory_space<vmem>>, vector<1x1x16xf32>,
      %parallel_loop3A_542 = vector.shape_cast %parallel_loop3A_541 : vector<1x1x16xf32> to vector<16xf32>
      %parallel_loop3A_543 = vector.shape_cast %parallel_loop3A_536 : vector<16xf32> to vector<1x1x16xf32>
      tpu.vector_store %arg5[%parallel_loop3A_538, %parallel_loop3A_539, %parallel_loop3A_540], %parallel_loop3A_543 {strides = array<i32>} : memref<4x4x1024xf32, #tpu.memory_space<vmem>>, vector<1x1x16xf32>,
      %parallel_loop3A_544 = arith.constant 2 : i32
      %parallel_loop3A_545 = arith.index_cast %parallel_loop3A_544 : i32 to index
      %parallel_loop3A_546 = arith.index_cast %parallel_loop3A_506 : i32 to index
      %parallel_loop3A_547 = arith.index_cast %parallel_loop3A_509 : i32 to index
      %parallel_loop3A_548 = tpu.vector_load %arg5[%parallel_loop3A_545, %parallel_loop3A_546, %parallel_loop3A_547] {strides = array<i32>} : memref<4x4x1024xf32, #tpu.memory_space<vmem>>, vector<1x1x16xf32>,
      %parallel_loop3A_549 = vector.shape_cast %parallel_loop3A_548 : vector<1x1x16xf32> to vector<16xf32>
      %parallel_loop3A_550 = arith.addf %parallel_loop3A_549, %parallel_loop3A_515 : vector<16xf32>
      %parallel_loop3A_551 = arith.constant 2 : i32
      %parallel_loop3A_552 = arith.index_cast %parallel_loop3A_551 : i32 to index
      %parallel_loop3A_553 = arith.index_cast %parallel_loop3A_506 : i32 to index
      %parallel_loop3A_554 = arith.index_cast %parallel_loop3A_509 : i32 to index
      %parallel_loop3A_555 = tpu.vector_load %arg5[%parallel_loop3A_552, %parallel_loop3A_553, %parallel_loop3A_554] {strides = array<i32>} : memref<4x4x1024xf32, #tpu.memory_space<vmem>>, vector<1x1x16xf32>,
      %parallel_loop3A_556 = vector.shape_cast %parallel_loop3A_555 : vector<1x1x16xf32> to vector<16xf32>
      %parallel_loop3A_557 = vector.shape_cast %parallel_loop3A_550 : vector<16xf32> to vector<1x1x16xf32>
      tpu.vector_store %arg5[%parallel_loop3A_552, %parallel_loop3A_553, %parallel_loop3A_554], %parallel_loop3A_557 {strides = array<i32>} : memref<4x4x1024xf32, #tpu.memory_space<vmem>>, vector<1x1x16xf32>,
      %parallel_loop3A_558 = arith.constant 3 : i32
      %parallel_loop3A_559 = arith.index_cast %parallel_loop3A_558 : i32 to index
      %parallel_loop3A_560 = arith.index_cast %parallel_loop3A_506 : i32 to index
      %parallel_loop3A_561 = arith.index_cast %parallel_loop3A_509 : i32 to index
      %parallel_loop3A_562 = tpu.vector_load %arg5[%parallel_loop3A_559, %parallel_loop3A_560, %parallel_loop3A_561] {strides = array<i32>} : memref<4x4x1024xf32, #tpu.memory_space<vmem>>, vector<1x1x16xf32>,
      %parallel_loop3A_563 = vector.shape_cast %parallel_loop3A_562 : vector<1x1x16xf32> to vector<16xf32>
      %parallel_loop3A_564 = arith.addf %parallel_loop3A_563, %parallel_loop3A_515 : vector<16xf32>
      %parallel_loop3A_565 = arith.constant 3 : i32
      %parallel_loop3A_566 = arith.index_cast %parallel_loop3A_565 : i32 to index
      %parallel_loop3A_567 = arith.index_cast %parallel_loop3A_506 : i32 to index
      %parallel_loop3A_568 = arith.index_cast %parallel_loop3A_509 : i32 to index
      %parallel_loop3A_569 = tpu.vector_load %arg5[%parallel_loop3A_566, %parallel_loop3A_567, %parallel_loop3A_568] {strides = array<i32>} : memref<4x4x1024xf32, #tpu.memory_space<vmem>>, vector<1x1x16xf32>,
      %parallel_loop3A_570 = vector.shape_cast %parallel_loop3A_569 : vector<1x1x16xf32> to vector<16xf32>
      %parallel_loop3A_571 = vector.shape_cast %parallel_loop3A_564 : vector<16xf32> to vector<1x1x16xf32>
      tpu.vector_store %arg5[%parallel_loop3A_566, %parallel_loop3A_567, %parallel_loop3A_568], %parallel_loop3A_571 {strides = array<i32>} : memref<4x4x1024xf32, #tpu.memory_space<vmem>>, vector<1x1x16xf32>,
    } {sc.loop_unroll_factor = 4 : i64, sc.parallel_access}
    %add3A_306 = arith.constant 36 : i32
    %add3A_307 = arith.addi %mul3A_2, %add3A_306 : i32
    %dma_start3A_308 = arith.constant 0 : i32
    %dma_start3A_309 = arith.constant 0 : i32
    %dma_start3A_310 = tpu.memref_slice %arg4[%dma_start3A_308, %add3A_307, %dma_start3A_309] : memref<4x2048x1024xf32, #tpu.memory_space<hbm>> -> memref<4x4x1024xf32, #tpu.memory_space<hbm>>
    %dma_start3A_311 = arith.constant 0 : i32
    %dma_start3A_312 = arith.constant 0 : i32
    %dma_start3A_313 = tpu.memref_slice %arg4[%dma_start3A_311, %add3A_307, %dma_start3A_312] : memref<4x2048x1024xf32, #tpu.memory_space<hbm>> -> memref<4x4x1024xf32, #tpu.memory_space<hbm>>
    tpu.enqueue_dma source(%arg5 : memref<4x4x1024xf32, #tpu.memory_space<vmem>>) target(%dma_start3A_313 : memref<4x4x1024xf32, #tpu.memory_space<hbm>>) target_semaphore(%arg12 : memref<!tpu.dma_semaphore, #tpu.memory_space<semaphore_mem>>)
    %dma_wait3A_314 = arith.constant 0 : i32
    %dma_wait3A_315 = arith.constant 0 : i32
    %dma_wait3A_316 = tpu.memref_slice %arg4[%dma_wait3A_314, %add3A_276, %dma_wait3A_315] : memref<4x2048x1024xf32, #tpu.memory_space<hbm>> -> memref<4x4x1024xf32, #tpu.memory_space<hbm>>
    %dma_wait3A_317 = arith.constant 0 : i32
    %dma_wait3A_318 = arith.constant 0 : i32
    %dma_wait3A_319 = tpu.memref_slice %arg4[%dma_wait3A_317, %add3A_276, %dma_wait3A_318] : memref<4x2048x1024xf32, #tpu.memory_space<hbm>> -> memref<4x4x1024xf32, #tpu.memory_space<hbm>>
    tpu.wait_dma2 semaphore(%arg14 : memref<!tpu.dma_semaphore, #tpu.memory_space<semaphore_mem>>) src(%arg7 : memref<4x4x1024xf32, #tpu.memory_space<vmem>>) dst(%dma_wait3A_319 : memref<4x4x1024xf32, #tpu.memory_space<hbm>>)
    %add3A_320 = arith.constant 44 : i32
    %add3A_321 = arith.addi %mul3A_2, %add3A_320 : i32
    %dma_start3A_322 = arith.constant 0 : i32
    %dma_start3A_323 = arith.constant 0 : i32
    %dma_start3A_324 = tpu.memref_slice %arg2[%dma_start3A_322, %add3A_321, %dma_start3A_323] : memref<4x2048x1024xf32, #tpu.memory_space<hbm>> -> memref<4x4x1024xf32, #tpu.memory_space<hbm>>
    %dma_start3A_325 = arith.constant 0 : i32
    %dma_start3A_326 = arith.constant 0 : i32
    %dma_start3A_327 = tpu.memref_slice %arg2[%dma_start3A_325, %add3A_321, %dma_start3A_326] : memref<4x2048x1024xf32, #tpu.memory_space<hbm>> -> memref<4x4x1024xf32, #tpu.memory_space<hbm>>
    tpu.enqueue_dma source(%dma_start3A_327 : memref<4x4x1024xf32, #tpu.memory_space<hbm>>) target(%arg7 : memref<4x4x1024xf32, #tpu.memory_space<vmem>>) target_semaphore(%arg11 : memref<!tpu.dma_semaphore, #tpu.memory_space<semaphore_mem>>)
    %dma_wait3A_328 = arith.constant 0 : i32
    %dma_wait3A_329 = arith.constant 0 : i32
    %dma_wait3A_330 = tpu.memref_slice %arg2[%dma_wait3A_328, %add3A_290, %dma_wait3A_329] : memref<4x2048x1024xf32, #tpu.memory_space<hbm>> -> memref<4x4x1024xf32, #tpu.memory_space<hbm>>
    %dma_wait3A_331 = arith.constant 0 : i32
    %dma_wait3A_332 = arith.constant 0 : i32
    %dma_wait3A_333 = tpu.memref_slice %arg2[%dma_wait3A_331, %add3A_290, %dma_wait3A_332] : memref<4x2048x1024xf32, #tpu.memory_space<hbm>> -> memref<4x4x1024xf32, #tpu.memory_space<hbm>>
    tpu.wait_dma2 semaphore(%arg10 : memref<!tpu.dma_semaphore, #tpu.memory_space<semaphore_mem>>) src(%dma_wait3A_333 : memref<4x4x1024xf32, #tpu.memory_space<hbm>>) dst(%arg6 : memref<4x4x1024xf32, #tpu.memory_space<vmem>>)
    %parallel_loop3A_334 = arith.constant 0 : i32
    %parallel_loop3A_335 = arith.constant 4096 : i32
    %parallel_loop3A_336 = arith.constant 16 : i32
    scf.for %parallel_loop3A_504 = %parallel_loop3A_334 to %parallel_loop3A_335 step %parallel_loop3A_336  : i32 {
      %parallel_loop3A_505 = arith.constant 10 : i32
      %parallel_loop3A_506 = arith.shrui %parallel_loop3A_504, %parallel_loop3A_505 : i32
      %parallel_loop3A_507 = arith.constant 1023 : i32
      %parallel_loop3A_508 = arith.andi %parallel_loop3A_504, %parallel_loop3A_507 : i32
      %parallel_loop3A_509 = tpu.assume_multiple %parallel_loop3A_508, 16 : i32
      %parallel_loop3A_510 = arith.constant 40 : i32
      %parallel_loop3A_511 = arith.addi %parallel_loop3A_510, %parallel_loop3A_506 : i32
      %parallel_loop3A_512 = arith.index_cast %parallel_loop3A_511 : i32 to index
      %parallel_loop3A_513 = arith.index_cast %parallel_loop3A_509 : i32 to index
      %parallel_loop3A_514 = tpu.vector_load %arg8[%parallel_loop3A_512, %parallel_loop3A_513] {strides = array<i32>} : memref<64x1024xf32, #tpu.memory_space<vmem>>, vector<1x16xf32>,
      %parallel_loop3A_515 = vector.shape_cast %parallel_loop3A_514 : vector<1x16xf32> to vector<16xf32>
      %parallel_loop3A_516 = arith.constant 0 : i32
      %parallel_loop3A_517 = arith.index_cast %parallel_loop3A_516 : i32 to index
      %parallel_loop3A_518 = arith.index_cast %parallel_loop3A_506 : i32 to index
      %parallel_loop3A_519 = arith.index_cast %parallel_loop3A_509 : i32 to index
      %parallel_loop3A_520 = tpu.vector_load %arg6[%parallel_loop3A_517, %parallel_loop3A_518, %parallel_loop3A_519] {strides = array<i32>} : memref<4x4x1024xf32, #tpu.memory_space<vmem>>, vector<1x1x16xf32>,
      %parallel_loop3A_521 = vector.shape_cast %parallel_loop3A_520 : vector<1x1x16xf32> to vector<16xf32>
      %parallel_loop3A_522 = arith.addf %parallel_loop3A_521, %parallel_loop3A_515 : vector<16xf32>
      %parallel_loop3A_523 = arith.constant 0 : i32
      %parallel_loop3A_524 = arith.index_cast %parallel_loop3A_523 : i32 to index
      %parallel_loop3A_525 = arith.index_cast %parallel_loop3A_506 : i32 to index
      %parallel_loop3A_526 = arith.index_cast %parallel_loop3A_509 : i32 to index
      %parallel_loop3A_527 = tpu.vector_load %arg6[%parallel_loop3A_524, %parallel_loop3A_525, %parallel_loop3A_526] {strides = array<i32>} : memref<4x4x1024xf32, #tpu.memory_space<vmem>>, vector<1x1x16xf32>,
      %parallel_loop3A_528 = vector.shape_cast %parallel_loop3A_527 : vector<1x1x16xf32> to vector<16xf32>
      %parallel_loop3A_529 = vector.shape_cast %parallel_loop3A_522 : vector<16xf32> to vector<1x1x16xf32>
      tpu.vector_store %arg6[%parallel_loop3A_524, %parallel_loop3A_525, %parallel_loop3A_526], %parallel_loop3A_529 {strides = array<i32>} : memref<4x4x1024xf32, #tpu.memory_space<vmem>>, vector<1x1x16xf32>,
      %parallel_loop3A_530 = arith.constant 1 : i32
      %parallel_loop3A_531 = arith.index_cast %parallel_loop3A_530 : i32 to index
      %parallel_loop3A_532 = arith.index_cast %parallel_loop3A_506 : i32 to index
      %parallel_loop3A_533 = arith.index_cast %parallel_loop3A_509 : i32 to index
      %parallel_loop3A_534 = tpu.vector_load %arg6[%parallel_loop3A_531, %parallel_loop3A_532, %parallel_loop3A_533] {strides = array<i32>} : memref<4x4x1024xf32, #tpu.memory_space<vmem>>, vector<1x1x16xf32>,
      %parallel_loop3A_535 = vector.shape_cast %parallel_loop3A_534 : vector<1x1x16xf32> to vector<16xf32>
      %parallel_loop3A_536 = arith.addf %parallel_loop3A_535, %parallel_loop3A_515 : vector<16xf32>
      %parallel_loop3A_537 = arith.constant 1 : i32
      %parallel_loop3A_538 = arith.index_cast %parallel_loop3A_537 : i32 to index
      %parallel_loop3A_539 = arith.index_cast %parallel_loop3A_506 : i32 to index
      %parallel_loop3A_540 = arith.index_cast %parallel_loop3A_509 : i32 to index
      %parallel_loop3A_541 = tpu.vector_load %arg6[%parallel_loop3A_538, %parallel_loop3A_539, %parallel_loop3A_540] {strides = array<i32>} : memref<4x4x1024xf32, #tpu.memory_space<vmem>>, vector<1x1x16xf32>,
      %parallel_loop3A_542 = vector.shape_cast %parallel_loop3A_541 : vector<1x1x16xf32> to vector<16xf32>
      %parallel_loop3A_543 = vector.shape_cast %parallel_loop3A_536 : vector<16xf32> to vector<1x1x16xf32>
      tpu.vector_store %arg6[%parallel_loop3A_538, %parallel_loop3A_539, %parallel_loop3A_540], %parallel_loop3A_543 {strides = array<i32>} : memref<4x4x1024xf32, #tpu.memory_space<vmem>>, vector<1x1x16xf32>,
      %parallel_loop3A_544 = arith.constant 2 : i32
      %parallel_loop3A_545 = arith.index_cast %parallel_loop3A_544 : i32 to index
      %parallel_loop3A_546 = arith.index_cast %parallel_loop3A_506 : i32 to index
      %parallel_loop3A_547 = arith.index_cast %parallel_loop3A_509 : i32 to index
      %parallel_loop3A_548 = tpu.vector_load %arg6[%parallel_loop3A_545, %parallel_loop3A_546, %parallel_loop3A_547] {strides = array<i32>} : memref<4x4x1024xf32, #tpu.memory_space<vmem>>, vector<1x1x16xf32>,
      %parallel_loop3A_549 = vector.shape_cast %parallel_loop3A_548 : vector<1x1x16xf32> to vector<16xf32>
      %parallel_loop3A_550 = arith.addf %parallel_loop3A_549, %parallel_loop3A_515 : vector<16xf32>
      %parallel_loop3A_551 = arith.constant 2 : i32
      %parallel_loop3A_552 = arith.index_cast %parallel_loop3A_551 : i32 to index
      %parallel_loop3A_553 = arith.index_cast %parallel_loop3A_506 : i32 to index
      %parallel_loop3A_554 = arith.index_cast %parallel_loop3A_509 : i32 to index
      %parallel_loop3A_555 = tpu.vector_load %arg6[%parallel_loop3A_552, %parallel_loop3A_553, %parallel_loop3A_554] {strides = array<i32>} : memref<4x4x1024xf32, #tpu.memory_space<vmem>>, vector<1x1x16xf32>,
      %parallel_loop3A_556 = vector.shape_cast %parallel_loop3A_555 : vector<1x1x16xf32> to vector<16xf32>
      %parallel_loop3A_557 = vector.shape_cast %parallel_loop3A_550 : vector<16xf32> to vector<1x1x16xf32>
      tpu.vector_store %arg6[%parallel_loop3A_552, %parallel_loop3A_553, %parallel_loop3A_554], %parallel_loop3A_557 {strides = array<i32>} : memref<4x4x1024xf32, #tpu.memory_space<vmem>>, vector<1x1x16xf32>,
      %parallel_loop3A_558 = arith.constant 3 : i32
      %parallel_loop3A_559 = arith.index_cast %parallel_loop3A_558 : i32 to index
      %parallel_loop3A_560 = arith.index_cast %parallel_loop3A_506 : i32 to index
      %parallel_loop3A_561 = arith.index_cast %parallel_loop3A_509 : i32 to index
      %parallel_loop3A_562 = tpu.vector_load %arg6[%parallel_loop3A_559, %parallel_loop3A_560, %parallel_loop3A_561] {strides = array<i32>} : memref<4x4x1024xf32, #tpu.memory_space<vmem>>, vector<1x1x16xf32>,
      %parallel_loop3A_563 = vector.shape_cast %parallel_loop3A_562 : vector<1x1x16xf32> to vector<16xf32>
      %parallel_loop3A_564 = arith.addf %parallel_loop3A_563, %parallel_loop3A_515 : vector<16xf32>
      %parallel_loop3A_565 = arith.constant 3 : i32
      %parallel_loop3A_566 = arith.index_cast %parallel_loop3A_565 : i32 to index
      %parallel_loop3A_567 = arith.index_cast %parallel_loop3A_506 : i32 to index
      %parallel_loop3A_568 = arith.index_cast %parallel_loop3A_509 : i32 to index
      %parallel_loop3A_569 = tpu.vector_load %arg6[%parallel_loop3A_566, %parallel_loop3A_567, %parallel_loop3A_568] {strides = array<i32>} : memref<4x4x1024xf32, #tpu.memory_space<vmem>>, vector<1x1x16xf32>,
      %parallel_loop3A_570 = vector.shape_cast %parallel_loop3A_569 : vector<1x1x16xf32> to vector<16xf32>
      %parallel_loop3A_571 = vector.shape_cast %parallel_loop3A_564 : vector<16xf32> to vector<1x1x16xf32>
      tpu.vector_store %arg6[%parallel_loop3A_566, %parallel_loop3A_567, %parallel_loop3A_568], %parallel_loop3A_571 {strides = array<i32>} : memref<4x4x1024xf32, #tpu.memory_space<vmem>>, vector<1x1x16xf32>,
    } {sc.loop_unroll_factor = 4 : i64, sc.parallel_access}
    %add3A_337 = arith.constant 40 : i32
    %add3A_338 = arith.addi %mul3A_2, %add3A_337 : i32
    %dma_start3A_339 = arith.constant 0 : i32
    %dma_start3A_340 = arith.constant 0 : i32
    %dma_start3A_341 = tpu.memref_slice %arg4[%dma_start3A_339, %add3A_338, %dma_start3A_340] : memref<4x2048x1024xf32, #tpu.memory_space<hbm>> -> memref<4x4x1024xf32, #tpu.memory_space<hbm>>
    %dma_start3A_342 = arith.constant 0 : i32
    %dma_start3A_343 = arith.constant 0 : i32
    %dma_start3A_344 = tpu.memref_slice %arg4[%dma_start3A_342, %add3A_338, %dma_start3A_343] : memref<4x2048x1024xf32, #tpu.memory_space<hbm>> -> memref<4x4x1024xf32, #tpu.memory_space<hbm>>
    tpu.enqueue_dma source(%arg6 : memref<4x4x1024xf32, #tpu.memory_space<vmem>>) target(%dma_start3A_344 : memref<4x4x1024xf32, #tpu.memory_space<hbm>>) target_semaphore(%arg13 : memref<!tpu.dma_semaphore, #tpu.memory_space<semaphore_mem>>)
    %dma_wait3A_345 = arith.constant 0 : i32
    %dma_wait3A_346 = arith.constant 0 : i32
    %dma_wait3A_347 = tpu.memref_slice %arg4[%dma_wait3A_345, %add3A_307, %dma_wait3A_346] : memref<4x2048x1024xf32, #tpu.memory_space<hbm>> -> memref<4x4x1024xf32, #tpu.memory_space<hbm>>
    %dma_wait3A_348 = arith.constant 0 : i32
    %dma_wait3A_349 = arith.constant 0 : i32
    %dma_wait3A_350 = tpu.memref_slice %arg4[%dma_wait3A_348, %add3A_307, %dma_wait3A_349] : memref<4x2048x1024xf32, #tpu.memory_space<hbm>> -> memref<4x4x1024xf32, #tpu.memory_space<hbm>>
    tpu.wait_dma2 semaphore(%arg12 : memref<!tpu.dma_semaphore, #tpu.memory_space<semaphore_mem>>) src(%arg5 : memref<4x4x1024xf32, #tpu.memory_space<vmem>>) dst(%dma_wait3A_350 : memref<4x4x1024xf32, #tpu.memory_space<hbm>>)
    %add3A_351 = arith.constant 48 : i32
    %add3A_352 = arith.addi %mul3A_2, %add3A_351 : i32
    %dma_start3A_353 = arith.constant 0 : i32
    %dma_start3A_354 = arith.constant 0 : i32
    %dma_start3A_355 = tpu.memref_slice %arg2[%dma_start3A_353, %add3A_352, %dma_start3A_354] : memref<4x2048x1024xf32, #tpu.memory_space<hbm>> -> memref<4x4x1024xf32, #tpu.memory_space<hbm>>
    %dma_start3A_356 = arith.constant 0 : i32
    %dma_start3A_357 = arith.constant 0 : i32
    %dma_start3A_358 = tpu.memref_slice %arg2[%dma_start3A_356, %add3A_352, %dma_start3A_357] : memref<4x2048x1024xf32, #tpu.memory_space<hbm>> -> memref<4x4x1024xf32, #tpu.memory_space<hbm>>
    tpu.enqueue_dma source(%dma_start3A_358 : memref<4x4x1024xf32, #tpu.memory_space<hbm>>) target(%arg5 : memref<4x4x1024xf32, #tpu.memory_space<vmem>>) target_semaphore(%arg9 : memref<!tpu.dma_semaphore, #tpu.memory_space<semaphore_mem>>)
    %dma_wait3A_359 = arith.constant 0 : i32
    %dma_wait3A_360 = arith.constant 0 : i32
    %dma_wait3A_361 = tpu.memref_slice %arg2[%dma_wait3A_359, %add3A_321, %dma_wait3A_360] : memref<4x2048x1024xf32, #tpu.memory_space<hbm>> -> memref<4x4x1024xf32, #tpu.memory_space<hbm>>
    %dma_wait3A_362 = arith.constant 0 : i32
    %dma_wait3A_363 = arith.constant 0 : i32
    %dma_wait3A_364 = tpu.memref_slice %arg2[%dma_wait3A_362, %add3A_321, %dma_wait3A_363] : memref<4x2048x1024xf32, #tpu.memory_space<hbm>> -> memref<4x4x1024xf32, #tpu.memory_space<hbm>>
    tpu.wait_dma2 semaphore(%arg11 : memref<!tpu.dma_semaphore, #tpu.memory_space<semaphore_mem>>) src(%dma_wait3A_364 : memref<4x4x1024xf32, #tpu.memory_space<hbm>>) dst(%arg7 : memref<4x4x1024xf32, #tpu.memory_space<vmem>>)
    %parallel_loop3A_365 = arith.constant 0 : i32
    %parallel_loop3A_366 = arith.constant 4096 : i32
    %parallel_loop3A_367 = arith.constant 16 : i32
    scf.for %parallel_loop3A_504 = %parallel_loop3A_365 to %parallel_loop3A_366 step %parallel_loop3A_367  : i32 {
      %parallel_loop3A_505 = arith.constant 10 : i32
      %parallel_loop3A_506 = arith.shrui %parallel_loop3A_504, %parallel_loop3A_505 : i32
      %parallel_loop3A_507 = arith.constant 1023 : i32
      %parallel_loop3A_508 = arith.andi %parallel_loop3A_504, %parallel_loop3A_507 : i32
      %parallel_loop3A_509 = tpu.assume_multiple %parallel_loop3A_508, 16 : i32
      %parallel_loop3A_510 = arith.constant 44 : i32
      %parallel_loop3A_511 = arith.addi %parallel_loop3A_510, %parallel_loop3A_506 : i32
      %parallel_loop3A_512 = arith.index_cast %parallel_loop3A_511 : i32 to index
      %parallel_loop3A_513 = arith.index_cast %parallel_loop3A_509 : i32 to index
      %parallel_loop3A_514 = tpu.vector_load %arg8[%parallel_loop3A_512, %parallel_loop3A_513] {strides = array<i32>} : memref<64x1024xf32, #tpu.memory_space<vmem>>, vector<1x16xf32>,
      %parallel_loop3A_515 = vector.shape_cast %parallel_loop3A_514 : vector<1x16xf32> to vector<16xf32>
      %parallel_loop3A_516 = arith.constant 0 : i32
      %parallel_loop3A_517 = arith.index_cast %parallel_loop3A_516 : i32 to index
      %parallel_loop3A_518 = arith.index_cast %parallel_loop3A_506 : i32 to index
      %parallel_loop3A_519 = arith.index_cast %parallel_loop3A_509 : i32 to index
      %parallel_loop3A_520 = tpu.vector_load %arg7[%parallel_loop3A_517, %parallel_loop3A_518, %parallel_loop3A_519] {strides = array<i32>} : memref<4x4x1024xf32, #tpu.memory_space<vmem>>, vector<1x1x16xf32>,
      %parallel_loop3A_521 = vector.shape_cast %parallel_loop3A_520 : vector<1x1x16xf32> to vector<16xf32>
      %parallel_loop3A_522 = arith.addf %parallel_loop3A_521, %parallel_loop3A_515 : vector<16xf32>
      %parallel_loop3A_523 = arith.constant 0 : i32
      %parallel_loop3A_524 = arith.index_cast %parallel_loop3A_523 : i32 to index
      %parallel_loop3A_525 = arith.index_cast %parallel_loop3A_506 : i32 to index
      %parallel_loop3A_526 = arith.index_cast %parallel_loop3A_509 : i32 to index
      %parallel_loop3A_527 = tpu.vector_load %arg7[%parallel_loop3A_524, %parallel_loop3A_525, %parallel_loop3A_526] {strides = array<i32>} : memref<4x4x1024xf32, #tpu.memory_space<vmem>>, vector<1x1x16xf32>,
      %parallel_loop3A_528 = vector.shape_cast %parallel_loop3A_527 : vector<1x1x16xf32> to vector<16xf32>
      %parallel_loop3A_529 = vector.shape_cast %parallel_loop3A_522 : vector<16xf32> to vector<1x1x16xf32>
      tpu.vector_store %arg7[%parallel_loop3A_524, %parallel_loop3A_525, %parallel_loop3A_526], %parallel_loop3A_529 {strides = array<i32>} : memref<4x4x1024xf32, #tpu.memory_space<vmem>>, vector<1x1x16xf32>,
      %parallel_loop3A_530 = arith.constant 1 : i32
      %parallel_loop3A_531 = arith.index_cast %parallel_loop3A_530 : i32 to index
      %parallel_loop3A_532 = arith.index_cast %parallel_loop3A_506 : i32 to index
      %parallel_loop3A_533 = arith.index_cast %parallel_loop3A_509 : i32 to index
      %parallel_loop3A_534 = tpu.vector_load %arg7[%parallel_loop3A_531, %parallel_loop3A_532, %parallel_loop3A_533] {strides = array<i32>} : memref<4x4x1024xf32, #tpu.memory_space<vmem>>, vector<1x1x16xf32>,
      %parallel_loop3A_535 = vector.shape_cast %parallel_loop3A_534 : vector<1x1x16xf32> to vector<16xf32>
      %parallel_loop3A_536 = arith.addf %parallel_loop3A_535, %parallel_loop3A_515 : vector<16xf32>
      %parallel_loop3A_537 = arith.constant 1 : i32
      %parallel_loop3A_538 = arith.index_cast %parallel_loop3A_537 : i32 to index
      %parallel_loop3A_539 = arith.index_cast %parallel_loop3A_506 : i32 to index
      %parallel_loop3A_540 = arith.index_cast %parallel_loop3A_509 : i32 to index
      %parallel_loop3A_541 = tpu.vector_load %arg7[%parallel_loop3A_538, %parallel_loop3A_539, %parallel_loop3A_540] {strides = array<i32>} : memref<4x4x1024xf32, #tpu.memory_space<vmem>>, vector<1x1x16xf32>,
      %parallel_loop3A_542 = vector.shape_cast %parallel_loop3A_541 : vector<1x1x16xf32> to vector<16xf32>
      %parallel_loop3A_543 = vector.shape_cast %parallel_loop3A_536 : vector<16xf32> to vector<1x1x16xf32>
      tpu.vector_store %arg7[%parallel_loop3A_538, %parallel_loop3A_539, %parallel_loop3A_540], %parallel_loop3A_543 {strides = array<i32>} : memref<4x4x1024xf32, #tpu.memory_space<vmem>>, vector<1x1x16xf32>,
      %parallel_loop3A_544 = arith.constant 2 : i32
      %parallel_loop3A_545 = arith.index_cast %parallel_loop3A_544 : i32 to index
      %parallel_loop3A_546 = arith.index_cast %parallel_loop3A_506 : i32 to index
      %parallel_loop3A_547 = arith.index_cast %parallel_loop3A_509 : i32 to index
      %parallel_loop3A_548 = tpu.vector_load %arg7[%parallel_loop3A_545, %parallel_loop3A_546, %parallel_loop3A_547] {strides = array<i32>} : memref<4x4x1024xf32, #tpu.memory_space<vmem>>, vector<1x1x16xf32>,
      %parallel_loop3A_549 = vector.shape_cast %parallel_loop3A_548 : vector<1x1x16xf32> to vector<16xf32>
      %parallel_loop3A_550 = arith.addf %parallel_loop3A_549, %parallel_loop3A_515 : vector<16xf32>
      %parallel_loop3A_551 = arith.constant 2 : i32
      %parallel_loop3A_552 = arith.index_cast %parallel_loop3A_551 : i32 to index
      %parallel_loop3A_553 = arith.index_cast %parallel_loop3A_506 : i32 to index
      %parallel_loop3A_554 = arith.index_cast %parallel_loop3A_509 : i32 to index
      %parallel_loop3A_555 = tpu.vector_load %arg7[%parallel_loop3A_552, %parallel_loop3A_553, %parallel_loop3A_554] {strides = array<i32>} : memref<4x4x1024xf32, #tpu.memory_space<vmem>>, vector<1x1x16xf32>,
      %parallel_loop3A_556 = vector.shape_cast %parallel_loop3A_555 : vector<1x1x16xf32> to vector<16xf32>
      %parallel_loop3A_557 = vector.shape_cast %parallel_loop3A_550 : vector<16xf32> to vector<1x1x16xf32>
      tpu.vector_store %arg7[%parallel_loop3A_552, %parallel_loop3A_553, %parallel_loop3A_554], %parallel_loop3A_557 {strides = array<i32>} : memref<4x4x1024xf32, #tpu.memory_space<vmem>>, vector<1x1x16xf32>,
      %parallel_loop3A_558 = arith.constant 3 : i32
      %parallel_loop3A_559 = arith.index_cast %parallel_loop3A_558 : i32 to index
      %parallel_loop3A_560 = arith.index_cast %parallel_loop3A_506 : i32 to index
      %parallel_loop3A_561 = arith.index_cast %parallel_loop3A_509 : i32 to index
      %parallel_loop3A_562 = tpu.vector_load %arg7[%parallel_loop3A_559, %parallel_loop3A_560, %parallel_loop3A_561] {strides = array<i32>} : memref<4x4x1024xf32, #tpu.memory_space<vmem>>, vector<1x1x16xf32>,
      %parallel_loop3A_563 = vector.shape_cast %parallel_loop3A_562 : vector<1x1x16xf32> to vector<16xf32>
      %parallel_loop3A_564 = arith.addf %parallel_loop3A_563, %parallel_loop3A_515 : vector<16xf32>
      %parallel_loop3A_565 = arith.constant 3 : i32
      %parallel_loop3A_566 = arith.index_cast %parallel_loop3A_565 : i32 to index
      %parallel_loop3A_567 = arith.index_cast %parallel_loop3A_506 : i32 to index
      %parallel_loop3A_568 = arith.index_cast %parallel_loop3A_509 : i32 to index
      %parallel_loop3A_569 = tpu.vector_load %arg7[%parallel_loop3A_566, %parallel_loop3A_567, %parallel_loop3A_568] {strides = array<i32>} : memref<4x4x1024xf32, #tpu.memory_space<vmem>>, vector<1x1x16xf32>,
      %parallel_loop3A_570 = vector.shape_cast %parallel_loop3A_569 : vector<1x1x16xf32> to vector<16xf32>
      %parallel_loop3A_571 = vector.shape_cast %parallel_loop3A_564 : vector<16xf32> to vector<1x1x16xf32>
      tpu.vector_store %arg7[%parallel_loop3A_566, %parallel_loop3A_567, %parallel_loop3A_568], %parallel_loop3A_571 {strides = array<i32>} : memref<4x4x1024xf32, #tpu.memory_space<vmem>>, vector<1x1x16xf32>,
    } {sc.loop_unroll_factor = 4 : i64, sc.parallel_access}
    %add3A_368 = arith.constant 44 : i32
    %add3A_369 = arith.addi %mul3A_2, %add3A_368 : i32
    %dma_start3A_370 = arith.constant 0 : i32
    %dma_start3A_371 = arith.constant 0 : i32
    %dma_start3A_372 = tpu.memref_slice %arg4[%dma_start3A_370, %add3A_369, %dma_start3A_371] : memref<4x2048x1024xf32, #tpu.memory_space<hbm>> -> memref<4x4x1024xf32, #tpu.memory_space<hbm>>
    %dma_start3A_373 = arith.constant 0 : i32
    %dma_start3A_374 = arith.constant 0 : i32
    %dma_start3A_375 = tpu.memref_slice %arg4[%dma_start3A_373, %add3A_369, %dma_start3A_374] : memref<4x2048x1024xf32, #tpu.memory_space<hbm>> -> memref<4x4x1024xf32, #tpu.memory_space<hbm>>
    tpu.enqueue_dma source(%arg7 : memref<4x4x1024xf32, #tpu.memory_space<vmem>>) target(%dma_start3A_375 : memref<4x4x1024xf32, #tpu.memory_space<hbm>>) target_semaphore(%arg14 : memref<!tpu.dma_semaphore, #tpu.memory_space<semaphore_mem>>)
    %dma_wait3A_376 = arith.constant 0 : i32
    %dma_wait3A_377 = arith.constant 0 : i32
    %dma_wait3A_378 = tpu.memref_slice %arg4[%dma_wait3A_376, %add3A_338, %dma_wait3A_377] : memref<4x2048x1024xf32, #tpu.memory_space<hbm>> -> memref<4x4x1024xf32, #tpu.memory_space<hbm>>
    %dma_wait3A_379 = arith.constant 0 : i32
    %dma_wait3A_380 = arith.constant 0 : i32
    %dma_wait3A_381 = tpu.memref_slice %arg4[%dma_wait3A_379, %add3A_338, %dma_wait3A_380] : memref<4x2048x1024xf32, #tpu.memory_space<hbm>> -> memref<4x4x1024xf32, #tpu.memory_space<hbm>>
    tpu.wait_dma2 semaphore(%arg13 : memref<!tpu.dma_semaphore, #tpu.memory_space<semaphore_mem>>) src(%arg6 : memref<4x4x1024xf32, #tpu.memory_space<vmem>>) dst(%dma_wait3A_381 : memref<4x4x1024xf32, #tpu.memory_space<hbm>>)
    %add3A_382 = arith.constant 52 : i32
    %add3A_383 = arith.addi %mul3A_2, %add3A_382 : i32
    %dma_start3A_384 = arith.constant 0 : i32
    %dma_start3A_385 = arith.constant 0 : i32
    %dma_start3A_386 = tpu.memref_slice %arg2[%dma_start3A_384, %add3A_383, %dma_start3A_385] : memref<4x2048x1024xf32, #tpu.memory_space<hbm>> -> memref<4x4x1024xf32, #tpu.memory_space<hbm>>
    %dma_start3A_387 = arith.constant 0 : i32
    %dma_start3A_388 = arith.constant 0 : i32
    %dma_start3A_389 = tpu.memref_slice %arg2[%dma_start3A_387, %add3A_383, %dma_start3A_388] : memref<4x2048x1024xf32, #tpu.memory_space<hbm>> -> memref<4x4x1024xf32, #tpu.memory_space<hbm>>
    tpu.enqueue_dma source(%dma_start3A_389 : memref<4x4x1024xf32, #tpu.memory_space<hbm>>) target(%arg6 : memref<4x4x1024xf32, #tpu.memory_space<vmem>>) target_semaphore(%arg10 : memref<!tpu.dma_semaphore, #tpu.memory_space<semaphore_mem>>)
    %dma_wait3A_390 = arith.constant 0 : i32
    %dma_wait3A_391 = arith.constant 0 : i32
    %dma_wait3A_392 = tpu.memref_slice %arg2[%dma_wait3A_390, %add3A_352, %dma_wait3A_391] : memref<4x2048x1024xf32, #tpu.memory_space<hbm>> -> memref<4x4x1024xf32, #tpu.memory_space<hbm>>
    %dma_wait3A_393 = arith.constant 0 : i32
    %dma_wait3A_394 = arith.constant 0 : i32
    %dma_wait3A_395 = tpu.memref_slice %arg2[%dma_wait3A_393, %add3A_352, %dma_wait3A_394] : memref<4x2048x1024xf32, #tpu.memory_space<hbm>> -> memref<4x4x1024xf32, #tpu.memory_space<hbm>>
    tpu.wait_dma2 semaphore(%arg9 : memref<!tpu.dma_semaphore, #tpu.memory_space<semaphore_mem>>) src(%dma_wait3A_395 : memref<4x4x1024xf32, #tpu.memory_space<hbm>>) dst(%arg5 : memref<4x4x1024xf32, #tpu.memory_space<vmem>>)
    %parallel_loop3A_396 = arith.constant 0 : i32
    %parallel_loop3A_397 = arith.constant 4096 : i32
    %parallel_loop3A_398 = arith.constant 16 : i32
    scf.for %parallel_loop3A_504 = %parallel_loop3A_396 to %parallel_loop3A_397 step %parallel_loop3A_398  : i32 {
      %parallel_loop3A_505 = arith.constant 10 : i32
      %parallel_loop3A_506 = arith.shrui %parallel_loop3A_504, %parallel_loop3A_505 : i32
      %parallel_loop3A_507 = arith.constant 1023 : i32
      %parallel_loop3A_508 = arith.andi %parallel_loop3A_504, %parallel_loop3A_507 : i32
      %parallel_loop3A_509 = tpu.assume_multiple %parallel_loop3A_508, 16 : i32
      %parallel_loop3A_510 = arith.constant 48 : i32
      %parallel_loop3A_511 = arith.addi %parallel_loop3A_510, %parallel_loop3A_506 : i32
      %parallel_loop3A_512 = arith.index_cast %parallel_loop3A_511 : i32 to index
      %parallel_loop3A_513 = arith.index_cast %parallel_loop3A_509 : i32 to index
      %parallel_loop3A_514 = tpu.vector_load %arg8[%parallel_loop3A_512, %parallel_loop3A_513] {strides = array<i32>} : memref<64x1024xf32, #tpu.memory_space<vmem>>, vector<1x16xf32>,
      %parallel_loop3A_515 = vector.shape_cast %parallel_loop3A_514 : vector<1x16xf32> to vector<16xf32>
      %parallel_loop3A_516 = arith.constant 0 : i32
      %parallel_loop3A_517 = arith.index_cast %parallel_loop3A_516 : i32 to index
      %parallel_loop3A_518 = arith.index_cast %parallel_loop3A_506 : i32 to index
      %parallel_loop3A_519 = arith.index_cast %parallel_loop3A_509 : i32 to index
      %parallel_loop3A_520 = tpu.vector_load %arg5[%parallel_loop3A_517, %parallel_loop3A_518, %parallel_loop3A_519] {strides = array<i32>} : memref<4x4x1024xf32, #tpu.memory_space<vmem>>, vector<1x1x16xf32>,
      %parallel_loop3A_521 = vector.shape_cast %parallel_loop3A_520 : vector<1x1x16xf32> to vector<16xf32>
      %parallel_loop3A_522 = arith.addf %parallel_loop3A_521, %parallel_loop3A_515 : vector<16xf32>
      %parallel_loop3A_523 = arith.constant 0 : i32
      %parallel_loop3A_524 = arith.index_cast %parallel_loop3A_523 : i32 to index
      %parallel_loop3A_525 = arith.index_cast %parallel_loop3A_506 : i32 to index
      %parallel_loop3A_526 = arith.index_cast %parallel_loop3A_509 : i32 to index
      %parallel_loop3A_527 = tpu.vector_load %arg5[%parallel_loop3A_524, %parallel_loop3A_525, %parallel_loop3A_526] {strides = array<i32>} : memref<4x4x1024xf32, #tpu.memory_space<vmem>>, vector<1x1x16xf32>,
      %parallel_loop3A_528 = vector.shape_cast %parallel_loop3A_527 : vector<1x1x16xf32> to vector<16xf32>
      %parallel_loop3A_529 = vector.shape_cast %parallel_loop3A_522 : vector<16xf32> to vector<1x1x16xf32>
      tpu.vector_store %arg5[%parallel_loop3A_524, %parallel_loop3A_525, %parallel_loop3A_526], %parallel_loop3A_529 {strides = array<i32>} : memref<4x4x1024xf32, #tpu.memory_space<vmem>>, vector<1x1x16xf32>,
      %parallel_loop3A_530 = arith.constant 1 : i32
      %parallel_loop3A_531 = arith.index_cast %parallel_loop3A_530 : i32 to index
      %parallel_loop3A_532 = arith.index_cast %parallel_loop3A_506 : i32 to index
      %parallel_loop3A_533 = arith.index_cast %parallel_loop3A_509 : i32 to index
      %parallel_loop3A_534 = tpu.vector_load %arg5[%parallel_loop3A_531, %parallel_loop3A_532, %parallel_loop3A_533] {strides = array<i32>} : memref<4x4x1024xf32, #tpu.memory_space<vmem>>, vector<1x1x16xf32>,
      %parallel_loop3A_535 = vector.shape_cast %parallel_loop3A_534 : vector<1x1x16xf32> to vector<16xf32>
      %parallel_loop3A_536 = arith.addf %parallel_loop3A_535, %parallel_loop3A_515 : vector<16xf32>
      %parallel_loop3A_537 = arith.constant 1 : i32
      %parallel_loop3A_538 = arith.index_cast %parallel_loop3A_537 : i32 to index
      %parallel_loop3A_539 = arith.index_cast %parallel_loop3A_506 : i32 to index
      %parallel_loop3A_540 = arith.index_cast %parallel_loop3A_509 : i32 to index
      %parallel_loop3A_541 = tpu.vector_load %arg5[%parallel_loop3A_538, %parallel_loop3A_539, %parallel_loop3A_540] {strides = array<i32>} : memref<4x4x1024xf32, #tpu.memory_space<vmem>>, vector<1x1x16xf32>,
      %parallel_loop3A_542 = vector.shape_cast %parallel_loop3A_541 : vector<1x1x16xf32> to vector<16xf32>
      %parallel_loop3A_543 = vector.shape_cast %parallel_loop3A_536 : vector<16xf32> to vector<1x1x16xf32>
      tpu.vector_store %arg5[%parallel_loop3A_538, %parallel_loop3A_539, %parallel_loop3A_540], %parallel_loop3A_543 {strides = array<i32>} : memref<4x4x1024xf32, #tpu.memory_space<vmem>>, vector<1x1x16xf32>,
      %parallel_loop3A_544 = arith.constant 2 : i32
      %parallel_loop3A_545 = arith.index_cast %parallel_loop3A_544 : i32 to index
      %parallel_loop3A_546 = arith.index_cast %parallel_loop3A_506 : i32 to index
      %parallel_loop3A_547 = arith.index_cast %parallel_loop3A_509 : i32 to index
      %parallel_loop3A_548 = tpu.vector_load %arg5[%parallel_loop3A_545, %parallel_loop3A_546, %parallel_loop3A_547] {strides = array<i32>} : memref<4x4x1024xf32, #tpu.memory_space<vmem>>, vector<1x1x16xf32>,
      %parallel_loop3A_549 = vector.shape_cast %parallel_loop3A_548 : vector<1x1x16xf32> to vector<16xf32>
      %parallel_loop3A_550 = arith.addf %parallel_loop3A_549, %parallel_loop3A_515 : vector<16xf32>
      %parallel_loop3A_551 = arith.constant 2 : i32
      %parallel_loop3A_552 = arith.index_cast %parallel_loop3A_551 : i32 to index
      %parallel_loop3A_553 = arith.index_cast %parallel_loop3A_506 : i32 to index
      %parallel_loop3A_554 = arith.index_cast %parallel_loop3A_509 : i32 to index
      %parallel_loop3A_555 = tpu.vector_load %arg5[%parallel_loop3A_552, %parallel_loop3A_553, %parallel_loop3A_554] {strides = array<i32>} : memref<4x4x1024xf32, #tpu.memory_space<vmem>>, vector<1x1x16xf32>,
      %parallel_loop3A_556 = vector.shape_cast %parallel_loop3A_555 : vector<1x1x16xf32> to vector<16xf32>
      %parallel_loop3A_557 = vector.shape_cast %parallel_loop3A_550 : vector<16xf32> to vector<1x1x16xf32>
      tpu.vector_store %arg5[%parallel_loop3A_552, %parallel_loop3A_553, %parallel_loop3A_554], %parallel_loop3A_557 {strides = array<i32>} : memref<4x4x1024xf32, #tpu.memory_space<vmem>>, vector<1x1x16xf32>,
      %parallel_loop3A_558 = arith.constant 3 : i32
      %parallel_loop3A_559 = arith.index_cast %parallel_loop3A_558 : i32 to index
      %parallel_loop3A_560 = arith.index_cast %parallel_loop3A_506 : i32 to index
      %parallel_loop3A_561 = arith.index_cast %parallel_loop3A_509 : i32 to index
      %parallel_loop3A_562 = tpu.vector_load %arg5[%parallel_loop3A_559, %parallel_loop3A_560, %parallel_loop3A_561] {strides = array<i32>} : memref<4x4x1024xf32, #tpu.memory_space<vmem>>, vector<1x1x16xf32>,
      %parallel_loop3A_563 = vector.shape_cast %parallel_loop3A_562 : vector<1x1x16xf32> to vector<16xf32>
      %parallel_loop3A_564 = arith.addf %parallel_loop3A_563, %parallel_loop3A_515 : vector<16xf32>
      %parallel_loop3A_565 = arith.constant 3 : i32
      %parallel_loop3A_566 = arith.index_cast %parallel_loop3A_565 : i32 to index
      %parallel_loop3A_567 = arith.index_cast %parallel_loop3A_506 : i32 to index
      %parallel_loop3A_568 = arith.index_cast %parallel_loop3A_509 : i32 to index
      %parallel_loop3A_569 = tpu.vector_load %arg5[%parallel_loop3A_566, %parallel_loop3A_567, %parallel_loop3A_568] {strides = array<i32>} : memref<4x4x1024xf32, #tpu.memory_space<vmem>>, vector<1x1x16xf32>,
      %parallel_loop3A_570 = vector.shape_cast %parallel_loop3A_569 : vector<1x1x16xf32> to vector<16xf32>
      %parallel_loop3A_571 = vector.shape_cast %parallel_loop3A_564 : vector<16xf32> to vector<1x1x16xf32>
      tpu.vector_store %arg5[%parallel_loop3A_566, %parallel_loop3A_567, %parallel_loop3A_568], %parallel_loop3A_571 {strides = array<i32>} : memref<4x4x1024xf32, #tpu.memory_space<vmem>>, vector<1x1x16xf32>,
    } {sc.loop_unroll_factor = 4 : i64, sc.parallel_access}
    %add3A_399 = arith.constant 48 : i32
    %add3A_400 = arith.addi %mul3A_2, %add3A_399 : i32
    %dma_start3A_401 = arith.constant 0 : i32
    %dma_start3A_402 = arith.constant 0 : i32
    %dma_start3A_403 = tpu.memref_slice %arg4[%dma_start3A_401, %add3A_400, %dma_start3A_402] : memref<4x2048x1024xf32, #tpu.memory_space<hbm>> -> memref<4x4x1024xf32, #tpu.memory_space<hbm>>
    %dma_start3A_404 = arith.constant 0 : i32
    %dma_start3A_405 = arith.constant 0 : i32
    %dma_start3A_406 = tpu.memref_slice %arg4[%dma_start3A_404, %add3A_400, %dma_start3A_405] : memref<4x2048x1024xf32, #tpu.memory_space<hbm>> -> memref<4x4x1024xf32, #tpu.memory_space<hbm>>
    tpu.enqueue_dma source(%arg5 : memref<4x4x1024xf32, #tpu.memory_space<vmem>>) target(%dma_start3A_406 : memref<4x4x1024xf32, #tpu.memory_space<hbm>>) target_semaphore(%arg12 : memref<!tpu.dma_semaphore, #tpu.memory_space<semaphore_mem>>)
    %dma_wait3A_407 = arith.constant 0 : i32
    %dma_wait3A_408 = arith.constant 0 : i32
    %dma_wait3A_409 = tpu.memref_slice %arg4[%dma_wait3A_407, %add3A_369, %dma_wait3A_408] : memref<4x2048x1024xf32, #tpu.memory_space<hbm>> -> memref<4x4x1024xf32, #tpu.memory_space<hbm>>
    %dma_wait3A_410 = arith.constant 0 : i32
    %dma_wait3A_411 = arith.constant 0 : i32
    %dma_wait3A_412 = tpu.memref_slice %arg4[%dma_wait3A_410, %add3A_369, %dma_wait3A_411] : memref<4x2048x1024xf32, #tpu.memory_space<hbm>> -> memref<4x4x1024xf32, #tpu.memory_space<hbm>>
    tpu.wait_dma2 semaphore(%arg14 : memref<!tpu.dma_semaphore, #tpu.memory_space<semaphore_mem>>) src(%arg7 : memref<4x4x1024xf32, #tpu.memory_space<vmem>>) dst(%dma_wait3A_412 : memref<4x4x1024xf32, #tpu.memory_space<hbm>>)
    %add3A_413 = arith.constant 56 : i32
    %add3A_414 = arith.addi %mul3A_2, %add3A_413 : i32
    %dma_start3A_415 = arith.constant 0 : i32
    %dma_start3A_416 = arith.constant 0 : i32
    %dma_start3A_417 = tpu.memref_slice %arg2[%dma_start3A_415, %add3A_414, %dma_start3A_416] : memref<4x2048x1024xf32, #tpu.memory_space<hbm>> -> memref<4x4x1024xf32, #tpu.memory_space<hbm>>
    %dma_start3A_418 = arith.constant 0 : i32
    %dma_start3A_419 = arith.constant 0 : i32
    %dma_start3A_420 = tpu.memref_slice %arg2[%dma_start3A_418, %add3A_414, %dma_start3A_419] : memref<4x2048x1024xf32, #tpu.memory_space<hbm>> -> memref<4x4x1024xf32, #tpu.memory_space<hbm>>
    tpu.enqueue_dma source(%dma_start3A_420 : memref<4x4x1024xf32, #tpu.memory_space<hbm>>) target(%arg7 : memref<4x4x1024xf32, #tpu.memory_space<vmem>>) target_semaphore(%arg11 : memref<!tpu.dma_semaphore, #tpu.memory_space<semaphore_mem>>)
    %dma_wait3A_421 = arith.constant 0 : i32
    %dma_wait3A_422 = arith.constant 0 : i32
    %dma_wait3A_423 = tpu.memref_slice %arg2[%dma_wait3A_421, %add3A_383, %dma_wait3A_422] : memref<4x2048x1024xf32, #tpu.memory_space<hbm>> -> memref<4x4x1024xf32, #tpu.memory_space<hbm>>
    %dma_wait3A_424 = arith.constant 0 : i32
    %dma_wait3A_425 = arith.constant 0 : i32
    %dma_wait3A_426 = tpu.memref_slice %arg2[%dma_wait3A_424, %add3A_383, %dma_wait3A_425] : memref<4x2048x1024xf32, #tpu.memory_space<hbm>> -> memref<4x4x1024xf32, #tpu.memory_space<hbm>>
    tpu.wait_dma2 semaphore(%arg10 : memref<!tpu.dma_semaphore, #tpu.memory_space<semaphore_mem>>) src(%dma_wait3A_426 : memref<4x4x1024xf32, #tpu.memory_space<hbm>>) dst(%arg6 : memref<4x4x1024xf32, #tpu.memory_space<vmem>>)
    %parallel_loop3A_427 = arith.constant 0 : i32
    %parallel_loop3A_428 = arith.constant 4096 : i32
    %parallel_loop3A_429 = arith.constant 16 : i32
    scf.for %parallel_loop3A_504 = %parallel_loop3A_427 to %parallel_loop3A_428 step %parallel_loop3A_429  : i32 {
      %parallel_loop3A_505 = arith.constant 10 : i32
      %parallel_loop3A_506 = arith.shrui %parallel_loop3A_504, %parallel_loop3A_505 : i32
      %parallel_loop3A_507 = arith.constant 1023 : i32
      %parallel_loop3A_508 = arith.andi %parallel_loop3A_504, %parallel_loop3A_507 : i32
      %parallel_loop3A_509 = tpu.assume_multiple %parallel_loop3A_508, 16 : i32
      %parallel_loop3A_510 = arith.constant 52 : i32
      %parallel_loop3A_511 = arith.addi %parallel_loop3A_510, %parallel_loop3A_506 : i32
      %parallel_loop3A_512 = arith.index_cast %parallel_loop3A_511 : i32 to index
      %parallel_loop3A_513 = arith.index_cast %parallel_loop3A_509 : i32 to index
      %parallel_loop3A_514 = tpu.vector_load %arg8[%parallel_loop3A_512, %parallel_loop3A_513] {strides = array<i32>} : memref<64x1024xf32, #tpu.memory_space<vmem>>, vector<1x16xf32>,
      %parallel_loop3A_515 = vector.shape_cast %parallel_loop3A_514 : vector<1x16xf32> to vector<16xf32>
      %parallel_loop3A_516 = arith.constant 0 : i32
      %parallel_loop3A_517 = arith.index_cast %parallel_loop3A_516 : i32 to index
      %parallel_loop3A_518 = arith.index_cast %parallel_loop3A_506 : i32 to index
      %parallel_loop3A_519 = arith.index_cast %parallel_loop3A_509 : i32 to index
      %parallel_loop3A_520 = tpu.vector_load %arg6[%parallel_loop3A_517, %parallel_loop3A_518, %parallel_loop3A_519] {strides = array<i32>} : memref<4x4x1024xf32, #tpu.memory_space<vmem>>, vector<1x1x16xf32>,
      %parallel_loop3A_521 = vector.shape_cast %parallel_loop3A_520 : vector<1x1x16xf32> to vector<16xf32>
      %parallel_loop3A_522 = arith.addf %parallel_loop3A_521, %parallel_loop3A_515 : vector<16xf32>
      %parallel_loop3A_523 = arith.constant 0 : i32
      %parallel_loop3A_524 = arith.index_cast %parallel_loop3A_523 : i32 to index
      %parallel_loop3A_525 = arith.index_cast %parallel_loop3A_506 : i32 to index
      %parallel_loop3A_526 = arith.index_cast %parallel_loop3A_509 : i32 to index
      %parallel_loop3A_527 = tpu.vector_load %arg6[%parallel_loop3A_524, %parallel_loop3A_525, %parallel_loop3A_526] {strides = array<i32>} : memref<4x4x1024xf32, #tpu.memory_space<vmem>>, vector<1x1x16xf32>,
      %parallel_loop3A_528 = vector.shape_cast %parallel_loop3A_527 : vector<1x1x16xf32> to vector<16xf32>
      %parallel_loop3A_529 = vector.shape_cast %parallel_loop3A_522 : vector<16xf32> to vector<1x1x16xf32>
      tpu.vector_store %arg6[%parallel_loop3A_524, %parallel_loop3A_525, %parallel_loop3A_526], %parallel_loop3A_529 {strides = array<i32>} : memref<4x4x1024xf32, #tpu.memory_space<vmem>>, vector<1x1x16xf32>,
      %parallel_loop3A_530 = arith.constant 1 : i32
      %parallel_loop3A_531 = arith.index_cast %parallel_loop3A_530 : i32 to index
      %parallel_loop3A_532 = arith.index_cast %parallel_loop3A_506 : i32 to index
      %parallel_loop3A_533 = arith.index_cast %parallel_loop3A_509 : i32 to index
      %parallel_loop3A_534 = tpu.vector_load %arg6[%parallel_loop3A_531, %parallel_loop3A_532, %parallel_loop3A_533] {strides = array<i32>} : memref<4x4x1024xf32, #tpu.memory_space<vmem>>, vector<1x1x16xf32>,
      %parallel_loop3A_535 = vector.shape_cast %parallel_loop3A_534 : vector<1x1x16xf32> to vector<16xf32>
      %parallel_loop3A_536 = arith.addf %parallel_loop3A_535, %parallel_loop3A_515 : vector<16xf32>
      %parallel_loop3A_537 = arith.constant 1 : i32
      %parallel_loop3A_538 = arith.index_cast %parallel_loop3A_537 : i32 to index
      %parallel_loop3A_539 = arith.index_cast %parallel_loop3A_506 : i32 to index
      %parallel_loop3A_540 = arith.index_cast %parallel_loop3A_509 : i32 to index
      %parallel_loop3A_541 = tpu.vector_load %arg6[%parallel_loop3A_538, %parallel_loop3A_539, %parallel_loop3A_540] {strides = array<i32>} : memref<4x4x1024xf32, #tpu.memory_space<vmem>>, vector<1x1x16xf32>,
      %parallel_loop3A_542 = vector.shape_cast %parallel_loop3A_541 : vector<1x1x16xf32> to vector<16xf32>
      %parallel_loop3A_543 = vector.shape_cast %parallel_loop3A_536 : vector<16xf32> to vector<1x1x16xf32>
      tpu.vector_store %arg6[%parallel_loop3A_538, %parallel_loop3A_539, %parallel_loop3A_540], %parallel_loop3A_543 {strides = array<i32>} : memref<4x4x1024xf32, #tpu.memory_space<vmem>>, vector<1x1x16xf32>,
      %parallel_loop3A_544 = arith.constant 2 : i32
      %parallel_loop3A_545 = arith.index_cast %parallel_loop3A_544 : i32 to index
      %parallel_loop3A_546 = arith.index_cast %parallel_loop3A_506 : i32 to index
      %parallel_loop3A_547 = arith.index_cast %parallel_loop3A_509 : i32 to index
      %parallel_loop3A_548 = tpu.vector_load %arg6[%parallel_loop3A_545, %parallel_loop3A_546, %parallel_loop3A_547] {strides = array<i32>} : memref<4x4x1024xf32, #tpu.memory_space<vmem>>, vector<1x1x16xf32>,
      %parallel_loop3A_549 = vector.shape_cast %parallel_loop3A_548 : vector<1x1x16xf32> to vector<16xf32>
      %parallel_loop3A_550 = arith.addf %parallel_loop3A_549, %parallel_loop3A_515 : vector<16xf32>
      %parallel_loop3A_551 = arith.constant 2 : i32
      %parallel_loop3A_552 = arith.index_cast %parallel_loop3A_551 : i32 to index
      %parallel_loop3A_553 = arith.index_cast %parallel_loop3A_506 : i32 to index
      %parallel_loop3A_554 = arith.index_cast %parallel_loop3A_509 : i32 to index
      %parallel_loop3A_555 = tpu.vector_load %arg6[%parallel_loop3A_552, %parallel_loop3A_553, %parallel_loop3A_554] {strides = array<i32>} : memref<4x4x1024xf32, #tpu.memory_space<vmem>>, vector<1x1x16xf32>,
      %parallel_loop3A_556 = vector.shape_cast %parallel_loop3A_555 : vector<1x1x16xf32> to vector<16xf32>
      %parallel_loop3A_557 = vector.shape_cast %parallel_loop3A_550 : vector<16xf32> to vector<1x1x16xf32>
      tpu.vector_store %arg6[%parallel_loop3A_552, %parallel_loop3A_553, %parallel_loop3A_554], %parallel_loop3A_557 {strides = array<i32>} : memref<4x4x1024xf32, #tpu.memory_space<vmem>>, vector<1x1x16xf32>,
      %parallel_loop3A_558 = arith.constant 3 : i32
      %parallel_loop3A_559 = arith.index_cast %parallel_loop3A_558 : i32 to index
      %parallel_loop3A_560 = arith.index_cast %parallel_loop3A_506 : i32 to index
      %parallel_loop3A_561 = arith.index_cast %parallel_loop3A_509 : i32 to index
      %parallel_loop3A_562 = tpu.vector_load %arg6[%parallel_loop3A_559, %parallel_loop3A_560, %parallel_loop3A_561] {strides = array<i32>} : memref<4x4x1024xf32, #tpu.memory_space<vmem>>, vector<1x1x16xf32>,
      %parallel_loop3A_563 = vector.shape_cast %parallel_loop3A_562 : vector<1x1x16xf32> to vector<16xf32>
      %parallel_loop3A_564 = arith.addf %parallel_loop3A_563, %parallel_loop3A_515 : vector<16xf32>
      %parallel_loop3A_565 = arith.constant 3 : i32
      %parallel_loop3A_566 = arith.index_cast %parallel_loop3A_565 : i32 to index
      %parallel_loop3A_567 = arith.index_cast %parallel_loop3A_506 : i32 to index
      %parallel_loop3A_568 = arith.index_cast %parallel_loop3A_509 : i32 to index
      %parallel_loop3A_569 = tpu.vector_load %arg6[%parallel_loop3A_566, %parallel_loop3A_567, %parallel_loop3A_568] {strides = array<i32>} : memref<4x4x1024xf32, #tpu.memory_space<vmem>>, vector<1x1x16xf32>,
      %parallel_loop3A_570 = vector.shape_cast %parallel_loop3A_569 : vector<1x1x16xf32> to vector<16xf32>
      %parallel_loop3A_571 = vector.shape_cast %parallel_loop3A_564 : vector<16xf32> to vector<1x1x16xf32>
      tpu.vector_store %arg6[%parallel_loop3A_566, %parallel_loop3A_567, %parallel_loop3A_568], %parallel_loop3A_571 {strides = array<i32>} : memref<4x4x1024xf32, #tpu.memory_space<vmem>>, vector<1x1x16xf32>,
    } {sc.loop_unroll_factor = 4 : i64, sc.parallel_access}
    %add3A_430 = arith.constant 52 : i32
    %add3A_431 = arith.addi %mul3A_2, %add3A_430 : i32
    %dma_start3A_432 = arith.constant 0 : i32
    %dma_start3A_433 = arith.constant 0 : i32
    %dma_start3A_434 = tpu.memref_slice %arg4[%dma_start3A_432, %add3A_431, %dma_start3A_433] : memref<4x2048x1024xf32, #tpu.memory_space<hbm>> -> memref<4x4x1024xf32, #tpu.memory_space<hbm>>
    %dma_start3A_435 = arith.constant 0 : i32
    %dma_start3A_436 = arith.constant 0 : i32
    %dma_start3A_437 = tpu.memref_slice %arg4[%dma_start3A_435, %add3A_431, %dma_start3A_436] : memref<4x2048x1024xf32, #tpu.memory_space<hbm>> -> memref<4x4x1024xf32, #tpu.memory_space<hbm>>
    tpu.enqueue_dma source(%arg6 : memref<4x4x1024xf32, #tpu.memory_space<vmem>>) target(%dma_start3A_437 : memref<4x4x1024xf32, #tpu.memory_space<hbm>>) target_semaphore(%arg13 : memref<!tpu.dma_semaphore, #tpu.memory_space<semaphore_mem>>)
    %dma_wait3A_438 = arith.constant 0 : i32
    %dma_wait3A_439 = arith.constant 0 : i32
    %dma_wait3A_440 = tpu.memref_slice %arg4[%dma_wait3A_438, %add3A_400, %dma_wait3A_439] : memref<4x2048x1024xf32, #tpu.memory_space<hbm>> -> memref<4x4x1024xf32, #tpu.memory_space<hbm>>
    %dma_wait3A_441 = arith.constant 0 : i32
    %dma_wait3A_442 = arith.constant 0 : i32
    %dma_wait3A_443 = tpu.memref_slice %arg4[%dma_wait3A_441, %add3A_400, %dma_wait3A_442] : memref<4x2048x1024xf32, #tpu.memory_space<hbm>> -> memref<4x4x1024xf32, #tpu.memory_space<hbm>>
    tpu.wait_dma2 semaphore(%arg12 : memref<!tpu.dma_semaphore, #tpu.memory_space<semaphore_mem>>) src(%arg5 : memref<4x4x1024xf32, #tpu.memory_space<vmem>>) dst(%dma_wait3A_443 : memref<4x4x1024xf32, #tpu.memory_space<hbm>>)
    %add3A_444 = arith.constant 60 : i32
    %add3A_445 = arith.addi %mul3A_2, %add3A_444 : i32
    %dma_start3A_446 = arith.constant 0 : i32
    %dma_start3A_447 = arith.constant 0 : i32
    %dma_start3A_448 = tpu.memref_slice %arg2[%dma_start3A_446, %add3A_445, %dma_start3A_447] : memref<4x2048x1024xf32, #tpu.memory_space<hbm>> -> memref<4x4x1024xf32, #tpu.memory_space<hbm>>
    %dma_start3A_449 = arith.constant 0 : i32
    %dma_start3A_450 = arith.constant 0 : i32
    %dma_start3A_451 = tpu.memref_slice %arg2[%dma_start3A_449, %add3A_445, %dma_start3A_450] : memref<4x2048x1024xf32, #tpu.memory_space<hbm>> -> memref<4x4x1024xf32, #tpu.memory_space<hbm>>
    tpu.enqueue_dma source(%dma_start3A_451 : memref<4x4x1024xf32, #tpu.memory_space<hbm>>) target(%arg5 : memref<4x4x1024xf32, #tpu.memory_space<vmem>>) target_semaphore(%arg9 : memref<!tpu.dma_semaphore, #tpu.memory_space<semaphore_mem>>)
    %dma_wait3A_452 = arith.constant 0 : i32
    %dma_wait3A_453 = arith.constant 0 : i32
    %dma_wait3A_454 = tpu.memref_slice %arg2[%dma_wait3A_452, %add3A_414, %dma_wait3A_453] : memref<4x2048x1024xf32, #tpu.memory_space<hbm>> -> memref<4x4x1024xf32, #tpu.memory_space<hbm>>
    %dma_wait3A_455 = arith.constant 0 : i32
    %dma_wait3A_456 = arith.constant 0 : i32
    %dma_wait3A_457 = tpu.memref_slice %arg2[%dma_wait3A_455, %add3A_414, %dma_wait3A_456] : memref<4x2048x1024xf32, #tpu.memory_space<hbm>> -> memref<4x4x1024xf32, #tpu.memory_space<hbm>>
    tpu.wait_dma2 semaphore(%arg11 : memref<!tpu.dma_semaphore, #tpu.memory_space<semaphore_mem>>) src(%dma_wait3A_457 : memref<4x4x1024xf32, #tpu.memory_space<hbm>>) dst(%arg7 : memref<4x4x1024xf32, #tpu.memory_space<vmem>>)
    %parallel_loop3A_458 = arith.constant 0 : i32
    %parallel_loop3A_459 = arith.constant 4096 : i32
    %parallel_loop3A_460 = arith.constant 16 : i32
    scf.for %parallel_loop3A_504 = %parallel_loop3A_458 to %parallel_loop3A_459 step %parallel_loop3A_460  : i32 {
      %parallel_loop3A_505 = arith.constant 10 : i32
      %parallel_loop3A_506 = arith.shrui %parallel_loop3A_504, %parallel_loop3A_505 : i32
      %parallel_loop3A_507 = arith.constant 1023 : i32
      %parallel_loop3A_508 = arith.andi %parallel_loop3A_504, %parallel_loop3A_507 : i32
      %parallel_loop3A_509 = tpu.assume_multiple %parallel_loop3A_508, 16 : i32
      %parallel_loop3A_510 = arith.constant 56 : i32
      %parallel_loop3A_511 = arith.addi %parallel_loop3A_510, %parallel_loop3A_506 : i32
      %parallel_loop3A_512 = arith.index_cast %parallel_loop3A_511 : i32 to index
      %parallel_loop3A_513 = arith.index_cast %parallel_loop3A_509 : i32 to index
      %parallel_loop3A_514 = tpu.vector_load %arg8[%parallel_loop3A_512, %parallel_loop3A_513] {strides = array<i32>} : memref<64x1024xf32, #tpu.memory_space<vmem>>, vector<1x16xf32>,
      %parallel_loop3A_515 = vector.shape_cast %parallel_loop3A_514 : vector<1x16xf32> to vector<16xf32>
      %parallel_loop3A_516 = arith.constant 0 : i32
      %parallel_loop3A_517 = arith.index_cast %parallel_loop3A_516 : i32 to index
      %parallel_loop3A_518 = arith.index_cast %parallel_loop3A_506 : i32 to index
      %parallel_loop3A_519 = arith.index_cast %parallel_loop3A_509 : i32 to index
      %parallel_loop3A_520 = tpu.vector_load %arg7[%parallel_loop3A_517, %parallel_loop3A_518, %parallel_loop3A_519] {strides = array<i32>} : memref<4x4x1024xf32, #tpu.memory_space<vmem>>, vector<1x1x16xf32>,
      %parallel_loop3A_521 = vector.shape_cast %parallel_loop3A_520 : vector<1x1x16xf32> to vector<16xf32>
      %parallel_loop3A_522 = arith.addf %parallel_loop3A_521, %parallel_loop3A_515 : vector<16xf32>
      %parallel_loop3A_523 = arith.constant 0 : i32
      %parallel_loop3A_524 = arith.index_cast %parallel_loop3A_523 : i32 to index
      %parallel_loop3A_525 = arith.index_cast %parallel_loop3A_506 : i32 to index
      %parallel_loop3A_526 = arith.index_cast %parallel_loop3A_509 : i32 to index
      %parallel_loop3A_527 = tpu.vector_load %arg7[%parallel_loop3A_524, %parallel_loop3A_525, %parallel_loop3A_526] {strides = array<i32>} : memref<4x4x1024xf32, #tpu.memory_space<vmem>>, vector<1x1x16xf32>,
      %parallel_loop3A_528 = vector.shape_cast %parallel_loop3A_527 : vector<1x1x16xf32> to vector<16xf32>
      %parallel_loop3A_529 = vector.shape_cast %parallel_loop3A_522 : vector<16xf32> to vector<1x1x16xf32>
      tpu.vector_store %arg7[%parallel_loop3A_524, %parallel_loop3A_525, %parallel_loop3A_526], %parallel_loop3A_529 {strides = array<i32>} : memref<4x4x1024xf32, #tpu.memory_space<vmem>>, vector<1x1x16xf32>,
      %parallel_loop3A_530 = arith.constant 1 : i32
      %parallel_loop3A_531 = arith.index_cast %parallel_loop3A_530 : i32 to index
      %parallel_loop3A_532 = arith.index_cast %parallel_loop3A_506 : i32 to index
      %parallel_loop3A_533 = arith.index_cast %parallel_loop3A_509 : i32 to index
      %parallel_loop3A_534 = tpu.vector_load %arg7[%parallel_loop3A_531, %parallel_loop3A_532, %parallel_loop3A_533] {strides = array<i32>} : memref<4x4x1024xf32, #tpu.memory_space<vmem>>, vector<1x1x16xf32>,
      %parallel_loop3A_535 = vector.shape_cast %parallel_loop3A_534 : vector<1x1x16xf32> to vector<16xf32>
      %parallel_loop3A_536 = arith.addf %parallel_loop3A_535, %parallel_loop3A_515 : vector<16xf32>
      %parallel_loop3A_537 = arith.constant 1 : i32
      %parallel_loop3A_538 = arith.index_cast %parallel_loop3A_537 : i32 to index
      %parallel_loop3A_539 = arith.index_cast %parallel_loop3A_506 : i32 to index
      %parallel_loop3A_540 = arith.index_cast %parallel_loop3A_509 : i32 to index
      %parallel_loop3A_541 = tpu.vector_load %arg7[%parallel_loop3A_538, %parallel_loop3A_539, %parallel_loop3A_540] {strides = array<i32>} : memref<4x4x1024xf32, #tpu.memory_space<vmem>>, vector<1x1x16xf32>,
      %parallel_loop3A_542 = vector.shape_cast %parallel_loop3A_541 : vector<1x1x16xf32> to vector<16xf32>
      %parallel_loop3A_543 = vector.shape_cast %parallel_loop3A_536 : vector<16xf32> to vector<1x1x16xf32>
      tpu.vector_store %arg7[%parallel_loop3A_538, %parallel_loop3A_539, %parallel_loop3A_540], %parallel_loop3A_543 {strides = array<i32>} : memref<4x4x1024xf32, #tpu.memory_space<vmem>>, vector<1x1x16xf32>,
      %parallel_loop3A_544 = arith.constant 2 : i32
      %parallel_loop3A_545 = arith.index_cast %parallel_loop3A_544 : i32 to index
      %parallel_loop3A_546 = arith.index_cast %parallel_loop3A_506 : i32 to index
      %parallel_loop3A_547 = arith.index_cast %parallel_loop3A_509 : i32 to index
      %parallel_loop3A_548 = tpu.vector_load %arg7[%parallel_loop3A_545, %parallel_loop3A_546, %parallel_loop3A_547] {strides = array<i32>} : memref<4x4x1024xf32, #tpu.memory_space<vmem>>, vector<1x1x16xf32>,
      %parallel_loop3A_549 = vector.shape_cast %parallel_loop3A_548 : vector<1x1x16xf32> to vector<16xf32>
      %parallel_loop3A_550 = arith.addf %parallel_loop3A_549, %parallel_loop3A_515 : vector<16xf32>
      %parallel_loop3A_551 = arith.constant 2 : i32
      %parallel_loop3A_552 = arith.index_cast %parallel_loop3A_551 : i32 to index
      %parallel_loop3A_553 = arith.index_cast %parallel_loop3A_506 : i32 to index
      %parallel_loop3A_554 = arith.index_cast %parallel_loop3A_509 : i32 to index
      %parallel_loop3A_555 = tpu.vector_load %arg7[%parallel_loop3A_552, %parallel_loop3A_553, %parallel_loop3A_554] {strides = array<i32>} : memref<4x4x1024xf32, #tpu.memory_space<vmem>>, vector<1x1x16xf32>,
      %parallel_loop3A_556 = vector.shape_cast %parallel_loop3A_555 : vector<1x1x16xf32> to vector<16xf32>
      %parallel_loop3A_557 = vector.shape_cast %parallel_loop3A_550 : vector<16xf32> to vector<1x1x16xf32>
      tpu.vector_store %arg7[%parallel_loop3A_552, %parallel_loop3A_553, %parallel_loop3A_554], %parallel_loop3A_557 {strides = array<i32>} : memref<4x4x1024xf32, #tpu.memory_space<vmem>>, vector<1x1x16xf32>,
      %parallel_loop3A_558 = arith.constant 3 : i32
      %parallel_loop3A_559 = arith.index_cast %parallel_loop3A_558 : i32 to index
      %parallel_loop3A_560 = arith.index_cast %parallel_loop3A_506 : i32 to index
      %parallel_loop3A_561 = arith.index_cast %parallel_loop3A_509 : i32 to index
      %parallel_loop3A_562 = tpu.vector_load %arg7[%parallel_loop3A_559, %parallel_loop3A_560, %parallel_loop3A_561] {strides = array<i32>} : memref<4x4x1024xf32, #tpu.memory_space<vmem>>, vector<1x1x16xf32>,
      %parallel_loop3A_563 = vector.shape_cast %parallel_loop3A_562 : vector<1x1x16xf32> to vector<16xf32>
      %parallel_loop3A_564 = arith.addf %parallel_loop3A_563, %parallel_loop3A_515 : vector<16xf32>
      %parallel_loop3A_565 = arith.constant 3 : i32
      %parallel_loop3A_566 = arith.index_cast %parallel_loop3A_565 : i32 to index
      %parallel_loop3A_567 = arith.index_cast %parallel_loop3A_506 : i32 to index
      %parallel_loop3A_568 = arith.index_cast %parallel_loop3A_509 : i32 to index
      %parallel_loop3A_569 = tpu.vector_load %arg7[%parallel_loop3A_566, %parallel_loop3A_567, %parallel_loop3A_568] {strides = array<i32>} : memref<4x4x1024xf32, #tpu.memory_space<vmem>>, vector<1x1x16xf32>,
      %parallel_loop3A_570 = vector.shape_cast %parallel_loop3A_569 : vector<1x1x16xf32> to vector<16xf32>
      %parallel_loop3A_571 = vector.shape_cast %parallel_loop3A_564 : vector<16xf32> to vector<1x1x16xf32>
      tpu.vector_store %arg7[%parallel_loop3A_566, %parallel_loop3A_567, %parallel_loop3A_568], %parallel_loop3A_571 {strides = array<i32>} : memref<4x4x1024xf32, #tpu.memory_space<vmem>>, vector<1x1x16xf32>,
    } {sc.loop_unroll_factor = 4 : i64, sc.parallel_access}
    %add3A_461 = arith.constant 56 : i32
    %add3A_462 = arith.addi %mul3A_2, %add3A_461 : i32
    %dma_start3A_463 = arith.constant 0 : i32
    %dma_start3A_464 = arith.constant 0 : i32
    %dma_start3A_465 = tpu.memref_slice %arg4[%dma_start3A_463, %add3A_462, %dma_start3A_464] : memref<4x2048x1024xf32, #tpu.memory_space<hbm>> -> memref<4x4x1024xf32, #tpu.memory_space<hbm>>
    %dma_start3A_466 = arith.constant 0 : i32
    %dma_start3A_467 = arith.constant 0 : i32
    %dma_start3A_468 = tpu.memref_slice %arg4[%dma_start3A_466, %add3A_462, %dma_start3A_467] : memref<4x2048x1024xf32, #tpu.memory_space<hbm>> -> memref<4x4x1024xf32, #tpu.memory_space<hbm>>
    tpu.enqueue_dma source(%arg7 : memref<4x4x1024xf32, #tpu.memory_space<vmem>>) target(%dma_start3A_468 : memref<4x4x1024xf32, #tpu.memory_space<hbm>>) target_semaphore(%arg14 : memref<!tpu.dma_semaphore, #tpu.memory_space<semaphore_mem>>)
    %dma_wait3A_469 = arith.constant 0 : i32
    %dma_wait3A_470 = arith.constant 0 : i32
    %dma_wait3A_471 = tpu.memref_slice %arg4[%dma_wait3A_469, %add3A_431, %dma_wait3A_470] : memref<4x2048x1024xf32, #tpu.memory_space<hbm>> -> memref<4x4x1024xf32, #tpu.memory_space<hbm>>
    %dma_wait3A_472 = arith.constant 0 : i32
    %dma_wait3A_473 = arith.constant 0 : i32
    %dma_wait3A_474 = tpu.memref_slice %arg4[%dma_wait3A_472, %add3A_431, %dma_wait3A_473] : memref<4x2048x1024xf32, #tpu.memory_space<hbm>> -> memref<4x4x1024xf32, #tpu.memory_space<hbm>>
    tpu.wait_dma2 semaphore(%arg13 : memref<!tpu.dma_semaphore, #tpu.memory_space<semaphore_mem>>) src(%arg6 : memref<4x4x1024xf32, #tpu.memory_space<vmem>>) dst(%dma_wait3A_474 : memref<4x4x1024xf32, #tpu.memory_space<hbm>>)
    %dma_wait3A_475 = arith.constant 0 : i32
    %dma_wait3A_476 = arith.constant 0 : i32
    %dma_wait3A_477 = tpu.memref_slice %arg2[%dma_wait3A_475, %add3A_445, %dma_wait3A_476] : memref<4x2048x1024xf32, #tpu.memory_space<hbm>> -> memref<4x4x1024xf32, #tpu.memory_space<hbm>>
    %dma_wait3A_478 = arith.constant 0 : i32
    %dma_wait3A_479 = arith.constant 0 : i32
    %dma_wait3A_480 = tpu.memref_slice %arg2[%dma_wait3A_478, %add3A_445, %dma_wait3A_479] : memref<4x2048x1024xf32, #tpu.memory_space<hbm>> -> memref<4x4x1024xf32, #tpu.memory_space<hbm>>
    tpu.wait_dma2 semaphore(%arg9 : memref<!tpu.dma_semaphore, #tpu.memory_space<semaphore_mem>>) src(%dma_wait3A_480 : memref<4x4x1024xf32, #tpu.memory_space<hbm>>) dst(%arg5 : memref<4x4x1024xf32, #tpu.memory_space<vmem>>)
    %parallel_loop3A_481 = arith.constant 0 : i32
    %parallel_loop3A_482 = arith.constant 4096 : i32
    %parallel_loop3A_483 = arith.constant 16 : i32
    scf.for %parallel_loop3A_504 = %parallel_loop3A_481 to %parallel_loop3A_482 step %parallel_loop3A_483  : i32 {
      %parallel_loop3A_505 = arith.constant 10 : i32
      %parallel_loop3A_506 = arith.shrui %parallel_loop3A_504, %parallel_loop3A_505 : i32
      %parallel_loop3A_507 = arith.constant 1023 : i32
      %parallel_loop3A_508 = arith.andi %parallel_loop3A_504, %parallel_loop3A_507 : i32
      %parallel_loop3A_509 = tpu.assume_multiple %parallel_loop3A_508, 16 : i32
      %parallel_loop3A_510 = arith.constant 60 : i32
      %parallel_loop3A_511 = arith.addi %parallel_loop3A_510, %parallel_loop3A_506 : i32
      %parallel_loop3A_512 = arith.index_cast %parallel_loop3A_511 : i32 to index
      %parallel_loop3A_513 = arith.index_cast %parallel_loop3A_509 : i32 to index
      %parallel_loop3A_514 = tpu.vector_load %arg8[%parallel_loop3A_512, %parallel_loop3A_513] {strides = array<i32>} : memref<64x1024xf32, #tpu.memory_space<vmem>>, vector<1x16xf32>,
      %parallel_loop3A_515 = vector.shape_cast %parallel_loop3A_514 : vector<1x16xf32> to vector<16xf32>
      %parallel_loop3A_516 = arith.constant 0 : i32
      %parallel_loop3A_517 = arith.index_cast %parallel_loop3A_516 : i32 to index
      %parallel_loop3A_518 = arith.index_cast %parallel_loop3A_506 : i32 to index
      %parallel_loop3A_519 = arith.index_cast %parallel_loop3A_509 : i32 to index
      %parallel_loop3A_520 = tpu.vector_load %arg5[%parallel_loop3A_517, %parallel_loop3A_518, %parallel_loop3A_519] {strides = array<i32>} : memref<4x4x1024xf32, #tpu.memory_space<vmem>>, vector<1x1x16xf32>,
      %parallel_loop3A_521 = vector.shape_cast %parallel_loop3A_520 : vector<1x1x16xf32> to vector<16xf32>
      %parallel_loop3A_522 = arith.addf %parallel_loop3A_521, %parallel_loop3A_515 : vector<16xf32>
      %parallel_loop3A_523 = arith.constant 0 : i32
      %parallel_loop3A_524 = arith.index_cast %parallel_loop3A_523 : i32 to index
      %parallel_loop3A_525 = arith.index_cast %parallel_loop3A_506 : i32 to index
      %parallel_loop3A_526 = arith.index_cast %parallel_loop3A_509 : i32 to index
      %parallel_loop3A_527 = tpu.vector_load %arg5[%parallel_loop3A_524, %parallel_loop3A_525, %parallel_loop3A_526] {strides = array<i32>} : memref<4x4x1024xf32, #tpu.memory_space<vmem>>, vector<1x1x16xf32>,
      %parallel_loop3A_528 = vector.shape_cast %parallel_loop3A_527 : vector<1x1x16xf32> to vector<16xf32>
      %parallel_loop3A_529 = vector.shape_cast %parallel_loop3A_522 : vector<16xf32> to vector<1x1x16xf32>
      tpu.vector_store %arg5[%parallel_loop3A_524, %parallel_loop3A_525, %parallel_loop3A_526], %parallel_loop3A_529 {strides = array<i32>} : memref<4x4x1024xf32, #tpu.memory_space<vmem>>, vector<1x1x16xf32>,
      %parallel_loop3A_530 = arith.constant 1 : i32
      %parallel_loop3A_531 = arith.index_cast %parallel_loop3A_530 : i32 to index
      %parallel_loop3A_532 = arith.index_cast %parallel_loop3A_506 : i32 to index
      %parallel_loop3A_533 = arith.index_cast %parallel_loop3A_509 : i32 to index
      %parallel_loop3A_534 = tpu.vector_load %arg5[%parallel_loop3A_531, %parallel_loop3A_532, %parallel_loop3A_533] {strides = array<i32>} : memref<4x4x1024xf32, #tpu.memory_space<vmem>>, vector<1x1x16xf32>,
      %parallel_loop3A_535 = vector.shape_cast %parallel_loop3A_534 : vector<1x1x16xf32> to vector<16xf32>
      %parallel_loop3A_536 = arith.addf %parallel_loop3A_535, %parallel_loop3A_515 : vector<16xf32>
      %parallel_loop3A_537 = arith.constant 1 : i32
      %parallel_loop3A_538 = arith.index_cast %parallel_loop3A_537 : i32 to index
      %parallel_loop3A_539 = arith.index_cast %parallel_loop3A_506 : i32 to index
      %parallel_loop3A_540 = arith.index_cast %parallel_loop3A_509 : i32 to index
      %parallel_loop3A_541 = tpu.vector_load %arg5[%parallel_loop3A_538, %parallel_loop3A_539, %parallel_loop3A_540] {strides = array<i32>} : memref<4x4x1024xf32, #tpu.memory_space<vmem>>, vector<1x1x16xf32>,
      %parallel_loop3A_542 = vector.shape_cast %parallel_loop3A_541 : vector<1x1x16xf32> to vector<16xf32>
      %parallel_loop3A_543 = vector.shape_cast %parallel_loop3A_536 : vector<16xf32> to vector<1x1x16xf32>
      tpu.vector_store %arg5[%parallel_loop3A_538, %parallel_loop3A_539, %parallel_loop3A_540], %parallel_loop3A_543 {strides = array<i32>} : memref<4x4x1024xf32, #tpu.memory_space<vmem>>, vector<1x1x16xf32>,
      %parallel_loop3A_544 = arith.constant 2 : i32
      %parallel_loop3A_545 = arith.index_cast %parallel_loop3A_544 : i32 to index
      %parallel_loop3A_546 = arith.index_cast %parallel_loop3A_506 : i32 to index
      %parallel_loop3A_547 = arith.index_cast %parallel_loop3A_509 : i32 to index
      %parallel_loop3A_548 = tpu.vector_load %arg5[%parallel_loop3A_545, %parallel_loop3A_546, %parallel_loop3A_547] {strides = array<i32>} : memref<4x4x1024xf32, #tpu.memory_space<vmem>>, vector<1x1x16xf32>,
      %parallel_loop3A_549 = vector.shape_cast %parallel_loop3A_548 : vector<1x1x16xf32> to vector<16xf32>
      %parallel_loop3A_550 = arith.addf %parallel_loop3A_549, %parallel_loop3A_515 : vector<16xf32>
      %parallel_loop3A_551 = arith.constant 2 : i32
      %parallel_loop3A_552 = arith.index_cast %parallel_loop3A_551 : i32 to index
      %parallel_loop3A_553 = arith.index_cast %parallel_loop3A_506 : i32 to index
      %parallel_loop3A_554 = arith.index_cast %parallel_loop3A_509 : i32 to index
      %parallel_loop3A_555 = tpu.vector_load %arg5[%parallel_loop3A_552, %parallel_loop3A_553, %parallel_loop3A_554] {strides = array<i32>} : memref<4x4x1024xf32, #tpu.memory_space<vmem>>, vector<1x1x16xf32>,
      %parallel_loop3A_556 = vector.shape_cast %parallel_loop3A_555 : vector<1x1x16xf32> to vector<16xf32>
      %parallel_loop3A_557 = vector.shape_cast %parallel_loop3A_550 : vector<16xf32> to vector<1x1x16xf32>
      tpu.vector_store %arg5[%parallel_loop3A_552, %parallel_loop3A_553, %parallel_loop3A_554], %parallel_loop3A_557 {strides = array<i32>} : memref<4x4x1024xf32, #tpu.memory_space<vmem>>, vector<1x1x16xf32>,
      %parallel_loop3A_558 = arith.constant 3 : i32
      %parallel_loop3A_559 = arith.index_cast %parallel_loop3A_558 : i32 to index
      %parallel_loop3A_560 = arith.index_cast %parallel_loop3A_506 : i32 to index
      %parallel_loop3A_561 = arith.index_cast %parallel_loop3A_509 : i32 to index
      %parallel_loop3A_562 = tpu.vector_load %arg5[%parallel_loop3A_559, %parallel_loop3A_560, %parallel_loop3A_561] {strides = array<i32>} : memref<4x4x1024xf32, #tpu.memory_space<vmem>>, vector<1x1x16xf32>,
      %parallel_loop3A_563 = vector.shape_cast %parallel_loop3A_562 : vector<1x1x16xf32> to vector<16xf32>
      %parallel_loop3A_564 = arith.addf %parallel_loop3A_563, %parallel_loop3A_515 : vector<16xf32>
      %parallel_loop3A_565 = arith.constant 3 : i32
      %parallel_loop3A_566 = arith.index_cast %parallel_loop3A_565 : i32 to index
      %parallel_loop3A_567 = arith.index_cast %parallel_loop3A_506 : i32 to index
      %parallel_loop3A_568 = arith.index_cast %parallel_loop3A_509 : i32 to index
      %parallel_loop3A_569 = tpu.vector_load %arg5[%parallel_loop3A_566, %parallel_loop3A_567, %parallel_loop3A_568] {strides = array<i32>} : memref<4x4x1024xf32, #tpu.memory_space<vmem>>, vector<1x1x16xf32>,
      %parallel_loop3A_570 = vector.shape_cast %parallel_loop3A_569 : vector<1x1x16xf32> to vector<16xf32>
      %parallel_loop3A_571 = vector.shape_cast %parallel_loop3A_564 : vector<16xf32> to vector<1x1x16xf32>
      tpu.vector_store %arg5[%parallel_loop3A_566, %parallel_loop3A_567, %parallel_loop3A_568], %parallel_loop3A_571 {strides = array<i32>} : memref<4x4x1024xf32, #tpu.memory_space<vmem>>, vector<1x1x16xf32>,
    } {sc.loop_unroll_factor = 4 : i64, sc.parallel_access}
    %add3A_484 = arith.constant 60 : i32
    %add3A_485 = arith.addi %mul3A_2, %add3A_484 : i32
    %dma_start3A_486 = arith.constant 0 : i32
    %dma_start3A_487 = arith.constant 0 : i32
    %dma_start3A_488 = tpu.memref_slice %arg4[%dma_start3A_486, %add3A_485, %dma_start3A_487] : memref<4x2048x1024xf32, #tpu.memory_space<hbm>> -> memref<4x4x1024xf32, #tpu.memory_space<hbm>>
    %dma_start3A_489 = arith.constant 0 : i32
    %dma_start3A_490 = arith.constant 0 : i32
    %dma_start3A_491 = tpu.memref_slice %arg4[%dma_start3A_489, %add3A_485, %dma_start3A_490] : memref<4x2048x1024xf32, #tpu.memory_space<hbm>> -> memref<4x4x1024xf32, #tpu.memory_space<hbm>>
    tpu.enqueue_dma source(%arg5 : memref<4x4x1024xf32, #tpu.memory_space<vmem>>) target(%dma_start3A_491 : memref<4x4x1024xf32, #tpu.memory_space<hbm>>) target_semaphore(%arg12 : memref<!tpu.dma_semaphore, #tpu.memory_space<semaphore_mem>>)
    %dma_wait3A_492 = arith.constant 0 : i32
    %dma_wait3A_493 = arith.constant 0 : i32
    %dma_wait3A_494 = tpu.memref_slice %arg4[%dma_wait3A_492, %add3A_462, %dma_wait3A_493] : memref<4x2048x1024xf32, #tpu.memory_space<hbm>> -> memref<4x4x1024xf32, #tpu.memory_space<hbm>>
    %dma_wait3A_495 = arith.constant 0 : i32
    %dma_wait3A_496 = arith.constant 0 : i32
    %dma_wait3A_497 = tpu.memref_slice %arg4[%dma_wait3A_495, %add3A_462, %dma_wait3A_496] : memref<4x2048x1024xf32, #tpu.memory_space<hbm>> -> memref<4x4x1024xf32, #tpu.memory_space<hbm>>
    tpu.wait_dma2 semaphore(%arg14 : memref<!tpu.dma_semaphore, #tpu.memory_space<semaphore_mem>>) src(%arg7 : memref<4x4x1024xf32, #tpu.memory_space<vmem>>) dst(%dma_wait3A_497 : memref<4x4x1024xf32, #tpu.memory_space<hbm>>)
    %dma_wait3A_498 = arith.constant 0 : i32
    %dma_wait3A_499 = arith.constant 0 : i32
    %dma_wait3A_500 = tpu.memref_slice %arg4[%dma_wait3A_498, %add3A_485, %dma_wait3A_499] : memref<4x2048x1024xf32, #tpu.memory_space<hbm>> -> memref<4x4x1024xf32, #tpu.memory_space<hbm>>
    %dma_wait3A_501 = arith.constant 0 : i32
    %dma_wait3A_502 = arith.constant 0 : i32
    %dma_wait3A_503 = tpu.memref_slice %arg4[%dma_wait3A_501, %add3A_485, %dma_wait3A_502] : memref<4x2048x1024xf32, #tpu.memory_space<hbm>> -> memref<4x4x1024xf32, #tpu.memory_space<hbm>>
    tpu.wait_dma2 semaphore(%arg12 : memref<!tpu.dma_semaphore, #tpu.memory_space<semaphore_mem>>) src(%arg5 : memref<4x4x1024xf32, #tpu.memory_space<vmem>>) dst(%dma_wait3A_503 : memref<4x4x1024xf32, #tpu.memory_space<hbm>>)
    return
  }
}

</mosaic_0001>

<sc_bundles>
// kernel: kernel.3.cloned.1.call-start
scs
__scs_entry_jumppad:
0x0: {  	(pc) =	sbr.rel $0x88, $3  }
0x1: {  	(tag) =	ssettag $0x0;
	lr =	simm.s32 $0x1  }
0x2: {  	[smem:$0x3F9F] =	sst lr;
	_ =	strace $0xD0000000  }
0x3: {  	_ = 	snop  }
0x4: {  	_ = 	snop  }
0x5: {  	_ = 	snop  }
0x6: {  	_ = 	snop  }
0x7: {  	_ = 	snop  }
__scs_overlays_trampoline_lowered:
0x8: {  	[smem:$0x3FAE] =	sst s0  }
0x9: {  	[smem:$0x3FAF] =	sst s1  }
0xa: {  	[smem:$0x3FB0] =	sst s2  }
0xb: {  	[smem:$0x3FB1] =	sst s3  }
0xc: {  	[smem:$0x3FB2] =	sst s4  }
0xd: {  	[smem:$0x3FB3] =	sst s5  }
0xe: {  	[smem:$0x3FB4] =	sst s6  }
0xf: {  	[smem:$0x3FB5] =	sst s7  }
0x10: {  	[smem:$0x3FB6] =	sst s8  }
0x11: {  	[smem:$0x3FB7] =	sst s9;
	s0 =	simm.s32 @!p0 $0x0  }
0x12: {  	s1 =	sld [smem:$0x3F9D];
	s0 =	simm.s32 @p0 $0x1  }
0x13: {  	[smem:$0x3FB8] =	sst s0;
	s0 =	simm.s32 @!p1 $0x0  }
0x14: {  	s2 =	sld [smem:$0x3F9C];
	s0 =	simm.s32 @p1 $0x1  }
0x15: {  	[smem:$0x3FB9] =	sst s0;
	s0 =	simm.s32 @!p2 $0x0  }
0x16: {  	s3 =	sld [smem:$0x3FDB];
	s0 =	simm.s32 @p2 $0x1  }
0x17: {  	s4 =	simm.s32 $0x1BF5;
	[smem:$0x3FBB] =	sst s0  }
0x18: {  	s0 =	sld [smem:$0x3F9E];
	_ =	swait.ge [sflag:s4], $0x0  }
0x19: {  	s7 =	sld [smem:$0x3F9F]  }
0x1a: {  	s8 =	sadd.s32 $0xFFFFE003, lr  }
0x1b: {  	s9 =	sadd.s32 $0xFFFFFEF7, lr;
	s5 =	simm.s32 $0xFFFFFFFF;
	p2 =	slt.u32 s8, $0xFFFFF086  }
0x1c: {  	p1 =	slt.u32 s9, $0xF7A;
	s5 =	simm.s32 @!p2 $0x0  }
0x1d: {  	s5 =	simm.s32 @p1 $0x1;
	p0 =	seq.s32 s7, s2  }
0x1e: {  	s7 =	smul.u32 @!p0 $0xF7A, s2;
	p2 =	seq.s32 @!p0 s5, $0x0  }
0x1f: {  	s9 =	smul.u32 $0xF7A, s1;
	s8 =	simm.s32 @!p0 $0x1BF5;
	p2 =	por !p2, p0  }
0x20: {  	[sflag:s8] =	ssyncset.s32 @!p0 $0xFFFFF086;
	s6 =	sadd.s32 @!p0 s3, s7;
	s7 =	simm.s32 @!p0 $0x108  }
0x21: {  	s3 =	sadd.s32 s3, s9;
	s6 =	sadd.s32 @!p0 $0x88, s6;
	s7 =	simm.s32 @p2 $0x1082  }
0x22: {  	[simem:s7], [sflag:s8] =	dma.local @!p0 [hbm:s6], $0xF7A  }
0x23: {  	s9 =	sor.u32 $0xD0000000, s2;
	s6 =	simm.s32 $0x108;
	_ =	swait.ge @!p0 [sflag:s8], $0x0  }
0x24: {  	s3 =	sadd.s32 $0x88, s3;
	s6 =	simm.s32 @!p1 $0x1082;
	[sflag:s4] =	ssyncset.s32 $0xFFFFF086  }
0x25: {  	[simem:s6], [sflag:s4] =	dma.local [hbm:s3], $0xF7A  }
0x26: {  	[smem:$0x3F9F] =	sst s1;
	(tag) =	ssettag s2;
	_ =	strace s9  }
0x27: {  	s1 =	sld [smem:$0x3FAF]  }
0x28: {  	s2 =	sld [smem:$0x3FB0]  }
0x29: {  	s4 =	sld [smem:$0x3FB2]  }
0x2a: {  	p0 =	seq.s32 s5, $0x0;
	s5 =	sld [smem:$0x3FB3]  }
0x2b: {  	s6 =	sld [smem:$0x3FB4]  }
0x2c: {  	s7 =	sld [smem:$0x3FB5]  }
0x2d: {  	s3 =	simm.s32 $0x108;
	s8 =	sld [smem:$0x3FB6]  }
0x2e: {  	s3 =	simm.s32 @!p0 $0x1082;
	s9 =	sld [smem:$0x3FB7]  }
0x2f: {  	lr =	sadd.s32 s0, s3;
	s0 =	sld [smem:$0x3FAE]  }
0x30: {  	s3 =	sld [smem:$0x3FB1]  }
0x31: {  	[smem:$0x3FBA] =	sst s10  }
0x32: {  	s10 =	sld [smem:$0x3FB8];
	_ =	sdelay $0x3  }
0x33: {  	p0 =	seq.s32 s10, $0x1;
	s10 =	sld [smem:$0x3FBA];
	_ =	sdelay $0x3  }
0x34: {  	[smem:$0x3FBA] =	sst s10  }
0x35: {  	s10 =	sld [smem:$0x3FB9];
	_ =	sdelay $0x3  }
0x36: {  	p1 =	seq.s32 s10, $0x1;
	s10 =	sld [smem:$0x3FBA];
	_ =	sdelay $0x3  }
0x37: {  	[smem:$0x3FBA] =	sst s10  }
0x38: {  	s10 =	sld [smem:$0x3FBB]  }
0x39: {  	_ = 	snop;
	(pc) =	sbr.ind lr, $3  }
0x3a: {  	_ = 	snop  }
0x3b: {  	_ = 	snop  }
0x3c: {  	p2 =	seq.s32 s10, $0x1;
	s10 =	sld [smem:$0x3FBA]  }
0x3d: {  	_ =	shalt  }
0x3e: {  	_ =	shalt  }
0x3f: {  	_ =	shalt  }
0x40: {  	_ =	shalt  }
0x41: {  	_ =	shalt  }
0x42: {  	_ =	shalt  }
0x43: {  	_ =	shalt  }
0x44: {  	_ =	shalt  }
0x45: {  	_ =	shalt  }
0x46: {  	_ =	shalt  }
0x47: {  	_ =	shalt  }
0x48: {  	_ =	shalt  }
0x49: {  	_ =	shalt  }
0x4a: {  	_ =	shalt  }
0x4b: {  	_ =	shalt  }
0x4c: {  	_ =	shalt  }
0x4d: {  	_ =	shalt  }
0x4e: {  	_ =	shalt  }
0x4f: {  	_ =	shalt  }
0x50: {  	_ =	shalt  }
0x51: {  	_ =	shalt  }
0x52: {  	_ =	shalt  }
0x53: {  	_ =	shalt  }
0x54: {  	_ =	shalt  }
0x55: {  	_ =	shalt  }
0x56: {  	_ =	shalt  }
0x57: {  	_ =	shalt  }
0x58: {  	_ =	shalt  }
0x59: {  	_ =	shalt  }
0x5a: {  	_ =	shalt  }
0x5b: {  	_ =	shalt  }
0x5c: {  	_ =	shalt  }
0x5d: {  	_ =	shalt  }
0x5e: {  	_ =	shalt  }
0x5f: {  	_ =	shalt  }
0x60: {  	_ =	shalt  }
0x61: {  	_ =	shalt  }
0x62: {  	_ =	shalt  }
0x63: {  	_ =	shalt  }
0x64: {  	_ =	shalt  }
0x65: {  	_ =	shalt  }
0x66: {  	_ =	shalt  }
0x67: {  	_ =	shalt  }
0x68: {  	_ =	shalt  }
0x69: {  	_ =	shalt  }
0x6a: {  	_ =	shalt  }
0x6b: {  	_ =	shalt  }
0x6c: {  	_ =	shalt  }
0x6d: {  	_ =	shalt  }
0x6e: {  	_ =	shalt  }
0x6f: {  	_ =	shalt  }
0x70: {  	_ =	shalt  }
0x71: {  	_ =	shalt  }
0x72: {  	_ =	shalt  }
0x73: {  	_ =	shalt  }
0x74: {  	_ =	shalt  }
0x75: {  	_ =	shalt  }
0x76: {  	_ =	shalt  }
0x77: {  	_ =	shalt  }
0x78: {  	_ =	shalt  }
0x79: {  	_ =	shalt  }
0x7a: {  	_ =	shalt  }
0x7b: {  	_ =	shalt  }
0x7c: {  	_ =	shalt  }
0x7d: {  	_ =	shalt  }
0x7e: {  	_ =	shalt  }
0x7f: {  	_ =	shalt  }
0x80: {  	_ =	shalt  }
0x81: {  	_ =	shalt  }
0x82: {  	_ =	shalt  }
0x83: {  	_ =	shalt  }
0x84: {  	_ =	shalt  }
0x85: {  	_ =	shalt  }
0x86: {  	_ =	shalt  }
0x87: {  	_ =	shalt  }
.Lfunc_end0:
.L_simem_size_0:
called_computation_lowered:
.L_overlay_start_0:
0x88: {  	s2 =	sld [smem:$0x3FD9]  }
0x89: {  	s3 =	sld [smem:$0x3FFE];
	_ =	sdelay $0x1  }
0x8a: {  	s1 =	srdreg.scid  }
0x8b: {  	s0 =	sand.u32 $0x1, s1  }
0x8c: {  	s18 =	sshll.u32 s0, $0xA;
	s2 =	sadd.s32 s3, s2  }
0x8d: {  	s2 =	sadd.s32 s2, s18  }
0x8e: {  	[smem:$0x3FC6] =	sst s2  }
0x8f: {  	_ = 	snop  }
0x90: {  	s2 =	sld [smem:$0x3FC9]  }
0x91: {  	s19 =	sld [smem:$0x3FC8]  }
0x92: {  	s4 =	sld [smem:$0x3FD0];
	(tm) =	ssettm $0x1  }
0x93: {  	s5 =	sld [smem:$0x3FFB];
	_ =	sdelay $0x3  }
0x94: {  	_ =	strace s5  }
0x95: {  	s5 =	sld [smem:$0x3FFC];
	_ =	sdelay $0x3  }
0x96: {  	_ =	strace s5  }
0x97: {  	s5 =	sld [smem:$0x3FFD];
	_ =	sdelay $0x3  }
0x98: {  	_ =	strace s5  }
0x99: {  	_ =	strace $0x8FFFFFFF  }
0x9a: {  	s20 =	sld [smem:$0x3FDB];
	_ =	sdelay $0x1  }
0x9b: {  	s6 =	simm.s32 $_scs_section_size  }
0x9c: {  	s7 =	simm.s32 $_size__tile_overlayer_lowered;
	s8 =	simm.s32 $_tile_overlayer_lowered  }
0x9d: {  	s23 =	simm.s32 $0x1BFF;
	s22 =	sshll.u32 s8, $0x1;
	s5 =	sadd.s32 s6, s20  }
0x9e: {  	s9 =	simm.s32 $0x0;
	s21 =	sshll.u32 s7, $0x1;
	s7 =	sadd.s32 s22, s5  }
0x9f: {  	[timem:s9], [sflag:s23] =	dma.local [hbm:s7], s21  }
0xa0: {  	_ =	swait.ge [sflag:s23], s21  }
0xa1: {  	s6 =	ssub.s32 $0x0, s21;
	[sflag:s23] =	ssyncset.done $0x0  }
0xa2: {  	[sflag:s23] =	ssyncadd.s32 s6;
	_ =	sdelay $0x1  }
0xa3: {  	s24 =	simm.s32 $0x1B8B  }
0xa4: {  	_ =	swait.ge [sflag:s24], $0x1  }
0xa5: {  	[sflag:s24] =	ssyncset.done $0x0  }
0xa6: {  	s25 =	simm.s32 $0x1B8E;
	[sflag:s24] =	ssyncadd.s32 $0xFFFFFFFF  }
0xa7: {  	s26 =	simm.s32 $execute0_lowered;
	[smem:$0x3FD2] =	sst s25  }
0xa8: {  	s6 =	sshll.u32 s26, $0x1;
	_ =	strace $0x80000046;
	[dreg:$0x1] =	wrdreg $0xFFFFFFFF  }
0xa9: {  	s28 =	simm.s32 $_size_execute0_lowered;
	s5 =	sadd.s32 s5, s6;
	[dreg:$0x0] =	wrdreg $0x0  }
0xaa: {  	s6 =	sshll.u32 s28, $0x1;
	[dreg:$0x2] =	wrdreg s5  }
0xab: {  	[dreg:$0x3] =	wrdreg s6  }
0xac: {  	[dreg:$0x4] =	wrdreg $0xC0  }
0xad: {  	_ =	task [dreg:s9], $0x5FFFF  }
0xae: {  	[dreg:$0x1] =	wrdreg $0xFFFFFFFF  }
0xaf: {  	[dreg:$0x0] =	wrdreg $0x60  }
0xb0: {  	[dreg:$0x2] =	wrdreg s2  }
0xb1: {  	[dreg:$0x3] =	wrdreg s19  }
0xb2: {  	[dreg:$0x4] =	wrdreg s4  }
0xb3: {  	[dreg:$0x5] =	wrdreg $0x9  }
0xb4: {  	_ =	task.clear_ibuf [dreg:s9], $0x6FFFF;
	_ =	strace $0x90000046  }
0xb5: {  	s29 =	simm.s32 $0x9;
	_ =	strace $0x80000048  }
0xb6: {  	_ =	swait.ge [sflag:s29], $0x1  }
0xb7: {  	[sflag:s29] =	ssyncadd.s32 $0xFFFFFFFF  }
0xb8: {  	_ =	strace $0x90000048  }
0xb9: {  	_ =	sfence  }
0xba: {  	s30 =	sld [smem:$0x0];
	_ =	sdelay $0x2  }
0xbb: {  	s31 =	sshll.u32 s1, $0xD;
	s1 =	sshrl.u32 s1, $0x2  }
0xbc: {  	s3 =	sand.u32 $0x4000, s31;
	s1 =	sadd.s32 s1, s30  }
0xbd: {  	s0 =	sor.u32 s3, s0;
	s1 =	sshll.u32 s1, $0x11  }
0xbe: {  	s0 =	sor.u32 s1, s0  }
0xbf: {  	s0 =	sadd.s32 $0x8F2B, s0  }
0xc0: {  	[sflag:s0] =	ssyncadd.remote.s32 $0x1  }
0xc1: {  	_ =	sfence.sel $0xFFFF  }
0xc2: {  	[dreg:$0x0] =	wrdreg $0xFFFFFFFF;
	(pc) =	sbr.abs _section_cstart, $3  }
0xc3: {  	[dreg:$0x1] =	wrdreg $0xFFFFFFFF  }
0xc4: {  	_ =	task.clear_ibuf [dreg:s9], $0x2FFFF;
	_ =	strace $0x9FFFFFFF  }
0xc5: {  	(tm) =	ssettm $0x7FFFFFFF  }
tec
execute0_lowered:
.L_overlay_start_1:
0x0: {  	(tag) =	ssettag $0x1  }
0x1: {  	s0 =	rddreg [dreg:$0x0]  }
0x2: {  	s2 =	rddreg [dreg:$0x1]  }
0x3: {  	s1 =	srdreg.scid;
	s3 =	rddreg [dreg:$0x2]  }
0x4: {  	s5 =	stileid.u32;
	s23 =	simm.s32 $0x0;
	s1 =	sand.u32 $0x1, s1  }
0x5: {  	s5 =	sshll.u32 s5, $0xE;
	s4 =	ssub.s32 $0x2, s1;
	s6 =	sshll.u32 s1, $0xD  }
0x6: {  	[smem:$0x7FF] =	sst s23;
	s7 =	sshrl.u32 s4, $0x1;
	s5 =	sor.u32 s6, s5  }
0x7: {  	s4 =	ssub.s32 s4, s7;
	s6 =	sor.u32 $0x40, s5;
	s31 =	sadd.s32 s2, s5  }
0x8: {  	s7 =	sor.u32 $0x400, s5;
	[dreg:$0x4] =	wrdreg s31;
	s2 =	sadd.s32 s0, s6  }
0x9: {  	s8 =	sadd.s32 s0, s7;
	[dreg:$0x5] =	wrdreg s2  }
0xa: {  	s10 =	sor.u32 $0x440, s5;
	s9 =	sadd.s32 s3, s6;
	[dreg:$0x6] =	wrdreg s8  }
0xb: {  	s11 =	sadd.s32 s0, s10;
	[dreg:$0x7] =	wrdreg s9  }
0xc: {  	s13 =	sor.u32 $0x800, s5;
	s12 =	sadd.s32 s3, s7;
	[dreg:$0x8] =	wrdreg s11  }
0xd: {  	s14 =	sadd.s32 s0, s13;
	[dreg:$0x9] =	wrdreg s12  }
0xe: {  	s16 =	sor.u32 $0x840, s5;
	s15 =	sadd.s32 s3, s10;
	[dreg:$0xa] =	wrdreg s14  }
0xf: {  	s17 =	sadd.s32 s0, s16;
	[dreg:$0xb] =	wrdreg s15  }
0x10: {  	s19 =	sor.u32 $0xC00, s5;
	s18 =	sadd.s32 s3, s13;
	[dreg:$0xc] =	wrdreg s17  }
0x11: {  	s20 =	sadd.s32 s0, s19;
	[dreg:$0xd] =	wrdreg s18  }
0x12: {  	s22 =	sor.u32 $0xC40, s5;
	s21 =	sadd.s32 s3, s16;
	[dreg:$0xe] =	wrdreg s20  }
0x13: {  	s24 =	sadd.s32 s0, s22;
	[dreg:$0xf] =	wrdreg s21  }
0x14: {  	s26 =	sor.u32 $0x1000, s5;
	s25 =	sadd.s32 s3, s19;
	[dreg:$0x10] =	wrdreg s24  }
0x15: {  	s28 =	sadd.s32 s0, s26;
	[dreg:$0x11] =	wrdreg s25  }
0x16: {  	s30 =	sor.u32 $0x1040, s5;
	s29 =	sadd.s32 s3, s22;
	[dreg:$0x12] =	wrdreg s28  }
0x17: {  	s31 =	sadd.s32 s0, s30;
	[dreg:$0x13] =	wrdreg s29  }
0x18: {  	s7 =	sadd.s32 s3, s26;
	[dreg:$0x14] =	wrdreg s31  }
0x19: {  	s19 =	sadd.s32 s3, s5;
	[dreg:$0x15] =	wrdreg s7  }
0x1a: {  	s8 =	sor.u32 $0x1400, s5;
	s9 =	sadd.s32 s3, s30;
	[dreg:$0x1e] =	wrdreg s19  }
0x1b: {  	[dreg:$0x16] =	wrdreg s9;
	s10 =	sadd.s32 s0, s8  }
0x1c: {  	s11 =	sor.u32 $0x1440, s5;
	s12 =	sadd.s32 s3, s8;
	[dreg:$0x17] =	wrdreg s10  }
0x1d: {  	s13 =	sadd.s32 s0, s11;
	[dreg:$0x18] =	wrdreg s12  }
0x1e: {  	s14 =	sor.u32 $0x1800, s5;
	s15 =	sadd.s32 s3, s11;
	[dreg:$0x19] =	wrdreg s13  }
0x1f: {  	s16 =	sadd.s32 s0, s14;
	[dreg:$0x1a] =	wrdreg s15  }
0x20: {  	s20 =	sor.u32 $0x1840, s5;
	s17 =	sadd.s32 s3, s14;
	[dreg:$0x1b] =	wrdreg s16  }
0x21: {  	s18 =	sadd.s32 s0, s5;
	s22 =	sadd.s32 s0, s20;
	[dreg:$0x1c] =	wrdreg s17  }
0x22: {  	s21 =	sor.u32 $0x1C00, s5;
	s2 =	sadd.s32 s3, s20;
	[dreg:$0x1f] =	wrdreg s22  }
0x23: {  	s5 =	sor.u32 $0x1C40, s5;
	s24 =	sadd.s32 s0, s21;
	[smem:$0x7F5] =	sst s2  }
0x24: {  	s0 =	sadd.s32 s0, s5;
	[smem:$0x7F6] =	sst s24  }
0x25: {  	s25 =	sadd.s32 s3, s21;
	[smem:$0x7F7] =	sst s0  }
0x26: {  	s26 =	sadd.s32 s3, s5;
	[smem:$0x7F8] =	sst s25  }
0x27: {  	s28 =	smax.u32 s4, $0x1;
	[smem:$0x7F9] =	sst s26  }
0x28: {  	s29 =	sadd.s32 $0x40000, s18;
	_ =	strace $0x80000047;
	[smem:$0x7FA] =	sst s28  }
0x29: {  	s6 =	simm.s32 $0x3000;
	s30 =	sadd.s32 $0x80000, s18;
	[smem:$0x7FB] =	sst s29  }
0x2a: {  	s4 =	simm.s32 $0x200;
	s7 =	simm.s32 $0x0;
	[smem:$0x7FC] =	sst s30  }
0x2b: {  	s31 =	sadd.s32 $0xC0000, s18;
	s5 =	simm.s32 $0x400;
	[dreg:$0x1d] =	wrdreg s18  }
0x2c: {  	s3 =	simm.s32 $0x2000;
	s2 =	simm.s32 $0x1000;
	[smem:$0x7FD] =	sst s31  }
.LBB2_1:
0x2d: {  	s0 =	rddreg [dreg:$0x4]  }
0x2e: {  	s1 =	simm.s32 $0xC000;
	s26 =	rddreg [dreg:$0x1d]  }
0x2f: {  	[tilespmem:s1], [sflag:$0x7] =	stream.linear.gather [hbm4b:s0+s23], $0x10000, $0x38;
	[tilespmem:$0x1C000] =	vst v63  }
0x30: {  	s1 =	sld [smem:$0x7FB]  }
0x31: {  	[tilespmem:s23], [sflag:$0x1] =	stream.strided.gather [hbm4b:s26+s4], $0x1000, s5, s4, $0x38;
	[tilespmem:$0x1C000] =	vst v63  }
0x32: {  	_ = 	snop  }
0x33: {  	[tilespmem:s2], [sflag:$0x1] =	stream.strided.gather [hbm4b:s1+s4], $0x1000, s5, s4, $0x38;
	[tilespmem:$0x1C000] =	vst v63  }
0x34: {  	s2 =	sld [smem:$0x7FC]  }
0x35: {  	[smem:$0x7F4] =	sst s7  }
0x36: {  	s7 =	sld [smem:$0x7FD]  }
0x37: {  	[tilespmem:s3], [sflag:$0x1] =	stream.strided.gather [hbm4b:s2+s4], $0x1000, s5, s4, $0x38;
	[tilespmem:$0x1C000] =	vst v63  }
0x38: {  	s8 =	simm.s32 $0x7;
	s10 =	simm.s32 $0x4000;
	s12 =	simm.s32 $0x5000  }
0x39: {  	[tilespmem:s6], [sflag:$0x1] =	stream.strided.gather [hbm4b:s7+s4], $0x1000, s5, s4, $0x38;
	[tilespmem:$0x1C000] =	vst v63  }
0x3a: {  	s14 =	simm.s32 $0x6000;
	s16 =	simm.s32 $0x7000;
	_ =	swait.ge [sflag:s8], $0x10000  }
0x3b: {  	s17 =	simm.s32 $0x1;
	s18 =	simm.s32 $0x0;
	[sflag:s8] =	ssyncset.done $0x0  }
0x3c: {  	s19 =	simm.s32 $0x0;
	s9 =	rddreg [dreg:$0x5];
	[sflag:s8] =	ssyncadd.s32 $0xFFFF0000  }
0x3d: {  	[tilespmem:s10], [sflag:$0x2] =	stream.strided.gather [hbm4b:s9+s4], $0x1000, s5, s4, $0x38;
	[tilespmem:$0x1C000] =	vst v63  }
0x3e: {  	s24 =	simm.s32 $0x0;
	s0 =	sand.u32 $0x7, s18;
	s11 =	sadd.s32 $0x40000, s9  }
0x3f: {  	[tilespmem:s12], [sflag:$0x2] =	stream.strided.gather [hbm4b:s11+s4], $0x1000, s5, s4, $0x38;
	[tilespmem:$0x1C000] =	vst v63  }
0x40: {  	s20 =	sshll.u32 s0, $0xA;
	s2 =	sand.u32 $0x1FFFFF80, s19;
	s13 =	sadd.s32 $0x80000, s9  }
0x41: {  	[tilespmem:s14], [sflag:$0x2] =	stream.strided.gather [hbm4b:s13+s4], $0x1000, s5, s4, $0x38;
	[tilespmem:$0x1C000] =	vst v63  }
0x42: {  	s0 =	sshll.u32 s0, $0x9;
	s3 =	sadd.s32 s2, s20;
	s15 =	sadd.s32 $0xC0000, s9  }
0x43: {  	[tilespmem:s16], [sflag:$0x2] =	stream.strided.gather [hbm4b:s15+s4], $0x1000, s5, s4, $0x38;
	[tilespmem:$0x1C000] =	vst v63  }
0x44: {  	s3 =	sadd.s32 $0xC000, s3;
	s12 =	sand.u32 $0x40, s24;
	_ =	swait.ge [sflag:s17], $0x4000  }
0x45: {  	s25 =	sor.u32 $0x30, s12;
	s14 =	sadd.s32 s2, s0;
	[sflag:s17] =	ssyncset.done $0x0  }
0x46: {  	s21 =	sor.u32 s25, s3;
	s0 =	sadd.s32 $0x3000, s14;
	[sflag:s17] =	ssyncadd.s32 $0xFFFFC000  }
0x47: {  	s22 =	sor.u32 s25, s0;
	v0 =	vld [tilespmem:s21+$0x0]  }
0x48: {  	s9 =	sor.u32 s12, s3;
	s26 =	sadd.s32 $0x1000, s14;
	v3 =	vld [tilespmem:s22+$0x0]  }
0x49: {  	s29 =	sadd.s32 $0x2000, s14;
	s28 =	sor.u32 s12, s26;
	v1 =	vld [tilespmem:s9+$0x0]  }
0x4a: {  	s30 =	sor.u32 s12, s29;
	v4 =	vld [tilespmem:s28+$0x0]  }
0x4b: {  	s15 =	sor.u32 $0x10, s12;
	s16 =	sor.u32 s12, s0;
	v6 =	vld [tilespmem:s30+$0x0]  }
0x4c: {  	s23 =	sor.u32 s15, s3;
	v8 =	vld [tilespmem:s16+$0x0]  }
0x4d: {  	s11 =	sor.u32 s15, s26;
	v2 =	vld [tilespmem:s23+$0x0]  }
0x4e: {  	s10 =	sor.u32 s15, s29;
	v9 =	vld [tilespmem:s11+$0x0];
	v3 =	vadd.f32 v3, v0  }
0x4f: {  	s17 =	sor.u32 $0x20, s12;
	v5 =	vld [tilespmem:s10+$0x0];
	s9 =	sor.u32 s15, s0;
	v4 =	vadd.f32 v4, v1  }
0x50: {  	s3 =	sor.u32 s17, s3;
	v7 =	vld [tilespmem:s9+$0x0];
	v6 =	vadd.f32 v6, v1;
	[tilespmem:s22+$0x0] =	vst v3  }
0x51: {  	s31 =	sor.u32 s12, s14;
	s2 =	sor.u32 s17, s0;
	v8 =	vadd.f32 v8, v1;
	v3 =	vld [tilespmem:s3+$0x0];
	s3 =	sor.u32 s17, s26;
	[tilespmem:s28+$0x0] =	vst v4  }
0x52: {  	s0 =	sor.u32 s25, s26;
	s28 =	sor.u32 s17, s29;
	s26 =	sor.u32 s17, s14;
	[tilespmem:s30+$0x0] =	vst v6;
	v4 =	vld [tilespmem:s3+$0x0]  }
0x53: {  	s30 =	sor.u32 s25, s29;
	s29 =	sor.u32 s15, s14;
	s25 =	sor.u32 s25, s14;
	v6 =	vld [tilespmem:s28+$0x0];
	[tilespmem:s16+$0x0] =	vst v8;
	v8 =	vadd.f32 v9, v2  }
.LBB2_2:
0x54: {  	s24 =	sadd.s32 $0x40, s24;
	v5 =	vadd.f32 v5, v2;
	v9 =	vld [tilespmem:s2+$0x0]  }
0x55: {  	s12 =	sshrl.u32 s24, $0x7;
	p0 =	slt.u32 s24, $0xFC0;
	[tilespmem:s11+$0x0] =	vst v8;
	v7 =	vadd.f32 v7, v2;
	v8 =	vld [tilespmem:s0+$0x0]  }
0x56: {  	s11 =	sand.u32 $0x7, s12;
	s12 =	sshrl.u32 s24, $0x3;
	[tilespmem:s10+$0x0] =	vst v5;
	v5 =	vld [tilespmem:s30+$0x0]  }
0x57: {  	s10 =	sshll.u32 s11, $0xA;
	s12 =	sand.u32 $0x1FFFFF80, s12;
	v10 =	vld [tilespmem:s31+$0x0];
	[tilespmem:s9+$0x0] =	vst v7;
	v4 =	vadd.f32 v4, v3  }
0x58: {  	s14 =	sand.u32 $0x40, s24;
	s9 =	sadd.s32 s12, s10;
	s10 =	sshll.u32 s11, $0x9;
	v7 =	vld [tilespmem:s29+$0x0];
	v6 =	vadd.f32 v6, v3  }
0x59: {  	s16 =	sor.u32 $0x30, s14;
	s15 =	sadd.s32 $0xC000, s9;
	s12 =	sadd.s32 s12, s10;
	v11 =	vld [tilespmem:s26+$0x0];
	[tilespmem:s3+$0x0] =	vst v4;
	v4 =	vadd.f32 v9, v3  }
0x5a: {  	s17 =	sadd.s32 $0x1000, s12;
	s6 =	sadd.s32 $0x3000, s12;
	s3 =	sor.u32 s16, s15;
	[tilespmem:s28+$0x0] =	vst v6;
	v6 =	vld [tilespmem:s25+$0x0];
	v8 =	vadd.f32 v8, v0  }
0x5b: {  	s8 =	sor.u32 $0x10, s14;
	s7 =	sadd.s32 $0x2000, s12;
	v9 =	vld [tilespmem:s3+$0x0];
	s1 =	sor.u32 s16, s6;
	[tilespmem:s2+$0x0] =	vst v4;
	v4 =	vadd.f32 v5, v0  }
0x5c: {  	s18 =	sor.u32 $0x20, s14;
	s2 =	sor.u32 s14, s15;
	s23 =	sor.u32 s14, s17;
	v5 =	vld [tilespmem:s1+$0x0];
	v10 =	vadd.f32 v10, v1;
	[tilespmem:s0+$0x0] =	vst v8  }
0x5d: {  	s22 =	sor.u32 s8, s15;
	s20 =	sor.u32 s14, s7;
	s21 =	sor.u32 s14, s6;
	v1 =	vld [tilespmem:s2+$0x0];
	v2 =	vadd.f32 v7, v2;
	[tilespmem:s30+$0x0] =	vst v4  }
0x5e: {  	s11 =	sor.u32 s8, s17;
	s10 =	sor.u32 s8, s7;
	s9 =	sor.u32 s8, s6;
	v4 =	vld [tilespmem:s23+$0x0];
	[tilespmem:s31+$0x0] =	vst v10;
	v3 =	vadd.f32 v11, v3  }
0x5f: {  	s15 =	sor.u32 s18, s15;
	s3 =	sor.u32 s18, s17;
	s28 =	sor.u32 s18, s7;
	v7 =	vld [tilespmem:s20+$0x0];
	[tilespmem:s29+$0x0] =	vst v2;
	v6 =	vadd.f32 v6, v0  }
0x60: {  	s0 =	sor.u32 s16, s17;
	s2 =	sor.u32 s18, s6;
	s30 =	sor.u32 s16, s7;
	v8 =	vld [tilespmem:s21+$0x0];
	[tilespmem:s26+$0x0] =	vst v3;
	v0 =	vmov v9  }
0x61: {  	s31 =	sor.u32 s14, s12;
	s29 =	sor.u32 s8, s12;
	s26 =	sor.u32 s18, s12;
	v2 =	vld [tilespmem:s22+$0x0];
	v3 =	vadd.f32 v5, v0;
	[tilespmem:s25+$0x0] =	vst v6  }
0x62: {  	s25 =	sor.u32 s16, s12;
	v6 =	vld [tilespmem:s11+$0x0]  }
.Ltmp0:
0x63: {  	v4 =	vadd.f32 v4, v1;
	v5 =	vld [tilespmem:s10+$0x0];
	[tilespmem:s1+$0x0] =	vst v3;
	(pc) =	sbr.rel @p0 .LBB2_2-.Ltmp0, $4  }
0x64: {  	v9 =	vadd.f32 v7, v1;
	v7 =	vld [tilespmem:s9+$0x0]  }
0x65: {  	[tilespmem:s23+$0x0] =	vst v4;
	v8 =	vadd.f32 v8, v1;
	v3 =	vld [tilespmem:s15+$0x0]  }
0x66: {  	[tilespmem:s20+$0x0] =	vst v9;
	v4 =	vld [tilespmem:s3+$0x0]  }
0x67: {  	[tilespmem:s21+$0x0] =	vst v8;
	v8 =	vadd.f32 v6, v2;
	v6 =	vld [tilespmem:s28+$0x0]  }
0x68: {  	v9 =	vld [tilespmem:s2+$0x0]  }
0x69: {  	v5 =	vadd.f32 v5, v2;
	v10 =	vld [tilespmem:s31+$0x0]  }
0x6a: {  	[tilespmem:s11+$0x0] =	vst v8;
	v7 =	vadd.f32 v7, v2;
	v8 =	vld [tilespmem:s0+$0x0]  }
0x6b: {  	[tilespmem:s10+$0x0] =	vst v5;
	v5 =	vld [tilespmem:s30+$0x0];
	v4 =	vadd.f32 v4, v3  }
0x6c: {  	v11 =	vld [tilespmem:s26+$0x0];
	[tilespmem:s9+$0x0] =	vst v7;
	v6 =	vadd.f32 v6, v3  }
0x6d: {  	v7 =	vld [tilespmem:s29+$0x0];
	[tilespmem:s3+$0x0] =	vst v4;
	v4 =	vadd.f32 v9, v3  }
0x6e: {  	v1 =	vadd.f32 v10, v1;
	[tilespmem:s28+$0x0] =	vst v6;
	v6 =	vld [tilespmem:s25+$0x0]  }
0x6f: {  	v8 =	vadd.f32 v8, v0;
	[tilespmem:s2+$0x0] =	vst v4  }
0x70: {  	v4 =	vadd.f32 v5, v0;
	[tilespmem:s31+$0x0] =	vst v1  }
0x71: {  	v1 =	vadd.f32 v11, v3;
	[tilespmem:s0+$0x0] =	vst v8  }
0x72: {  	v2 =	vadd.f32 v7, v2;
	[tilespmem:s30+$0x0] =	vst v4  }
0x73: {  	[tilespmem:s26+$0x0] =	vst v1;
	v0 =	vadd.f32 v6, v0  }
0x74: {  	[tilespmem:s29+$0x0] =	vst v2  }
0x75: {  	s22 =	simm.s32 $0x0;
	[tilespmem:s25+$0x0] =	vst v0  }
0x76: {  	s13 =	simm.s32 $0x1000;
	s19 =	simm.s32 $0x2000;
	s1 =	rddreg [dreg:$0x1e]  }
0x77: {  	[hbm4b:s1+s4] =	stream.strided.scatter [tilespmem:s22], [sflag:$0x4], $0x1000, s5, s4, $0x38;
	[tilespmem:$0x1C000] =	vst v63  }
0x78: {  	s23 =	simm.s32 $0x3000;
	s7 =	simm.s32 $0x8000;
	s26 =	sadd.s32 $0x40000, s1  }
0x79: {  	[hbm4b:s26+s4] =	stream.strided.scatter [tilespmem:s13], [sflag:$0x4], $0x1000, s5, s4, $0x38;
	[tilespmem:$0x1C000] =	vst v63  }
0x7a: {  	s14 =	simm.s32 $0xB000;
	s15 =	simm.s32 $0x0;
	s2 =	sadd.s32 $0x80000, s1  }
0x7b: {  	[hbm4b:s2+s4] =	stream.strided.scatter [tilespmem:s19], [sflag:$0x4], $0x1000, s5, s4, $0x38;
	[tilespmem:$0x1C000] =	vst v63  }
0x7c: {  	s16 =	simm.s32 $0x0;
	s24 =	simm.s32 $0x0;
	s3 =	sadd.s32 $0xC0000, s1  }
0x7d: {  	[hbm4b:s3+s4] =	stream.strided.scatter [tilespmem:s23], [sflag:$0x4], $0x1000, s5, s4, $0x38;
	[tilespmem:$0x1C000] =	vst v63  }
0x7e: {  	s11 =	simm.s32 $0xA000;
	s18 =	sand.u32 $0x40, s24;
	s6 =	rddreg [dreg:$0x6]  }
0x7f: {  	[tilespmem:s7], [sflag:$0x3] =	stream.strided.gather [hbm4b:s6+s4], $0x1000, s5, s4, $0x38;
	[tilespmem:$0x1C000] =	vst v63  }
0x80: {  	s9 =	simm.s32 $0x9000;
	s0 =	sand.u32 $0x7, s15;
	s8 =	sadd.s32 $0x40000, s6  }
0x81: {  	[tilespmem:s9], [sflag:$0x3] =	stream.strided.gather [hbm4b:s8+s4], $0x1000, s5, s4, $0x38;
	[tilespmem:$0x1C000] =	vst v63  }
0x82: {  	s17 =	sshll.u32 s0, $0xA;
	s0 =	sshll.u32 s0, $0x9;
	s10 =	sadd.s32 $0x80000, s6  }
0x83: {  	[tilespmem:s11], [sflag:$0x3] =	stream.strided.gather [hbm4b:s10+s4], $0x1000, s5, s4, $0x38;
	[tilespmem:$0x1C000] =	vst v63  }
0x84: {  	s12 =	sadd.s32 $0xC0000, s6;
	s1 =	sand.u32 $0x1FFFFF80, s16;
	s6 =	simm.s32 $0x2  }
0x85: {  	[tilespmem:s14], [sflag:$0x3] =	stream.strided.gather [hbm4b:s12+s4], $0x1000, s5, s4, $0x38;
	[tilespmem:$0x1C000] =	vst v63  }
0x86: {  	s0 =	sadd.s32 s1, s0;
	s2 =	sadd.s32 s1, s17;
	_ =	swait.ge [sflag:s6], $0x4000  }
0x87: {  	s1 =	sor.u32 $0x30, s18;
	s2 =	sadd.s32 $0xC200, s2;
	[sflag:s6] =	ssyncset.done $0x0  }
0x88: {  	s7 =	sor.u32 s1, s2;
	[sflag:s6] =	ssyncadd.s32 $0xFFFFC000  }
0x89: {  	s21 =	sor.u32 s18, s2;
	s8 =	sadd.s32 $0x4000, s0;
	v0 =	vld [tilespmem:s7+$0x0]  }
0x8a: {  	s14 =	sor.u32 s18, s8;
	s6 =	sadd.s32 $0x7000, s0;
	v6 =	vld [tilespmem:s21+$0x0]  }
0x8b: {  	s12 =	sadd.s32 $0x5000, s0;
	s20 =	sor.u32 s1, s6;
	v3 =	vld [tilespmem:s14+$0x0]  }
0x8c: {  	s15 =	sadd.s32 $0x6000, s0;
	s25 =	sor.u32 s18, s12;
	v1 =	vld [tilespmem:s20+$0x0]  }
0x8d: {  	s17 =	sor.u32 s18, s15;
	v4 =	vld [tilespmem:s25+$0x0]  }
0x8e: {  	s16 =	sor.u32 $0x10, s18;
	v5 =	vld [tilespmem:s17+$0x0];
	s11 =	sor.u32 s18, s6  }
0x8f: {  	s26 =	sor.u32 s16, s2;
	v7 =	vld [tilespmem:s11+$0x0]  }
0x90: {  	s10 =	sor.u32 s16, s8;
	v2 =	vld [tilespmem:s26+$0x0];
	v8 =	vadd.f32 v3, v6  }
0x91: {  	s28 =	sor.u32 s16, s12;
	v3 =	vld [tilespmem:s10+$0x0];
	v1 =	vadd.f32 v1, v0  }
0x92: {  	s9 =	sor.u32 s16, s15;
	s29 =	sor.u32 s1, s8;
	v63 =	vadd.f32 v4, v6;
	v4 =	vld [tilespmem:s28+$0x0];
	[tilespmem:s14+$0x0] =	vst v8  }
0x93: {  	s18 =	sor.u32 $0x20, s18;
	s3 =	sor.u32 s16, s6;
	s26 =	sor.u32 s1, s12;
	v8 =	vadd.f32 v5, v6;
	v5 =	vld [tilespmem:s9+$0x0];
	[tilespmem:s20+$0x0] =	vst v1  }
0x94: {  	s2 =	sor.u32 s18, s2;
	s30 =	sor.u32 s18, s12;
	s31 =	sor.u32 s18, s6;
	v7 =	vadd.f32 v7, v6;
	v6 =	vld [tilespmem:s3+$0x0];
	[tilespmem:s25+$0x0] =	vst v63  }
0x95: {  	s0 =	sor.u32 s18, s15;
	v1 =	vld [tilespmem:s2+$0x0];
	s2 =	sor.u32 s18, s8;
	s25 =	sor.u32 s1, s15;
	[tilespmem:s17+$0x0] =	vst v8  }
.LBB2_4:
0x96: {  	s24 =	sadd.s32 $0x40, s24;
	[tilespmem:s11+$0x0] =	vst v7;
	v3 =	vadd.f32 v3, v2;
	v7 =	vld [tilespmem:s2+$0x0]  }
0x97: {  	s1 =	sshrl.u32 s24, $0x7;
	p0 =	slt.u32 s24, $0xFC0;
	v4 =	vadd.f32 v4, v2;
	v8 =	vld [tilespmem:s30+$0x0]  }
0x98: {  	s6 =	sshrl.u32 s24, $0x3;
	s1 =	sand.u32 $0x7, s1;
	[tilespmem:s10+$0x0] =	vst v3;
	v3 =	vadd.f32 v5, v2;
	v5 =	vld [tilespmem:s0+$0x0]  }
0x99: {  	s6 =	sand.u32 $0x1FFFFF80, s6;
	s7 =	sshll.u32 s1, $0xA;
	[tilespmem:s28+$0x0] =	vst v4;
	v2 =	vadd.f32 v6, v2;
	v4 =	vld [tilespmem:s31+$0x0]  }
0x9a: {  	s8 =	sand.u32 $0x40, s24;
	s1 =	sshll.u32 s1, $0x9;
	s7 =	sadd.s32 s6, s7;
	[tilespmem:s9+$0x0] =	vst v3;
	v3 =	vld [tilespmem:s29+$0x0]  }
0x9b: {  	s1 =	sadd.s32 s6, s1;
	s6 =	sor.u32 $0x30, s8;
	s7 =	sadd.s32 $0xC200, s7;
	[tilespmem:s3+$0x0] =	vst v2;
	v2 =	vadd.f32 v7, v1;
	v6 =	vld [tilespmem:s26+$0x0]  }
0x9c: {  	s12 =	sadd.s32 $0x4000, s1;
	s14 =	sadd.s32 $0x7000, s1;
	s3 =	sor.u32 s6, s7;
	v7 =	vadd.f32 v8, v1;
	v8 =	vld [tilespmem:s25+$0x0]  }
0x9d: {  	s15 =	sadd.s32 $0x5000, s1;
	s1 =	sadd.s32 $0x6000, s1;
	s16 =	sor.u32 s6, s14;
	v9 =	vld [tilespmem:s3+$0x0];
	[tilespmem:s2+$0x0] =	vst v2;
	v2 =	vadd.f32 v5, v1  }
0x9e: {  	s17 =	sor.u32 $0x20, s8;
	s2 =	sor.u32 s8, s7;
	s3 =	sor.u32 $0x10, s8;
	v5 =	vld [tilespmem:s16+$0x0];
	[tilespmem:s30+$0x0] =	vst v7;
	v1 =	vadd.f32 v4, v1  }
0x9f: {  	s18 =	sor.u32 s8, s12;
	s20 =	sor.u32 s8, s15;
	s21 =	sor.u32 s8, s1;
	v7 =	vld [tilespmem:s2+$0x0];
	[tilespmem:s0+$0x0] =	vst v2;
	v2 =	vadd.f32 v3, v0  }
0xa0: {  	s11 =	sor.u32 s8, s14;
	s8 =	sor.u32 s3, s7;
	s10 =	sor.u32 s3, s12;
	v3 =	vld [tilespmem:s18+$0x0];
	[tilespmem:s31+$0x0] =	vst v1;
	v1 =	vadd.f32 v6, v0  }
0xa1: {  	s28 =	sor.u32 s3, s15;
	s9 =	sor.u32 s3, s1;
	s3 =	sor.u32 s3, s14;
	v4 =	vld [tilespmem:s20+$0x0];
	[tilespmem:s29+$0x0] =	vst v2;
	v2 =	vadd.f32 v8, v0  }
0xa2: {  	s7 =	sor.u32 s17, s7;
	s30 =	sor.u32 s17, s15;
	s2 =	sor.u32 s17, s12;
	v6 =	vld [tilespmem:s21+$0x0];
	[tilespmem:s26+$0x0] =	vst v1;
	v0 =	vmov v9  }
0xa3: {  	s0 =	sor.u32 s17, s1;
	s31 =	sor.u32 s17, s14;
	s29 =	sor.u32 s6, s12;
	v1 =	vld [tilespmem:s11+$0x0];
	v5 =	vadd.f32 v5, v0;
	[tilespmem:s25+$0x0] =	vst v2  }
0xa4: {  	s26 =	sor.u32 s6, s15;
	s25 =	sor.u32 s6, s1;
	v2 =	vld [tilespmem:s8+$0x0]  }
.Ltmp1:
0xa5: {  	v8 =	vadd.f32 v3, v7;
	v3 =	vld [tilespmem:s10+$0x0];
	[tilespmem:s16+$0x0] =	vst v5;
	(pc) =	sbr.rel @p0 .LBB2_4-.Ltmp1, $4  }
0xa6: {  	v9 =	vadd.f32 v4, v7;
	v4 =	vld [tilespmem:s28+$0x0]  }
0xa7: {  	[tilespmem:s18+$0x0] =	vst v8;
	v8 =	vadd.f32 v6, v7;
	v5 =	vld [tilespmem:s9+$0x0]  }
0xa8: {  	[tilespmem:s20+$0x0] =	vst v9;
	v7 =	vadd.f32 v1, v7;
	v6 =	vld [tilespmem:s3+$0x0]  }
0xa9: {  	[tilespmem:s21+$0x0] =	vst v8;
	v1 =	vld [tilespmem:s7+$0x0]  }
0xaa: {  	v8 =	vld [tilespmem:s2+$0x0]  }
0xab: {  	v3 =	vadd.f32 v3, v2;
	v9 =	vld [tilespmem:s30+$0x0]  }
0xac: {  	[tilespmem:s11+$0x0] =	vst v7;
	v7 =	vld [tilespmem:s0+$0x0];
	v4 =	vadd.f32 v4, v2  }
0xad: {  	[tilespmem:s10+$0x0] =	vst v3;
	v3 =	vadd.f32 v5, v2;
	v5 =	vld [tilespmem:s31+$0x0]  }
0xae: {  	[tilespmem:s28+$0x0] =	vst v4;
	v2 =	vadd.f32 v6, v2;
	v4 =	vld [tilespmem:s29+$0x0]  }
0xaf: {  	v6 =	vld [tilespmem:s26+$0x0];
	[tilespmem:s9+$0x0] =	vst v3;
	v3 =	vadd.f32 v8, v1  }
0xb0: {  	[tilespmem:s3+$0x0] =	vst v2;
	v2 =	vadd.f32 v9, v1;
	v8 =	vld [tilespmem:s25+$0x0]  }
0xb1: {  	[tilespmem:s2+$0x0] =	vst v3;
	v3 =	vadd.f32 v7, v1  }
0xb2: {  	v1 =	vadd.f32 v5, v1;
	[tilespmem:s30+$0x0] =	vst v2  }
0xb3: {  	v2 =	vadd.f32 v4, v0;
	[tilespmem:s0+$0x0] =	vst v3  }
0xb4: {  	[tilespmem:s31+$0x0] =	vst v1;
	v1 =	vadd.f32 v6, v0  }
0xb5: {  	[tilespmem:s29+$0x0] =	vst v2;
	v0 =	vadd.f32 v8, v0  }
0xb6: {  	[tilespmem:s26+$0x0] =	vst v1  }
0xb7: {  	[tilespmem:s25+$0x0] =	vst v0  }
0xb8: {  	s26 =	simm.s32 $0x4000;
	s1 =	rddreg [dreg:$0x7]  }
0xb9: {  	[hbm4b:s1+s4] =	stream.strided.scatter [tilespmem:s26], [sflag:$0x5], $0x1000, s5, s4, $0x38;
	[tilespmem:$0x1C000] =	vst v63  }
0xba: {  	s3 =	simm.s32 $0x5000;
	s2 =	sadd.s32 $0x40000, s1  }
0xbb: {  	[hbm4b:s2+s4] =	stream.strided.scatter [tilespmem:s3], [sflag:$0x5], $0x1000, s5, s4, $0x38;
	[tilespmem:$0x1C000] =	vst v63  }
0xbc: {  	s7 =	simm.s32 $0x6000;
	s6 =	sadd.s32 $0x80000, s1  }
0xbd: {  	[hbm4b:s6+s4] =	stream.strided.scatter [tilespmem:s7], [sflag:$0x5], $0x1000, s5, s4, $0x38;
	[tilespmem:$0x1C000] =	vst v63  }
0xbe: {  	s10 =	simm.s32 $0x4;
	s9 =	simm.s32 $0x7000;
	s8 =	sadd.s32 $0xC0000, s1  }
0xbf: {  	[hbm4b:s8+s4] =	stream.strided.scatter [tilespmem:s9], [sflag:$0x5], $0x1000, s5, s4, $0x38;
	[tilespmem:$0x1C000] =	vst v63  }
0xc0: {  	_ =	swait.ge [sflag:s10], $0x4000  }
0xc1: {  	s16 =	simm.s32 $0x0;
	s17 =	simm.s32 $0x0;
	[sflag:s10] =	ssyncset.done $0x0  }
0xc2: {  	s0 =	sand.u32 $0x7, s16;
	s11 =	rddreg [dreg:$0x8];
	[sflag:s10] =	ssyncadd.s32 $0xFFFFC000  }
0xc3: {  	[tilespmem:s22], [sflag:$0x1] =	stream.strided.gather [hbm4b:s11+s4], $0x1000, s5, s4, $0x38;
	[tilespmem:$0x1C000] =	vst v63  }
0xc4: {  	s24 =	simm.s32 $0x0;
	s18 =	sshll.u32 s0, $0xA;
	s12 =	sadd.s32 $0x40000, s11  }
0xc5: {  	[tilespmem:s13], [sflag:$0x1] =	stream.strided.gather [hbm4b:s12+s4], $0x1000, s5, s4, $0x38;
	[tilespmem:$0x1C000] =	vst v63  }
0xc6: {  	s0 =	sshll.u32 s0, $0x9;
	s1 =	sand.u32 $0x1FFFFF80, s17;
	s14 =	sadd.s32 $0x80000, s11  }
0xc7: {  	[tilespmem:s19], [sflag:$0x1] =	stream.strided.gather [hbm4b:s14+s4], $0x1000, s5, s4, $0x38;
	[tilespmem:$0x1C000] =	vst v63  }
0xc8: {  	s0 =	sadd.s32 s1, s0;
	s6 =	simm.s32 $0x3;
	s15 =	sadd.s32 $0xC0000, s11  }
0xc9: {  	[tilespmem:s23], [sflag:$0x1] =	stream.strided.gather [hbm4b:s15+s4], $0x1000, s5, s4, $0x38;
	[tilespmem:$0x1C000] =	vst v63  }
0xca: {  	s2 =	sadd.s32 s1, s18;
	s19 =	sand.u32 $0x40, s24;
	_ =	swait.ge [sflag:s6], $0x4000  }
0xcb: {  	s2 =	sadd.s32 $0xE000, s2;
	s20 =	sor.u32 $0x30, s19;
	[sflag:s6] =	ssyncset.done $0x0  }
0xcc: {  	s21 =	sadd.s32 $0xB000, s0;
	s7 =	sor.u32 s20, s2;
	[sflag:s6] =	ssyncadd.s32 $0xFFFFC000  }
0xcd: {  	s22 =	sor.u32 s20, s21;
	v0 =	vld [tilespmem:s7+$0x0]  }
0xce: {  	s8 =	sadd.s32 $0x8000, s0;
	s23 =	sor.u32 s19, s2;
	v1 =	vld [tilespmem:s22+$0x0]  }
0xcf: {  	s12 =	sadd.s32 $0x9000, s0;
	s14 =	sor.u32 s19, s8;
	v6 =	vld [tilespmem:s23+$0x0]  }
0xd0: {  	s25 =	sor.u32 s19, s12;
	s15 =	sadd.s32 $0xA000, s0;
	v3 =	vld [tilespmem:s14+$0x0]  }
0xd1: {  	s17 =	sor.u32 s19, s15;
	v4 =	vld [tilespmem:s25+$0x0]  }
0xd2: {  	s16 =	sor.u32 $0x10, s19;
	s11 =	sor.u32 s19, s21;
	v5 =	vld [tilespmem:s17+$0x0]  }
0xd3: {  	s26 =	sor.u32 s16, s2;
	v7 =	vld [tilespmem:s11+$0x0]  }
0xd4: {  	s10 =	sor.u32 s16, s8;
	v2 =	vld [tilespmem:s26+$0x0];
	v1 =	vadd.f32 v1, v0  }
0xd5: {  	s28 =	sor.u32 s16, s12;
	v8 =	vadd.f32 v3, v6;
	v3 =	vld [tilespmem:s10+$0x0]  }
0xd6: {  	s18 =	sor.u32 $0x20, s19;
	s9 =	sor.u32 s16, s15;
	v63 =	vadd.f32 v4, v6;
	v4 =	vld [tilespmem:s28+$0x0];
	[tilespmem:s22+$0x0] =	vst v1  }
0xd7: {  	s2 =	sor.u32 s18, s2;
	s3 =	sor.u32 s16, s21;
	s30 =	sor.u32 s18, s12;
	[tilespmem:s14+$0x0] =	vst v8;
	v8 =	vadd.f32 v5, v6;
	v5 =	vld [tilespmem:s9+$0x0]  }
0xd8: {  	s31 =	sor.u32 s18, s21;
	s29 =	sor.u32 s20, s8;
	s0 =	sor.u32 s18, s15;
	v7 =	vadd.f32 v7, v6;
	v6 =	vld [tilespmem:s3+$0x0];
	[tilespmem:s25+$0x0] =	vst v63  }
0xd9: {  	s26 =	sor.u32 s20, s12;
	v1 =	vld [tilespmem:s2+$0x0];
	s2 =	sor.u32 s18, s8;
	s25 =	sor.u32 s20, s15;
	[tilespmem:s17+$0x0] =	vst v8  }
.LBB2_6:
0xda: {  	s24 =	sadd.s32 $0x40, s24;
	[tilespmem:s11+$0x0] =	vst v7;
	v3 =	vadd.f32 v3, v2;
	v7 =	vld [tilespmem:s2+$0x0]  }
0xdb: {  	s1 =	sshrl.u32 s24, $0x7;
	p0 =	slt.u32 s24, $0xFC0;
	v4 =	vadd.f32 v4, v2;
	v8 =	vld [tilespmem:s30+$0x0]  }
0xdc: {  	s6 =	sshrl.u32 s24, $0x3;
	s1 =	sand.u32 $0x7, s1;
	[tilespmem:s10+$0x0] =	vst v3;
	v3 =	vadd.f32 v5, v2;
	v5 =	vld [tilespmem:s0+$0x0]  }
0xdd: {  	s6 =	sand.u32 $0x1FFFFF80, s6;
	s7 =	sshll.u32 s1, $0xA;
	[tilespmem:s28+$0x0] =	vst v4;
	v2 =	vadd.f32 v6, v2;
	v4 =	vld [tilespmem:s31+$0x0]  }
0xde: {  	s8 =	sand.u32 $0x40, s24;
	s1 =	sshll.u32 s1, $0x9;
	s7 =	sadd.s32 s6, s7;
	[tilespmem:s9+$0x0] =	vst v3;
	v3 =	vld [tilespmem:s29+$0x0]  }
0xdf: {  	s1 =	sadd.s32 s6, s1;
	s6 =	sor.u32 $0x30, s8;
	s7 =	sadd.s32 $0xE000, s7;
	[tilespmem:s3+$0x0] =	vst v2;
	v2 =	vadd.f32 v7, v1;
	v6 =	vld [tilespmem:s26+$0x0]  }
0xe0: {  	s12 =	sadd.s32 $0x8000, s1;
	s14 =	sadd.s32 $0xB000, s1;
	s3 =	sor.u32 s6, s7;
	v7 =	vadd.f32 v8, v1;
	v8 =	vld [tilespmem:s25+$0x0]  }
0xe1: {  	s15 =	sadd.s32 $0x9000, s1;
	s1 =	sadd.s32 $0xA000, s1;
	s16 =	sor.u32 s6, s14;
	v9 =	vld [tilespmem:s3+$0x0];
	[tilespmem:s2+$0x0] =	vst v2;
	v2 =	vadd.f32 v5, v1  }
0xe2: {  	s17 =	sor.u32 $0x20, s8;
	s2 =	sor.u32 s8, s7;
	s3 =	sor.u32 $0x10, s8;
	v5 =	vld [tilespmem:s16+$0x0];
	[tilespmem:s30+$0x0] =	vst v7;
	v1 =	vadd.f32 v4, v1  }
0xe3: {  	s18 =	sor.u32 s8, s12;
	s20 =	sor.u32 s8, s15;
	s21 =	sor.u32 s8, s1;
	v7 =	vld [tilespmem:s2+$0x0];
	[tilespmem:s0+$0x0] =	vst v2;
	v2 =	vadd.f32 v3, v0  }
0xe4: {  	s11 =	sor.u32 s8, s14;
	s8 =	sor.u32 s3, s7;
	s10 =	sor.u32 s3, s12;
	v3 =	vld [tilespmem:s18+$0x0];
	[tilespmem:s31+$0x0] =	vst v1;
	v1 =	vadd.f32 v6, v0  }
0xe5: {  	s28 =	sor.u32 s3, s15;
	s9 =	sor.u32 s3, s1;
	s3 =	sor.u32 s3, s14;
	v4 =	vld [tilespmem:s20+$0x0];
	[tilespmem:s29+$0x0] =	vst v2;
	v2 =	vadd.f32 v8, v0  }
0xe6: {  	s7 =	sor.u32 s17, s7;
	s30 =	sor.u32 s17, s15;
	s2 =	sor.u32 s17, s12;
	v6 =	vld [tilespmem:s21+$0x0];
	[tilespmem:s26+$0x0] =	vst v1;
	v0 =	vmov v9  }
0xe7: {  	s0 =	sor.u32 s17, s1;
	s31 =	sor.u32 s17, s14;
	s29 =	sor.u32 s6, s12;
	v1 =	vld [tilespmem:s11+$0x0];
	v5 =	vadd.f32 v5, v0;
	[tilespmem:s25+$0x0] =	vst v2  }
0xe8: {  	s26 =	sor.u32 s6, s15;
	s25 =	sor.u32 s6, s1;
	v2 =	vld [tilespmem:s8+$0x0]  }
.Ltmp2:
0xe9: {  	v8 =	vadd.f32 v3, v7;
	v3 =	vld [tilespmem:s10+$0x0];
	[tilespmem:s16+$0x0] =	vst v5;
	(pc) =	sbr.rel @p0 .LBB2_6-.Ltmp2, $4  }
0xea: {  	v9 =	vadd.f32 v4, v7;
	v4 =	vld [tilespmem:s28+$0x0]  }
0xeb: {  	[tilespmem:s18+$0x0] =	vst v8;
	v8 =	vadd.f32 v6, v7;
	v5 =	vld [tilespmem:s9+$0x0]  }
0xec: {  	[tilespmem:s20+$0x0] =	vst v9;
	v7 =	vadd.f32 v1, v7;
	v6 =	vld [tilespmem:s3+$0x0]  }
0xed: {  	[tilespmem:s21+$0x0] =	vst v8;
	v1 =	vld [tilespmem:s7+$0x0]  }
0xee: {  	v8 =	vld [tilespmem:s2+$0x0]  }
0xef: {  	v3 =	vadd.f32 v3, v2;
	v9 =	vld [tilespmem:s30+$0x0]  }
0xf0: {  	[tilespmem:s11+$0x0] =	vst v7;
	v7 =	vld [tilespmem:s0+$0x0];
	v4 =	vadd.f32 v4, v2  }
0xf1: {  	[tilespmem:s10+$0x0] =	vst v3;
	v3 =	vadd.f32 v5, v2;
	v5 =	vld [tilespmem:s31+$0x0]  }
0xf2: {  	[tilespmem:s28+$0x0] =	vst v4;
	v2 =	vadd.f32 v6, v2;
	v4 =	vld [tilespmem:s29+$0x0]  }
0xf3: {  	v6 =	vld [tilespmem:s26+$0x0];
	[tilespmem:s9+$0x0] =	vst v3;
	v3 =	vadd.f32 v8, v1  }
0xf4: {  	[tilespmem:s3+$0x0] =	vst v2;
	v2 =	vadd.f32 v9, v1;
	v8 =	vld [tilespmem:s25+$0x0]  }
0xf5: {  	[tilespmem:s2+$0x0] =	vst v3;
	v3 =	vadd.f32 v7, v1  }
0xf6: {  	v1 =	vadd.f32 v5, v1;
	[tilespmem:s30+$0x0] =	vst v2  }
0xf7: {  	v2 =	vadd.f32 v4, v0;
	[tilespmem:s0+$0x0] =	vst v3  }
0xf8: {  	[tilespmem:s31+$0x0] =	vst v1;
	v1 =	vadd.f32 v6, v0  }
0xf9: {  	[tilespmem:s29+$0x0] =	vst v2;
	v0 =	vadd.f32 v8, v0  }
0xfa: {  	[tilespmem:s26+$0x0] =	vst v1  }
0xfb: {  	[tilespmem:s25+$0x0] =	vst v0  }
0xfc: {  	s24 =	simm.s32 $0x8000;
	s1 =	rddreg [dreg:$0x9]  }
0xfd: {  	[hbm4b:s1+s4] =	stream.strided.scatter [tilespmem:s24], [sflag:$0x6], $0x1000, s5, s4, $0x38;
	[tilespmem:$0x1C000] =	vst v63  }
0xfe: {  	s6 =	simm.s32 $0xA000;
	s26 =	simm.s32 $0x9000;
	s25 =	sadd.s32 $0x40000, s1  }
0xff: {  	[hbm4b:s25+s4] =	stream.strided.scatter [tilespmem:s26], [sflag:$0x6], $0x1000, s5, s4, $0x38;
	[tilespmem:$0x1C000] =	vst v63  }
0x100: {  	s8 =	simm.s32 $0xB000;
	s11 =	simm.s32 $0x4000;
	s3 =	sadd.s32 $0x80000, s1  }
0x101: {  	[hbm4b:s3+s4] =	stream.strided.scatter [tilespmem:s6], [sflag:$0x6], $0x1000, s5, s4, $0x38;
	[tilespmem:$0x1C000] =	vst v63  }
0x102: {  	s13 =	simm.s32 $0x5000;
	s9 =	simm.s32 $0x5;
	s7 =	sadd.s32 $0xC0000, s1  }
0x103: {  	[hbm4b:s7+s4] =	stream.strided.scatter [tilespmem:s8], [sflag:$0x6], $0x1000, s5, s4, $0x38;
	[tilespmem:$0x1C000] =	vst v63  }
0x104: {  	s15 =	simm.s32 $0x6000;
	s17 =	simm.s32 $0x7000;
	_ =	swait.ge [sflag:s9], $0x4000  }
0x105: {  	s18 =	simm.s32 $0x1;
	s19 =	simm.s32 $0x0;
	[sflag:s9] =	ssyncset.done $0x0  }
0x106: {  	s0 =	sand.u32 $0x7, s19;
	s10 =	rddreg [dreg:$0xa];
	[sflag:s9] =	ssyncadd.s32 $0xFFFFC000  }
0x107: {  	[tilespmem:s11], [sflag:$0x2] =	stream.strided.gather [hbm4b:s10+s4], $0x1000, s5, s4, $0x38;
	[tilespmem:$0x1C000] =	vst v63  }
0x108: {  	s20 =	simm.s32 $0x0;
	s21 =	sshll.u32 s0, $0xA;
	s12 =	sadd.s32 $0x40000, s10  }
0x109: {  	[tilespmem:s13], [sflag:$0x2] =	stream.strided.gather [hbm4b:s12+s4], $0x1000, s5, s4, $0x38;
	[tilespmem:$0x1C000] =	vst v63  }
0x10a: {  	s0 =	sshll.u32 s0, $0x9;
	s1 =	sand.u32 $0x1FFFFF80, s20;
	s14 =	sadd.s32 $0x80000, s10  }
0x10b: {  	[tilespmem:s15], [sflag:$0x2] =	stream.strided.gather [hbm4b:s14+s4], $0x1000, s5, s4, $0x38;
	[tilespmem:$0x1C000] =	vst v63  }
0x10c: {  	s24 =	simm.s32 $0x0;
	s2 =	sadd.s32 s1, s21;
	s16 =	sadd.s32 $0xC0000, s10  }
0x10d: {  	[tilespmem:s17], [sflag:$0x2] =	stream.strided.gather [hbm4b:s16+s4], $0x1000, s5, s4, $0x38;
	[tilespmem:$0x1C000] =	vst v63  }
0x10e: {  	s1 =	sadd.s32 s1, s0;
	s6 =	sand.u32 $0x40, s24;
	_ =	swait.ge [sflag:s18], $0x4000  }
0x10f: {  	s2 =	sadd.s32 $0xE200, s2;
	s7 =	sor.u32 $0x30, s6;
	[sflag:s18] =	ssyncset.done $0x0  }
0x110: {  	s0 =	sadd.s32 $0x3000, s1;
	s22 =	sor.u32 s7, s2;
	[sflag:s18] =	ssyncadd.s32 $0xFFFFC000  }
0x111: {  	s23 =	sor.u32 s7, s0;
	v0 =	vld [tilespmem:s22+$0x0]  }
0x112: {  	s25 =	sor.u32 s6, s2;
	s8 =	sadd.s32 $0x1000, s1;
	v3 =	vld [tilespmem:s23+$0x0]  }
0x113: {  	s12 =	sadd.s32 $0x2000, s1;
	s14 =	sor.u32 s6, s8;
	v1 =	vld [tilespmem:s25+$0x0]  }
0x114: {  	s15 =	sor.u32 s6, s12;
	v4 =	vld [tilespmem:s14+$0x0]  }
0x115: {  	s16 =	sor.u32 $0x10, s6;
	s17 =	sor.u32 s6, s0;
	v6 =	vld [tilespmem:s15+$0x0]  }
0x116: {  	s26 =	sor.u32 s16, s2;
	v8 =	vld [tilespmem:s17+$0x0]  }
0x117: {  	s11 =	sor.u32 s16, s8;
	v2 =	vld [tilespmem:s26+$0x0]  }
0x118: {  	s10 =	sor.u32 s16, s12;
	v9 =	vld [tilespmem:s11+$0x0];
	v3 =	vadd.f32 v3, v0  }
0x119: {  	s9 =	sor.u32 s16, s0;
	s18 =	sor.u32 $0x20, s6;
	v5 =	vld [tilespmem:s10+$0x0];
	v4 =	vadd.f32 v4, v1  }
0x11a: {  	s2 =	sor.u32 s18, s2;
	v7 =	vld [tilespmem:s9+$0x0];
	v6 =	vadd.f32 v6, v1;
	[tilespmem:s23+$0x0] =	vst v3  }
0x11b: {  	s31 =	sor.u32 s6, s1;
	s30 =	sor.u32 s7, s12;
	s3 =	sor.u32 s18, s8;
	v8 =	vadd.f32 v8, v1;
	v3 =	vld [tilespmem:s2+$0x0];
	[tilespmem:s14+$0x0] =	vst v4  }
0x11c: {  	s29 =	sor.u32 s16, s1;
	s28 =	sor.u32 s18, s12;
	s26 =	sor.u32 s18, s1;
	v4 =	vld [tilespmem:s3+$0x0];
	[tilespmem:s15+$0x0] =	vst v6  }
0x11d: {  	s25 =	sor.u32 s7, s1;
	s2 =	sor.u32 s18, s0;
	s0 =	sor.u32 s7, s8;
	v6 =	vld [tilespmem:s28+$0x0];
	[tilespmem:s17+$0x0] =	vst v8;
	v8 =	vadd.f32 v9, v2  }
.LBB2_8:
0x11e: {  	s24 =	sadd.s32 $0x40, s24;
	v5 =	vadd.f32 v5, v2;
	v9 =	vld [tilespmem:s2+$0x0]  }
0x11f: {  	s1 =	sshrl.u32 s24, $0x7;
	p0 =	slt.u32 s24, $0xFC0;
	[tilespmem:s11+$0x0] =	vst v8;
	v7 =	vadd.f32 v7, v2;
	v8 =	vld [tilespmem:s0+$0x0]  }
0x120: {  	s6 =	sshrl.u32 s24, $0x3;
	s1 =	sand.u32 $0x7, s1;
	[tilespmem:s10+$0x0] =	vst v5;
	v5 =	vld [tilespmem:s30+$0x0]  }
0x121: {  	s6 =	sand.u32 $0x1FFFFF80, s6;
	s7 =	sshll.u32 s1, $0xA;
	v10 =	vld [tilespmem:s31+$0x0];
	[tilespmem:s9+$0x0] =	vst v7;
	v4 =	vadd.f32 v4, v3  }
0x122: {  	s8 =	sand.u32 $0x40, s24;
	s1 =	sshll.u32 s1, $0x9;
	s7 =	sadd.s32 s6, s7;
	v7 =	vld [tilespmem:s29+$0x0];
	v6 =	vadd.f32 v6, v3  }
0x123: {  	s12 =	sadd.s32 s6, s1;
	s1 =	sor.u32 $0x30, s8;
	s7 =	sadd.s32 $0xE200, s7;
	v11 =	vld [tilespmem:s26+$0x0];
	[tilespmem:s3+$0x0] =	vst v4;
	v4 =	vadd.f32 v9, v3  }
0x124: {  	s6 =	sadd.s32 $0x1000, s12;
	s14 =	sadd.s32 $0x3000, s12;
	s3 =	sor.u32 s1, s7;
	[tilespmem:s28+$0x0] =	vst v6;
	v6 =	vld [tilespmem:s25+$0x0];
	v8 =	vadd.f32 v8, v0  }
0x125: {  	s16 =	sor.u32 $0x10, s8;
	s15 =	sadd.s32 $0x2000, s12;
	s17 =	sor.u32 s1, s14;
	v9 =	vld [tilespmem:s3+$0x0];
	[tilespmem:s2+$0x0] =	vst v4;
	v4 =	vadd.f32 v5, v0  }
0x126: {  	s20 =	sor.u32 $0x20, s8;
	s18 =	sor.u32 s8, s6;
	s2 =	sor.u32 s8, s7;
	v5 =	vld [tilespmem:s17+$0x0];
	v10 =	vadd.f32 v10, v1;
	[tilespmem:s0+$0x0] =	vst v8  }
0x127: {  	s21 =	sor.u32 s8, s15;
	s22 =	sor.u32 s8, s14;
	s23 =	sor.u32 s16, s7;
	v1 =	vld [tilespmem:s2+$0x0];
	v2 =	vadd.f32 v7, v2;
	[tilespmem:s30+$0x0] =	vst v4  }
0x128: {  	s11 =	sor.u32 s16, s6;
	s10 =	sor.u32 s16, s15;
	s9 =	sor.u32 s16, s14;
	v4 =	vld [tilespmem:s18+$0x0];
	[tilespmem:s31+$0x0] =	vst v10;
	v3 =	vadd.f32 v11, v3  }
0x129: {  	s28 =	sor.u32 s20, s15;
	s7 =	sor.u32 s20, s7;
	s3 =	sor.u32 s20, s6;
	v7 =	vld [tilespmem:s21+$0x0];
	[tilespmem:s29+$0x0] =	vst v2;
	v6 =	vadd.f32 v6, v0  }
0x12a: {  	s0 =	sor.u32 s1, s6;
	s2 =	sor.u32 s20, s14;
	s30 =	sor.u32 s1, s15;
	v8 =	vld [tilespmem:s22+$0x0];
	[tilespmem:s26+$0x0] =	vst v3;
	v0 =	vmov v9  }
0x12b: {  	s31 =	sor.u32 s8, s12;
	s29 =	sor.u32 s16, s12;
	s26 =	sor.u32 s20, s12;
	v2 =	vld [tilespmem:s23+$0x0];
	v3 =	vadd.f32 v5, v0;
	[tilespmem:s25+$0x0] =	vst v6  }
0x12c: {  	s25 =	sor.u32 s1, s12;
	v6 =	vld [tilespmem:s11+$0x0]  }
.Ltmp3:
0x12d: {  	v4 =	vadd.f32 v4, v1;
	v5 =	vld [tilespmem:s10+$0x0];
	[tilespmem:s17+$0x0] =	vst v3;
	(pc) =	sbr.rel @p0 .LBB2_8-.Ltmp3, $4  }
0x12e: {  	v9 =	vadd.f32 v7, v1;
	v7 =	vld [tilespmem:s9+$0x0]  }
0x12f: {  	[tilespmem:s18+$0x0] =	vst v4;
	v8 =	vadd.f32 v8, v1;
	v3 =	vld [tilespmem:s7+$0x0]  }
0x130: {  	[tilespmem:s21+$0x0] =	vst v9;
	v4 =	vld [tilespmem:s3+$0x0]  }
0x131: {  	[tilespmem:s22+$0x0] =	vst v8;
	v8 =	vadd.f32 v6, v2;
	v6 =	vld [tilespmem:s28+$0x0]  }
0x132: {  	v9 =	vld [tilespmem:s2+$0x0]  }
0x133: {  	v5 =	vadd.f32 v5, v2;
	v10 =	vld [tilespmem:s31+$0x0]  }
0x134: {  	[tilespmem:s11+$0x0] =	vst v8;
	v7 =	vadd.f32 v7, v2;
	v8 =	vld [tilespmem:s0+$0x0]  }
0x135: {  	[tilespmem:s10+$0x0] =	vst v5;
	v5 =	vld [tilespmem:s30+$0x0];
	v4 =	vadd.f32 v4, v3  }
0x136: {  	v11 =	vld [tilespmem:s26+$0x0];
	[tilespmem:s9+$0x0] =	vst v7;
	v6 =	vadd.f32 v6, v3  }
0x137: {  	v7 =	vld [tilespmem:s29+$0x0];
	[tilespmem:s3+$0x0] =	vst v4;
	v4 =	vadd.f32 v9, v3  }
0x138: {  	v1 =	vadd.f32 v10, v1;
	[tilespmem:s28+$0x0] =	vst v6;
	v6 =	vld [tilespmem:s25+$0x0]  }
0x139: {  	v8 =	vadd.f32 v8, v0;
	[tilespmem:s2+$0x0] =	vst v4  }
0x13a: {  	v4 =	vadd.f32 v5, v0;
	[tilespmem:s31+$0x0] =	vst v1  }
0x13b: {  	v1 =	vadd.f32 v11, v3;
	[tilespmem:s0+$0x0] =	vst v8  }
0x13c: {  	v2 =	vadd.f32 v7, v2;
	[tilespmem:s30+$0x0] =	vst v4  }
0x13d: {  	[tilespmem:s26+$0x0] =	vst v1;
	v0 =	vadd.f32 v6, v0  }
0x13e: {  	[tilespmem:s29+$0x0] =	vst v2  }
0x13f: {  	[tilespmem:s25+$0x0] =	vst v0  }
0x140: {  	s22 =	simm.s32 $0x0;
	s1 =	rddreg [dreg:$0xb]  }
0x141: {  	[hbm4b:s1+s4] =	stream.strided.scatter [tilespmem:s22], [sflag:$0x4], $0x1000, s5, s4, $0x38;
	[tilespmem:$0x1C000] =	vst v63  }
0x142: {  	s13 =	simm.s32 $0x1000;
	s19 =	simm.s32 $0x2000;
	s25 =	sadd.s32 $0x40000, s1  }
0x143: {  	[hbm4b:s25+s4] =	stream.strided.scatter [tilespmem:s13], [sflag:$0x4], $0x1000, s5, s4, $0x38;
	[tilespmem:$0x1C000] =	vst v63  }
0x144: {  	s23 =	simm.s32 $0x3000;
	s7 =	simm.s32 $0x8000;
	s26 =	sadd.s32 $0x80000, s1  }
0x145: {  	[hbm4b:s26+s4] =	stream.strided.scatter [tilespmem:s19], [sflag:$0x4], $0x1000, s5, s4, $0x38;
	[tilespmem:$0x1C000] =	vst v63  }
0x146: {  	s14 =	simm.s32 $0xB000;
	s3 =	simm.s32 $0x6;
	s2 =	sadd.s32 $0xC0000, s1  }
0x147: {  	[hbm4b:s2+s4] =	stream.strided.scatter [tilespmem:s23], [sflag:$0x4], $0x1000, s5, s4, $0x38;
	[tilespmem:$0x1C000] =	vst v63  }
0x148: {  	s15 =	simm.s32 $0x0;
	s16 =	simm.s32 $0x0;
	_ =	swait.ge [sflag:s3], $0x4000  }
0x149: {  	s24 =	simm.s32 $0x0;
	s11 =	simm.s32 $0xA000;
	[sflag:s3] =	ssyncset.done $0x0  }
0x14a: {  	s18 =	sand.u32 $0x40, s24;
	s6 =	rddreg [dreg:$0xc];
	[sflag:s3] =	ssyncadd.s32 $0xFFFFC000  }
0x14b: {  	[tilespmem:s7], [sflag:$0x3] =	stream.strided.gather [hbm4b:s6+s4], $0x1000, s5, s4, $0x38;
	[tilespmem:$0x1C000] =	vst v63  }
0x14c: {  	s9 =	simm.s32 $0x9000;
	s0 =	sand.u32 $0x7, s15;
	s8 =	sadd.s32 $0x40000, s6  }
0x14d: {  	[tilespmem:s9], [sflag:$0x3] =	stream.strided.gather [hbm4b:s8+s4], $0x1000, s5, s4, $0x38;
	[tilespmem:$0x1C000] =	vst v63  }
0x14e: {  	s17 =	sshll.u32 s0, $0xA;
	s0 =	sshll.u32 s0, $0x9;
	s10 =	sadd.s32 $0x80000, s6  }
0x14f: {  	[tilespmem:s11], [sflag:$0x3] =	stream.strided.gather [hbm4b:s10+s4], $0x1000, s5, s4, $0x38;
	[tilespmem:$0x1C000] =	vst v63  }
0x150: {  	s1 =	sand.u32 $0x1FFFFF80, s16;
	s12 =	sadd.s32 $0xC0000, s6;
	s6 =	simm.s32 $0x2  }
0x151: {  	[tilespmem:s14], [sflag:$0x3] =	stream.strided.gather [hbm4b:s12+s4], $0x1000, s5, s4, $0x38;
	[tilespmem:$0x1C000] =	vst v63  }
0x152: {  	s0 =	sadd.s32 s1, s0;
	s2 =	sadd.s32 s1, s17;
	_ =	swait.ge [sflag:s6], $0x4000  }
0x153: {  	s1 =	sor.u32 $0x30, s18;
	s2 =	sadd.s32 $0x10000, s2;
	[sflag:s6] =	ssyncset.done $0x0  }
0x154: {  	s7 =	sor.u32 s1, s2;
	[sflag:s6] =	ssyncadd.s32 $0xFFFFC000  }
0x155: {  	s21 =	sor.u32 s18, s2;
	s8 =	sadd.s32 $0x4000, s0;
	v0 =	vld [tilespmem:s7+$0x0]  }
0x156: {  	s14 =	sor.u32 s18, s8;
	s6 =	sadd.s32 $0x7000, s0;
	v6 =	vld [tilespmem:s21+$0x0]  }
0x157: {  	s12 =	sadd.s32 $0x5000, s0;
	s20 =	sor.u32 s1, s6;
	v3 =	vld [tilespmem:s14+$0x0]  }
0x158: {  	s15 =	sadd.s32 $0x6000, s0;
	s25 =	sor.u32 s18, s12;
	v1 =	vld [tilespmem:s20+$0x0]  }
0x159: {  	s17 =	sor.u32 s18, s15;
	v4 =	vld [tilespmem:s25+$0x0]  }
0x15a: {  	s16 =	sor.u32 $0x10, s18;
	v5 =	vld [tilespmem:s17+$0x0];
	s11 =	sor.u32 s18, s6  }
0x15b: {  	s26 =	sor.u32 s16, s2;
	v7 =	vld [tilespmem:s11+$0x0]  }
0x15c: {  	s10 =	sor.u32 s16, s8;
	v2 =	vld [tilespmem:s26+$0x0];
	v8 =	vadd.f32 v3, v6  }
0x15d: {  	s28 =	sor.u32 s16, s12;
	v3 =	vld [tilespmem:s10+$0x0];
	v1 =	vadd.f32 v1, v0  }
0x15e: {  	s9 =	sor.u32 s16, s15;
	s29 =	sor.u32 s1, s8;
	v63 =	vadd.f32 v4, v6;
	v4 =	vld [tilespmem:s28+$0x0];
	[tilespmem:s14+$0x0] =	vst v8  }
0x15f: {  	s18 =	sor.u32 $0x20, s18;
	s3 =	sor.u32 s16, s6;
	s26 =	sor.u32 s1, s12;
	v8 =	vadd.f32 v5, v6;
	v5 =	vld [tilespmem:s9+$0x0];
	[tilespmem:s20+$0x0] =	vst v1  }
0x160: {  	s2 =	sor.u32 s18, s2;
	s30 =	sor.u32 s18, s12;
	s31 =	sor.u32 s18, s6;
	v7 =	vadd.f32 v7, v6;
	v6 =	vld [tilespmem:s3+$0x0];
	[tilespmem:s25+$0x0] =	vst v63  }
0x161: {  	s0 =	sor.u32 s18, s15;
	v1 =	vld [tilespmem:s2+$0x0];
	s2 =	sor.u32 s18, s8;
	s25 =	sor.u32 s1, s15;
	[tilespmem:s17+$0x0] =	vst v8  }
.LBB2_10:
0x162: {  	s24 =	sadd.s32 $0x40, s24;
	[tilespmem:s11+$0x0] =	vst v7;
	v3 =	vadd.f32 v3, v2;
	v7 =	vld [tilespmem:s2+$0x0]  }
0x163: {  	s1 =	sshrl.u32 s24, $0x7;
	p0 =	slt.u32 s24, $0xFC0;
	v4 =	vadd.f32 v4, v2;
	v8 =	vld [tilespmem:s30+$0x0]  }
0x164: {  	s6 =	sshrl.u32 s24, $0x3;
	s1 =	sand.u32 $0x7, s1;
	[tilespmem:s10+$0x0] =	vst v3;
	v3 =	vadd.f32 v5, v2;
	v5 =	vld [tilespmem:s0+$0x0]  }
0x165: {  	s6 =	sand.u32 $0x1FFFFF80, s6;
	s7 =	sshll.u32 s1, $0xA;
	[tilespmem:s28+$0x0] =	vst v4;
	v2 =	vadd.f32 v6, v2;
	v4 =	vld [tilespmem:s31+$0x0]  }
0x166: {  	s8 =	sand.u32 $0x40, s24;
	s1 =	sshll.u32 s1, $0x9;
	s7 =	sadd.s32 s6, s7;
	[tilespmem:s9+$0x0] =	vst v3;
	v3 =	vld [tilespmem:s29+$0x0]  }
0x167: {  	s1 =	sadd.s32 s6, s1;
	s6 =	sor.u32 $0x30, s8;
	s7 =	sadd.s32 $0x10000, s7;
	[tilespmem:s3+$0x0] =	vst v2;
	v2 =	vadd.f32 v7, v1;
	v6 =	vld [tilespmem:s26+$0x0]  }
0x168: {  	s12 =	sadd.s32 $0x4000, s1;
	s14 =	sadd.s32 $0x7000, s1;
	s3 =	sor.u32 s6, s7;
	v7 =	vadd.f32 v8, v1;
	v8 =	vld [tilespmem:s25+$0x0]  }
0x169: {  	s15 =	sadd.s32 $0x5000, s1;
	s1 =	sadd.s32 $0x6000, s1;
	s16 =	sor.u32 s6, s14;
	v9 =	vld [tilespmem:s3+$0x0];
	[tilespmem:s2+$0x0] =	vst v2;
	v2 =	vadd.f32 v5, v1  }
0x16a: {  	s17 =	sor.u32 $0x20, s8;
	s2 =	sor.u32 s8, s7;
	s3 =	sor.u32 $0x10, s8;
	v5 =	vld [tilespmem:s16+$0x0];
	[tilespmem:s30+$0x0] =	vst v7;
	v1 =	vadd.f32 v4, v1  }
0x16b: {  	s18 =	sor.u32 s8, s12;
	s20 =	sor.u32 s8, s15;
	s21 =	sor.u32 s8, s1;
	v7 =	vld [tilespmem:s2+$0x0];
	[tilespmem:s0+$0x0] =	vst v2;
	v2 =	vadd.f32 v3, v0  }
0x16c: {  	s11 =	sor.u32 s8, s14;
	s8 =	sor.u32 s3, s7;
	s10 =	sor.u32 s3, s12;
	v3 =	vld [tilespmem:s18+$0x0];
	[tilespmem:s31+$0x0] =	vst v1;
	v1 =	vadd.f32 v6, v0  }
0x16d: {  	s28 =	sor.u32 s3, s15;
	s9 =	sor.u32 s3, s1;
	s3 =	sor.u32 s3, s14;
	v4 =	vld [tilespmem:s20+$0x0];
	[tilespmem:s29+$0x0] =	vst v2;
	v2 =	vadd.f32 v8, v0  }
0x16e: {  	s7 =	sor.u32 s17, s7;
	s30 =	sor.u32 s17, s15;
	s2 =	sor.u32 s17, s12;
	v6 =	vld [tilespmem:s21+$0x0];
	[tilespmem:s26+$0x0] =	vst v1;
	v0 =	vmov v9  }
0x16f: {  	s0 =	sor.u32 s17, s1;
	s31 =	sor.u32 s17, s14;
	s29 =	sor.u32 s6, s12;
	v1 =	vld [tilespmem:s11+$0x0];
	v5 =	vadd.f32 v5, v0;
	[tilespmem:s25+$0x0] =	vst v2  }
0x170: {  	s26 =	sor.u32 s6, s15;
	s25 =	sor.u32 s6, s1;
	v2 =	vld [tilespmem:s8+$0x0]  }
.Ltmp4:
0x171: {  	v8 =	vadd.f32 v3, v7;
	v3 =	vld [tilespmem:s10+$0x0];
	[tilespmem:s16+$0x0] =	vst v5;
	(pc) =	sbr.rel @p0 .LBB2_10-.Ltmp4, $4  }
0x172: {  	v9 =	vadd.f32 v4, v7;
	v4 =	vld [tilespmem:s28+$0x0]  }
0x173: {  	[tilespmem:s18+$0x0] =	vst v8;
	v8 =	vadd.f32 v6, v7;
	v5 =	vld [tilespmem:s9+$0x0]  }
0x174: {  	[tilespmem:s20+$0x0] =	vst v9;
	v7 =	vadd.f32 v1, v7;
	v6 =	vld [tilespmem:s3+$0x0]  }
0x175: {  	[tilespmem:s21+$0x0] =	vst v8;
	v1 =	vld [tilespmem:s7+$0x0]  }
0x176: {  	v8 =	vld [tilespmem:s2+$0x0]  }
0x177: {  	v3 =	vadd.f32 v3, v2;
	v9 =	vld [tilespmem:s30+$0x0]  }
0x178: {  	[tilespmem:s11+$0x0] =	vst v7;
	v7 =	vld [tilespmem:s0+$0x0];
	v4 =	vadd.f32 v4, v2  }
0x179: {  	[tilespmem:s10+$0x0] =	vst v3;
	v3 =	vadd.f32 v5, v2;
	v5 =	vld [tilespmem:s31+$0x0]  }
0x17a: {  	[tilespmem:s28+$0x0] =	vst v4;
	v2 =	vadd.f32 v6, v2;
	v4 =	vld [tilespmem:s29+$0x0]  }
0x17b: {  	v6 =	vld [tilespmem:s26+$0x0];
	[tilespmem:s9+$0x0] =	vst v3;
	v3 =	vadd.f32 v8, v1  }
0x17c: {  	[tilespmem:s3+$0x0] =	vst v2;
	v2 =	vadd.f32 v9, v1;
	v8 =	vld [tilespmem:s25+$0x0]  }
0x17d: {  	[tilespmem:s2+$0x0] =	vst v3;
	v3 =	vadd.f32 v7, v1  }
0x17e: {  	v1 =	vadd.f32 v5, v1;
	[tilespmem:s30+$0x0] =	vst v2  }
0x17f: {  	v2 =	vadd.f32 v4, v0;
	[tilespmem:s0+$0x0] =	vst v3  }
0x180: {  	[tilespmem:s31+$0x0] =	vst v1;
	v1 =	vadd.f32 v6, v0  }
0x181: {  	[tilespmem:s29+$0x0] =	vst v2;
	v0 =	vadd.f32 v8, v0  }
0x182: {  	[tilespmem:s26+$0x0] =	vst v1  }
0x183: {  	[tilespmem:s25+$0x0] =	vst v0  }
0x184: {  	s26 =	simm.s32 $0x4000;
	s1 =	rddreg [dreg:$0xd]  }
0x185: {  	[hbm4b:s1+s4] =	stream.strided.scatter [tilespmem:s26], [sflag:$0x5], $0x1000, s5, s4, $0x38;
	[tilespmem:$0x1C000] =	vst v63  }
0x186: {  	s3 =	simm.s32 $0x5000;
	s2 =	sadd.s32 $0x40000, s1  }
0x187: {  	[hbm4b:s2+s4] =	stream.strided.scatter [tilespmem:s3], [sflag:$0x5], $0x1000, s5, s4, $0x38;
	[tilespmem:$0x1C000] =	vst v63  }
0x188: {  	s7 =	simm.s32 $0x6000;
	s6 =	sadd.s32 $0x80000, s1  }
0x189: {  	[hbm4b:s6+s4] =	stream.strided.scatter [tilespmem:s7], [sflag:$0x5], $0x1000, s5, s4, $0x38;
	[tilespmem:$0x1C000] =	vst v63  }
0x18a: {  	s10 =	simm.s32 $0x4;
	s9 =	simm.s32 $0x7000;
	s8 =	sadd.s32 $0xC0000, s1  }
0x18b: {  	[hbm4b:s8+s4] =	stream.strided.scatter [tilespmem:s9], [sflag:$0x5], $0x1000, s5, s4, $0x38;
	[tilespmem:$0x1C000] =	vst v63  }
0x18c: {  	_ =	swait.ge [sflag:s10], $0x4000  }
0x18d: {  	s16 =	simm.s32 $0x0;
	s17 =	simm.s32 $0x0;
	[sflag:s10] =	ssyncset.done $0x0  }
0x18e: {  	s0 =	sand.u32 $0x7, s16;
	s11 =	rddreg [dreg:$0xe];
	[sflag:s10] =	ssyncadd.s32 $0xFFFFC000  }
0x18f: {  	[tilespmem:s22], [sflag:$0x1] =	stream.strided.gather [hbm4b:s11+s4], $0x1000, s5, s4, $0x38;
	[tilespmem:$0x1C000] =	vst v63  }
0x190: {  	s24 =	simm.s32 $0x0;
	s18 =	sshll.u32 s0, $0xA;
	s12 =	sadd.s32 $0x40000, s11  }
0x191: {  	[tilespmem:s13], [sflag:$0x1] =	stream.strided.gather [hbm4b:s12+s4], $0x1000, s5, s4, $0x38;
	[tilespmem:$0x1C000] =	vst v63  }
0x192: {  	s0 =	sshll.u32 s0, $0x9;
	s1 =	sand.u32 $0x1FFFFF80, s17;
	s14 =	sadd.s32 $0x80000, s11  }
0x193: {  	[tilespmem:s19], [sflag:$0x1] =	stream.strided.gather [hbm4b:s14+s4], $0x1000, s5, s4, $0x38;
	[tilespmem:$0x1C000] =	vst v63  }
0x194: {  	s0 =	sadd.s32 s1, s0;
	s6 =	simm.s32 $0x3;
	s15 =	sadd.s32 $0xC0000, s11  }
0x195: {  	[tilespmem:s23], [sflag:$0x1] =	stream.strided.gather [hbm4b:s15+s4], $0x1000, s5, s4, $0x38;
	[tilespmem:$0x1C000] =	vst v63  }
0x196: {  	s2 =	sadd.s32 s1, s18;
	s19 =	sand.u32 $0x40, s24;
	_ =	swait.ge [sflag:s6], $0x4000  }
0x197: {  	s2 =	sadd.s32 $0x10200, s2;
	s20 =	sor.u32 $0x30, s19;
	[sflag:s6] =	ssyncset.done $0x0  }
0x198: {  	s21 =	sadd.s32 $0xB000, s0;
	s7 =	sor.u32 s20, s2;
	[sflag:s6] =	ssyncadd.s32 $0xFFFFC000  }
0x199: {  	s22 =	sor.u32 s20, s21;
	v0 =	vld [tilespmem:s7+$0x0]  }
0x19a: {  	s8 =	sadd.s32 $0x8000, s0;
	s23 =	sor.u32 s19, s2;
	v1 =	vld [tilespmem:s22+$0x0]  }
0x19b: {  	s12 =	sadd.s32 $0x9000, s0;
	s14 =	sor.u32 s19, s8;
	v6 =	vld [tilespmem:s23+$0x0]  }
0x19c: {  	s25 =	sor.u32 s19, s12;
	s15 =	sadd.s32 $0xA000, s0;
	v3 =	vld [tilespmem:s14+$0x0]  }
0x19d: {  	s17 =	sor.u32 s19, s15;
	v4 =	vld [tilespmem:s25+$0x0]  }
0x19e: {  	s16 =	sor.u32 $0x10, s19;
	s11 =	sor.u32 s19, s21;
	v5 =	vld [tilespmem:s17+$0x0]  }
0x19f: {  	s26 =	sor.u32 s16, s2;
	v7 =	vld [tilespmem:s11+$0x0]  }
0x1a0: {  	s10 =	sor.u32 s16, s8;
	v2 =	vld [tilespmem:s26+$0x0];
	v1 =	vadd.f32 v1, v0  }
0x1a1: {  	s28 =	sor.u32 s16, s12;
	v8 =	vadd.f32 v3, v6;
	v3 =	vld [tilespmem:s10+$0x0]  }
0x1a2: {  	s18 =	sor.u32 $0x20, s19;
	s9 =	sor.u32 s16, s15;
	v63 =	vadd.f32 v4, v6;
	v4 =	vld [tilespmem:s28+$0x0];
	[tilespmem:s22+$0x0] =	vst v1  }
0x1a3: {  	s2 =	sor.u32 s18, s2;
	s3 =	sor.u32 s16, s21;
	s30 =	sor.u32 s18, s12;
	[tilespmem:s14+$0x0] =	vst v8;
	v8 =	vadd.f32 v5, v6;
	v5 =	vld [tilespmem:s9+$0x0]  }
0x1a4: {  	s31 =	sor.u32 s18, s21;
	s29 =	sor.u32 s20, s8;
	s0 =	sor.u32 s18, s15;
	v7 =	vadd.f32 v7, v6;
	v6 =	vld [tilespmem:s3+$0x0];
	[tilespmem:s25+$0x0] =	vst v63  }
0x1a5: {  	s26 =	sor.u32 s20, s12;
	v1 =	vld [tilespmem:s2+$0x0];
	s2 =	sor.u32 s18, s8;
	s25 =	sor.u32 s20, s15;
	[tilespmem:s17+$0x0] =	vst v8  }
.LBB2_12:
0x1a6: {  	s24 =	sadd.s32 $0x40, s24;
	[tilespmem:s11+$0x0] =	vst v7;
	v3 =	vadd.f32 v3, v2;
	v7 =	vld [tilespmem:s2+$0x0]  }
0x1a7: {  	s1 =	sshrl.u32 s24, $0x7;
	p0 =	slt.u32 s24, $0xFC0;
	v4 =	vadd.f32 v4, v2;
	v8 =	vld [tilespmem:s30+$0x0]  }
0x1a8: {  	s6 =	sshrl.u32 s24, $0x3;
	s1 =	sand.u32 $0x7, s1;
	[tilespmem:s10+$0x0] =	vst v3;
	v3 =	vadd.f32 v5, v2;
	v5 =	vld [tilespmem:s0+$0x0]  }
0x1a9: {  	s6 =	sand.u32 $0x1FFFFF80, s6;
	s7 =	sshll.u32 s1, $0xA;
	[tilespmem:s28+$0x0] =	vst v4;
	v2 =	vadd.f32 v6, v2;
	v4 =	vld [tilespmem:s31+$0x0]  }
0x1aa: {  	s8 =	sand.u32 $0x40, s24;
	s1 =	sshll.u32 s1, $0x9;
	s7 =	sadd.s32 s6, s7;
	[tilespmem:s9+$0x0] =	vst v3;
	v3 =	vld [tilespmem:s29+$0x0]  }
0x1ab: {  	s1 =	sadd.s32 s6, s1;
	s6 =	sor.u32 $0x30, s8;
	s7 =	sadd.s32 $0x10200, s7;
	[tilespmem:s3+$0x0] =	vst v2;
	v2 =	vadd.f32 v7, v1;
	v6 =	vld [tilespmem:s26+$0x0]  }
0x1ac: {  	s12 =	sadd.s32 $0x8000, s1;
	s14 =	sadd.s32 $0xB000, s1;
	s3 =	sor.u32 s6, s7;
	v7 =	vadd.f32 v8, v1;
	v8 =	vld [tilespmem:s25+$0x0]  }
0x1ad: {  	s15 =	sadd.s32 $0x9000, s1;
	s1 =	sadd.s32 $0xA000, s1;
	s16 =	sor.u32 s6, s14;
	v9 =	vld [tilespmem:s3+$0x0];
	[tilespmem:s2+$0x0] =	vst v2;
	v2 =	vadd.f32 v5, v1  }
0x1ae: {  	s17 =	sor.u32 $0x20, s8;
	s2 =	sor.u32 s8, s7;
	s3 =	sor.u32 $0x10, s8;
	v5 =	vld [tilespmem:s16+$0x0];
	[tilespmem:s30+$0x0] =	vst v7;
	v1 =	vadd.f32 v4, v1  }
0x1af: {  	s18 =	sor.u32 s8, s12;
	s20 =	sor.u32 s8, s15;
	s21 =	sor.u32 s8, s1;
	v7 =	vld [tilespmem:s2+$0x0];
	[tilespmem:s0+$0x0] =	vst v2;
	v2 =	vadd.f32 v3, v0  }
0x1b0: {  	s11 =	sor.u32 s8, s14;
	s8 =	sor.u32 s3, s7;
	s10 =	sor.u32 s3, s12;
	v3 =	vld [tilespmem:s18+$0x0];
	[tilespmem:s31+$0x0] =	vst v1;
	v1 =	vadd.f32 v6, v0  }
0x1b1: {  	s28 =	sor.u32 s3, s15;
	s9 =	sor.u32 s3, s1;
	s3 =	sor.u32 s3, s14;
	v4 =	vld [tilespmem:s20+$0x0];
	[tilespmem:s29+$0x0] =	vst v2;
	v2 =	vadd.f32 v8, v0  }
0x1b2: {  	s7 =	sor.u32 s17, s7;
	s30 =	sor.u32 s17, s15;
	s2 =	sor.u32 s17, s12;
	v6 =	vld [tilespmem:s21+$0x0];
	[tilespmem:s26+$0x0] =	vst v1;
	v0 =	vmov v9  }
0x1b3: {  	s0 =	sor.u32 s17, s1;
	s31 =	sor.u32 s17, s14;
	s29 =	sor.u32 s6, s12;
	v1 =	vld [tilespmem:s11+$0x0];
	v5 =	vadd.f32 v5, v0;
	[tilespmem:s25+$0x0] =	vst v2  }
0x1b4: {  	s26 =	sor.u32 s6, s15;
	s25 =	sor.u32 s6, s1;
	v2 =	vld [tilespmem:s8+$0x0]  }
.Ltmp5:
0x1b5: {  	v8 =	vadd.f32 v3, v7;
	v3 =	vld [tilespmem:s10+$0x0];
	[tilespmem:s16+$0x0] =	vst v5;
	(pc) =	sbr.rel @p0 .LBB2_12-.Ltmp5, $4  }
0x1b6: {  	v9 =	vadd.f32 v4, v7;
	v4 =	vld [tilespmem:s28+$0x0]  }
0x1b7: {  	[tilespmem:s18+$0x0] =	vst v8;
	v8 =	vadd.f32 v6, v7;
	v5 =	vld [tilespmem:s9+$0x0]  }
0x1b8: {  	[tilespmem:s20+$0x0] =	vst v9;
	v7 =	vadd.f32 v1, v7;
	v6 =	vld [tilespmem:s3+$0x0]  }
0x1b9: {  	[tilespmem:s21+$0x0] =	vst v8;
	v1 =	vld [tilespmem:s7+$0x0]  }
0x1ba: {  	v8 =	vld [tilespmem:s2+$0x0]  }
0x1bb: {  	v3 =	vadd.f32 v3, v2;
	v9 =	vld [tilespmem:s30+$0x0]  }
0x1bc: {  	[tilespmem:s11+$0x0] =	vst v7;
	v7 =	vld [tilespmem:s0+$0x0];
	v4 =	vadd.f32 v4, v2  }
0x1bd: {  	[tilespmem:s10+$0x0] =	vst v3;
	v3 =	vadd.f32 v5, v2;
	v5 =	vld [tilespmem:s31+$0x0]  }
0x1be: {  	[tilespmem:s28+$0x0] =	vst v4;
	v2 =	vadd.f32 v6, v2;
	v4 =	vld [tilespmem:s29+$0x0]  }
0x1bf: {  	v6 =	vld [tilespmem:s26+$0x0];
	[tilespmem:s9+$0x0] =	vst v3;
	v3 =	vadd.f32 v8, v1  }
0x1c0: {  	[tilespmem:s3+$0x0] =	vst v2;
	v2 =	vadd.f32 v9, v1;
	v8 =	vld [tilespmem:s25+$0x0]  }
0x1c1: {  	[tilespmem:s2+$0x0] =	vst v3;
	v3 =	vadd.f32 v7, v1  }
0x1c2: {  	v1 =	vadd.f32 v5, v1;
	[tilespmem:s30+$0x0] =	vst v2  }
0x1c3: {  	v2 =	vadd.f32 v4, v0;
	[tilespmem:s0+$0x0] =	vst v3  }
0x1c4: {  	[tilespmem:s31+$0x0] =	vst v1;
	v1 =	vadd.f32 v6, v0  }
0x1c5: {  	[tilespmem:s29+$0x0] =	vst v2;
	v0 =	vadd.f32 v8, v0  }
0x1c6: {  	[tilespmem:s26+$0x0] =	vst v1  }
0x1c7: {  	[tilespmem:s25+$0x0] =	vst v0  }
0x1c8: {  	s22 =	simm.s32 $0x8000;
	s1 =	rddreg [dreg:$0xf]  }
0x1c9: {  	[hbm4b:s1+s4] =	stream.strided.scatter [tilespmem:s22], [sflag:$0x6], $0x1000, s5, s4, $0x38;
	[tilespmem:$0x1C000] =	vst v63  }
0x1ca: {  	s24 =	simm.s32 $0x9000;
	s6 =	simm.s32 $0xB000;
	s23 =	sadd.s32 $0x40000, s1  }
0x1cb: {  	[hbm4b:s23+s4] =	stream.strided.scatter [tilespmem:s24], [sflag:$0x6], $0x1000, s5, s4, $0x38;
	[tilespmem:$0x1C000] =	vst v63  }
0x1cc: {  	s7 =	simm.s32 $0x5;
	s26 =	simm.s32 $0xA000;
	s25 =	sadd.s32 $0x80000, s1  }
0x1cd: {  	[hbm4b:s25+s4] =	stream.strided.scatter [tilespmem:s26], [sflag:$0x6], $0x1000, s5, s4, $0x38;
	[tilespmem:$0x1C000] =	vst v63  }
0x1ce: {  	s11 =	simm.s32 $0x5000;
	s14 =	simm.s32 $0x6000;
	s3 =	sadd.s32 $0xC0000, s1  }
0x1cf: {  	[hbm4b:s3+s4] =	stream.strided.scatter [tilespmem:s6], [sflag:$0x6], $0x1000, s5, s4, $0x38;
	[tilespmem:$0x1C000] =	vst v63  }
0x1d0: {  	s16 =	simm.s32 $0x7000;
	s17 =	simm.s32 $0x1;
	_ =	swait.ge [sflag:s7], $0x4000  }
0x1d1: {  	s18 =	simm.s32 $0x0;
	s9 =	simm.s32 $0x4000;
	[sflag:s7] =	ssyncset.done $0x0  }
0x1d2: {  	s0 =	sand.u32 $0x7, s18;
	s8 =	rddreg [dreg:$0x10];
	[sflag:s7] =	ssyncadd.s32 $0xFFFFC000  }
0x1d3: {  	[tilespmem:s9], [sflag:$0x2] =	stream.strided.gather [hbm4b:s8+s4], $0x1000, s5, s4, $0x38;
	[tilespmem:$0x1C000] =	vst v63  }
0x1d4: {  	s20 =	simm.s32 $0x0;
	s21 =	sshll.u32 s0, $0xA;
	s10 =	sadd.s32 $0x40000, s8  }
0x1d5: {  	[tilespmem:s11], [sflag:$0x2] =	stream.strided.gather [hbm4b:s10+s4], $0x1000, s5, s4, $0x38;
	[tilespmem:$0x1C000] =	vst v63  }
0x1d6: {  	s0 =	sshll.u32 s0, $0x9;
	s1 =	sand.u32 $0x1FFFFF80, s20;
	s12 =	sadd.s32 $0x80000, s8  }
0x1d7: {  	[tilespmem:s14], [sflag:$0x2] =	stream.strided.gather [hbm4b:s12+s4], $0x1000, s5, s4, $0x38;
	[tilespmem:$0x1C000] =	vst v63  }
0x1d8: {  	s2 =	sadd.s32 s1, s21;
	s24 =	simm.s32 $0x0;
	s15 =	sadd.s32 $0xC0000, s8  }
0x1d9: {  	[tilespmem:s16], [sflag:$0x2] =	stream.strided.gather [hbm4b:s15+s4], $0x1000, s5, s4, $0x38;
	[tilespmem:$0x1C000] =	vst v63  }
0x1da: {  	s1 =	sadd.s32 s1, s0;
	s6 =	sand.u32 $0x40, s24;
	_ =	swait.ge [sflag:s17], $0x4000  }
0x1db: {  	s2 =	sadd.s32 $0x12000, s2;
	s7 =	sor.u32 $0x30, s6;
	[sflag:s17] =	ssyncset.done $0x0  }
0x1dc: {  	s0 =	sadd.s32 $0x3000, s1;
	s22 =	sor.u32 s7, s2;
	[sflag:s17] =	ssyncadd.s32 $0xFFFFC000  }
0x1dd: {  	s23 =	sor.u32 s7, s0;
	v0 =	vld [tilespmem:s22+$0x0]  }
0x1de: {  	s25 =	sor.u32 s6, s2;
	s8 =	sadd.s32 $0x1000, s1;
	v3 =	vld [tilespmem:s23+$0x0]  }
0x1df: {  	s12 =	sadd.s32 $0x2000, s1;
	s14 =	sor.u32 s6, s8;
	v1 =	vld [tilespmem:s25+$0x0]  }
0x1e0: {  	s15 =	sor.u32 s6, s12;
	v4 =	vld [tilespmem:s14+$0x0]  }
0x1e1: {  	s16 =	sor.u32 $0x10, s6;
	s17 =	sor.u32 s6, s0;
	v6 =	vld [tilespmem:s15+$0x0]  }
0x1e2: {  	s26 =	sor.u32 s16, s2;
	v8 =	vld [tilespmem:s17+$0x0]  }
0x1e3: {  	s11 =	sor.u32 s16, s8;
	v2 =	vld [tilespmem:s26+$0x0]  }
0x1e4: {  	s10 =	sor.u32 s16, s12;
	v9 =	vld [tilespmem:s11+$0x0];
	v3 =	vadd.f32 v3, v0  }
0x1e5: {  	s18 =	sor.u32 $0x20, s6;
	s9 =	sor.u32 s16, s0;
	v5 =	vld [tilespmem:s10+$0x0];
	v4 =	vadd.f32 v4, v1  }
0x1e6: {  	s19 =	simm.s32 $0x2000;
	s13 =	simm.s32 $0x1000;
	s2 =	sor.u32 s18, s2;
	v7 =	vld [tilespmem:s9+$0x0];
	v6 =	vadd.f32 v6, v1;
	[tilespmem:s23+$0x0] =	vst v3  }
0x1e7: {  	s31 =	sor.u32 s6, s1;
	s3 =	sor.u32 s18, s8;
	s28 =	sor.u32 s18, s12;
	v8 =	vadd.f32 v8, v1;
	v3 =	vld [tilespmem:s2+$0x0];
	[tilespmem:s14+$0x0] =	vst v4  }
0x1e8: {  	s30 =	sor.u32 s7, s12;
	s29 =	sor.u32 s16, s1;
	s26 =	sor.u32 s18, s1;
	v4 =	vld [tilespmem:s3+$0x0];
	[tilespmem:s15+$0x0] =	vst v6  }
0x1e9: {  	s25 =	sor.u32 s7, s1;
	s2 =	sor.u32 s18, s0;
	s0 =	sor.u32 s7, s8;
	v6 =	vld [tilespmem:s28+$0x0];
	[tilespmem:s17+$0x0] =	vst v8;
	v8 =	vadd.f32 v9, v2  }
.LBB2_14:
0x1ea: {  	s24 =	sadd.s32 $0x40, s24;
	v5 =	vadd.f32 v5, v2;
	v9 =	vld [tilespmem:s2+$0x0]  }
0x1eb: {  	s1 =	sshrl.u32 s24, $0x7;
	p0 =	slt.u32 s24, $0xFC0;
	[tilespmem:s11+$0x0] =	vst v8;
	v7 =	vadd.f32 v7, v2;
	v8 =	vld [tilespmem:s0+$0x0]  }
0x1ec: {  	s6 =	sshrl.u32 s24, $0x3;
	s1 =	sand.u32 $0x7, s1;
	[tilespmem:s10+$0x0] =	vst v5;
	v5 =	vld [tilespmem:s30+$0x0]  }
0x1ed: {  	s6 =	sand.u32 $0x1FFFFF80, s6;
	s7 =	sshll.u32 s1, $0xA;
	v10 =	vld [tilespmem:s31+$0x0];
	[tilespmem:s9+$0x0] =	vst v7;
	v4 =	vadd.f32 v4, v3  }
0x1ee: {  	s8 =	sand.u32 $0x40, s24;
	s1 =	sshll.u32 s1, $0x9;
	s7 =	sadd.s32 s6, s7;
	v7 =	vld [tilespmem:s29+$0x0];
	v6 =	vadd.f32 v6, v3  }
0x1ef: {  	s12 =	sadd.s32 s6, s1;
	s1 =	sor.u32 $0x30, s8;
	s7 =	sadd.s32 $0x12000, s7;
	v11 =	vld [tilespmem:s26+$0x0];
	[tilespmem:s3+$0x0] =	vst v4;
	v4 =	vadd.f32 v9, v3  }
0x1f0: {  	s6 =	sadd.s32 $0x1000, s12;
	s14 =	sadd.s32 $0x3000, s12;
	s3 =	sor.u32 s1, s7;
	[tilespmem:s28+$0x0] =	vst v6;
	v6 =	vld [tilespmem:s25+$0x0];
	v8 =	vadd.f32 v8, v0  }
0x1f1: {  	s16 =	sor.u32 $0x10, s8;
	s15 =	sadd.s32 $0x2000, s12;
	s17 =	sor.u32 s1, s14;
	v9 =	vld [tilespmem:s3+$0x0];
	[tilespmem:s2+$0x0] =	vst v4;
	v4 =	vadd.f32 v5, v0  }
0x1f2: {  	s20 =	sor.u32 $0x20, s8;
	s18 =	sor.u32 s8, s6;
	s2 =	sor.u32 s8, s7;
	v5 =	vld [tilespmem:s17+$0x0];
	v10 =	vadd.f32 v10, v1;
	[tilespmem:s0+$0x0] =	vst v8  }
0x1f3: {  	s21 =	sor.u32 s8, s15;
	s22 =	sor.u32 s8, s14;
	s23 =	sor.u32 s16, s7;
	v1 =	vld [tilespmem:s2+$0x0];
	v2 =	vadd.f32 v7, v2;
	[tilespmem:s30+$0x0] =	vst v4  }
0x1f4: {  	s11 =	sor.u32 s16, s6;
	s10 =	sor.u32 s16, s15;
	s9 =	sor.u32 s16, s14;
	v4 =	vld [tilespmem:s18+$0x0];
	[tilespmem:s31+$0x0] =	vst v10;
	v3 =	vadd.f32 v11, v3  }
0x1f5: {  	s28 =	sor.u32 s20, s15;
	s7 =	sor.u32 s20, s7;
	s3 =	sor.u32 s20, s6;
	v7 =	vld [tilespmem:s21+$0x0];
	[tilespmem:s29+$0x0] =	vst v2;
	v6 =	vadd.f32 v6, v0  }
0x1f6: {  	s0 =	sor.u32 s1, s6;
	s2 =	sor.u32 s20, s14;
	s30 =	sor.u32 s1, s15;
	v8 =	vld [tilespmem:s22+$0x0];
	[tilespmem:s26+$0x0] =	vst v3;
	v0 =	vmov v9  }
0x1f7: {  	s31 =	sor.u32 s8, s12;
	s29 =	sor.u32 s16, s12;
	s26 =	sor.u32 s20, s12;
	v2 =	vld [tilespmem:s23+$0x0];
	v3 =	vadd.f32 v5, v0;
	[tilespmem:s25+$0x0] =	vst v6  }
0x1f8: {  	s25 =	sor.u32 s1, s12;
	v6 =	vld [tilespmem:s11+$0x0]  }
.Ltmp6:
0x1f9: {  	v4 =	vadd.f32 v4, v1;
	v5 =	vld [tilespmem:s10+$0x0];
	[tilespmem:s17+$0x0] =	vst v3;
	(pc) =	sbr.rel @p0 .LBB2_14-.Ltmp6, $4  }
0x1fa: {  	v9 =	vadd.f32 v7, v1;
	v7 =	vld [tilespmem:s9+$0x0]  }
0x1fb: {  	[tilespmem:s18+$0x0] =	vst v4;
	v8 =	vadd.f32 v8, v1;
	v3 =	vld [tilespmem:s7+$0x0]  }
0x1fc: {  	[tilespmem:s21+$0x0] =	vst v9;
	v4 =	vld [tilespmem:s3+$0x0]  }
0x1fd: {  	[tilespmem:s22+$0x0] =	vst v8;
	v8 =	vadd.f32 v6, v2;
	v6 =	vld [tilespmem:s28+$0x0]  }
0x1fe: {  	v9 =	vld [tilespmem:s2+$0x0]  }
0x1ff: {  	v5 =	vadd.f32 v5, v2;
	v10 =	vld [tilespmem:s31+$0x0]  }
0x200: {  	[tilespmem:s11+$0x0] =	vst v8;
	v7 =	vadd.f32 v7, v2;
	v8 =	vld [tilespmem:s0+$0x0]  }
0x201: {  	[tilespmem:s10+$0x0] =	vst v5;
	v5 =	vld [tilespmem:s30+$0x0];
	v4 =	vadd.f32 v4, v3  }
0x202: {  	v11 =	vld [tilespmem:s26+$0x0];
	[tilespmem:s9+$0x0] =	vst v7;
	v6 =	vadd.f32 v6, v3  }
0x203: {  	v7 =	vld [tilespmem:s29+$0x0];
	[tilespmem:s3+$0x0] =	vst v4;
	v4 =	vadd.f32 v9, v3  }
0x204: {  	v1 =	vadd.f32 v10, v1;
	[tilespmem:s28+$0x0] =	vst v6;
	v6 =	vld [tilespmem:s25+$0x0]  }
0x205: {  	v8 =	vadd.f32 v8, v0;
	[tilespmem:s2+$0x0] =	vst v4  }
0x206: {  	v4 =	vadd.f32 v5, v0;
	[tilespmem:s31+$0x0] =	vst v1  }
0x207: {  	v1 =	vadd.f32 v11, v3;
	[tilespmem:s0+$0x0] =	vst v8  }
0x208: {  	v2 =	vadd.f32 v7, v2;
	[tilespmem:s30+$0x0] =	vst v4  }
0x209: {  	[tilespmem:s26+$0x0] =	vst v1;
	v0 =	vadd.f32 v6, v0  }
0x20a: {  	[tilespmem:s29+$0x0] =	vst v2  }
0x20b: {  	[tilespmem:s25+$0x0] =	vst v0  }
0x20c: {  	s23 =	simm.s32 $0x0;
	s1 =	rddreg [dreg:$0x11]  }
0x20d: {  	[hbm4b:s1+s4] =	stream.strided.scatter [tilespmem:s23], [sflag:$0x4], $0x1000, s5, s4, $0x38;
	[tilespmem:$0x1C000] =	vst v63  }
0x20e: {  	s16 =	sadd.s32 $0x40000, s1  }
0x20f: {  	[hbm4b:s16+s4] =	stream.strided.scatter [tilespmem:s13], [sflag:$0x4], $0x1000, s5, s4, $0x38;
	[tilespmem:$0x1C000] =	vst v63  }
0x210: {  	s17 =	sadd.s32 $0x80000, s1  }
0x211: {  	[hbm4b:s17+s4] =	stream.strided.scatter [tilespmem:s19], [sflag:$0x4], $0x1000, s5, s4, $0x38;
	[tilespmem:$0x1C000] =	vst v63  }
0x212: {  	s20 =	simm.s32 $0x3000;
	s21 =	simm.s32 $0x6;
	s18 =	sadd.s32 $0xC0000, s1  }
0x213: {  	[hbm4b:s18+s4] =	stream.strided.scatter [tilespmem:s20], [sflag:$0x4], $0x1000, s5, s4, $0x38;
	[tilespmem:$0x1C000] =	vst v63  }
0x214: {  	s24 =	simm.s32 $0x8000;
	s7 =	simm.s32 $0xB000;
	_ =	swait.ge [sflag:s21], $0x4000  }
0x215: {  	s8 =	simm.s32 $0x0;
	s9 =	simm.s32 $0x0;
	[sflag:s21] =	ssyncset.done $0x0  }
0x216: {  	s0 =	sor.u32 $0x6000, s8;
	s22 =	rddreg [dreg:$0x12];
	[sflag:s21] =	ssyncadd.s32 $0xFFFFC000  }
0x217: {  	[tilespmem:s24], [sflag:$0x3] =	stream.strided.gather [hbm4b:s22+s4], $0x1000, s5, s4, $0x38;
	[tilespmem:$0x1C000] =	vst v63  }
0x218: {  	s26 =	simm.s32 $0x9000;
	s0 =	sand.u32 $0x3FFFFC00, s0;
	s25 =	sadd.s32 $0x40000, s22  }
0x219: {  	[tilespmem:s26], [sflag:$0x3] =	stream.strided.gather [hbm4b:s25+s4], $0x1000, s5, s4, $0x38;
	[tilespmem:$0x1C000] =	vst v63  }
0x21a: {  	s3 =	simm.s32 $0xA000;
	s1 =	sand.u32 $0x1FFFFF80, s9;
	s2 =	sadd.s32 $0x80000, s22  }
0x21b: {  	[tilespmem:s3], [sflag:$0x3] =	stream.strided.gather [hbm4b:s2+s4], $0x1000, s5, s4, $0x38;
	[tilespmem:$0x1C000] =	vst v63  }
0x21c: {  	s10 =	simm.s32 $0x0;
	s0 =	sadd.s32 s1, s0;
	s6 =	sadd.s32 $0xC0000, s22  }
0x21d: {  	[tilespmem:s7], [sflag:$0x3] =	stream.strided.gather [hbm4b:s6+s4], $0x1000, s5, s4, $0x38;
	[tilespmem:$0x1C000] =	vst v63  }
0x21e: {  	s24 =	simm.s32 $0x0;
	s2 =	sand.u32 $0xE00, s10;
	s7 =	simm.s32 $0x2  }
0x21f: {  	s11 =	sand.u32 $0x40, s24;
	s2 =	sadd.s32 s1, s2;
	_ =	swait.ge [sflag:s7], $0x4000  }
0x220: {  	s1 =	sadd.s32 $0x7000, s2;
	s6 =	sor.u32 $0x30, s11;
	[sflag:s7] =	ssyncset.done $0x0  }
0x221: {  	s0 =	sadd.s32 $0xC200, s0;
	s21 =	sor.u32 s6, s1;
	[sflag:s7] =	ssyncadd.s32 $0xFFFFC000  }
0x222: {  	s8 =	sor.u32 s6, s0;
	v3 =	vld [tilespmem:s21+$0x0]  }
0x223: {  	s22 =	sor.u32 s11, s0;
	s14 =	sor.u32 $0x10, s11;
	v0 =	vld [tilespmem:s8+$0x0]  }
0x224: {  	s25 =	sor.u32 $0x20, s11;
	s26 =	sor.u32 s14, s0;
	v5 =	vld [tilespmem:s22+$0x0]  }
0x225: {  	s15 =	sadd.s32 $0x4000, s2;
	s0 =	sor.u32 s25, s0;
	v2 =	vld [tilespmem:s26+$0x0]  }
0x226: {  	s16 =	sadd.s32 $0x5000, s2;
	s17 =	sor.u32 s11, s15;
	v1 =	vld [tilespmem:s0+$0x0]  }
0x227: {  	s18 =	sadd.s32 $0x6000, s2;
	s20 =	sor.u32 s11, s16;
	v4 =	vld [tilespmem:s17+$0x0]  }
0x228: {  	s12 =	sor.u32 s11, s18;
	v8 =	vld [tilespmem:s20+$0x0]  }
0x229: {  	s11 =	sor.u32 s11, s1;
	v9 =	vld [tilespmem:s12+$0x0]  }
0x22a: {  	s10 =	sor.u32 s14, s15;
	v10 =	vld [tilespmem:s11+$0x0]  }
0x22b: {  	s9 =	sor.u32 s14, s16;
	v7 =	vld [tilespmem:s10+$0x0];
	v3 =	vadd.f32 v3, v0  }
0x22c: {  	s3 =	sor.u32 s14, s18;
	v6 =	vld [tilespmem:s9+$0x0];
	v11 =	vadd.f32 v4, v5  }
0x22d: {  	s28 =	sor.u32 s14, s1;
	s2 =	sor.u32 s25, s15;
	v8 =	vadd.f32 v8, v5;
	v4 =	vld [tilespmem:s3+$0x0];
	[tilespmem:s21+$0x0] =	vst v3  }
0x22e: {  	s31 =	sor.u32 s25, s1;
	s30 =	sor.u32 s25, s18;
	s29 =	sor.u32 s6, s15;
	v9 =	vadd.f32 v9, v5;
	[tilespmem:s17+$0x0] =	vst v11;
	v3 =	vld [tilespmem:s28+$0x0]  }
0x22f: {  	s0 =	sor.u32 s25, s16;
	s26 =	sor.u32 s6, s16;
	s25 =	sor.u32 s6, s18;
	[tilespmem:s20+$0x0] =	vst v8;
	v8 =	vadd.f32 v10, v5;
	v5 =	vld [tilespmem:s2+$0x0]  }
.LBB2_16:
0x230: {  	s24 =	sadd.s32 $0x40, s24;
	[tilespmem:s12+$0x0] =	vst v9;
	v7 =	vadd.f32 v7, v2;
	v9 =	vld [tilespmem:s0+$0x0]  }
0x231: {  	s1 =	sshll.u32 s24, $0x3;
	s6 =	sshrl.u32 s24, $0x3;
	s7 =	sshll.u32 s24, $0x2;
	[tilespmem:s11+$0x0] =	vst v8;
	v6 =	vadd.f32 v6, v2;
	v8 =	vld [tilespmem:s30+$0x0]  }
0x232: {  	s1 =	sor.u32 $0x6000, s1;
	s6 =	sand.u32 $0x1FFFFF80, s6;
	s7 =	sand.u32 $0xE00, s7;
	[tilespmem:s10+$0x0] =	vst v7;
	v4 =	vadd.f32 v4, v2;
	v7 =	vld [tilespmem:s31+$0x0]  }
0x233: {  	s8 =	sand.u32 $0x40, s24;
	s1 =	sand.u32 $0x3FFFFC00, s1;
	s7 =	sadd.s32 s6, s7;
	[tilespmem:s9+$0x0] =	vst v6;
	v2 =	vadd.f32 v3, v2;
	v3 =	vld [tilespmem:s29+$0x0]  }
0x234: {  	s14 =	sor.u32 $0x30, s8;
	s1 =	sadd.s32 s6, s1;
	s6 =	sadd.s32 $0x7000, s7;
	[tilespmem:s3+$0x0] =	vst v4;
	v4 =	vadd.f32 v5, v1;
	v5 =	vld [tilespmem:s26+$0x0]  }
0x235: {  	s15 =	sadd.s32 $0x4000, s7;
	s1 =	sadd.s32 $0xC200, s1;
	s16 =	sor.u32 s14, s6;
	[tilespmem:s28+$0x0] =	vst v2;
	v2 =	vadd.f32 v9, v1;
	v6 =	vld [tilespmem:s25+$0x0]  }
0x236: {  	s17 =	sadd.s32 $0x5000, s7;
	s7 =	sadd.s32 $0x6000, s7;
	s3 =	sor.u32 s14, s1;
	v9 =	vld [tilespmem:s16+$0x0];
	[tilespmem:s2+$0x0] =	vst v4;
	v4 =	vadd.f32 v8, v1  }
0x237: {  	s18 =	sor.u32 $0x10, s8;
	s20 =	sor.u32 $0x20, s8;
	s2 =	sor.u32 s8, s1;
	v8 =	vld [tilespmem:s3+$0x0];
	[tilespmem:s0+$0x0] =	vst v2;
	v1 =	vadd.f32 v7, v1  }
0x238: {  	s21 =	sor.u32 s8, s15;
	s0 =	sor.u32 s18, s1;
	s1 =	sor.u32 s20, s1;
	v10 =	vld [tilespmem:s2+$0x0];
	[tilespmem:s30+$0x0] =	vst v4;
	v3 =	vadd.f32 v3, v0  }
0x239: {  	s22 =	sor.u32 s8, s17;
	s12 =	sor.u32 s8, s7;
	s11 =	sor.u32 s8, s6;
	v2 =	vld [tilespmem:s0+$0x0];
	[tilespmem:s31+$0x0] =	vst v1;
	v4 =	vadd.f32 v5, v0  }
0x23a: {  	s10 =	sor.u32 s18, s15;
	s9 =	sor.u32 s18, s17;
	s3 =	sor.u32 s18, s7;
	v1 =	vld [tilespmem:s1+$0x0];
	[tilespmem:s29+$0x0] =	vst v3;
	v6 =	vadd.f32 v6, v0  }
0x23b: {  	s28 =	sor.u32 s18, s6;
	s2 =	sor.u32 s20, s15;
	s0 =	sor.u32 s20, s17;
	v3 =	vld [tilespmem:s21+$0x0];
	[tilespmem:s26+$0x0] =	vst v4  }
0x23c: {  	s30 =	sor.u32 s20, s7;
	s31 =	sor.u32 s20, s6;
	s29 =	sor.u32 s14, s15;
	v4 =	vld [tilespmem:s22+$0x0];
	v5 =	vadd.f32 v9, v8;
	[tilespmem:s25+$0x0] =	vst v6;
	v0 =	vmov v8  }
0x23d: {  	p0 =	slt.u32 s24, $0xFC0;
	s26 =	sor.u32 s14, s17;
	s25 =	sor.u32 s14, s7;
	v8 =	vld [tilespmem:s12+$0x0]  }
0x23e: {  	v11 =	vld [tilespmem:s11+$0x0];
	[tilespmem:s16+$0x0] =	vst v5  }
.Ltmp7:
0x23f: {  	v7 =	vld [tilespmem:s10+$0x0];
	(pc) =	sbr.rel @p0 .LBB2_16-.Ltmp7, $4  }
0x240: {  	v3 =	vadd.f32 v3, v10;
	v6 =	vld [tilespmem:s9+$0x0]  }
0x241: {  	v5 =	vadd.f32 v4, v10;
	v4 =	vld [tilespmem:s3+$0x0]  }
0x242: {  	[tilespmem:s21+$0x0] =	vst v3;
	v9 =	vadd.f32 v8, v10;
	v3 =	vld [tilespmem:s28+$0x0]  }
0x243: {  	[tilespmem:s22+$0x0] =	vst v5;
	v8 =	vadd.f32 v11, v10;
	v5 =	vld [tilespmem:s2+$0x0]  }
0x244: {  	[tilespmem:s12+$0x0] =	vst v9;
	v7 =	vadd.f32 v7, v2;
	v62 =	vld [tilespmem:s0+$0x0]  }
0x245: {  	[tilespmem:s11+$0x0] =	vst v8;
	v6 =	vadd.f32 v6, v2;
	v8 =	vld [tilespmem:s30+$0x0]  }
0x246: {  	[tilespmem:s10+$0x0] =	vst v7;
	v4 =	vadd.f32 v4, v2;
	v7 =	vld [tilespmem:s31+$0x0]  }
0x247: {  	[tilespmem:s9+$0x0] =	vst v6;
	v2 =	vadd.f32 v3, v2;
	v3 =	vld [tilespmem:s29+$0x0]  }
0x248: {  	[tilespmem:s3+$0x0] =	vst v4;
	v4 =	vadd.f32 v5, v1;
	v5 =	vld [tilespmem:s26+$0x0]  }
0x249: {  	v6 =	vld [tilespmem:s25+$0x0];
	[tilespmem:s28+$0x0] =	vst v2;
	v2 =	vadd.f32 v62, v1  }
0x24a: {  	[tilespmem:s2+$0x0] =	vst v4;
	v4 =	vadd.f32 v8, v1  }
0x24b: {  	[tilespmem:s0+$0x0] =	vst v2;
	v1 =	vadd.f32 v7, v1  }
0x24c: {  	[tilespmem:s30+$0x0] =	vst v4;
	v2 =	vadd.f32 v3, v0  }
0x24d: {  	[tilespmem:s31+$0x0] =	vst v1;
	v1 =	vadd.f32 v5, v0  }
0x24e: {  	v0 =	vadd.f32 v6, v0;
	[tilespmem:s29+$0x0] =	vst v2  }
0x24f: {  	[tilespmem:s26+$0x0] =	vst v1  }
0x250: {  	[tilespmem:s25+$0x0] =	vst v0  }
0x251: {  	s24 =	simm.s32 $0x4000;
	s1 =	rddreg [dreg:$0x13]  }
0x252: {  	[hbm4b:s1+s4] =	stream.strided.scatter [tilespmem:s24], [sflag:$0x5], $0x1000, s5, s4, $0x38;
	[tilespmem:$0x1C000] =	vst v63  }
0x253: {  	s26 =	simm.s32 $0x5000;
	s25 =	sadd.s32 $0x40000, s1  }
0x254: {  	[hbm4b:s25+s4] =	stream.strided.scatter [tilespmem:s26], [sflag:$0x5], $0x1000, s5, s4, $0x38;
	[tilespmem:$0x1C000] =	vst v63  }
0x255: {  	s6 =	simm.s32 $0x6000;
	s3 =	sadd.s32 $0x80000, s1  }
0x256: {  	[hbm4b:s3+s4] =	stream.strided.scatter [tilespmem:s6], [sflag:$0x5], $0x1000, s5, s4, $0x38;
	[tilespmem:$0x1C000] =	vst v63  }
0x257: {  	s8 =	simm.s32 $0x7000;
	s9 =	simm.s32 $0x4;
	s7 =	sadd.s32 $0xC0000, s1  }
0x258: {  	[hbm4b:s7+s4] =	stream.strided.scatter [tilespmem:s8], [sflag:$0x5], $0x1000, s5, s4, $0x38;
	[tilespmem:$0x1C000] =	vst v63  }
0x259: {  	s14 =	simm.s32 $0x3000;
	_ =	swait.ge [sflag:s9], $0x4000  }
0x25a: {  	s15 =	simm.s32 $0x0;
	s16 =	simm.s32 $0x0;
	[sflag:s9] =	ssyncset.done $0x0  }
0x25b: {  	s0 =	sand.u32 $0x7, s15;
	s10 =	rddreg [dreg:$0x14];
	[sflag:s9] =	ssyncadd.s32 $0xFFFFC000  }
0x25c: {  	[tilespmem:s23], [sflag:$0x1] =	stream.strided.gather [hbm4b:s10+s4], $0x1000, s5, s4, $0x38;
	[tilespmem:$0x1C000] =	vst v63  }
0x25d: {  	s17 =	sshll.u32 s0, $0xA;
	s0 =	sshll.u32 s0, $0x9;
	s11 =	sadd.s32 $0x40000, s10  }
0x25e: {  	[tilespmem:s13], [sflag:$0x1] =	stream.strided.gather [hbm4b:s11+s4], $0x1000, s5, s4, $0x38;
	[tilespmem:$0x1C000] =	vst v63  }
0x25f: {  	s24 =	simm.s32 $0x0;
	s1 =	sand.u32 $0x1FFFFF80, s16;
	s12 =	sadd.s32 $0x80000, s10  }
0x260: {  	[tilespmem:s19], [sflag:$0x1] =	stream.strided.gather [hbm4b:s12+s4], $0x1000, s5, s4, $0x38;
	[tilespmem:$0x1C000] =	vst v63  }
0x261: {  	s18 =	sand.u32 $0x40, s24;
	s6 =	simm.s32 $0x3;
	s13 =	sadd.s32 $0xC0000, s10  }
0x262: {  	[tilespmem:s14], [sflag:$0x1] =	stream.strided.gather [hbm4b:s13+s4], $0x1000, s5, s4, $0x38;
	[tilespmem:$0x1C000] =	vst v63  }
0x263: {  	s2 =	sadd.s32 s1, s17;
	s0 =	sadd.s32 s1, s0;
	_ =	swait.ge [sflag:s6], $0x4000  }
0x264: {  	s2 =	sadd.s32 $0x14000, s2;
	s19 =	sor.u32 $0x30, s18;
	[sflag:s6] =	ssyncset.done $0x0  }
0x265: {  	s20 =	sadd.s32 $0xB000, s0;
	s7 =	sor.u32 s19, s2;
	[sflag:s6] =	ssyncadd.s32 $0xFFFFC000  }
0x266: {  	s21 =	sor.u32 s19, s20;
	v0 =	vld [tilespmem:s7+$0x0]  }
0x267: {  	s22 =	sor.u32 s18, s2;
	s8 =	sadd.s32 $0x8000, s0;
	v1 =	vld [tilespmem:s21+$0x0]  }
0x268: {  	s23 =	sadd.s32 $0x9000, s0;
	s14 =	sor.u32 s18, s8;
	v6 =	vld [tilespmem:s22+$0x0]  }
0x269: {  	s15 =	sadd.s32 $0xA000, s0;
	s25 =	sor.u32 s18, s23;
	v3 =	vld [tilespmem:s14+$0x0]  }
0x26a: {  	s17 =	sor.u32 s18, s15;
	v4 =	vld [tilespmem:s25+$0x0]  }
0x26b: {  	s16 =	sor.u32 $0x10, s18;
	s11 =	sor.u32 s18, s20;
	v5 =	vld [tilespmem:s17+$0x0]  }
0x26c: {  	s26 =	sor.u32 s16, s2;
	v7 =	vld [tilespmem:s11+$0x0]  }
0x26d: {  	s10 =	sor.u32 s16, s8;
	v2 =	vld [tilespmem:s26+$0x0];
	v1 =	vadd.f32 v1, v0  }
0x26e: {  	s28 =	sor.u32 s16, s23;
	v8 =	vadd.f32 v3, v6;
	v3 =	vld [tilespmem:s10+$0x0]  }
0x26f: {  	s9 =	sor.u32 s16, s15;
	s18 =	sor.u32 $0x20, s18;
	v63 =	vadd.f32 v4, v6;
	v4 =	vld [tilespmem:s28+$0x0];
	[tilespmem:s21+$0x0] =	vst v1  }
0x270: {  	s3 =	sor.u32 s16, s20;
	s29 =	sor.u32 s19, s8;
	s2 =	sor.u32 s18, s2;
	[tilespmem:s14+$0x0] =	vst v8;
	v8 =	vadd.f32 v5, v6;
	v5 =	vld [tilespmem:s9+$0x0]  }
0x271: {  	s30 =	sor.u32 s18, s23;
	s31 =	sor.u32 s18, s20;
	s0 =	sor.u32 s18, s15;
	v7 =	vadd.f32 v7, v6;
	v6 =	vld [tilespmem:s3+$0x0];
	[tilespmem:s25+$0x0] =	vst v63  }
0x272: {  	s26 =	sor.u32 s19, s23;
	v1 =	vld [tilespmem:s2+$0x0];
	s2 =	sor.u32 s18, s8;
	s25 =	sor.u32 s19, s15;
	[tilespmem:s17+$0x0] =	vst v8  }
.LBB2_18:
0x273: {  	s24 =	sadd.s32 $0x40, s24;
	[tilespmem:s11+$0x0] =	vst v7;
	v3 =	vadd.f32 v3, v2;
	v7 =	vld [tilespmem:s2+$0x0]  }
0x274: {  	s1 =	sshrl.u32 s24, $0x7;
	p0 =	slt.u32 s24, $0xFC0;
	v4 =	vadd.f32 v4, v2;
	v8 =	vld [tilespmem:s30+$0x0]  }
0x275: {  	s6 =	sshrl.u32 s24, $0x3;
	s1 =	sand.u32 $0x7, s1;
	[tilespmem:s10+$0x0] =	vst v3;
	v3 =	vadd.f32 v5, v2;
	v5 =	vld [tilespmem:s0+$0x0]  }
0x276: {  	s6 =	sand.u32 $0x1FFFFF80, s6;
	s7 =	sshll.u32 s1, $0xA;
	[tilespmem:s28+$0x0] =	vst v4;
	v2 =	vadd.f32 v6, v2;
	v4 =	vld [tilespmem:s31+$0x0]  }
0x277: {  	s8 =	sand.u32 $0x40, s24;
	s1 =	sshll.u32 s1, $0x9;
	s7 =	sadd.s32 s6, s7;
	[tilespmem:s9+$0x0] =	vst v3;
	v3 =	vld [tilespmem:s29+$0x0]  }
0x278: {  	s1 =	sadd.s32 s6, s1;
	s6 =	sor.u32 $0x30, s8;
	s7 =	sadd.s32 $0x14000, s7;
	[tilespmem:s3+$0x0] =	vst v2;
	v2 =	vadd.f32 v7, v1;
	v6 =	vld [tilespmem:s26+$0x0]  }
0x279: {  	s12 =	sadd.s32 $0x8000, s1;
	s14 =	sadd.s32 $0xB000, s1;
	s3 =	sor.u32 s6, s7;
	v7 =	vadd.f32 v8, v1;
	v8 =	vld [tilespmem:s25+$0x0]  }
0x27a: {  	s15 =	sadd.s32 $0x9000, s1;
	s1 =	sadd.s32 $0xA000, s1;
	s16 =	sor.u32 s6, s14;
	v9 =	vld [tilespmem:s3+$0x0];
	[tilespmem:s2+$0x0] =	vst v2;
	v2 =	vadd.f32 v5, v1  }
0x27b: {  	s17 =	sor.u32 $0x20, s8;
	s2 =	sor.u32 s8, s7;
	s3 =	sor.u32 $0x10, s8;
	v5 =	vld [tilespmem:s16+$0x0];
	[tilespmem:s30+$0x0] =	vst v7;
	v1 =	vadd.f32 v4, v1  }
0x27c: {  	s18 =	sor.u32 s8, s12;
	s20 =	sor.u32 s8, s15;
	s21 =	sor.u32 s8, s1;
	v7 =	vld [tilespmem:s2+$0x0];
	[tilespmem:s0+$0x0] =	vst v2;
	v2 =	vadd.f32 v3, v0  }
0x27d: {  	s11 =	sor.u32 s8, s14;
	s8 =	sor.u32 s3, s7;
	s10 =	sor.u32 s3, s12;
	v3 =	vld [tilespmem:s18+$0x0];
	[tilespmem:s31+$0x0] =	vst v1;
	v1 =	vadd.f32 v6, v0  }
0x27e: {  	s28 =	sor.u32 s3, s15;
	s9 =	sor.u32 s3, s1;
	s3 =	sor.u32 s3, s14;
	v4 =	vld [tilespmem:s20+$0x0];
	[tilespmem:s29+$0x0] =	vst v2;
	v2 =	vadd.f32 v8, v0  }
0x27f: {  	s7 =	sor.u32 s17, s7;
	s30 =	sor.u32 s17, s15;
	s2 =	sor.u32 s17, s12;
	v6 =	vld [tilespmem:s21+$0x0];
	[tilespmem:s26+$0x0] =	vst v1;
	v0 =	vmov v9  }
0x280: {  	s0 =	sor.u32 s17, s1;
	s31 =	sor.u32 s17, s14;
	s29 =	sor.u32 s6, s12;
	v1 =	vld [tilespmem:s11+$0x0];
	v5 =	vadd.f32 v5, v0;
	[tilespmem:s25+$0x0] =	vst v2  }
0x281: {  	s26 =	sor.u32 s6, s15;
	s25 =	sor.u32 s6, s1;
	v2 =	vld [tilespmem:s8+$0x0]  }
.Ltmp8:
0x282: {  	v8 =	vadd.f32 v3, v7;
	v3 =	vld [tilespmem:s10+$0x0];
	[tilespmem:s16+$0x0] =	vst v5;
	(pc) =	sbr.rel @p0 .LBB2_18-.Ltmp8, $4  }
0x283: {  	v9 =	vadd.f32 v4, v7;
	v4 =	vld [tilespmem:s28+$0x0]  }
0x284: {  	[tilespmem:s18+$0x0] =	vst v8;
	v8 =	vadd.f32 v6, v7;
	v5 =	vld [tilespmem:s9+$0x0]  }
0x285: {  	[tilespmem:s20+$0x0] =	vst v9;
	v7 =	vadd.f32 v1, v7;
	v6 =	vld [tilespmem:s3+$0x0]  }
0x286: {  	[tilespmem:s21+$0x0] =	vst v8;
	v1 =	vld [tilespmem:s7+$0x0]  }
0x287: {  	v8 =	vld [tilespmem:s2+$0x0]  }
0x288: {  	v3 =	vadd.f32 v3, v2;
	v9 =	vld [tilespmem:s30+$0x0]  }
0x289: {  	[tilespmem:s11+$0x0] =	vst v7;
	v7 =	vld [tilespmem:s0+$0x0];
	v4 =	vadd.f32 v4, v2  }
0x28a: {  	[tilespmem:s10+$0x0] =	vst v3;
	v3 =	vadd.f32 v5, v2;
	v5 =	vld [tilespmem:s31+$0x0]  }
0x28b: {  	[tilespmem:s28+$0x0] =	vst v4;
	v2 =	vadd.f32 v6, v2;
	v4 =	vld [tilespmem:s29+$0x0]  }
0x28c: {  	v6 =	vld [tilespmem:s26+$0x0];
	[tilespmem:s9+$0x0] =	vst v3;
	v3 =	vadd.f32 v8, v1  }
0x28d: {  	[tilespmem:s3+$0x0] =	vst v2;
	v2 =	vadd.f32 v9, v1;
	v8 =	vld [tilespmem:s25+$0x0]  }
0x28e: {  	[tilespmem:s2+$0x0] =	vst v3;
	v3 =	vadd.f32 v7, v1  }
0x28f: {  	v1 =	vadd.f32 v5, v1;
	[tilespmem:s30+$0x0] =	vst v2  }
0x290: {  	v2 =	vadd.f32 v4, v0;
	[tilespmem:s0+$0x0] =	vst v3  }
0x291: {  	[tilespmem:s31+$0x0] =	vst v1;
	v1 =	vadd.f32 v6, v0  }
0x292: {  	[tilespmem:s29+$0x0] =	vst v2;
	v0 =	vadd.f32 v8, v0  }
0x293: {  	[tilespmem:s26+$0x0] =	vst v1  }
0x294: {  	[tilespmem:s25+$0x0] =	vst v0  }
0x295: {  	s24 =	simm.s32 $0x8000;
	s1 =	rddreg [dreg:$0x15]  }
0x296: {  	[hbm4b:s1+s4] =	stream.strided.scatter [tilespmem:s24], [sflag:$0x6], $0x1000, s5, s4, $0x38;
	[tilespmem:$0x1C000] =	vst v63  }
0x297: {  	s6 =	simm.s32 $0xA000;
	s26 =	simm.s32 $0x9000;
	s25 =	sadd.s32 $0x40000, s1  }
0x298: {  	[hbm4b:s25+s4] =	stream.strided.scatter [tilespmem:s26], [sflag:$0x6], $0x1000, s5, s4, $0x38;
	[tilespmem:$0x1C000] =	vst v63  }
0x299: {  	s8 =	simm.s32 $0xB000;
	s11 =	simm.s32 $0x4000;
	s3 =	sadd.s32 $0x80000, s1  }
0x29a: {  	[hbm4b:s3+s4] =	stream.strided.scatter [tilespmem:s6], [sflag:$0x6], $0x1000, s5, s4, $0x38;
	[tilespmem:$0x1C000] =	vst v63  }
0x29b: {  	s13 =	simm.s32 $0x5000;
	s9 =	simm.s32 $0x5;
	s7 =	sadd.s32 $0xC0000, s1  }
0x29c: {  	[hbm4b:s7+s4] =	stream.strided.scatter [tilespmem:s8], [sflag:$0x6], $0x1000, s5, s4, $0x38;
	[tilespmem:$0x1C000] =	vst v63  }
0x29d: {  	s15 =	simm.s32 $0x6000;
	s17 =	simm.s32 $0x7000;
	_ =	swait.ge [sflag:s9], $0x4000  }
0x29e: {  	s18 =	simm.s32 $0x1;
	s19 =	simm.s32 $0x0;
	[sflag:s9] =	ssyncset.done $0x0  }
0x29f: {  	s0 =	sand.u32 $0x7, s19;
	s10 =	rddreg [dreg:$0x17];
	[sflag:s9] =	ssyncadd.s32 $0xFFFFC000  }
0x2a0: {  	[tilespmem:s11], [sflag:$0x2] =	stream.strided.gather [hbm4b:s10+s4], $0x1000, s5, s4, $0x38;
	[tilespmem:$0x1C000] =	vst v63  }
0x2a1: {  	s20 =	simm.s32 $0x0;
	s21 =	sshll.u32 s0, $0xA;
	s12 =	sadd.s32 $0x40000, s10  }
0x2a2: {  	[tilespmem:s13], [sflag:$0x2] =	stream.strided.gather [hbm4b:s12+s4], $0x1000, s5, s4, $0x38;
	[tilespmem:$0x1C000] =	vst v63  }
0x2a3: {  	s0 =	sshll.u32 s0, $0x9;
	s1 =	sand.u32 $0x1FFFFF80, s20;
	s14 =	sadd.s32 $0x80000, s10  }
0x2a4: {  	[tilespmem:s15], [sflag:$0x2] =	stream.strided.gather [hbm4b:s14+s4], $0x1000, s5, s4, $0x38;
	[tilespmem:$0x1C000] =	vst v63  }
0x2a5: {  	s24 =	simm.s32 $0x0;
	s2 =	sadd.s32 s1, s21;
	s16 =	sadd.s32 $0xC0000, s10  }
0x2a6: {  	[tilespmem:s17], [sflag:$0x2] =	stream.strided.gather [hbm4b:s16+s4], $0x1000, s5, s4, $0x38;
	[tilespmem:$0x1C000] =	vst v63  }
0x2a7: {  	s1 =	sadd.s32 s1, s0;
	s6 =	sand.u32 $0x40, s24;
	_ =	swait.ge [sflag:s18], $0x4000  }
0x2a8: {  	s2 =	sadd.s32 $0x14200, s2;
	s7 =	sor.u32 $0x30, s6;
	[sflag:s18] =	ssyncset.done $0x0  }
0x2a9: {  	s0 =	sadd.s32 $0x3000, s1;
	s22 =	sor.u32 s7, s2;
	[sflag:s18] =	ssyncadd.s32 $0xFFFFC000  }
0x2aa: {  	s23 =	sor.u32 s7, s0;
	v0 =	vld [tilespmem:s22+$0x0]  }
0x2ab: {  	s25 =	sor.u32 s6, s2;
	s8 =	sadd.s32 $0x1000, s1;
	v3 =	vld [tilespmem:s23+$0x0]  }
0x2ac: {  	s12 =	sadd.s32 $0x2000, s1;
	s14 =	sor.u32 s6, s8;
	v1 =	vld [tilespmem:s25+$0x0]  }
0x2ad: {  	s15 =	sor.u32 s6, s12;
	v4 =	vld [tilespmem:s14+$0x0]  }
0x2ae: {  	s16 =	sor.u32 $0x10, s6;
	s17 =	sor.u32 s6, s0;
	v6 =	vld [tilespmem:s15+$0x0]  }
0x2af: {  	s26 =	sor.u32 s16, s2;
	v8 =	vld [tilespmem:s17+$0x0]  }
0x2b0: {  	s11 =	sor.u32 s16, s8;
	v2 =	vld [tilespmem:s26+$0x0]  }
0x2b1: {  	s10 =	sor.u32 s16, s12;
	v9 =	vld [tilespmem:s11+$0x0];
	v3 =	vadd.f32 v3, v0  }
0x2b2: {  	s9 =	sor.u32 s16, s0;
	s18 =	sor.u32 $0x20, s6;
	v5 =	vld [tilespmem:s10+$0x0];
	v4 =	vadd.f32 v4, v1  }
0x2b3: {  	s2 =	sor.u32 s18, s2;
	v7 =	vld [tilespmem:s9+$0x0];
	v6 =	vadd.f32 v6, v1;
	[tilespmem:s23+$0x0] =	vst v3  }
0x2b4: {  	s31 =	sor.u32 s6, s1;
	s30 =	sor.u32 s7, s12;
	s3 =	sor.u32 s18, s8;
	v8 =	vadd.f32 v8, v1;
	v3 =	vld [tilespmem:s2+$0x0];
	[tilespmem:s14+$0x0] =	vst v4  }
0x2b5: {  	s29 =	sor.u32 s16, s1;
	s28 =	sor.u32 s18, s12;
	s26 =	sor.u32 s18, s1;
	v4 =	vld [tilespmem:s3+$0x0];
	[tilespmem:s15+$0x0] =	vst v6  }
0x2b6: {  	s25 =	sor.u32 s7, s1;
	s2 =	sor.u32 s18, s0;
	s0 =	sor.u32 s7, s8;
	v6 =	vld [tilespmem:s28+$0x0];
	[tilespmem:s17+$0x0] =	vst v8;
	v8 =	vadd.f32 v9, v2  }
.LBB2_20:
0x2b7: {  	s24 =	sadd.s32 $0x40, s24;
	v5 =	vadd.f32 v5, v2;
	v9 =	vld [tilespmem:s2+$0x0]  }
0x2b8: {  	s1 =	sshrl.u32 s24, $0x7;
	p0 =	slt.u32 s24, $0xFC0;
	[tilespmem:s11+$0x0] =	vst v8;
	v7 =	vadd.f32 v7, v2;
	v8 =	vld [tilespmem:s0+$0x0]  }
0x2b9: {  	s6 =	sshrl.u32 s24, $0x3;
	s1 =	sand.u32 $0x7, s1;
	[tilespmem:s10+$0x0] =	vst v5;
	v5 =	vld [tilespmem:s30+$0x0]  }
0x2ba: {  	s6 =	sand.u32 $0x1FFFFF80, s6;
	s7 =	sshll.u32 s1, $0xA;
	v10 =	vld [tilespmem:s31+$0x0];
	[tilespmem:s9+$0x0] =	vst v7;
	v4 =	vadd.f32 v4, v3  }
0x2bb: {  	s8 =	sand.u32 $0x40, s24;
	s1 =	sshll.u32 s1, $0x9;
	s7 =	sadd.s32 s6, s7;
	v7 =	vld [tilespmem:s29+$0x0];
	v6 =	vadd.f32 v6, v3  }
0x2bc: {  	s12 =	sadd.s32 s6, s1;
	s1 =	sor.u32 $0x30, s8;
	s7 =	sadd.s32 $0x14200, s7;
	v11 =	vld [tilespmem:s26+$0x0];
	[tilespmem:s3+$0x0] =	vst v4;
	v4 =	vadd.f32 v9, v3  }
0x2bd: {  	s6 =	sadd.s32 $0x1000, s12;
	s14 =	sadd.s32 $0x3000, s12;
	s3 =	sor.u32 s1, s7;
	[tilespmem:s28+$0x0] =	vst v6;
	v6 =	vld [tilespmem:s25+$0x0];
	v8 =	vadd.f32 v8, v0  }
0x2be: {  	s16 =	sor.u32 $0x10, s8;
	s15 =	sadd.s32 $0x2000, s12;
	s17 =	sor.u32 s1, s14;
	v9 =	vld [tilespmem:s3+$0x0];
	[tilespmem:s2+$0x0] =	vst v4;
	v4 =	vadd.f32 v5, v0  }
0x2bf: {  	s20 =	sor.u32 $0x20, s8;
	s18 =	sor.u32 s8, s6;
	s2 =	sor.u32 s8, s7;
	v5 =	vld [tilespmem:s17+$0x0];
	v10 =	vadd.f32 v10, v1;
	[tilespmem:s0+$0x0] =	vst v8  }
0x2c0: {  	s21 =	sor.u32 s8, s15;
	s22 =	sor.u32 s8, s14;
	s23 =	sor.u32 s16, s7;
	v1 =	vld [tilespmem:s2+$0x0];
	v2 =	vadd.f32 v7, v2;
	[tilespmem:s30+$0x0] =	vst v4  }
0x2c1: {  	s11 =	sor.u32 s16, s6;
	s10 =	sor.u32 s16, s15;
	s9 =	sor.u32 s16, s14;
	v4 =	vld [tilespmem:s18+$0x0];
	[tilespmem:s31+$0x0] =	vst v10;
	v3 =	vadd.f32 v11, v3  }
0x2c2: {  	s28 =	sor.u32 s20, s15;
	s7 =	sor.u32 s20, s7;
	s3 =	sor.u32 s20, s6;
	v7 =	vld [tilespmem:s21+$0x0];
	[tilespmem:s29+$0x0] =	vst v2;
	v6 =	vadd.f32 v6, v0  }
0x2c3: {  	s0 =	sor.u32 s1, s6;
	s2 =	sor.u32 s20, s14;
	s30 =	sor.u32 s1, s15;
	v8 =	vld [tilespmem:s22+$0x0];
	[tilespmem:s26+$0x0] =	vst v3;
	v0 =	vmov v9  }
0x2c4: {  	s31 =	sor.u32 s8, s12;
	s29 =	sor.u32 s16, s12;
	s26 =	sor.u32 s20, s12;
	v2 =	vld [tilespmem:s23+$0x0];
	v3 =	vadd.f32 v5, v0;
	[tilespmem:s25+$0x0] =	vst v6  }
0x2c5: {  	s25 =	sor.u32 s1, s12;
	v6 =	vld [tilespmem:s11+$0x0]  }
.Ltmp9:
0x2c6: {  	v4 =	vadd.f32 v4, v1;
	v5 =	vld [tilespmem:s10+$0x0];
	[tilespmem:s17+$0x0] =	vst v3;
	(pc) =	sbr.rel @p0 .LBB2_20-.Ltmp9, $4  }
0x2c7: {  	v9 =	vadd.f32 v7, v1;
	v7 =	vld [tilespmem:s9+$0x0]  }
0x2c8: {  	[tilespmem:s18+$0x0] =	vst v4;
	v8 =	vadd.f32 v8, v1;
	v3 =	vld [tilespmem:s7+$0x0]  }
0x2c9: {  	[tilespmem:s21+$0x0] =	vst v9;
	v4 =	vld [tilespmem:s3+$0x0]  }
0x2ca: {  	[tilespmem:s22+$0x0] =	vst v8;
	v8 =	vadd.f32 v6, v2;
	v6 =	vld [tilespmem:s28+$0x0]  }
0x2cb: {  	v9 =	vld [tilespmem:s2+$0x0]  }
0x2cc: {  	v5 =	vadd.f32 v5, v2;
	v10 =	vld [tilespmem:s31+$0x0]  }
0x2cd: {  	[tilespmem:s11+$0x0] =	vst v8;
	v7 =	vadd.f32 v7, v2;
	v8 =	vld [tilespmem:s0+$0x0]  }
0x2ce: {  	[tilespmem:s10+$0x0] =	vst v5;
	v5 =	vld [tilespmem:s30+$0x0];
	v4 =	vadd.f32 v4, v3  }
0x2cf: {  	v11 =	vld [tilespmem:s26+$0x0];
	[tilespmem:s9+$0x0] =	vst v7;
	v6 =	vadd.f32 v6, v3  }
0x2d0: {  	v7 =	vld [tilespmem:s29+$0x0];
	[tilespmem:s3+$0x0] =	vst v4;
	v4 =	vadd.f32 v9, v3  }
0x2d1: {  	v1 =	vadd.f32 v10, v1;
	[tilespmem:s28+$0x0] =	vst v6;
	v6 =	vld [tilespmem:s25+$0x0]  }
0x2d2: {  	v8 =	vadd.f32 v8, v0;
	[tilespmem:s2+$0x0] =	vst v4  }
0x2d3: {  	v4 =	vadd.f32 v5, v0;
	[tilespmem:s31+$0x0] =	vst v1  }
0x2d4: {  	v1 =	vadd.f32 v11, v3;
	[tilespmem:s0+$0x0] =	vst v8  }
0x2d5: {  	v2 =	vadd.f32 v7, v2;
	[tilespmem:s30+$0x0] =	vst v4  }
0x2d6: {  	[tilespmem:s26+$0x0] =	vst v1;
	v0 =	vadd.f32 v6, v0  }
0x2d7: {  	[tilespmem:s29+$0x0] =	vst v2  }
0x2d8: {  	[tilespmem:s25+$0x0] =	vst v0  }
0x2d9: {  	s22 =	simm.s32 $0x0;
	s1 =	rddreg [dreg:$0x16]  }
0x2da: {  	[hbm4b:s1+s4] =	stream.strided.scatter [tilespmem:s22], [sflag:$0x4], $0x1000, s5, s4, $0x38;
	[tilespmem:$0x1C000] =	vst v63  }
0x2db: {  	s13 =	simm.s32 $0x1000;
	s19 =	simm.s32 $0x2000;
	s25 =	sadd.s32 $0x40000, s1  }
0x2dc: {  	[hbm4b:s25+s4] =	stream.strided.scatter [tilespmem:s13], [sflag:$0x4], $0x1000, s5, s4, $0x38;
	[tilespmem:$0x1C000] =	vst v63  }
0x2dd: {  	s23 =	simm.s32 $0x3000;
	s7 =	simm.s32 $0x8000;
	s26 =	sadd.s32 $0x80000, s1  }
0x2de: {  	[hbm4b:s26+s4] =	stream.strided.scatter [tilespmem:s19], [sflag:$0x4], $0x1000, s5, s4, $0x38;
	[tilespmem:$0x1C000] =	vst v63  }
0x2df: {  	s14 =	simm.s32 $0xB000;
	s3 =	simm.s32 $0x6;
	s2 =	sadd.s32 $0xC0000, s1  }
0x2e0: {  	[hbm4b:s2+s4] =	stream.strided.scatter [tilespmem:s23], [sflag:$0x4], $0x1000, s5, s4, $0x38;
	[tilespmem:$0x1C000] =	vst v63  }
0x2e1: {  	s15 =	simm.s32 $0x0;
	s16 =	simm.s32 $0x0;
	_ =	swait.ge [sflag:s3], $0x4000  }
0x2e2: {  	s24 =	simm.s32 $0x0;
	s11 =	simm.s32 $0xA000;
	[sflag:s3] =	ssyncset.done $0x0  }
0x2e3: {  	s18 =	sand.u32 $0x40, s24;
	s6 =	rddreg [dreg:$0x19];
	[sflag:s3] =	ssyncadd.s32 $0xFFFFC000  }
0x2e4: {  	[tilespmem:s7], [sflag:$0x3] =	stream.strided.gather [hbm4b:s6+s4], $0x1000, s5, s4, $0x38;
	[tilespmem:$0x1C000] =	vst v63  }
0x2e5: {  	s9 =	simm.s32 $0x9000;
	s0 =	sand.u32 $0x7, s15;
	s8 =	sadd.s32 $0x40000, s6  }
0x2e6: {  	[tilespmem:s9], [sflag:$0x3] =	stream.strided.gather [hbm4b:s8+s4], $0x1000, s5, s4, $0x38;
	[tilespmem:$0x1C000] =	vst v63  }
0x2e7: {  	s17 =	sshll.u32 s0, $0xA;
	s0 =	sshll.u32 s0, $0x9;
	s10 =	sadd.s32 $0x80000, s6  }
0x2e8: {  	[tilespmem:s11], [sflag:$0x3] =	stream.strided.gather [hbm4b:s10+s4], $0x1000, s5, s4, $0x38;
	[tilespmem:$0x1C000] =	vst v63  }
0x2e9: {  	s1 =	sand.u32 $0x1FFFFF80, s16;
	s12 =	sadd.s32 $0xC0000, s6;
	s6 =	simm.s32 $0x2  }
0x2ea: {  	[tilespmem:s14], [sflag:$0x3] =	stream.strided.gather [hbm4b:s12+s4], $0x1000, s5, s4, $0x38;
	[tilespmem:$0x1C000] =	vst v63  }
0x2eb: {  	s0 =	sadd.s32 s1, s0;
	s2 =	sadd.s32 s1, s17;
	_ =	swait.ge [sflag:s6], $0x4000  }
0x2ec: {  	s1 =	sor.u32 $0x30, s18;
	s2 =	sadd.s32 $0x16000, s2;
	[sflag:s6] =	ssyncset.done $0x0  }
0x2ed: {  	s7 =	sor.u32 s1, s2;
	[sflag:s6] =	ssyncadd.s32 $0xFFFFC000  }
0x2ee: {  	s21 =	sor.u32 s18, s2;
	s8 =	sadd.s32 $0x4000, s0;
	v0 =	vld [tilespmem:s7+$0x0]  }
0x2ef: {  	s14 =	sor.u32 s18, s8;
	s6 =	sadd.s32 $0x7000, s0;
	v6 =	vld [tilespmem:s21+$0x0]  }
0x2f0: {  	s12 =	sadd.s32 $0x5000, s0;
	s20 =	sor.u32 s1, s6;
	v3 =	vld [tilespmem:s14+$0x0]  }
0x2f1: {  	s15 =	sadd.s32 $0x6000, s0;
	s25 =	sor.u32 s18, s12;
	v1 =	vld [tilespmem:s20+$0x0]  }
0x2f2: {  	s17 =	sor.u32 s18, s15;
	v4 =	vld [tilespmem:s25+$0x0]  }
0x2f3: {  	s16 =	sor.u32 $0x10, s18;
	v5 =	vld [tilespmem:s17+$0x0];
	s11 =	sor.u32 s18, s6  }
0x2f4: {  	s26 =	sor.u32 s16, s2;
	v7 =	vld [tilespmem:s11+$0x0]  }
0x2f5: {  	s10 =	sor.u32 s16, s8;
	v2 =	vld [tilespmem:s26+$0x0];
	v8 =	vadd.f32 v3, v6  }
0x2f6: {  	s28 =	sor.u32 s16, s12;
	v3 =	vld [tilespmem:s10+$0x0];
	v1 =	vadd.f32 v1, v0  }
0x2f7: {  	s9 =	sor.u32 s16, s15;
	s29 =	sor.u32 s1, s8;
	v63 =	vadd.f32 v4, v6;
	v4 =	vld [tilespmem:s28+$0x0];
	[tilespmem:s14+$0x0] =	vst v8  }
0x2f8: {  	s18 =	sor.u32 $0x20, s18;
	s3 =	sor.u32 s16, s6;
	s26 =	sor.u32 s1, s12;
	v8 =	vadd.f32 v5, v6;
	v5 =	vld [tilespmem:s9+$0x0];
	[tilespmem:s20+$0x0] =	vst v1  }
0x2f9: {  	s2 =	sor.u32 s18, s2;
	s30 =	sor.u32 s18, s12;
	s31 =	sor.u32 s18, s6;
	v7 =	vadd.f32 v7, v6;
	v6 =	vld [tilespmem:s3+$0x0];
	[tilespmem:s25+$0x0] =	vst v63  }
0x2fa: {  	s0 =	sor.u32 s18, s15;
	v1 =	vld [tilespmem:s2+$0x0];
	s2 =	sor.u32 s18, s8;
	s25 =	sor.u32 s1, s15;
	[tilespmem:s17+$0x0] =	vst v8  }
.LBB2_22:
0x2fb: {  	s24 =	sadd.s32 $0x40, s24;
	[tilespmem:s11+$0x0] =	vst v7;
	v3 =	vadd.f32 v3, v2;
	v7 =	vld [tilespmem:s2+$0x0]  }
0x2fc: {  	s1 =	sshrl.u32 s24, $0x7;
	p0 =	slt.u32 s24, $0xFC0;
	v4 =	vadd.f32 v4, v2;
	v8 =	vld [tilespmem:s30+$0x0]  }
0x2fd: {  	s6 =	sshrl.u32 s24, $0x3;
	s1 =	sand.u32 $0x7, s1;
	[tilespmem:s10+$0x0] =	vst v3;
	v3 =	vadd.f32 v5, v2;
	v5 =	vld [tilespmem:s0+$0x0]  }
0x2fe: {  	s6 =	sand.u32 $0x1FFFFF80, s6;
	s7 =	sshll.u32 s1, $0xA;
	[tilespmem:s28+$0x0] =	vst v4;
	v2 =	vadd.f32 v6, v2;
	v4 =	vld [tilespmem:s31+$0x0]  }
0x2ff: {  	s8 =	sand.u32 $0x40, s24;
	s1 =	sshll.u32 s1, $0x9;
	s7 =	sadd.s32 s6, s7;
	[tilespmem:s9+$0x0] =	vst v3;
	v3 =	vld [tilespmem:s29+$0x0]  }
0x300: {  	s1 =	sadd.s32 s6, s1;
	s6 =	sor.u32 $0x30, s8;
	s7 =	sadd.s32 $0x16000, s7;
	[tilespmem:s3+$0x0] =	vst v2;
	v2 =	vadd.f32 v7, v1;
	v6 =	vld [tilespmem:s26+$0x0]  }
0x301: {  	s12 =	sadd.s32 $0x4000, s1;
	s14 =	sadd.s32 $0x7000, s1;
	s3 =	sor.u32 s6, s7;
	v7 =	vadd.f32 v8, v1;
	v8 =	vld [tilespmem:s25+$0x0]  }
0x302: {  	s15 =	sadd.s32 $0x5000, s1;
	s1 =	sadd.s32 $0x6000, s1;
	s16 =	sor.u32 s6, s14;
	v9 =	vld [tilespmem:s3+$0x0];
	[tilespmem:s2+$0x0] =	vst v2;
	v2 =	vadd.f32 v5, v1  }
0x303: {  	s17 =	sor.u32 $0x20, s8;
	s2 =	sor.u32 s8, s7;
	s3 =	sor.u32 $0x10, s8;
	v5 =	vld [tilespmem:s16+$0x0];
	[tilespmem:s30+$0x0] =	vst v7;
	v1 =	vadd.f32 v4, v1  }
0x304: {  	s18 =	sor.u32 s8, s12;
	s20 =	sor.u32 s8, s15;
	s21 =	sor.u32 s8, s1;
	v7 =	vld [tilespmem:s2+$0x0];
	[tilespmem:s0+$0x0] =	vst v2;
	v2 =	vadd.f32 v3, v0  }
0x305: {  	s11 =	sor.u32 s8, s14;
	s8 =	sor.u32 s3, s7;
	s10 =	sor.u32 s3, s12;
	v3 =	vld [tilespmem:s18+$0x0];
	[tilespmem:s31+$0x0] =	vst v1;
	v1 =	vadd.f32 v6, v0  }
0x306: {  	s28 =	sor.u32 s3, s15;
	s9 =	sor.u32 s3, s1;
	s3 =	sor.u32 s3, s14;
	v4 =	vld [tilespmem:s20+$0x0];
	[tilespmem:s29+$0x0] =	vst v2;
	v2 =	vadd.f32 v8, v0  }
0x307: {  	s7 =	sor.u32 s17, s7;
	s30 =	sor.u32 s17, s15;
	s2 =	sor.u32 s17, s12;
	v6 =	vld [tilespmem:s21+$0x0];
	[tilespmem:s26+$0x0] =	vst v1;
	v0 =	vmov v9  }
0x308: {  	s0 =	sor.u32 s17, s1;
	s31 =	sor.u32 s17, s14;
	s29 =	sor.u32 s6, s12;
	v1 =	vld [tilespmem:s11+$0x0];
	v5 =	vadd.f32 v5, v0;
	[tilespmem:s25+$0x0] =	vst v2  }
0x309: {  	s26 =	sor.u32 s6, s15;
	s25 =	sor.u32 s6, s1;
	v2 =	vld [tilespmem:s8+$0x0]  }
.Ltmp10:
0x30a: {  	v8 =	vadd.f32 v3, v7;
	v3 =	vld [tilespmem:s10+$0x0];
	[tilespmem:s16+$0x0] =	vst v5;
	(pc) =	sbr.rel @p0 .LBB2_22-.Ltmp10, $4  }
0x30b: {  	v9 =	vadd.f32 v4, v7;
	v4 =	vld [tilespmem:s28+$0x0]  }
0x30c: {  	[tilespmem:s18+$0x0] =	vst v8;
	v8 =	vadd.f32 v6, v7;
	v5 =	vld [tilespmem:s9+$0x0]  }
0x30d: {  	[tilespmem:s20+$0x0] =	vst v9;
	v7 =	vadd.f32 v1, v7;
	v6 =	vld [tilespmem:s3+$0x0]  }
0x30e: {  	[tilespmem:s21+$0x0] =	vst v8;
	v1 =	vld [tilespmem:s7+$0x0]  }
0x30f: {  	v8 =	vld [tilespmem:s2+$0x0]  }
0x310: {  	v3 =	vadd.f32 v3, v2;
	v9 =	vld [tilespmem:s30+$0x0]  }
0x311: {  	[tilespmem:s11+$0x0] =	vst v7;
	v7 =	vld [tilespmem:s0+$0x0];
	v4 =	vadd.f32 v4, v2  }
0x312: {  	[tilespmem:s10+$0x0] =	vst v3;
	v3 =	vadd.f32 v5, v2;
	v5 =	vld [tilespmem:s31+$0x0]  }
0x313: {  	[tilespmem:s28+$0x0] =	vst v4;
	v2 =	vadd.f32 v6, v2;
	v4 =	vld [tilespmem:s29+$0x0]  }
0x314: {  	v6 =	vld [tilespmem:s26+$0x0];
	[tilespmem:s9+$0x0] =	vst v3;
	v3 =	vadd.f32 v8, v1  }
0x315: {  	[tilespmem:s3+$0x0] =	vst v2;
	v2 =	vadd.f32 v9, v1;
	v8 =	vld [tilespmem:s25+$0x0]  }
0x316: {  	[tilespmem:s2+$0x0] =	vst v3;
	v3 =	vadd.f32 v7, v1  }
0x317: {  	v1 =	vadd.f32 v5, v1;
	[tilespmem:s30+$0x0] =	vst v2  }
0x318: {  	v2 =	vadd.f32 v4, v0;
	[tilespmem:s0+$0x0] =	vst v3  }
0x319: {  	[tilespmem:s31+$0x0] =	vst v1;
	v1 =	vadd.f32 v6, v0  }
0x31a: {  	[tilespmem:s29+$0x0] =	vst v2;
	v0 =	vadd.f32 v8, v0  }
0x31b: {  	[tilespmem:s26+$0x0] =	vst v1  }
0x31c: {  	[tilespmem:s25+$0x0] =	vst v0  }
0x31d: {  	s26 =	simm.s32 $0x4000;
	s1 =	rddreg [dreg:$0x18]  }
0x31e: {  	[hbm4b:s1+s4] =	stream.strided.scatter [tilespmem:s26], [sflag:$0x5], $0x1000, s5, s4, $0x38;
	[tilespmem:$0x1C000] =	vst v63  }
0x31f: {  	s3 =	simm.s32 $0x5000;
	s2 =	sadd.s32 $0x40000, s1  }
0x320: {  	[hbm4b:s2+s4] =	stream.strided.scatter [tilespmem:s3], [sflag:$0x5], $0x1000, s5, s4, $0x38;
	[tilespmem:$0x1C000] =	vst v63  }
0x321: {  	s7 =	simm.s32 $0x6000;
	s6 =	sadd.s32 $0x80000, s1  }
0x322: {  	[hbm4b:s6+s4] =	stream.strided.scatter [tilespmem:s7], [sflag:$0x5], $0x1000, s5, s4, $0x38;
	[tilespmem:$0x1C000] =	vst v63  }
0x323: {  	s10 =	simm.s32 $0x4;
	s9 =	simm.s32 $0x7000;
	s8 =	sadd.s32 $0xC0000, s1  }
0x324: {  	[hbm4b:s8+s4] =	stream.strided.scatter [tilespmem:s9], [sflag:$0x5], $0x1000, s5, s4, $0x38;
	[tilespmem:$0x1C000] =	vst v63  }
0x325: {  	_ =	swait.ge [sflag:s10], $0x4000  }
0x326: {  	s16 =	simm.s32 $0x0;
	s17 =	simm.s32 $0x0;
	[sflag:s10] =	ssyncset.done $0x0  }
0x327: {  	s0 =	sand.u32 $0x7, s16;
	s11 =	rddreg [dreg:$0x1b];
	[sflag:s10] =	ssyncadd.s32 $0xFFFFC000  }
0x328: {  	[tilespmem:s22], [sflag:$0x1] =	stream.strided.gather [hbm4b:s11+s4], $0x1000, s5, s4, $0x38;
	[tilespmem:$0x1C000] =	vst v63  }
0x329: {  	s24 =	simm.s32 $0x0;
	s18 =	sshll.u32 s0, $0xA;
	s12 =	sadd.s32 $0x40000, s11  }
0x32a: {  	[tilespmem:s13], [sflag:$0x1] =	stream.strided.gather [hbm4b:s12+s4], $0x1000, s5, s4, $0x38;
	[tilespmem:$0x1C000] =	vst v63  }
0x32b: {  	s0 =	sshll.u32 s0, $0x9;
	s1 =	sand.u32 $0x1FFFFF80, s17;
	s14 =	sadd.s32 $0x80000, s11  }
0x32c: {  	[tilespmem:s19], [sflag:$0x1] =	stream.strided.gather [hbm4b:s14+s4], $0x1000, s5, s4, $0x38;
	[tilespmem:$0x1C000] =	vst v63  }
0x32d: {  	s0 =	sadd.s32 s1, s0;
	s6 =	simm.s32 $0x3;
	s15 =	sadd.s32 $0xC0000, s11  }
0x32e: {  	[tilespmem:s23], [sflag:$0x1] =	stream.strided.gather [hbm4b:s15+s4], $0x1000, s5, s4, $0x38;
	[tilespmem:$0x1C000] =	vst v63  }
0x32f: {  	s2 =	sadd.s32 s1, s18;
	s19 =	sand.u32 $0x40, s24;
	_ =	swait.ge [sflag:s6], $0x4000  }
0x330: {  	s2 =	sadd.s32 $0x16200, s2;
	s20 =	sor.u32 $0x30, s19;
	[sflag:s6] =	ssyncset.done $0x0  }
0x331: {  	s21 =	sadd.s32 $0xB000, s0;
	s7 =	sor.u32 s20, s2;
	[sflag:s6] =	ssyncadd.s32 $0xFFFFC000  }
0x332: {  	s22 =	sor.u32 s20, s21;
	v0 =	vld [tilespmem:s7+$0x0]  }
0x333: {  	s8 =	sadd.s32 $0x8000, s0;
	s23 =	sor.u32 s19, s2;
	v1 =	vld [tilespmem:s22+$0x0]  }
0x334: {  	s12 =	sadd.s32 $0x9000, s0;
	s14 =	sor.u32 s19, s8;
	v6 =	vld [tilespmem:s23+$0x0]  }
0x335: {  	s25 =	sor.u32 s19, s12;
	s15 =	sadd.s32 $0xA000, s0;
	v3 =	vld [tilespmem:s14+$0x0]  }
0x336: {  	s17 =	sor.u32 s19, s15;
	v4 =	vld [tilespmem:s25+$0x0]  }
0x337: {  	s16 =	sor.u32 $0x10, s19;
	s11 =	sor.u32 s19, s21;
	v5 =	vld [tilespmem:s17+$0x0]  }
0x338: {  	s26 =	sor.u32 s16, s2;
	v7 =	vld [tilespmem:s11+$0x0]  }
0x339: {  	s10 =	sor.u32 s16, s8;
	v2 =	vld [tilespmem:s26+$0x0];
	v1 =	vadd.f32 v1, v0  }
0x33a: {  	s28 =	sor.u32 s16, s12;
	v8 =	vadd.f32 v3, v6;
	v3 =	vld [tilespmem:s10+$0x0]  }
0x33b: {  	s18 =	sor.u32 $0x20, s19;
	s9 =	sor.u32 s16, s15;
	v63 =	vadd.f32 v4, v6;
	v4 =	vld [tilespmem:s28+$0x0];
	[tilespmem:s22+$0x0] =	vst v1  }
0x33c: {  	s2 =	sor.u32 s18, s2;
	s3 =	sor.u32 s16, s21;
	s30 =	sor.u32 s18, s12;
	[tilespmem:s14+$0x0] =	vst v8;
	v8 =	vadd.f32 v5, v6;
	v5 =	vld [tilespmem:s9+$0x0]  }
0x33d: {  	s31 =	sor.u32 s18, s21;
	s29 =	sor.u32 s20, s8;
	s0 =	sor.u32 s18, s15;
	v7 =	vadd.f32 v7, v6;
	v6 =	vld [tilespmem:s3+$0x0];
	[tilespmem:s25+$0x0] =	vst v63  }
0x33e: {  	s26 =	sor.u32 s20, s12;
	v1 =	vld [tilespmem:s2+$0x0];
	s2 =	sor.u32 s18, s8;
	s25 =	sor.u32 s20, s15;
	[tilespmem:s17+$0x0] =	vst v8  }
.LBB2_24:
0x33f: {  	s24 =	sadd.s32 $0x40, s24;
	[tilespmem:s11+$0x0] =	vst v7;
	v3 =	vadd.f32 v3, v2;
	v7 =	vld [tilespmem:s2+$0x0]  }
0x340: {  	s1 =	sshrl.u32 s24, $0x7;
	p0 =	slt.u32 s24, $0xFC0;
	v4 =	vadd.f32 v4, v2;
	v8 =	vld [tilespmem:s30+$0x0]  }
0x341: {  	s6 =	sshrl.u32 s24, $0x3;
	s1 =	sand.u32 $0x7, s1;
	[tilespmem:s10+$0x0] =	vst v3;
	v3 =	vadd.f32 v5, v2;
	v5 =	vld [tilespmem:s0+$0x0]  }
0x342: {  	s6 =	sand.u32 $0x1FFFFF80, s6;
	s7 =	sshll.u32 s1, $0xA;
	[tilespmem:s28+$0x0] =	vst v4;
	v2 =	vadd.f32 v6, v2;
	v4 =	vld [tilespmem:s31+$0x0]  }
0x343: {  	s8 =	sand.u32 $0x40, s24;
	s1 =	sshll.u32 s1, $0x9;
	s7 =	sadd.s32 s6, s7;
	[tilespmem:s9+$0x0] =	vst v3;
	v3 =	vld [tilespmem:s29+$0x0]  }
0x344: {  	s1 =	sadd.s32 s6, s1;
	s6 =	sor.u32 $0x30, s8;
	s7 =	sadd.s32 $0x16200, s7;
	[tilespmem:s3+$0x0] =	vst v2;
	v2 =	vadd.f32 v7, v1;
	v6 =	vld [tilespmem:s26+$0x0]  }
0x345: {  	s12 =	sadd.s32 $0x8000, s1;
	s14 =	sadd.s32 $0xB000, s1;
	s3 =	sor.u32 s6, s7;
	v7 =	vadd.f32 v8, v1;
	v8 =	vld [tilespmem:s25+$0x0]  }
0x346: {  	s15 =	sadd.s32 $0x9000, s1;
	s1 =	sadd.s32 $0xA000, s1;
	s16 =	sor.u32 s6, s14;
	v9 =	vld [tilespmem:s3+$0x0];
	[tilespmem:s2+$0x0] =	vst v2;
	v2 =	vadd.f32 v5, v1  }
0x347: {  	s17 =	sor.u32 $0x20, s8;
	s2 =	sor.u32 s8, s7;
	s3 =	sor.u32 $0x10, s8;
	v5 =	vld [tilespmem:s16+$0x0];
	[tilespmem:s30+$0x0] =	vst v7;
	v1 =	vadd.f32 v4, v1  }
0x348: {  	s18 =	sor.u32 s8, s12;
	s20 =	sor.u32 s8, s15;
	s21 =	sor.u32 s8, s1;
	v7 =	vld [tilespmem:s2+$0x0];
	[tilespmem:s0+$0x0] =	vst v2;
	v2 =	vadd.f32 v3, v0  }
0x349: {  	s11 =	sor.u32 s8, s14;
	s8 =	sor.u32 s3, s7;
	s10 =	sor.u32 s3, s12;
	v3 =	vld [tilespmem:s18+$0x0];
	[tilespmem:s31+$0x0] =	vst v1;
	v1 =	vadd.f32 v6, v0  }
0x34a: {  	s28 =	sor.u32 s3, s15;
	s9 =	sor.u32 s3, s1;
	s3 =	sor.u32 s3, s14;
	v4 =	vld [tilespmem:s20+$0x0];
	[tilespmem:s29+$0x0] =	vst v2;
	v2 =	vadd.f32 v8, v0  }
0x34b: {  	s7 =	sor.u32 s17, s7;
	s30 =	sor.u32 s17, s15;
	s2 =	sor.u32 s17, s12;
	v6 =	vld [tilespmem:s21+$0x0];
	[tilespmem:s26+$0x0] =	vst v1;
	v0 =	vmov v9  }
0x34c: {  	s0 =	sor.u32 s17, s1;
	s31 =	sor.u32 s17, s14;
	s29 =	sor.u32 s6, s12;
	v1 =	vld [tilespmem:s11+$0x0];
	v5 =	vadd.f32 v5, v0;
	[tilespmem:s25+$0x0] =	vst v2  }
0x34d: {  	s26 =	sor.u32 s6, s15;
	s25 =	sor.u32 s6, s1;
	v2 =	vld [tilespmem:s8+$0x0]  }
.Ltmp11:
0x34e: {  	v8 =	vadd.f32 v3, v7;
	v3 =	vld [tilespmem:s10+$0x0];
	[tilespmem:s16+$0x0] =	vst v5;
	(pc) =	sbr.rel @p0 .LBB2_24-.Ltmp11, $4  }
0x34f: {  	v9 =	vadd.f32 v4, v7;
	v4 =	vld [tilespmem:s28+$0x0]  }
0x350: {  	[tilespmem:s18+$0x0] =	vst v8;
	v8 =	vadd.f32 v6, v7;
	v5 =	vld [tilespmem:s9+$0x0]  }
0x351: {  	[tilespmem:s20+$0x0] =	vst v9;
	v7 =	vadd.f32 v1, v7;
	v6 =	vld [tilespmem:s3+$0x0]  }
0x352: {  	[tilespmem:s21+$0x0] =	vst v8;
	v1 =	vld [tilespmem:s7+$0x0]  }
0x353: {  	v8 =	vld [tilespmem:s2+$0x0]  }
0x354: {  	v3 =	vadd.f32 v3, v2;
	v9 =	vld [tilespmem:s30+$0x0]  }
0x355: {  	[tilespmem:s11+$0x0] =	vst v7;
	v7 =	vld [tilespmem:s0+$0x0];
	v4 =	vadd.f32 v4, v2  }
0x356: {  	[tilespmem:s10+$0x0] =	vst v3;
	v3 =	vadd.f32 v5, v2;
	v5 =	vld [tilespmem:s31+$0x0]  }
0x357: {  	[tilespmem:s28+$0x0] =	vst v4;
	v2 =	vadd.f32 v6, v2;
	v4 =	vld [tilespmem:s29+$0x0]  }
0x358: {  	v6 =	vld [tilespmem:s26+$0x0];
	[tilespmem:s9+$0x0] =	vst v3;
	v3 =	vadd.f32 v8, v1  }
0x359: {  	[tilespmem:s3+$0x0] =	vst v2;
	v2 =	vadd.f32 v9, v1;
	v8 =	vld [tilespmem:s25+$0x0]  }
0x35a: {  	[tilespmem:s2+$0x0] =	vst v3;
	v3 =	vadd.f32 v7, v1  }
0x35b: {  	v1 =	vadd.f32 v5, v1;
	[tilespmem:s30+$0x0] =	vst v2  }
0x35c: {  	v2 =	vadd.f32 v4, v0;
	[tilespmem:s0+$0x0] =	vst v3  }
0x35d: {  	[tilespmem:s31+$0x0] =	vst v1;
	v1 =	vadd.f32 v6, v0  }
0x35e: {  	[tilespmem:s29+$0x0] =	vst v2;
	v0 =	vadd.f32 v8, v0  }
0x35f: {  	[tilespmem:s26+$0x0] =	vst v1  }
0x360: {  	[tilespmem:s25+$0x0] =	vst v0  }
0x361: {  	s22 =	simm.s32 $0x8000;
	s1 =	rddreg [dreg:$0x1a]  }
0x362: {  	[hbm4b:s1+s4] =	stream.strided.scatter [tilespmem:s22], [sflag:$0x6], $0x1000, s5, s4, $0x38;
	[tilespmem:$0x1C000] =	vst v63  }
0x363: {  	s24 =	simm.s32 $0x9000;
	s6 =	simm.s32 $0xB000;
	s23 =	sadd.s32 $0x40000, s1  }
0x364: {  	[hbm4b:s23+s4] =	stream.strided.scatter [tilespmem:s24], [sflag:$0x6], $0x1000, s5, s4, $0x38;
	[tilespmem:$0x1C000] =	vst v63  }
0x365: {  	s7 =	simm.s32 $0x5;
	s26 =	simm.s32 $0xA000;
	s25 =	sadd.s32 $0x80000, s1  }
0x366: {  	[hbm4b:s25+s4] =	stream.strided.scatter [tilespmem:s26], [sflag:$0x6], $0x1000, s5, s4, $0x38;
	[tilespmem:$0x1C000] =	vst v63  }
0x367: {  	s11 =	simm.s32 $0x5000;
	s14 =	simm.s32 $0x6000;
	s3 =	sadd.s32 $0xC0000, s1  }
0x368: {  	[hbm4b:s3+s4] =	stream.strided.scatter [tilespmem:s6], [sflag:$0x6], $0x1000, s5, s4, $0x38;
	[tilespmem:$0x1C000] =	vst v63  }
0x369: {  	s16 =	simm.s32 $0x7000;
	s17 =	simm.s32 $0x1;
	_ =	swait.ge [sflag:s7], $0x4000  }
0x36a: {  	s18 =	simm.s32 $0x0;
	s9 =	simm.s32 $0x4000;
	[sflag:s7] =	ssyncset.done $0x0  }
0x36b: {  	s0 =	sand.u32 $0x7, s18;
	s8 =	rddreg [dreg:$0x1f];
	[sflag:s7] =	ssyncadd.s32 $0xFFFFC000  }
0x36c: {  	[tilespmem:s9], [sflag:$0x2] =	stream.strided.gather [hbm4b:s8+s4], $0x1000, s5, s4, $0x38;
	[tilespmem:$0x1C000] =	vst v63  }
0x36d: {  	s20 =	simm.s32 $0x0;
	s21 =	sshll.u32 s0, $0xA;
	s10 =	sadd.s32 $0x40000, s8  }
0x36e: {  	[tilespmem:s11], [sflag:$0x2] =	stream.strided.gather [hbm4b:s10+s4], $0x1000, s5, s4, $0x38;
	[tilespmem:$0x1C000] =	vst v63  }
0x36f: {  	s0 =	sshll.u32 s0, $0x9;
	s1 =	sand.u32 $0x1FFFFF80, s20;
	s12 =	sadd.s32 $0x80000, s8  }
0x370: {  	[tilespmem:s14], [sflag:$0x2] =	stream.strided.gather [hbm4b:s12+s4], $0x1000, s5, s4, $0x38;
	[tilespmem:$0x1C000] =	vst v63  }
0x371: {  	s2 =	sadd.s32 s1, s21;
	s24 =	simm.s32 $0x0;
	s15 =	sadd.s32 $0xC0000, s8  }
0x372: {  	[tilespmem:s16], [sflag:$0x2] =	stream.strided.gather [hbm4b:s15+s4], $0x1000, s5, s4, $0x38;
	[tilespmem:$0x1C000] =	vst v63  }
0x373: {  	s1 =	sadd.s32 s1, s0;
	s6 =	sand.u32 $0x40, s24;
	_ =	swait.ge [sflag:s17], $0x4000  }
0x374: {  	s2 =	sadd.s32 $0x18000, s2;
	s7 =	sor.u32 $0x30, s6;
	[sflag:s17] =	ssyncset.done $0x0  }
0x375: {  	s0 =	sadd.s32 $0x3000, s1;
	s22 =	sor.u32 s7, s2;
	[sflag:s17] =	ssyncadd.s32 $0xFFFFC000  }
0x376: {  	s23 =	sor.u32 s7, s0;
	v0 =	vld [tilespmem:s22+$0x0]  }
0x377: {  	s25 =	sor.u32 s6, s2;
	s8 =	sadd.s32 $0x1000, s1;
	v3 =	vld [tilespmem:s23+$0x0]  }
0x378: {  	s12 =	sadd.s32 $0x2000, s1;
	s14 =	sor.u32 s6, s8;
	v1 =	vld [tilespmem:s25+$0x0]  }
0x379: {  	s15 =	sor.u32 s6, s12;
	v4 =	vld [tilespmem:s14+$0x0]  }
0x37a: {  	s16 =	sor.u32 $0x10, s6;
	s17 =	sor.u32 s6, s0;
	v6 =	vld [tilespmem:s15+$0x0]  }
0x37b: {  	s26 =	sor.u32 s16, s2;
	v8 =	vld [tilespmem:s17+$0x0]  }
0x37c: {  	s11 =	sor.u32 s16, s8;
	v2 =	vld [tilespmem:s26+$0x0]  }
0x37d: {  	s10 =	sor.u32 s16, s12;
	v9 =	vld [tilespmem:s11+$0x0];
	v3 =	vadd.f32 v3, v0  }
0x37e: {  	s18 =	sor.u32 $0x20, s6;
	s9 =	sor.u32 s16, s0;
	v5 =	vld [tilespmem:s10+$0x0];
	v4 =	vadd.f32 v4, v1  }
0x37f: {  	s19 =	simm.s32 $0x2000;
	s13 =	simm.s32 $0x1000;
	s2 =	sor.u32 s18, s2;
	v7 =	vld [tilespmem:s9+$0x0];
	v6 =	vadd.f32 v6, v1;
	[tilespmem:s23+$0x0] =	vst v3  }
0x380: {  	s31 =	sor.u32 s6, s1;
	s3 =	sor.u32 s18, s8;
	s28 =	sor.u32 s18, s12;
	v8 =	vadd.f32 v8, v1;
	v3 =	vld [tilespmem:s2+$0x0];
	[tilespmem:s14+$0x0] =	vst v4  }
0x381: {  	s30 =	sor.u32 s7, s12;
	s29 =	sor.u32 s16, s1;
	s26 =	sor.u32 s18, s1;
	v4 =	vld [tilespmem:s3+$0x0];
	[tilespmem:s15+$0x0] =	vst v6  }
0x382: {  	s25 =	sor.u32 s7, s1;
	s2 =	sor.u32 s18, s0;
	s0 =	sor.u32 s7, s8;
	v6 =	vld [tilespmem:s28+$0x0];
	[tilespmem:s17+$0x0] =	vst v8;
	v8 =	vadd.f32 v9, v2  }
.LBB2_26:
0x383: {  	s24 =	sadd.s32 $0x40, s24;
	v5 =	vadd.f32 v5, v2;
	v9 =	vld [tilespmem:s2+$0x0]  }
0x384: {  	s1 =	sshrl.u32 s24, $0x7;
	p0 =	slt.u32 s24, $0xFC0;
	[tilespmem:s11+$0x0] =	vst v8;
	v7 =	vadd.f32 v7, v2;
	v8 =	vld [tilespmem:s0+$0x0]  }
0x385: {  	s6 =	sshrl.u32 s24, $0x3;
	s1 =	sand.u32 $0x7, s1;
	[tilespmem:s10+$0x0] =	vst v5;
	v5 =	vld [tilespmem:s30+$0x0]  }
0x386: {  	s6 =	sand.u32 $0x1FFFFF80, s6;
	s7 =	sshll.u32 s1, $0xA;
	v10 =	vld [tilespmem:s31+$0x0];
	[tilespmem:s9+$0x0] =	vst v7;
	v4 =	vadd.f32 v4, v3  }
0x387: {  	s8 =	sand.u32 $0x40, s24;
	s1 =	sshll.u32 s1, $0x9;
	s7 =	sadd.s32 s6, s7;
	v7 =	vld [tilespmem:s29+$0x0];
	v6 =	vadd.f32 v6, v3  }
0x388: {  	s12 =	sadd.s32 s6, s1;
	s1 =	sor.u32 $0x30, s8;
	s7 =	sadd.s32 $0x18000, s7;
	v11 =	vld [tilespmem:s26+$0x0];
	[tilespmem:s3+$0x0] =	vst v4;
	v4 =	vadd.f32 v9, v3  }
0x389: {  	s6 =	sadd.s32 $0x1000, s12;
	s14 =	sadd.s32 $0x3000, s12;
	s3 =	sor.u32 s1, s7;
	[tilespmem:s28+$0x0] =	vst v6;
	v6 =	vld [tilespmem:s25+$0x0];
	v8 =	vadd.f32 v8, v0  }
0x38a: {  	s16 =	sor.u32 $0x10, s8;
	s15 =	sadd.s32 $0x2000, s12;
	s17 =	sor.u32 s1, s14;
	v9 =	vld [tilespmem:s3+$0x0];
	[tilespmem:s2+$0x0] =	vst v4;
	v4 =	vadd.f32 v5, v0  }
0x38b: {  	s20 =	sor.u32 $0x20, s8;
	s18 =	sor.u32 s8, s6;
	s2 =	sor.u32 s8, s7;
	v5 =	vld [tilespmem:s17+$0x0];
	v10 =	vadd.f32 v10, v1;
	[tilespmem:s0+$0x0] =	vst v8  }
0x38c: {  	s21 =	sor.u32 s8, s15;
	s22 =	sor.u32 s8, s14;
	s23 =	sor.u32 s16, s7;
	v1 =	vld [tilespmem:s2+$0x0];
	v2 =	vadd.f32 v7, v2;
	[tilespmem:s30+$0x0] =	vst v4  }
0x38d: {  	s11 =	sor.u32 s16, s6;
	s10 =	sor.u32 s16, s15;
	s9 =	sor.u32 s16, s14;
	v4 =	vld [tilespmem:s18+$0x0];
	[tilespmem:s31+$0x0] =	vst v10;
	v3 =	vadd.f32 v11, v3  }
0x38e: {  	s28 =	sor.u32 s20, s15;
	s7 =	sor.u32 s20, s7;
	s3 =	sor.u32 s20, s6;
	v7 =	vld [tilespmem:s21+$0x0];
	[tilespmem:s29+$0x0] =	vst v2;
	v6 =	vadd.f32 v6, v0  }
0x38f: {  	s0 =	sor.u32 s1, s6;
	s2 =	sor.u32 s20, s14;
	s30 =	sor.u32 s1, s15;
	v8 =	vld [tilespmem:s22+$0x0];
	[tilespmem:s26+$0x0] =	vst v3;
	v0 =	vmov v9  }
0x390: {  	s31 =	sor.u32 s8, s12;
	s29 =	sor.u32 s16, s12;
	s26 =	sor.u32 s20, s12;
	v2 =	vld [tilespmem:s23+$0x0];
	v3 =	vadd.f32 v5, v0;
	[tilespmem:s25+$0x0] =	vst v6  }
0x391: {  	s25 =	sor.u32 s1, s12;
	v6 =	vld [tilespmem:s11+$0x0]  }
.Ltmp12:
0x392: {  	v4 =	vadd.f32 v4, v1;
	v5 =	vld [tilespmem:s10+$0x0];
	[tilespmem:s17+$0x0] =	vst v3;
	(pc) =	sbr.rel @p0 .LBB2_26-.Ltmp12, $4  }
0x393: {  	v9 =	vadd.f32 v7, v1;
	v7 =	vld [tilespmem:s9+$0x0]  }
0x394: {  	[tilespmem:s18+$0x0] =	vst v4;
	v8 =	vadd.f32 v8, v1;
	v3 =	vld [tilespmem:s7+$0x0]  }
0x395: {  	[tilespmem:s21+$0x0] =	vst v9;
	v4 =	vld [tilespmem:s3+$0x0]  }
0x396: {  	[tilespmem:s22+$0x0] =	vst v8;
	v8 =	vadd.f32 v6, v2;
	v6 =	vld [tilespmem:s28+$0x0]  }
0x397: {  	v9 =	vld [tilespmem:s2+$0x0]  }
0x398: {  	v5 =	vadd.f32 v5, v2;
	v10 =	vld [tilespmem:s31+$0x0]  }
0x399: {  	[tilespmem:s11+$0x0] =	vst v8;
	v7 =	vadd.f32 v7, v2;
	v8 =	vld [tilespmem:s0+$0x0]  }
0x39a: {  	[tilespmem:s10+$0x0] =	vst v5;
	v5 =	vld [tilespmem:s30+$0x0];
	v4 =	vadd.f32 v4, v3  }
0x39b: {  	v11 =	vld [tilespmem:s26+$0x0];
	[tilespmem:s9+$0x0] =	vst v7;
	v6 =	vadd.f32 v6, v3  }
0x39c: {  	v7 =	vld [tilespmem:s29+$0x0];
	[tilespmem:s3+$0x0] =	vst v4;
	v4 =	vadd.f32 v9, v3  }
0x39d: {  	v1 =	vadd.f32 v10, v1;
	[tilespmem:s28+$0x0] =	vst v6;
	v6 =	vld [tilespmem:s25+$0x0]  }
0x39e: {  	v8 =	vadd.f32 v8, v0;
	[tilespmem:s2+$0x0] =	vst v4  }
0x39f: {  	v4 =	vadd.f32 v5, v0;
	[tilespmem:s31+$0x0] =	vst v1  }
0x3a0: {  	v1 =	vadd.f32 v11, v3;
	[tilespmem:s0+$0x0] =	vst v8  }
0x3a1: {  	v2 =	vadd.f32 v7, v2;
	[tilespmem:s30+$0x0] =	vst v4  }
0x3a2: {  	[tilespmem:s26+$0x0] =	vst v1;
	v0 =	vadd.f32 v6, v0  }
0x3a3: {  	[tilespmem:s29+$0x0] =	vst v2  }
0x3a4: {  	[tilespmem:s25+$0x0] =	vst v0  }
0x3a5: {  	s23 =	simm.s32 $0x0;
	s1 =	rddreg [dreg:$0x1c]  }
0x3a6: {  	[hbm4b:s1+s4] =	stream.strided.scatter [tilespmem:s23], [sflag:$0x4], $0x1000, s5, s4, $0x38;
	[tilespmem:$0x1C000] =	vst v63  }
0x3a7: {  	s25 =	sadd.s32 $0x40000, s1  }
0x3a8: {  	[hbm4b:s25+s4] =	stream.strided.scatter [tilespmem:s13], [sflag:$0x4], $0x1000, s5, s4, $0x38;
	[tilespmem:$0x1C000] =	vst v63  }
0x3a9: {  	s26 =	sadd.s32 $0x80000, s1  }
0x3aa: {  	[hbm4b:s26+s4] =	stream.strided.scatter [tilespmem:s19], [sflag:$0x4], $0x1000, s5, s4, $0x38;
	[tilespmem:$0x1C000] =	vst v63  }
0x3ab: {  	s3 =	simm.s32 $0x6;
	s2 =	simm.s32 $0x3000;
	s1 =	sadd.s32 $0xC0000, s1  }
0x3ac: {  	[hbm4b:s1+s4] =	stream.strided.scatter [tilespmem:s2], [sflag:$0x4], $0x1000, s5, s4, $0x38;
	[tilespmem:$0x1C000] =	vst v63  }
0x3ad: {  	s7 =	simm.s32 $0x8000;
	_ =	swait.ge [sflag:s3], $0x4000  }
0x3ae: {  	s14 =	simm.s32 $0xB000;
	s15 =	simm.s32 $0x0;
	s6 =	sld [smem:$0x7F6]  }
0x3af: {  	s16 =	simm.s32 $0x0;
	s24 =	simm.s32 $0x0;
	[sflag:s3] =	ssyncset.done $0x0  }
0x3b0: {  	s11 =	simm.s32 $0xA000;
	s18 =	sand.u32 $0x40, s24;
	[sflag:s3] =	ssyncadd.s32 $0xFFFFC000  }
0x3b1: {  	[tilespmem:s7], [sflag:$0x3] =	stream.strided.gather [hbm4b:s6+s4], $0x1000, s5, s4, $0x38;
	[tilespmem:$0x1C000] =	vst v63  }
0x3b2: {  	s9 =	simm.s32 $0x9000;
	s0 =	sand.u32 $0x7, s15;
	s8 =	sadd.s32 $0x40000, s6  }
0x3b3: {  	[tilespmem:s9], [sflag:$0x3] =	stream.strided.gather [hbm4b:s8+s4], $0x1000, s5, s4, $0x38;
	[tilespmem:$0x1C000] =	vst v63  }
0x3b4: {  	s17 =	sshll.u32 s0, $0xA;
	s0 =	sshll.u32 s0, $0x9;
	s10 =	sadd.s32 $0x80000, s6  }
0x3b5: {  	[tilespmem:s11], [sflag:$0x3] =	stream.strided.gather [hbm4b:s10+s4], $0x1000, s5, s4, $0x38;
	[tilespmem:$0x1C000] =	vst v63  }
0x3b6: {  	s1 =	sand.u32 $0x1FFFFF80, s16;
	s12 =	sadd.s32 $0xC0000, s6;
	s6 =	simm.s32 $0x2  }
0x3b7: {  	[tilespmem:s14], [sflag:$0x3] =	stream.strided.gather [hbm4b:s12+s4], $0x1000, s5, s4, $0x38;
	[tilespmem:$0x1C000] =	vst v63  }
0x3b8: {  	s2 =	sadd.s32 s1, s17;
	s0 =	sadd.s32 s1, s0;
	_ =	swait.ge [sflag:s6], $0x4000  }
0x3b9: {  	s1 =	sor.u32 $0x30, s18;
	s2 =	sadd.s32 $0x18200, s2;
	[sflag:s6] =	ssyncset.done $0x0  }
0x3ba: {  	s20 =	sadd.s32 $0x7000, s0;
	s7 =	sor.u32 s1, s2;
	[sflag:s6] =	ssyncadd.s32 $0xFFFFC000  }
0x3bb: {  	s21 =	sor.u32 s1, s20;
	v0 =	vld [tilespmem:s7+$0x0]  }
0x3bc: {  	s22 =	sor.u32 s18, s2;
	s8 =	sadd.s32 $0x4000, s0;
	v1 =	vld [tilespmem:s21+$0x0]  }
0x3bd: {  	s12 =	sadd.s32 $0x5000, s0;
	s14 =	sor.u32 s18, s8;
	v6 =	vld [tilespmem:s22+$0x0]  }
0x3be: {  	s15 =	sadd.s32 $0x6000, s0;
	s25 =	sor.u32 s18, s12;
	v3 =	vld [tilespmem:s14+$0x0]  }
0x3bf: {  	s17 =	sor.u32 s18, s15;
	v4 =	vld [tilespmem:s25+$0x0]  }
0x3c0: {  	s16 =	sor.u32 $0x10, s18;
	s11 =	sor.u32 s18, s20;
	v5 =	vld [tilespmem:s17+$0x0]  }
0x3c1: {  	s26 =	sor.u32 s16, s2;
	v7 =	vld [tilespmem:s11+$0x0]  }
0x3c2: {  	s10 =	sor.u32 s16, s8;
	v2 =	vld [tilespmem:s26+$0x0];
	v1 =	vadd.f32 v1, v0  }
0x3c3: {  	s28 =	sor.u32 s16, s12;
	v8 =	vadd.f32 v3, v6;
	v3 =	vld [tilespmem:s10+$0x0]  }
0x3c4: {  	s9 =	sor.u32 s16, s15;
	s18 =	sor.u32 $0x20, s18;
	v63 =	vadd.f32 v4, v6;
	v4 =	vld [tilespmem:s28+$0x0];
	[tilespmem:s21+$0x0] =	vst v1  }
0x3c5: {  	s3 =	sor.u32 s16, s20;
	s29 =	sor.u32 s1, s8;
	s2 =	sor.u32 s18, s2;
	[tilespmem:s14+$0x0] =	vst v8;
	v8 =	vadd.f32 v5, v6;
	v5 =	vld [tilespmem:s9+$0x0]  }
0x3c6: {  	s30 =	sor.u32 s18, s12;
	s31 =	sor.u32 s18, s20;
	s0 =	sor.u32 s18, s15;
	v7 =	vadd.f32 v7, v6;
	v6 =	vld [tilespmem:s3+$0x0];
	[tilespmem:s25+$0x0] =	vst v63  }
0x3c7: {  	s26 =	sor.u32 s1, s12;
	v1 =	vld [tilespmem:s2+$0x0];
	s2 =	sor.u32 s18, s8;
	s25 =	sor.u32 s1, s15;
	[tilespmem:s17+$0x0] =	vst v8  }
.LBB2_28:
0x3c8: {  	s24 =	sadd.s32 $0x40, s24;
	[tilespmem:s11+$0x0] =	vst v7;
	v3 =	vadd.f32 v3, v2;
	v7 =	vld [tilespmem:s2+$0x0]  }
0x3c9: {  	s1 =	sshrl.u32 s24, $0x7;
	p0 =	slt.u32 s24, $0xFC0;
	v4 =	vadd.f32 v4, v2;
	v8 =	vld [tilespmem:s30+$0x0]  }
0x3ca: {  	s6 =	sshrl.u32 s24, $0x3;
	s1 =	sand.u32 $0x7, s1;
	[tilespmem:s10+$0x0] =	vst v3;
	v3 =	vadd.f32 v5, v2;
	v5 =	vld [tilespmem:s0+$0x0]  }
0x3cb: {  	s6 =	sand.u32 $0x1FFFFF80, s6;
	s7 =	sshll.u32 s1, $0xA;
	[tilespmem:s28+$0x0] =	vst v4;
	v2 =	vadd.f32 v6, v2;
	v4 =	vld [tilespmem:s31+$0x0]  }
0x3cc: {  	s8 =	sand.u32 $0x40, s24;
	s1 =	sshll.u32 s1, $0x9;
	s7 =	sadd.s32 s6, s7;
	[tilespmem:s9+$0x0] =	vst v3;
	v3 =	vld [tilespmem:s29+$0x0]  }
0x3cd: {  	s1 =	sadd.s32 s6, s1;
	s6 =	sor.u32 $0x30, s8;
	s7 =	sadd.s32 $0x18200, s7;
	[tilespmem:s3+$0x0] =	vst v2;
	v2 =	vadd.f32 v7, v1;
	v6 =	vld [tilespmem:s26+$0x0]  }
0x3ce: {  	s12 =	sadd.s32 $0x4000, s1;
	s14 =	sadd.s32 $0x7000, s1;
	s3 =	sor.u32 s6, s7;
	v7 =	vadd.f32 v8, v1;
	v8 =	vld [tilespmem:s25+$0x0]  }
0x3cf: {  	s15 =	sadd.s32 $0x5000, s1;
	s1 =	sadd.s32 $0x6000, s1;
	s16 =	sor.u32 s6, s14;
	v9 =	vld [tilespmem:s3+$0x0];
	[tilespmem:s2+$0x0] =	vst v2;
	v2 =	vadd.f32 v5, v1  }
0x3d0: {  	s17 =	sor.u32 $0x20, s8;
	s2 =	sor.u32 s8, s7;
	s3 =	sor.u32 $0x10, s8;
	v5 =	vld [tilespmem:s16+$0x0];
	[tilespmem:s30+$0x0] =	vst v7;
	v1 =	vadd.f32 v4, v1  }
0x3d1: {  	s18 =	sor.u32 s8, s12;
	s20 =	sor.u32 s8, s15;
	s21 =	sor.u32 s8, s1;
	v7 =	vld [tilespmem:s2+$0x0];
	[tilespmem:s0+$0x0] =	vst v2;
	v2 =	vadd.f32 v3, v0  }
0x3d2: {  	s11 =	sor.u32 s8, s14;
	s8 =	sor.u32 s3, s7;
	s10 =	sor.u32 s3, s12;
	v3 =	vld [tilespmem:s18+$0x0];
	[tilespmem:s31+$0x0] =	vst v1;
	v1 =	vadd.f32 v6, v0  }
0x3d3: {  	s28 =	sor.u32 s3, s15;
	s9 =	sor.u32 s3, s1;
	s3 =	sor.u32 s3, s14;
	v4 =	vld [tilespmem:s20+$0x0];
	[tilespmem:s29+$0x0] =	vst v2;
	v2 =	vadd.f32 v8, v0  }
0x3d4: {  	s7 =	sor.u32 s17, s7;
	s30 =	sor.u32 s17, s15;
	s2 =	sor.u32 s17, s12;
	v6 =	vld [tilespmem:s21+$0x0];
	[tilespmem:s26+$0x0] =	vst v1;
	v0 =	vmov v9  }
0x3d5: {  	s0 =	sor.u32 s17, s1;
	s31 =	sor.u32 s17, s14;
	s29 =	sor.u32 s6, s12;
	v1 =	vld [tilespmem:s11+$0x0];
	v5 =	vadd.f32 v5, v0;
	[tilespmem:s25+$0x0] =	vst v2  }
0x3d6: {  	s26 =	sor.u32 s6, s15;
	s25 =	sor.u32 s6, s1;
	v2 =	vld [tilespmem:s8+$0x0]  }
.Ltmp13:
0x3d7: {  	v8 =	vadd.f32 v3, v7;
	v3 =	vld [tilespmem:s10+$0x0];
	[tilespmem:s16+$0x0] =	vst v5;
	(pc) =	sbr.rel @p0 .LBB2_28-.Ltmp13, $4  }
0x3d8: {  	v9 =	vadd.f32 v4, v7;
	v4 =	vld [tilespmem:s28+$0x0]  }
0x3d9: {  	[tilespmem:s18+$0x0] =	vst v8;
	v8 =	vadd.f32 v6, v7;
	v5 =	vld [tilespmem:s9+$0x0]  }
0x3da: {  	[tilespmem:s20+$0x0] =	vst v9;
	v7 =	vadd.f32 v1, v7;
	v6 =	vld [tilespmem:s3+$0x0]  }
0x3db: {  	[tilespmem:s21+$0x0] =	vst v8;
	v1 =	vld [tilespmem:s7+$0x0]  }
0x3dc: {  	v8 =	vld [tilespmem:s2+$0x0]  }
0x3dd: {  	v3 =	vadd.f32 v3, v2;
	v9 =	vld [tilespmem:s30+$0x0]  }
0x3de: {  	[tilespmem:s11+$0x0] =	vst v7;
	v7 =	vld [tilespmem:s0+$0x0];
	v4 =	vadd.f32 v4, v2  }
0x3df: {  	[tilespmem:s10+$0x0] =	vst v3;
	v3 =	vadd.f32 v5, v2;
	v5 =	vld [tilespmem:s31+$0x0]  }
0x3e0: {  	[tilespmem:s28+$0x0] =	vst v4;
	v2 =	vadd.f32 v6, v2;
	v4 =	vld [tilespmem:s29+$0x0]  }
0x3e1: {  	v6 =	vld [tilespmem:s26+$0x0];
	[tilespmem:s9+$0x0] =	vst v3;
	v3 =	vadd.f32 v8, v1  }
0x3e2: {  	[tilespmem:s3+$0x0] =	vst v2;
	v2 =	vadd.f32 v9, v1;
	v8 =	vld [tilespmem:s25+$0x0]  }
0x3e3: {  	[tilespmem:s2+$0x0] =	vst v3;
	v3 =	vadd.f32 v7, v1  }
0x3e4: {  	v1 =	vadd.f32 v5, v1;
	[tilespmem:s30+$0x0] =	vst v2  }
0x3e5: {  	v2 =	vadd.f32 v4, v0;
	[tilespmem:s0+$0x0] =	vst v3  }
0x3e6: {  	[tilespmem:s31+$0x0] =	vst v1;
	v1 =	vadd.f32 v6, v0  }
0x3e7: {  	[tilespmem:s29+$0x0] =	vst v2;
	v0 =	vadd.f32 v8, v0  }
0x3e8: {  	[tilespmem:s26+$0x0] =	vst v1  }
0x3e9: {  	[tilespmem:s25+$0x0] =	vst v0  }
0x3ea: {  	s1 =	sld [smem:$0x7F5];
	_ =	sdelay $0x1  }
0x3eb: {  	s24 =	simm.s32 $0x4000  }
0x3ec: {  	[hbm4b:s1+s4] =	stream.strided.scatter [tilespmem:s24], [sflag:$0x5], $0x1000, s5, s4, $0x38;
	[tilespmem:$0x1C000] =	vst v63  }
0x3ed: {  	s26 =	simm.s32 $0x5000;
	s25 =	sadd.s32 $0x40000, s1  }
0x3ee: {  	[hbm4b:s25+s4] =	stream.strided.scatter [tilespmem:s26], [sflag:$0x5], $0x1000, s5, s4, $0x38;
	[tilespmem:$0x1C000] =	vst v63  }
0x3ef: {  	s6 =	simm.s32 $0x6000;
	s3 =	sadd.s32 $0x80000, s1  }
0x3f0: {  	[hbm4b:s3+s4] =	stream.strided.scatter [tilespmem:s6], [sflag:$0x5], $0x1000, s5, s4, $0x38;
	[tilespmem:$0x1C000] =	vst v63  }
0x3f1: {  	s8 =	simm.s32 $0x7000;
	s9 =	simm.s32 $0x4;
	s7 =	sadd.s32 $0xC0000, s1  }
0x3f2: {  	[hbm4b:s7+s4] =	stream.strided.scatter [tilespmem:s8], [sflag:$0x5], $0x1000, s5, s4, $0x38;
	[tilespmem:$0x1C000] =	vst v63  }
0x3f3: {  	_ =	swait.ge [sflag:s9], $0x4000  }
0x3f4: {  	s10 =	sld [smem:$0x7F7]  }
0x3f5: {  	s14 =	simm.s32 $0x3000;
	s15 =	simm.s32 $0x0;
	[sflag:s9] =	ssyncset.done $0x0  }
0x3f6: {  	s16 =	simm.s32 $0x0;
	s0 =	sand.u32 $0x7, s15;
	[sflag:s9] =	ssyncadd.s32 $0xFFFFC000  }
0x3f7: {  	[tilespmem:s23], [sflag:$0x1] =	stream.strided.gather [hbm4b:s10+s4], $0x1000, s5, s4, $0x38;
	[tilespmem:$0x1C000] =	vst v63  }
0x3f8: {  	s17 =	sshll.u32 s0, $0xA;
	s0 =	sshll.u32 s0, $0x9;
	s11 =	sadd.s32 $0x40000, s10  }
0x3f9: {  	[tilespmem:s13], [sflag:$0x1] =	stream.strided.gather [hbm4b:s11+s4], $0x1000, s5, s4, $0x38;
	[tilespmem:$0x1C000] =	vst v63  }
0x3fa: {  	s24 =	simm.s32 $0x0;
	s1 =	sand.u32 $0x1FFFFF80, s16;
	s12 =	sadd.s32 $0x80000, s10  }
0x3fb: {  	[tilespmem:s19], [sflag:$0x1] =	stream.strided.gather [hbm4b:s12+s4], $0x1000, s5, s4, $0x38;
	[tilespmem:$0x1C000] =	vst v63  }
0x3fc: {  	s18 =	sand.u32 $0x40, s24;
	s6 =	simm.s32 $0x3;
	s13 =	sadd.s32 $0xC0000, s10  }
0x3fd: {  	[tilespmem:s14], [sflag:$0x1] =	stream.strided.gather [hbm4b:s13+s4], $0x1000, s5, s4, $0x38;
	[tilespmem:$0x1C000] =	vst v63  }
0x3fe: {  	s2 =	sadd.s32 s1, s17;
	s0 =	sadd.s32 s1, s0;
	_ =	swait.ge [sflag:s6], $0x4000  }
0x3ff: {  	s2 =	sadd.s32 $0x1A000, s2;
	s19 =	sor.u32 $0x30, s18;
	[sflag:s6] =	ssyncset.done $0x0  }
0x400: {  	s20 =	sadd.s32 $0xB000, s0;
	s7 =	sor.u32 s19, s2;
	[sflag:s6] =	ssyncadd.s32 $0xFFFFC000  }
0x401: {  	s21 =	sor.u32 s19, s20;
	v0 =	vld [tilespmem:s7+$0x0]  }
0x402: {  	s22 =	sor.u32 s18, s2;
	s8 =	sadd.s32 $0x8000, s0;
	v1 =	vld [tilespmem:s21+$0x0]  }
0x403: {  	s12 =	sadd.s32 $0x9000, s0;
	s14 =	sor.u32 s18, s8;
	v6 =	vld [tilespmem:s22+$0x0]  }
0x404: {  	s15 =	sadd.s32 $0xA000, s0;
	s25 =	sor.u32 s18, s12;
	v3 =	vld [tilespmem:s14+$0x0]  }
0x405: {  	s17 =	sor.u32 s18, s15;
	v4 =	vld [tilespmem:s25+$0x0]  }
0x406: {  	s16 =	sor.u32 $0x10, s18;
	s11 =	sor.u32 s18, s20;
	v5 =	vld [tilespmem:s17+$0x0]  }
0x407: {  	s26 =	sor.u32 s16, s2;
	v7 =	vld [tilespmem:s11+$0x0]  }
0x408: {  	s10 =	sor.u32 s16, s8;
	v2 =	vld [tilespmem:s26+$0x0];
	v1 =	vadd.f32 v1, v0  }
0x409: {  	s28 =	sor.u32 s16, s12;
	v8 =	vadd.f32 v3, v6;
	v3 =	vld [tilespmem:s10+$0x0]  }
0x40a: {  	s9 =	sor.u32 s16, s15;
	s18 =	sor.u32 $0x20, s18;
	v63 =	vadd.f32 v4, v6;
	v4 =	vld [tilespmem:s28+$0x0];
	[tilespmem:s21+$0x0] =	vst v1  }
0x40b: {  	s3 =	sor.u32 s16, s20;
	s29 =	sor.u32 s19, s8;
	s2 =	sor.u32 s18, s2;
	[tilespmem:s14+$0x0] =	vst v8;
	v8 =	vadd.f32 v5, v6;
	v5 =	vld [tilespmem:s9+$0x0]  }
0x40c: {  	s30 =	sor.u32 s18, s12;
	s31 =	sor.u32 s18, s20;
	s0 =	sor.u32 s18, s15;
	v7 =	vadd.f32 v7, v6;
	v6 =	vld [tilespmem:s3+$0x0];
	[tilespmem:s25+$0x0] =	vst v63  }
0x40d: {  	s26 =	sor.u32 s19, s12;
	v1 =	vld [tilespmem:s2+$0x0];
	s2 =	sor.u32 s18, s8;
	s25 =	sor.u32 s19, s15;
	[tilespmem:s17+$0x0] =	vst v8  }
.LBB2_30:
0x40e: {  	s24 =	sadd.s32 $0x40, s24;
	[tilespmem:s11+$0x0] =	vst v7;
	v3 =	vadd.f32 v3, v2;
	v7 =	vld [tilespmem:s2+$0x0]  }
0x40f: {  	s1 =	sshrl.u32 s24, $0x7;
	p0 =	slt.u32 s24, $0xFC0;
	v4 =	vadd.f32 v4, v2;
	v8 =	vld [tilespmem:s30+$0x0]  }
0x410: {  	s6 =	sshrl.u32 s24, $0x3;
	s1 =	sand.u32 $0x7, s1;
	[tilespmem:s10+$0x0] =	vst v3;
	v3 =	vadd.f32 v5, v2;
	v5 =	vld [tilespmem:s0+$0x0]  }
0x411: {  	s6 =	sand.u32 $0x1FFFFF80, s6;
	s7 =	sshll.u32 s1, $0xA;
	[tilespmem:s28+$0x0] =	vst v4;
	v2 =	vadd.f32 v6, v2;
	v4 =	vld [tilespmem:s31+$0x0]  }
0x412: {  	s8 =	sand.u32 $0x40, s24;
	s1 =	sshll.u32 s1, $0x9;
	s7 =	sadd.s32 s6, s7;
	[tilespmem:s9+$0x0] =	vst v3;
	v3 =	vld [tilespmem:s29+$0x0]  }
0x413: {  	s1 =	sadd.s32 s6, s1;
	s6 =	sor.u32 $0x30, s8;
	s7 =	sadd.s32 $0x1A000, s7;
	[tilespmem:s3+$0x0] =	vst v2;
	v2 =	vadd.f32 v7, v1;
	v6 =	vld [tilespmem:s26+$0x0]  }
0x414: {  	s12 =	sadd.s32 $0x8000, s1;
	s14 =	sadd.s32 $0xB000, s1;
	s3 =	sor.u32 s6, s7;
	v7 =	vadd.f32 v8, v1;
	v8 =	vld [tilespmem:s25+$0x0]  }
0x415: {  	s15 =	sadd.s32 $0x9000, s1;
	s1 =	sadd.s32 $0xA000, s1;
	s16 =	sor.u32 s6, s14;
	v9 =	vld [tilespmem:s3+$0x0];
	[tilespmem:s2+$0x0] =	vst v2;
	v2 =	vadd.f32 v5, v1  }
0x416: {  	s17 =	sor.u32 $0x20, s8;
	s2 =	sor.u32 s8, s7;
	s3 =	sor.u32 $0x10, s8;
	v5 =	vld [tilespmem:s16+$0x0];
	[tilespmem:s30+$0x0] =	vst v7;
	v1 =	vadd.f32 v4, v1  }
0x417: {  	s18 =	sor.u32 s8, s12;
	s20 =	sor.u32 s8, s15;
	s21 =	sor.u32 s8, s1;
	v7 =	vld [tilespmem:s2+$0x0];
	[tilespmem:s0+$0x0] =	vst v2;
	v2 =	vadd.f32 v3, v0  }
0x418: {  	s11 =	sor.u32 s8, s14;
	s8 =	sor.u32 s3, s7;
	s10 =	sor.u32 s3, s12;
	v3 =	vld [tilespmem:s18+$0x0];
	[tilespmem:s31+$0x0] =	vst v1;
	v1 =	vadd.f32 v6, v0  }
0x419: {  	s28 =	sor.u32 s3, s15;
	s9 =	sor.u32 s3, s1;
	s3 =	sor.u32 s3, s14;
	v4 =	vld [tilespmem:s20+$0x0];
	[tilespmem:s29+$0x0] =	vst v2;
	v2 =	vadd.f32 v8, v0  }
0x41a: {  	s7 =	sor.u32 s17, s7;
	s30 =	sor.u32 s17, s15;
	s2 =	sor.u32 s17, s12;
	v6 =	vld [tilespmem:s21+$0x0];
	[tilespmem:s26+$0x0] =	vst v1;
	v0 =	vmov v9  }
0x41b: {  	s0 =	sor.u32 s17, s1;
	s31 =	sor.u32 s17, s14;
	s29 =	sor.u32 s6, s12;
	v1 =	vld [tilespmem:s11+$0x0];
	v5 =	vadd.f32 v5, v0;
	[tilespmem:s25+$0x0] =	vst v2  }
0x41c: {  	s26 =	sor.u32 s6, s15;
	s25 =	sor.u32 s6, s1;
	v2 =	vld [tilespmem:s8+$0x0]  }
.Ltmp14:
0x41d: {  	v8 =	vadd.f32 v3, v7;
	v3 =	vld [tilespmem:s10+$0x0];
	[tilespmem:s16+$0x0] =	vst v5;
	(pc) =	sbr.rel @p0 .LBB2_30-.Ltmp14, $4  }
0x41e: {  	v9 =	vadd.f32 v4, v7;
	v4 =	vld [tilespmem:s28+$0x0]  }
0x41f: {  	[tilespmem:s18+$0x0] =	vst v8;
	v8 =	vadd.f32 v6, v7;
	v5 =	vld [tilespmem:s9+$0x0]  }
0x420: {  	[tilespmem:s20+$0x0] =	vst v9;
	v7 =	vadd.f32 v1, v7;
	v6 =	vld [tilespmem:s3+$0x0]  }
0x421: {  	[tilespmem:s21+$0x0] =	vst v8;
	v1 =	vld [tilespmem:s7+$0x0]  }
0x422: {  	v8 =	vld [tilespmem:s2+$0x0]  }
0x423: {  	v3 =	vadd.f32 v3, v2;
	v9 =	vld [tilespmem:s30+$0x0]  }
0x424: {  	[tilespmem:s11+$0x0] =	vst v7;
	v7 =	vld [tilespmem:s0+$0x0];
	v4 =	vadd.f32 v4, v2  }
0x425: {  	[tilespmem:s10+$0x0] =	vst v3;
	v3 =	vadd.f32 v5, v2;
	v5 =	vld [tilespmem:s31+$0x0]  }
0x426: {  	[tilespmem:s28+$0x0] =	vst v4;
	v2 =	vadd.f32 v6, v2;
	v4 =	vld [tilespmem:s29+$0x0]  }
0x427: {  	v6 =	vld [tilespmem:s26+$0x0];
	[tilespmem:s9+$0x0] =	vst v3;
	v3 =	vadd.f32 v8, v1  }
0x428: {  	[tilespmem:s3+$0x0] =	vst v2;
	v2 =	vadd.f32 v9, v1;
	v8 =	vld [tilespmem:s25+$0x0]  }
0x429: {  	[tilespmem:s2+$0x0] =	vst v3;
	v3 =	vadd.f32 v7, v1  }
0x42a: {  	v1 =	vadd.f32 v5, v1;
	[tilespmem:s30+$0x0] =	vst v2  }
0x42b: {  	v2 =	vadd.f32 v4, v0;
	[tilespmem:s0+$0x0] =	vst v3  }
0x42c: {  	[tilespmem:s31+$0x0] =	vst v1;
	v1 =	vadd.f32 v6, v0  }
0x42d: {  	[tilespmem:s29+$0x0] =	vst v2;
	v0 =	vadd.f32 v8, v0  }
0x42e: {  	[tilespmem:s26+$0x0] =	vst v1  }
0x42f: {  	[tilespmem:s25+$0x0] =	vst v0  }
0x430: {  	s1 =	sld [smem:$0x7F8];
	_ =	sdelay $0x1  }
0x431: {  	s7 =	simm.s32 $0x8000;
	s11 =	simm.s32 $0xA000;
	s13 =	simm.s32 $0xB000  }
0x432: {  	[hbm4b:s1+s4] =	stream.strided.scatter [tilespmem:s7], [sflag:$0x6], $0x1000, s5, s4, $0x38;
	[tilespmem:$0x1C000] =	vst v63  }
0x433: {  	s14 =	simm.s32 $0x5;
	s9 =	simm.s32 $0x9000;
	s8 =	sadd.s32 $0x40000, s1  }
0x434: {  	[hbm4b:s8+s4] =	stream.strided.scatter [tilespmem:s9], [sflag:$0x6], $0x1000, s5, s4, $0x38;
	[tilespmem:$0x1C000] =	vst v63  }
0x435: {  	s15 =	simm.s32 $0x1;
	s24 =	simm.s32 $0x0;
	s10 =	sadd.s32 $0x80000, s1  }
0x436: {  	[hbm4b:s10+s4] =	stream.strided.scatter [tilespmem:s11], [sflag:$0x6], $0x1000, s5, s4, $0x38;
	[tilespmem:$0x1C000] =	vst v63  }
0x437: {  	s16 =	simm.s32 $0x0;
	s17 =	simm.s32 $0x0;
	s12 =	sadd.s32 $0xC0000, s1  }
0x438: {  	[hbm4b:s12+s4] =	stream.strided.scatter [tilespmem:s13], [sflag:$0x6], $0x1000, s5, s4, $0x38;
	[tilespmem:$0x1C000] =	vst v63  }
0x439: {  	s18 =	simm.s32 $0x0;
	s0 =	sor.u32 $0xE000, s16;
	_ =	swait.ge [sflag:s14], $0x4000  }
0x43a: {  	s6 =	sand.u32 $0x40, s24;
	s0 =	sand.u32 $0x3FFFFC00, s0;
	[sflag:s14] =	ssyncset.done $0x0  }
0x43b: {  	s2 =	sand.u32 $0xE00, s18;
	s1 =	sand.u32 $0x1FFFFF80, s17;
	[sflag:s14] =	ssyncadd.s32 $0xFFFFC000  }
0x43c: {  	s7 =	sadd.s32 s1, s2;
	s0 =	sadd.s32 s1, s0;
	_ =	swait.ge [sflag:s15], $0x4000  }
0x43d: {  	s19 =	sadd.s32 $0x3000, s7;
	s8 =	sor.u32 $0x30, s6;
	[sflag:s15] =	ssyncset.done $0x0  }
0x43e: {  	s0 =	sadd.s32 $0xC200, s0;
	s21 =	sor.u32 s8, s19;
	[sflag:s15] =	ssyncadd.s32 $0xFFFFC000  }
0x43f: {  	s22 =	sor.u32 s8, s0;
	v4 =	vld [tilespmem:s21+$0x0]  }
0x440: {  	s25 =	sor.u32 s6, s0;
	s14 =	sor.u32 $0x10, s6;
	v1 =	vld [tilespmem:s22+$0x0]  }
0x441: {  	s16 =	sadd.s32 $0x1000, s7;
	s26 =	sor.u32 s14, s0;
	v0 =	vld [tilespmem:s25+$0x0]  }
0x442: {  	s17 =	sadd.s32 $0x2000, s7;
	s18 =	sor.u32 s6, s16;
	v3 =	vld [tilespmem:s26+$0x0]  }
0x443: {  	s20 =	sor.u32 s6, s17;
	v5 =	vld [tilespmem:s18+$0x0]  }
0x444: {  	s12 =	sor.u32 s6, s19;
	v6 =	vld [tilespmem:s20+$0x0]  }
0x445: {  	s11 =	sor.u32 s14, s16;
	v9 =	vld [tilespmem:s12+$0x0]  }
0x446: {  	s10 =	sor.u32 s14, s17;
	v11 =	vld [tilespmem:s11+$0x0]  }
0x447: {  	s9 =	sor.u32 s14, s19;
	s15 =	sor.u32 $0x20, s6;
	v8 =	vld [tilespmem:s10+$0x0]  }
0x448: {  	s0 =	sor.u32 s15, s0;
	v7 =	vld [tilespmem:s9+$0x0];
	v4 =	vadd.f32 v4, v1  }
0x449: {  	s3 =	sor.u32 s15, s16;
	v2 =	vld [tilespmem:s0+$0x0];
	v10 =	vadd.f32 v5, v0  }
0x44a: {  	s31 =	sor.u32 s6, s7;
	s28 =	sor.u32 s15, s17;
	v6 =	vadd.f32 v6, v0;
	v5 =	vld [tilespmem:s3+$0x0];
	[tilespmem:s21+$0x0] =	vst v4  }
0x44b: {  	s30 =	sor.u32 s8, s17;
	s29 =	sor.u32 s14, s7;
	s2 =	sor.u32 s15, s19;
	[tilespmem:s18+$0x0] =	vst v10;
	v4 =	vld [tilespmem:s28+$0x0];
	v10 =	vadd.f32 v9, v0  }
0x44c: {  	s26 =	sor.u32 s15, s7;
	s25 =	sor.u32 s8, s7;
	s0 =	sor.u32 s8, s16;
	v9 =	vadd.f32 v11, v3;
	[tilespmem:s20+$0x0] =	vst v6;
	v6 =	vld [tilespmem:s2+$0x0]  }
.LBB2_32:
0x44d: {  	s24 =	sadd.s32 $0x40, s24;
	[tilespmem:s12+$0x0] =	vst v10;
	v8 =	vadd.f32 v8, v3;
	v10 =	vld [tilespmem:s0+$0x0]  }
0x44e: {  	s1 =	sshll.u32 s24, $0x3;
	s6 =	sshrl.u32 s24, $0x3;
	s7 =	sshll.u32 s24, $0x2;
	[tilespmem:s11+$0x0] =	vst v9;
	v7 =	vadd.f32 v7, v3;
	v9 =	vld [tilespmem:s30+$0x0]  }
0x44f: {  	s1 =	sor.u32 $0xE000, s1;
	s6 =	sand.u32 $0x1FFFFF80, s6;
	s7 =	sand.u32 $0xE00, s7;
	v11 =	vld [tilespmem:s31+$0x0];
	[tilespmem:s10+$0x0] =	vst v8;
	v5 =	vadd.f32 v5, v2  }
0x450: {  	s8 =	sand.u32 $0x40, s24;
	s1 =	sand.u32 $0x3FFFFC00, s1;
	s14 =	sadd.s32 s6, s7;
	v8 =	vld [tilespmem:s29+$0x0];
	[tilespmem:s9+$0x0] =	vst v7;
	v4 =	vadd.f32 v4, v2  }
0x451: {  	s7 =	sor.u32 $0x30, s8;
	s1 =	sadd.s32 s6, s1;
	s6 =	sadd.s32 $0x3000, s14;
	v7 =	vld [tilespmem:s26+$0x0];
	[tilespmem:s3+$0x0] =	vst v5;
	v5 =	vadd.f32 v6, v2  }
0x452: {  	s15 =	sadd.s32 $0x1000, s14;
	s1 =	sadd.s32 $0xC200, s1;
	s16 =	sor.u32 s7, s6;
	[tilespmem:s28+$0x0] =	vst v4;
	v4 =	vld [tilespmem:s25+$0x0];
	v6 =	vadd.f32 v10, v1  }
0x453: {  	s18 =	sor.u32 $0x10, s8;
	s17 =	sadd.s32 $0x2000, s14;
	s3 =	sor.u32 s7, s1;
	v10 =	vld [tilespmem:s16+$0x0];
	[tilespmem:s2+$0x0] =	vst v5;
	v5 =	vadd.f32 v9, v1  }
0x454: {  	s20 =	sor.u32 $0x20, s8;
	s2 =	sor.u32 s8, s1;
	s9 =	sor.u32 s18, s1;
	v9 =	vld [tilespmem:s3+$0x0];
	v11 =	vadd.f32 v11, v0;
	[tilespmem:s0+$0x0] =	vst v6  }
0x455: {  	s21 =	sor.u32 s8, s15;
	s22 =	sor.u32 s8, s17;
	s0 =	sor.u32 s20, s1;
	v0 =	vld [tilespmem:s2+$0x0];
	v6 =	vadd.f32 v8, v3;
	[tilespmem:s30+$0x0] =	vst v5  }
0x456: {  	s12 =	sor.u32 s8, s6;
	s11 =	sor.u32 s18, s15;
	s10 =	sor.u32 s18, s17;
	v3 =	vld [tilespmem:s9+$0x0];
	[tilespmem:s31+$0x0] =	vst v11;
	v5 =	vadd.f32 v7, v2  }
0x457: {  	s28 =	sor.u32 s20, s17;
	s3 =	sor.u32 s20, s15;
	s9 =	sor.u32 s18, s6;
	v2 =	vld [tilespmem:s0+$0x0];
	[tilespmem:s29+$0x0] =	vst v6;
	v7 =	vadd.f32 v4, v1  }
0x458: {  	s2 =	sor.u32 s20, s6;
	s30 =	sor.u32 s7, s17;
	s0 =	sor.u32 s7, s15;
	v4 =	vld [tilespmem:s21+$0x0];
	[tilespmem:s26+$0x0] =	vst v5  }
0x459: {  	s31 =	sor.u32 s8, s14;
	s29 =	sor.u32 s18, s14;
	s26 =	sor.u32 s20, s14;
	v5 =	vld [tilespmem:s22+$0x0];
	v6 =	vadd.f32 v10, v9;
	[tilespmem:s25+$0x0] =	vst v7;
	v1 =	vmov v9  }
0x45a: {  	p0 =	slt.u32 s24, $0xFC0;
	s25 =	sor.u32 s7, s14;
	v9 =	vld [tilespmem:s12+$0x0]  }
0x45b: {  	v11 =	vld [tilespmem:s11+$0x0];
	[tilespmem:s16+$0x0] =	vst v6  }
.Ltmp15:
0x45c: {  	v8 =	vld [tilespmem:s10+$0x0];
	(pc) =	sbr.rel @p0 .LBB2_32-.Ltmp15, $4  }
0x45d: {  	v4 =	vadd.f32 v4, v0;
	v7 =	vld [tilespmem:s9+$0x0]  }
0x45e: {  	v6 =	vadd.f32 v5, v0;
	v5 =	vld [tilespmem:s3+$0x0]  }
0x45f: {  	[tilespmem:s21+$0x0] =	vst v4;
	v10 =	vadd.f32 v9, v0;
	v4 =	vld [tilespmem:s28+$0x0]  }
0x460: {  	[tilespmem:s22+$0x0] =	vst v6;
	v9 =	vadd.f32 v11, v3;
	v6 =	vld [tilespmem:s2+$0x0]  }
0x461: {  	v54 =	vld [tilespmem:s0+$0x0]  }
0x462: {  	[tilespmem:s12+$0x0] =	vst v10;
	v8 =	vadd.f32 v8, v3;
	v55 =	vld [tilespmem:s30+$0x0]  }
0x463: {  	v56 =	vld [tilespmem:s26+$0x0];
	[tilespmem:s11+$0x0] =	vst v9;
	v7 =	vadd.f32 v7, v3  }
0x464: {  	v11 =	vld [tilespmem:s31+$0x0];
	[tilespmem:s10+$0x0] =	vst v8;
	v5 =	vadd.f32 v5, v2  }
0x465: {  	v8 =	vld [tilespmem:s29+$0x0];
	[tilespmem:s9+$0x0] =	vst v7;
	v4 =	vadd.f32 v4, v2  }
0x466: {  	v58 =	vld [tilespmem:s25+$0x0];
	[tilespmem:s3+$0x0] =	vst v5;
	v57 =	vadd.f32 v6, v2  }
0x467: {  	[tilespmem:s28+$0x0] =	vst v4;
	v59 =	vadd.f32 v54, v1  }
0x468: {  	v62 =	vadd.f32 v56, v2;
	[tilespmem:s2+$0x0] =	vst v57  }
0x469: {  	v60 =	vadd.f32 v55, v1;
	[tilespmem:s0+$0x0] =	vst v59  }
0x46a: {  	v0 =	vadd.f32 v11, v0;
	[tilespmem:s26+$0x0] =	vst v62  }
0x46b: {  	v63 =	vadd.f32 v58, v1;
	[tilespmem:s30+$0x0] =	vst v60  }
0x46c: {  	v61 =	vadd.f32 v8, v3;
	[tilespmem:s31+$0x0] =	vst v0  }
0x46d: {  	[tilespmem:s25+$0x0] =	vst v63  }
0x46e: {  	[tilespmem:s29+$0x0] =	vst v61  }
0x46f: {  	s1 =	sld [smem:$0x7F9];
	_ =	sdelay $0x2  }
0x470: {  	[hbm4b:s1+s4] =	stream.strided.scatter [tilespmem:s23], [sflag:$0x4], $0x1000, s5, s4, $0x38;
	[tilespmem:$0x1C000] =	vst v63  }
0x471: {  	s2 =	simm.s32 $0x1000;
	s25 =	sadd.s32 $0x40000, s1  }
0x472: {  	[hbm4b:s25+s4] =	stream.strided.scatter [tilespmem:s2], [sflag:$0x4], $0x1000, s5, s4, $0x38;
	[tilespmem:$0x1C000] =	vst v63  }
0x473: {  	s3 =	simm.s32 $0x2000;
	s26 =	sadd.s32 $0x80000, s1  }
0x474: {  	[hbm4b:s26+s4] =	stream.strided.scatter [tilespmem:s3], [sflag:$0x4], $0x1000, s5, s4, $0x38;
	[tilespmem:$0x1C000] =	vst v63  }
0x475: {  	s6 =	simm.s32 $0x3000;
	s29 =	simm.s32 $0x6;
	s28 =	sadd.s32 $0xC0000, s1  }
0x476: {  	[hbm4b:s28+s4] =	stream.strided.scatter [tilespmem:s6], [sflag:$0x4], $0x1000, s5, s4, $0x38;
	[tilespmem:$0x1C000] =	vst v63  }
0x477: {  	_ =	swait.ge [sflag:s29], $0x4000  }
0x478: {  	[sflag:s29] =	ssyncset.done $0x0  }
0x479: {  	s30 =	simm.s32 $0x4;
	[sflag:s29] =	ssyncadd.s32 $0xFFFFC000  }
0x47a: {  	_ =	swait.ge [sflag:s30], $0x4000  }
0x47b: {  	s7 =	sld [smem:$0x7F4]  }
0x47c: {  	s31 =	sld [smem:$0x7FA];
	_ =	sdelay $0x1  }
0x47d: {  	s7 =	sadd.s32 $0x1, s7  }
0x47e: {  	p0 =	sne.s32 s7, s31  }
.Ltmp16:
0x47f: {  	_ = 	snop;
	(pc) =	sbr.rel @p0 .LBB2_1-.Ltmp16, $3  }
0x480: {  	_ =	sdelay $0x1  }
0x481: {  	[sflag:s30] =	ssyncset.done $0x0  }
0x482: {  	[sflag:s30] =	ssyncadd.s32 $0xFFFFC000  }
0x483: {  	_ =	sfence.sel $0x180000  }
0x484: {  	[bflag:$0x0] =	sbarrier.arrive $0xFFFF  }
0x485: {  	_ =	strace $0x90000047  }
0x486: {  	s0 =	stileid.u32;
	[bflag:$0x2] =	sbarrier.arrive $0xFFFF  }
0x487: {  	p0 =	sne.s32 s0, $0x0;
	s0 =	rddreg [dreg:$0x3]  }
0x488: {  	s0 =	sadd.s32 @!p0 $0x100000, s0  }
0x489: {  	[sflag:s0] =	ssyncadd.tile.s32 @!p0 $0x1;
	_ =	shalt  }
.Lfunc_end2:
_tile_overlayer_lowered:
.L_overlay_start_2:
0x48a: {  	(tag) =	ssettag $0x2  }
0x48b: {  	s0 =	rddreg [dreg:$0x0];
	s2 =	stileid.u32  }
0x48c: {  	s1 =	rddreg [dreg:$0x1];
	p0 =	sne.s32 s2, $0x0  }
0x48d: {  	s3 =	rddreg [dreg:$0x2];
	[bflag:$0x3] =	sbarrier.arrive $0xFFFF;
	s2 =	simm.s32 @!p0 $0x1C08  }
0x48e: {  	[timem:s3], [sflag:s2] =	dma.local @!p0 [hbm:s0], s1  }
0x48f: {  	s0 =	simm.s32 @!p0 $0x8  }
0x490: {  	_ =	swait.ge @!p0 [sflag:s0], s1  }
0x491: {  	s1 =	ssub.s32 @!p0 $0x0, s1;
	[sflag:s0] =	ssyncset.done @!p0 $0x0  }
0x492: {  	[sflag:s0] =	ssyncadd.s32 @!p0 s1  }
0x493: {  	[bflag:$0x3] =	sbarrier.arrive $0xFFFF  }
0x494: {  	_ =	shalt  }

</sc_bundles>
